<compile_context>
chip_gen: v7x
topology: tpu7x:2x2x1
jax: 0.10.2.dev20260603
libtpu: 0.0.44.dev20260713+nightly
codegen_flags: <defaults>
</compile_context>

<pallas_src>
import jax
import jax.numpy as jnp
from jax import lax
from jax.experimental import pallas as pl
from jax.experimental.pallas import tpu as pltpu
from jax.experimental.pallas import tpu_sc as plsc

_VOCAB = 12
_NC = 2
_NS = 16
_NW = _NC * _NS


def _make_lookup(nst, nbt):
    tiles_w = nbt // _NW
    assert tiles_w * _NW == nbt
    nvec = tiles_w * 8 * 128 // 16

    mesh = plsc.VectorSubcoreMesh(
        core_axis_name="c", subcore_axis_name="s",
        num_cores=_NC, num_subcores=_NS,
    )

    def body(ids_hbm, e_hbm, p_hbm, b_hbm, out_hbm,
             idx0, idx1, out0, out1, e_v, p_v, bias_v, tab_v,
             sem_i0, sem_i1, sem_o0, sem_o1):
        wid = lax.axis_index("s") * _NC + lax.axis_index("c")
        bt0 = wid * tiles_w
        idx_bufs = (idx0, idx1)
        out_bufs = (out0, out1)
        sem_i = (sem_i0, sem_i1)
        sem_o = (sem_o0, sem_o1)

        def ids_copy(b, c):
            return pltpu.make_async_copy(
                ids_hbm.at[c, pl.ds(bt0, tiles_w)],
                idx_bufs[b], sem_i[b],
            )

        def out_copy(b, c):
            return pltpu.make_async_copy(
                out_bufs[b],
                out_hbm.at[:, c, pl.ds(bt0, tiles_w)],
                sem_o[b],
            )

        ids_copy(0, 0).start()
        ids_copy(1, 1).start()

        pltpu.sync_copy(e_hbm, e_v)
        pltpu.sync_copy(p_hbm, p_v)
        pltpu.sync_copy(b_hbm, bias_v)
        iota = lax.iota(jnp.int32, 16)
        for j in range(_VOCAB * _VOCAB // 16):
            c = iota + j * 16
            vv = c // _VOCAB
            ii = c % _VOCAB
            acc = plsc.load_gather(bias_v, [vv])
            for d in range(8):
                dd = iota * 0 + d
                acc = acc + (plsc.load_gather(p_v, [vv, dd])
                             * plsc.load_gather(e_v, [ii, dd]))
            tab_v[pl.ds(j * 16, 16)] = acc

        def chunk(b, c, k):
            idx_v = idx_bufs[b]
            out_v = out_bufs[b]
            ids_copy(b, c).wait()

            @pl.when(k > 1)
            def _drain():
                out_copy(b, c).wait()

            @plsc.parallel_loop(0, nvec, unroll=4)
            def vstep(j):
                t = j // (8 * 8)
                rem = j % (8 * 8)
                r = rem // 8
                col = (rem % 8) * 16
                ids16 = idx_v[t, r, pl.ds(col, 16)]
                for v in range(_VOCAB):
                    out_v[v, t, r, pl.ds(col, 16)] = plsc.load_gather(
                        tab_v, [ids16 + v * _VOCAB])
                return None

            @pl.when(k < nst - 2)
            def _prefetch():
                ids_copy(b, c + 2).start()

            out_copy(b, c).start()

        def superstep(k2, carry):
            chunk(0, k2 * 2, k2 * 2)
            chunk(1, k2 * 2 + 1, k2 * 2 + 1)
            return carry

        lax.fori_loop(0, nst // 2, superstep, 0)
        if nst % 2:
            chunk(0, nst - 1, nst - 1)
        out_copy(nst % 2, nst - 2 + (nst % 2)).wait()
        out_copy(1 - nst % 2, nst - 1).wait()

    return pl.kernel(
        body,
        out_type=jax.ShapeDtypeStruct((_VOCAB, nst, nbt, 8, 128),
                                      jnp.float32),
        mesh=mesh,
        scratch_types=[
            pltpu.VMEM((tiles_w, 8, 128), jnp.int32),
            pltpu.VMEM((tiles_w, 8, 128), jnp.int32),
            pltpu.VMEM((_VOCAB, tiles_w, 8, 128), jnp.float32),
            pltpu.VMEM((_VOCAB, tiles_w, 8, 128), jnp.float32),
            pltpu.VMEM((_VOCAB, 8), jnp.float32),
            pltpu.VMEM((_VOCAB, 8), jnp.float32),
            pltpu.VMEM((_VOCAB,), jnp.float32),
            pltpu.VMEM((_VOCAB * _VOCAB,), jnp.float32),
            pltpu.SemaphoreType.DMA,
            pltpu.SemaphoreType.DMA,
            pltpu.SemaphoreType.DMA,
            pltpu.SemaphoreType.DMA,
        ],
        compiler_params=pltpu.CompilerParams(
            use_tc_tiling_on_sc=False, needs_layout_passes=False,
        ),
    )


@jax.jit
def kernel(input_ids, embed_weight, proj_weight, proj_bias):
    batch, seq = input_ids.shape
    nst, nbt = seq // 8, batch // 128
    ids4 = input_ids.T.reshape(nst, 8, nbt, 128).transpose(0, 2, 1, 3)
    out5 = _make_lookup(nst, nbt)(
        ids4, embed_weight, proj_weight, proj_bias)
    out3 = out5.transpose(0, 1, 3, 2, 4).reshape(_VOCAB, seq, batch)
    return out3.transpose(2, 1, 0)

# --- scband reference (transcript-rebuilt; emitter-appended) ---
"""Pipeline reference for scband-tiny-lm-87514253624042 (READ-ONLY COPY).

The authoritative reference and input builder live on the scoring server;
editing this copy changes nothing except your own understanding.
"""

import jax, jax.numpy as jnp
import numpy as np

VOCAB = 12
EMBED_DIM = 8
BATCH = 16384
SEQ = 200


def setup_inputs(seed: int = 0) -> dict:
    key = jax.random.key(seed)
    k1, k2, k3 = jax.random.split(key, 3)
    input_ids = jax.random.randint(k1, (BATCH, SEQ), 0, VOCAB, dtype=jnp.int32)
    # nn.Embedding default init: N(0, 1)
    embed_weight = jax.random.normal(k2, (VOCAB, EMBED_DIM), dtype=jnp.float32)
    # nn.Linear default init: U(-1/sqrt(in), 1/sqrt(in))
    bound = 1.0 / np.sqrt(EMBED_DIM)
    proj_weight = jax.random.uniform(k3, (VOCAB, EMBED_DIM), dtype=jnp.float32, minval=-bound, maxval=bound)
    proj_bias = jnp.zeros((VOCAB,), dtype=jnp.float32)
    return {
        "input_ids": input_ids,
        "embed_weight": embed_weight,
        "proj_weight": proj_weight,
        "proj_bias": proj_bias,
    }


def reference(input_ids, embed_weight, proj_weight, proj_bias):
    # embedding lookup: gather rows of the table
    h = jnp.take(embed_weight, input_ids, axis=0)  # [B, S, 8]
    # linear projection: h @ W^T + b  (torch nn.Linear stores weight as [out, in])
    logits = jnp.einsum('bsd,vd->bsv', h, proj_weight) + proj_bias  # [B, S, 12]
    return logits

if __name__ == "__main__":
    import jax
    _d = setup_inputs()
    print(jax.jit(kernel)(*tuple(_d.values())))

</pallas_src>

<mosaic_0001>
#map = affine_map<(d0, d1) -> (0, 0, 0, 0)>
#map1 = affine_map<(d0, d1) -> (0, 0)>
#map2 = affine_map<(d0, d1) -> (0)>
#map3 = affine_map<(d0, d1) -> (0, 0, 0, 0, 0)>
module attributes {stable_mosaic.version = 14 : i64} {
  func.func @body(%arg0: i32, %arg1: i32, %arg2: memref<25x128x8x128xi32, #tpu.memory_space<hbm>>, %arg3: memref<12x8xf32, #tpu.memory_space<hbm>>, %arg4: memref<12x8xf32, #tpu.memory_space<hbm>>, %arg5: memref<12xf32, #tpu.memory_space<hbm>>, %arg6: memref<12x25x128x8x128xf32, #tpu.memory_space<hbm>>, %arg7: memref<4x8x128xi32, #tpu.memory_space<vmem>>, %arg8: memref<4x8x128xi32, #tpu.memory_space<vmem>>, %arg9: memref<12x4x8x128xf32, #tpu.memory_space<vmem>>, %arg10: memref<12x4x8x128xf32, #tpu.memory_space<vmem>>, %arg11: memref<12x8xf32, #tpu.memory_space<vmem>>, %arg12: memref<12x8xf32, #tpu.memory_space<vmem>>, %arg13: memref<12xf32, #tpu.memory_space<vmem>>, %arg14: memref<144xf32, #tpu.memory_space<vmem>>, %arg15: memref<!tpu.dma_semaphore, #tpu.memory_space<semaphore_mem>>, %arg16: memref<!tpu.dma_semaphore, #tpu.memory_space<semaphore_mem>>, %arg17: memref<!tpu.dma_semaphore, #tpu.memory_space<semaphore_mem>>, %arg18: memref<!tpu.dma_semaphore, #tpu.memory_space<semaphore_mem>>) attributes {dimension_semantics = [#tpu.dimension_semantics<core_parallel>, #tpu.dimension_semantics<subcore_parallel>], iteration_bounds = array<i64: 2, 16>, scalar_prefetch = 0 : i64, scratch_operands = 12 : i64, tpu.core_type = #tpu.core_type<sc_vector_subcore>, window_params = [{transform_indices = #map}, {transform_indices = #map1}, {transform_indices = #map1}, {transform_indices = #map2}, {transform_indices = #map3}]} {
    %mul3A = arith.constant 2 : i32
    %mul3A_0 = arith.muli %arg1, %mul3A : i32
    %add3A = arith.addi %mul3A_0, %arg0 : i32
    %mul3A_1 = arith.constant 4 : i32
    %mul3A_2 = arith.muli %add3A, %mul3A_1 : i32
    %dma_start3A = arith.constant 0 : i32
    %dma_start3A_3 = arith.constant 0 : i32
    %dma_start3A_4 = arith.constant 0 : i32
    %dma_start3A_5 = tpu.memref_slice %arg2[%dma_start3A, %mul3A_2, %dma_start3A_3, %dma_start3A_4] : memref<25x128x8x128xi32, #tpu.memory_space<hbm>> -> memref<1x4x8x128xi32, #tpu.memory_space<hbm>>
    %dma_start3A_6 = tpu.memref_squeeze %dma_start3A_5 : memref<1x4x8x128xi32, #tpu.memory_space<hbm>> -> memref<4x8x128xi32, #tpu.memory_space<hbm>>
    %dma_start3A_7 = arith.constant 0 : i32
    %dma_start3A_8 = arith.constant 0 : i32
    %dma_start3A_9 = tpu.memref_slice %arg2[%dma_start3A, %mul3A_2, %dma_start3A_7, %dma_start3A_8] : memref<25x128x8x128xi32, #tpu.memory_space<hbm>> -> memref<1x4x8x128xi32, #tpu.memory_space<hbm>>
    %dma_start3A_10 = tpu.memref_squeeze %dma_start3A_9 : memref<1x4x8x128xi32, #tpu.memory_space<hbm>> -> memref<4x8x128xi32, #tpu.memory_space<hbm>>
    tpu.enqueue_dma source(%dma_start3A_10 : memref<4x8x128xi32, #tpu.memory_space<hbm>>) target(%arg7 : memref<4x8x128xi32, #tpu.memory_space<vmem>>) target_semaphore(%arg15 : memref<!tpu.dma_semaphore, #tpu.memory_space<semaphore_mem>>)
    %dma_start3A_11 = arith.constant 1 : i32
    %dma_start3A_12 = arith.constant 0 : i32
    %dma_start3A_13 = arith.constant 0 : i32
    %dma_start3A_14 = tpu.memref_slice %arg2[%dma_start3A_11, %mul3A_2, %dma_start3A_12, %dma_start3A_13] : memref<25x128x8x128xi32, #tpu.memory_space<hbm>> -> memref<1x4x8x128xi32, #tpu.memory_space<hbm>>
    %dma_start3A_15 = tpu.memref_squeeze %dma_start3A_14 : memref<1x4x8x128xi32, #tpu.memory_space<hbm>> -> memref<4x8x128xi32, #tpu.memory_space<hbm>>
    %dma_start3A_16 = arith.constant 0 : i32
    %dma_start3A_17 = arith.constant 0 : i32
    %dma_start3A_18 = tpu.memref_slice %arg2[%dma_start3A_11, %mul3A_2, %dma_start3A_16, %dma_start3A_17] : memref<25x128x8x128xi32, #tpu.memory_space<hbm>> -> memref<1x4x8x128xi32, #tpu.memory_space<hbm>>
    %dma_start3A_19 = tpu.memref_squeeze %dma_start3A_18 : memref<1x4x8x128xi32, #tpu.memory_space<hbm>> -> memref<4x8x128xi32, #tpu.memory_space<hbm>>
    tpu.enqueue_dma source(%dma_start3A_19 : memref<4x8x128xi32, #tpu.memory_space<hbm>>) target(%arg8 : memref<4x8x128xi32, #tpu.memory_space<vmem>>) target_semaphore(%arg16 : memref<!tpu.dma_semaphore, #tpu.memory_space<semaphore_mem>>)
    "tpu.region"() ({
      %run_scoped3A = tpu.sem_alloc : memref<!tpu.dma_semaphore, #tpu.memory_space<semaphore_mem>>
      tpu.enqueue_dma source(%arg3 : memref<12x8xf32, #tpu.memory_space<hbm>>) target(%arg11 : memref<12x8xf32, #tpu.memory_space<vmem>>) target_semaphore(%run_scoped3A : memref<!tpu.dma_semaphore, #tpu.memory_space<semaphore_mem>>)
      tpu.wait_dma2 semaphore(%run_scoped3A : memref<!tpu.dma_semaphore, #tpu.memory_space<semaphore_mem>>) src(%arg3 : memref<12x8xf32, #tpu.memory_space<hbm>>) dst(%arg11 : memref<12x8xf32, #tpu.memory_space<vmem>>)
      tpu.yield
    }) : () -> ()
    "tpu.region"() ({
      %run_scoped3A = tpu.sem_alloc : memref<!tpu.dma_semaphore, #tpu.memory_space<semaphore_mem>>
      tpu.enqueue_dma source(%arg4 : memref<12x8xf32, #tpu.memory_space<hbm>>) target(%arg12 : memref<12x8xf32, #tpu.memory_space<vmem>>) target_semaphore(%run_scoped3A : memref<!tpu.dma_semaphore, #tpu.memory_space<semaphore_mem>>)
      tpu.wait_dma2 semaphore(%run_scoped3A : memref<!tpu.dma_semaphore, #tpu.memory_space<semaphore_mem>>) src(%arg4 : memref<12x8xf32, #tpu.memory_space<hbm>>) dst(%arg12 : memref<12x8xf32, #tpu.memory_space<vmem>>)
      tpu.yield
    }) : () -> ()
    "tpu.region"() ({
      %run_scoped3A = tpu.sem_alloc : memref<!tpu.dma_semaphore, #tpu.memory_space<semaphore_mem>>
      tpu.enqueue_dma source(%arg5 : memref<12xf32, #tpu.memory_space<hbm>>) target(%arg13 : memref<12xf32, #tpu.memory_space<vmem>>) target_semaphore(%run_scoped3A : memref<!tpu.dma_semaphore, #tpu.memory_space<semaphore_mem>>)
      tpu.wait_dma2 semaphore(%run_scoped3A : memref<!tpu.dma_semaphore, #tpu.memory_space<semaphore_mem>>) src(%arg5 : memref<12xf32, #tpu.memory_space<hbm>>) dst(%arg13 : memref<12xf32, #tpu.memory_space<vmem>>)
      tpu.yield
    }) : () -> ()
    %iota3A = tpu.iota {dimensions = array<i32: 0>} : vector<16xi32>
    %add3A_20 = arith.constant 0 : i32
    %add3A_21 = vector.broadcast %add3A_20 : i32 to vector<16xi32>
    %add3A_22 = arith.addi %iota3A, %add3A_21 : vector<16xi32>
    %jit3A = arith.constant 12 : i32
    %div3A = vector.broadcast %jit3A : i32 to vector<16xi32>
    %div3A_23 = arith.divsi %add3A_22, %div3A : vector<16xi32>
    %sign3A = arith.constant 0 : i32
    %sign3A_24 = vector.broadcast %sign3A : i32 to vector<16xi32>
    %sign3A_25 = arith.cmpi sgt, %add3A_22, %sign3A_24 : vector<16xi32>
    %sign3A_26 = arith.extui %sign3A_25 : vector<16xi1> to vector<16xi32>
    %sign3A_27 = arith.constant 0 : i32
    %sign3A_28 = vector.broadcast %sign3A_27 : i32 to vector<16xi32>
    %sign3A_29 = arith.cmpi slt, %add3A_22, %sign3A_28 : vector<16xi32>
    %sign3A_30 = arith.extui %sign3A_29 : vector<16xi1> to vector<16xi32>
    %sign3A_31 = arith.subi %sign3A_26, %sign3A_30 : vector<16xi32>
    %sign3A_32 = arith.constant 0 : i32
    %sign3A_33 = arith.cmpi sgt, %jit3A, %sign3A_32 : i32
    %sign3A_34 = arith.extui %sign3A_33 : i1 to i32
    %sign3A_35 = arith.constant 0 : i32
    %sign3A_36 = arith.cmpi slt, %jit3A, %sign3A_35 : i32
    %sign3A_37 = arith.extui %sign3A_36 : i1 to i32
    %sign3A_38 = arith.subi %sign3A_34, %sign3A_37 : i32
    %ne3A = vector.broadcast %sign3A_38 : i32 to vector<16xi32>
    %ne3A_39 = arith.cmpi ne, %sign3A_31, %ne3A : vector<16xi32>
    %rem3A = vector.broadcast %jit3A : i32 to vector<16xi32>
    %rem3A_40 = arith.remsi %add3A_22, %rem3A : vector<16xi32>
    %ne3A_41 = arith.constant 0 : i32
    %ne3A_42 = vector.broadcast %ne3A_41 : i32 to vector<16xi32>
    %ne3A_43 = arith.cmpi ne, %rem3A_40, %ne3A_42 : vector<16xi32>
    %and3A = arith.andi %ne3A_39, %ne3A_43 : vector<16xi1>
    %sub3A = arith.constant 1 : i32
    %sub3A_44 = vector.broadcast %sub3A : i32 to vector<16xi32>
    %sub3A_45 = arith.subi %div3A_23, %sub3A_44 : vector<16xi32>
    %select_n3A = arith.select %and3A, %sub3A_45, %div3A_23 : vector<16xi1>, vector<16xi32>
    %jit3A_46 = arith.constant 12 : i32
    %eq3A = arith.constant 0 : i32
    %eq3A_47 = arith.cmpi eq, %jit3A_46, %eq3A : i32
    %jit3A_48 = arith.constant 1 : i32
    %select_n3A_49 = arith.select %eq3A_47, %jit3A_48, %jit3A_46 : i32
    %rem3A_50 = vector.broadcast %select_n3A_49 : i32 to vector<16xi32>
    %rem3A_51 = arith.remsi %add3A_22, %rem3A_50 : vector<16xi32>
    %ne3A_52 = arith.constant 0 : i32
    %ne3A_53 = vector.broadcast %ne3A_52 : i32 to vector<16xi32>
    %ne3A_54 = arith.cmpi ne, %rem3A_51, %ne3A_53 : vector<16xi32>
    %lt3A = arith.constant 0 : i32
    %lt3A_55 = vector.broadcast %lt3A : i32 to vector<16xi32>
    %lt3A_56 = arith.cmpi slt, %rem3A_51, %lt3A_55 : vector<16xi32>
    %lt3A_57 = arith.constant 0 : i32
    %lt3A_58 = arith.cmpi slt, %select_n3A_49, %lt3A_57 : i32
    %ne3A_59 = vector.broadcast %lt3A_58 : i1 to vector<16xi1>
    %ne3A_60 = vector.broadcast %ne3A_59 : vector<16xi1> to vector<16xi1>
    %ne3A_61 = arith.xori %lt3A_56, %ne3A_60 : vector<16xi1>
    %and3A_62 = arith.andi %ne3A_61, %ne3A_54 : vector<16xi1>
    %add3A_63 = vector.broadcast %select_n3A_49 : i32 to vector<16xi32>
    %add3A_64 = arith.addi %rem3A_51, %add3A_63 : vector<16xi32>
    %select_n3A_65 = arith.select %and3A_62, %add3A_64, %rem3A_51 : vector<16xi1>, vector<16xi32>
    %gather3A = tpu.vector_load_idx %arg13[%select_n3A] : memref<12xf32, #tpu.memory_space<vmem>>[vector<16xi32>], vector<16xf32>,
    %mul3A_66 = arith.constant 0 : i32
    %mul3A_67 = vector.broadcast %mul3A_66 : i32 to vector<16xi32>
    %mul3A_68 = arith.muli %iota3A, %mul3A_67 : vector<16xi32>
    %add3A_69 = arith.constant 0 : i32
    %add3A_70 = vector.broadcast %add3A_69 : i32 to vector<16xi32>
    %add3A_71 = arith.addi %mul3A_68, %add3A_70 : vector<16xi32>
    %gather3A_72 = tpu.vector_load_idx %arg12[%select_n3A, %add3A_71] : memref<12x8xf32, #tpu.memory_space<vmem>>[vector<16xi32>, vector<16xi32>], vector<16xf32>,
    %gather3A_73 = tpu.vector_load_idx %arg11[%select_n3A_65, %add3A_71] : memref<12x8xf32, #tpu.memory_space<vmem>>[vector<16xi32>, vector<16xi32>], vector<16xf32>,
    %mul3A_74 = arith.mulf %gather3A_72, %gather3A_73 : vector<16xf32>
    %add3A_75 = arith.addf %gather3A, %mul3A_74 : vector<16xf32>
    %mul3A_76 = arith.constant 0 : i32
    %mul3A_77 = vector.broadcast %mul3A_76 : i32 to vector<16xi32>
    %mul3A_78 = arith.muli %iota3A, %mul3A_77 : vector<16xi32>
    %add3A_79 = arith.constant 1 : i32
    %add3A_80 = vector.broadcast %add3A_79 : i32 to vector<16xi32>
    %add3A_81 = arith.addi %mul3A_78, %add3A_80 : vector<16xi32>
    %gather3A_82 = tpu.vector_load_idx %arg12[%select_n3A, %add3A_81] : memref<12x8xf32, #tpu.memory_space<vmem>>[vector<16xi32>, vector<16xi32>], vector<16xf32>,
    %gather3A_83 = tpu.vector_load_idx %arg11[%select_n3A_65, %add3A_81] : memref<12x8xf32, #tpu.memory_space<vmem>>[vector<16xi32>, vector<16xi32>], vector<16xf32>,
    %mul3A_84 = arith.mulf %gather3A_82, %gather3A_83 : vector<16xf32>
    %add3A_85 = arith.addf %add3A_75, %mul3A_84 : vector<16xf32>
    %mul3A_86 = arith.constant 0 : i32
    %mul3A_87 = vector.broadcast %mul3A_86 : i32 to vector<16xi32>
    %mul3A_88 = arith.muli %iota3A, %mul3A_87 : vector<16xi32>
    %add3A_89 = arith.constant 2 : i32
    %add3A_90 = vector.broadcast %add3A_89 : i32 to vector<16xi32>
    %add3A_91 = arith.addi %mul3A_88, %add3A_90 : vector<16xi32>
    %gather3A_92 = tpu.vector_load_idx %arg12[%select_n3A, %add3A_91] : memref<12x8xf32, #tpu.memory_space<vmem>>[vector<16xi32>, vector<16xi32>], vector<16xf32>,
    %gather3A_93 = tpu.vector_load_idx %arg11[%select_n3A_65, %add3A_91] : memref<12x8xf32, #tpu.memory_space<vmem>>[vector<16xi32>, vector<16xi32>], vector<16xf32>,
    %mul3A_94 = arith.mulf %gather3A_92, %gather3A_93 : vector<16xf32>
    %add3A_95 = arith.addf %add3A_85, %mul3A_94 : vector<16xf32>
    %mul3A_96 = arith.constant 0 : i32
    %mul3A_97 = vector.broadcast %mul3A_96 : i32 to vector<16xi32>
    %mul3A_98 = arith.muli %iota3A, %mul3A_97 : vector<16xi32>
    %add3A_99 = arith.constant 3 : i32
    %add3A_100 = vector.broadcast %add3A_99 : i32 to vector<16xi32>
    %add3A_101 = arith.addi %mul3A_98, %add3A_100 : vector<16xi32>
    %gather3A_102 = tpu.vector_load_idx %arg12[%select_n3A, %add3A_101] : memref<12x8xf32, #tpu.memory_space<vmem>>[vector<16xi32>, vector<16xi32>], vector<16xf32>,
    %gather3A_103 = tpu.vector_load_idx %arg11[%select_n3A_65, %add3A_101] : memref<12x8xf32, #tpu.memory_space<vmem>>[vector<16xi32>, vector<16xi32>], vector<16xf32>,
    %mul3A_104 = arith.mulf %gather3A_102, %gather3A_103 : vector<16xf32>
    %add3A_105 = arith.addf %add3A_95, %mul3A_104 : vector<16xf32>
    %mul3A_106 = arith.constant 0 : i32
    %mul3A_107 = vector.broadcast %mul3A_106 : i32 to vector<16xi32>
    %mul3A_108 = arith.muli %iota3A, %mul3A_107 : vector<16xi32>
    %add3A_109 = arith.constant 4 : i32
    %add3A_110 = vector.broadcast %add3A_109 : i32 to vector<16xi32>
    %add3A_111 = arith.addi %mul3A_108, %add3A_110 : vector<16xi32>
    %gather3A_112 = tpu.vector_load_idx %arg12[%select_n3A, %add3A_111] : memref<12x8xf32, #tpu.memory_space<vmem>>[vector<16xi32>, vector<16xi32>], vector<16xf32>,
    %gather3A_113 = tpu.vector_load_idx %arg11[%select_n3A_65, %add3A_111] : memref<12x8xf32, #tpu.memory_space<vmem>>[vector<16xi32>, vector<16xi32>], vector<16xf32>,
    %mul3A_114 = arith.mulf %gather3A_112, %gather3A_113 : vector<16xf32>
    %add3A_115 = arith.addf %add3A_105, %mul3A_114 : vector<16xf32>
    %mul3A_116 = arith.constant 0 : i32
    %mul3A_117 = vector.broadcast %mul3A_116 : i32 to vector<16xi32>
    %mul3A_118 = arith.muli %iota3A, %mul3A_117 : vector<16xi32>
    %add3A_119 = arith.constant 5 : i32
    %add3A_120 = vector.broadcast %add3A_119 : i32 to vector<16xi32>
    %add3A_121 = arith.addi %mul3A_118, %add3A_120 : vector<16xi32>
    %gather3A_122 = tpu.vector_load_idx %arg12[%select_n3A, %add3A_121] : memref<12x8xf32, #tpu.memory_space<vmem>>[vector<16xi32>, vector<16xi32>], vector<16xf32>,
    %gather3A_123 = tpu.vector_load_idx %arg11[%select_n3A_65, %add3A_121] : memref<12x8xf32, #tpu.memory_space<vmem>>[vector<16xi32>, vector<16xi32>], vector<16xf32>,
    %mul3A_124 = arith.mulf %gather3A_122, %gather3A_123 : vector<16xf32>
    %add3A_125 = arith.addf %add3A_115, %mul3A_124 : vector<16xf32>
    %mul3A_126 = arith.constant 0 : i32
    %mul3A_127 = vector.broadcast %mul3A_126 : i32 to vector<16xi32>
    %mul3A_128 = arith.muli %iota3A, %mul3A_127 : vector<16xi32>
    %add3A_129 = arith.constant 6 : i32
    %add3A_130 = vector.broadcast %add3A_129 : i32 to vector<16xi32>
    %add3A_131 = arith.addi %mul3A_128, %add3A_130 : vector<16xi32>
    %gather3A_132 = tpu.vector_load_idx %arg12[%select_n3A, %add3A_131] : memref<12x8xf32, #tpu.memory_space<vmem>>[vector<16xi32>, vector<16xi32>], vector<16xf32>,
    %gather3A_133 = tpu.vector_load_idx %arg11[%select_n3A_65, %add3A_131] : memref<12x8xf32, #tpu.memory_space<vmem>>[vector<16xi32>, vector<16xi32>], vector<16xf32>,
    %mul3A_134 = arith.mulf %gather3A_132, %gather3A_133 : vector<16xf32>
    %add3A_135 = arith.addf %add3A_125, %mul3A_134 : vector<16xf32>
    %mul3A_136 = arith.constant 0 : i32
    %mul3A_137 = vector.broadcast %mul3A_136 : i32 to vector<16xi32>
    %mul3A_138 = arith.muli %iota3A, %mul3A_137 : vector<16xi32>
    %add3A_139 = arith.constant 7 : i32
    %add3A_140 = vector.broadcast %add3A_139 : i32 to vector<16xi32>
    %add3A_141 = arith.addi %mul3A_138, %add3A_140 : vector<16xi32>
    %gather3A_142 = tpu.vector_load_idx %arg12[%select_n3A, %add3A_141] : memref<12x8xf32, #tpu.memory_space<vmem>>[vector<16xi32>, vector<16xi32>], vector<16xf32>,
    %gather3A_143 = tpu.vector_load_idx %arg11[%select_n3A_65, %add3A_141] : memref<12x8xf32, #tpu.memory_space<vmem>>[vector<16xi32>, vector<16xi32>], vector<16xf32>,
    %mul3A_144 = arith.mulf %gather3A_142, %gather3A_143 : vector<16xf32>
    %add3A_145 = arith.addf %add3A_135, %mul3A_144 : vector<16xf32>
    %swap3A = arith.constant 0 : index
    %swap3A_146 = tpu.vector_load %arg14[%swap3A] {strides = array<i32>} : memref<144xf32, #tpu.memory_space<vmem>>, vector<16xf32>,
    tpu.vector_store %arg14[%swap3A], %add3A_145 {strides = array<i32>} : memref<144xf32, #tpu.memory_space<vmem>>, vector<16xf32>,
    %add3A_147 = arith.constant 16 : i32
    %add3A_148 = vector.broadcast %add3A_147 : i32 to vector<16xi32>
    %add3A_149 = arith.addi %iota3A, %add3A_148 : vector<16xi32>
    %jit3A_150 = arith.constant 12 : i32
    %div3A_151 = vector.broadcast %jit3A_150 : i32 to vector<16xi32>
    %div3A_152 = arith.divsi %add3A_149, %div3A_151 : vector<16xi32>
    %sign3A_153 = arith.constant 0 : i32
    %sign3A_154 = vector.broadcast %sign3A_153 : i32 to vector<16xi32>
    %sign3A_155 = arith.cmpi sgt, %add3A_149, %sign3A_154 : vector<16xi32>
    %sign3A_156 = arith.extui %sign3A_155 : vector<16xi1> to vector<16xi32>
    %sign3A_157 = arith.constant 0 : i32
    %sign3A_158 = vector.broadcast %sign3A_157 : i32 to vector<16xi32>
    %sign3A_159 = arith.cmpi slt, %add3A_149, %sign3A_158 : vector<16xi32>
    %sign3A_160 = arith.extui %sign3A_159 : vector<16xi1> to vector<16xi32>
    %sign3A_161 = arith.subi %sign3A_156, %sign3A_160 : vector<16xi32>
    %sign3A_162 = arith.constant 0 : i32
    %sign3A_163 = arith.cmpi sgt, %jit3A_150, %sign3A_162 : i32
    %sign3A_164 = arith.extui %sign3A_163 : i1 to i32
    %sign3A_165 = arith.constant 0 : i32
    %sign3A_166 = arith.cmpi slt, %jit3A_150, %sign3A_165 : i32
    %sign3A_167 = arith.extui %sign3A_166 : i1 to i32
    %sign3A_168 = arith.subi %sign3A_164, %sign3A_167 : i32
    %ne3A_169 = vector.broadcast %sign3A_168 : i32 to vector<16xi32>
    %ne3A_170 = arith.cmpi ne, %sign3A_161, %ne3A_169 : vector<16xi32>
    %rem3A_171 = vector.broadcast %jit3A_150 : i32 to vector<16xi32>
    %rem3A_172 = arith.remsi %add3A_149, %rem3A_171 : vector<16xi32>
    %ne3A_173 = arith.constant 0 : i32
    %ne3A_174 = vector.broadcast %ne3A_173 : i32 to vector<16xi32>
    %ne3A_175 = arith.cmpi ne, %rem3A_172, %ne3A_174 : vector<16xi32>
    %and3A_176 = arith.andi %ne3A_170, %ne3A_175 : vector<16xi1>
    %sub3A_177 = arith.constant 1 : i32
    %sub3A_178 = vector.broadcast %sub3A_177 : i32 to vector<16xi32>
    %sub3A_179 = arith.subi %div3A_152, %sub3A_178 : vector<16xi32>
    %select_n3A_180 = arith.select %and3A_176, %sub3A_179, %div3A_152 : vector<16xi1>, vector<16xi32>
    %jit3A_181 = arith.constant 12 : i32
    %eq3A_182 = arith.constant 0 : i32
    %eq3A_183 = arith.cmpi eq, %jit3A_181, %eq3A_182 : i32
    %jit3A_184 = arith.constant 1 : i32
    %select_n3A_185 = arith.select %eq3A_183, %jit3A_184, %jit3A_181 : i32
    %rem3A_186 = vector.broadcast %select_n3A_185 : i32 to vector<16xi32>
    %rem3A_187 = arith.remsi %add3A_149, %rem3A_186 : vector<16xi32>
    %ne3A_188 = arith.constant 0 : i32
    %ne3A_189 = vector.broadcast %ne3A_188 : i32 to vector<16xi32>
    %ne3A_190 = arith.cmpi ne, %rem3A_187, %ne3A_189 : vector<16xi32>
    %lt3A_191 = arith.constant 0 : i32
    %lt3A_192 = vector.broadcast %lt3A_191 : i32 to vector<16xi32>
    %lt3A_193 = arith.cmpi slt, %rem3A_187, %lt3A_192 : vector<16xi32>
    %lt3A_194 = arith.constant 0 : i32
    %lt3A_195 = arith.cmpi slt, %select_n3A_185, %lt3A_194 : i32
    %ne3A_196 = vector.broadcast %lt3A_195 : i1 to vector<16xi1>
    %ne3A_197 = vector.broadcast %ne3A_196 : vector<16xi1> to vector<16xi1>
    %ne3A_198 = arith.xori %lt3A_193, %ne3A_197 : vector<16xi1>
    %and3A_199 = arith.andi %ne3A_198, %ne3A_190 : vector<16xi1>
    %add3A_200 = vector.broadcast %select_n3A_185 : i32 to vector<16xi32>
    %add3A_201 = arith.addi %rem3A_187, %add3A_200 : vector<16xi32>
    %select_n3A_202 = arith.select %and3A_199, %add3A_201, %rem3A_187 : vector<16xi1>, vector<16xi32>
    %gather3A_203 = tpu.vector_load_idx %arg13[%select_n3A_180] : memref<12xf32, #tpu.memory_space<vmem>>[vector<16xi32>], vector<16xf32>,
    %mul3A_204 = arith.constant 0 : i32
    %mul3A_205 = vector.broadcast %mul3A_204 : i32 to vector<16xi32>
    %mul3A_206 = arith.muli %iota3A, %mul3A_205 : vector<16xi32>
    %add3A_207 = arith.constant 0 : i32
    %add3A_208 = vector.broadcast %add3A_207 : i32 to vector<16xi32>
    %add3A_209 = arith.addi %mul3A_206, %add3A_208 : vector<16xi32>
    %gather3A_210 = tpu.vector_load_idx %arg12[%select_n3A_180, %add3A_209] : memref<12x8xf32, #tpu.memory_space<vmem>>[vector<16xi32>, vector<16xi32>], vector<16xf32>,
    %gather3A_211 = tpu.vector_load_idx %arg11[%select_n3A_202, %add3A_209] : memref<12x8xf32, #tpu.memory_space<vmem>>[vector<16xi32>, vector<16xi32>], vector<16xf32>,
    %mul3A_212 = arith.mulf %gather3A_210, %gather3A_211 : vector<16xf32>
    %add3A_213 = arith.addf %gather3A_203, %mul3A_212 : vector<16xf32>
    %mul3A_214 = arith.constant 0 : i32
    %mul3A_215 = vector.broadcast %mul3A_214 : i32 to vector<16xi32>
    %mul3A_216 = arith.muli %iota3A, %mul3A_215 : vector<16xi32>
    %add3A_217 = arith.constant 1 : i32
    %add3A_218 = vector.broadcast %add3A_217 : i32 to vector<16xi32>
    %add3A_219 = arith.addi %mul3A_216, %add3A_218 : vector<16xi32>
    %gather3A_220 = tpu.vector_load_idx %arg12[%select_n3A_180, %add3A_219] : memref<12x8xf32, #tpu.memory_space<vmem>>[vector<16xi32>, vector<16xi32>], vector<16xf32>,
    %gather3A_221 = tpu.vector_load_idx %arg11[%select_n3A_202, %add3A_219] : memref<12x8xf32, #tpu.memory_space<vmem>>[vector<16xi32>, vector<16xi32>], vector<16xf32>,
    %mul3A_222 = arith.mulf %gather3A_220, %gather3A_221 : vector<16xf32>
    %add3A_223 = arith.addf %add3A_213, %mul3A_222 : vector<16xf32>
    %mul3A_224 = arith.constant 0 : i32
    %mul3A_225 = vector.broadcast %mul3A_224 : i32 to vector<16xi32>
    %mul3A_226 = arith.muli %iota3A, %mul3A_225 : vector<16xi32>
    %add3A_227 = arith.constant 2 : i32
    %add3A_228 = vector.broadcast %add3A_227 : i32 to vector<16xi32>
    %add3A_229 = arith.addi %mul3A_226, %add3A_228 : vector<16xi32>
    %gather3A_230 = tpu.vector_load_idx %arg12[%select_n3A_180, %add3A_229] : memref<12x8xf32, #tpu.memory_space<vmem>>[vector<16xi32>, vector<16xi32>], vector<16xf32>,
    %gather3A_231 = tpu.vector_load_idx %arg11[%select_n3A_202, %add3A_229] : memref<12x8xf32, #tpu.memory_space<vmem>>[vector<16xi32>, vector<16xi32>], vector<16xf32>,
    %mul3A_232 = arith.mulf %gather3A_230, %gather3A_231 : vector<16xf32>
    %add3A_233 = arith.addf %add3A_223, %mul3A_232 : vector<16xf32>
    %mul3A_234 = arith.constant 0 : i32
    %mul3A_235 = vector.broadcast %mul3A_234 : i32 to vector<16xi32>
    %mul3A_236 = arith.muli %iota3A, %mul3A_235 : vector<16xi32>
    %add3A_237 = arith.constant 3 : i32
    %add3A_238 = vector.broadcast %add3A_237 : i32 to vector<16xi32>
    %add3A_239 = arith.addi %mul3A_236, %add3A_238 : vector<16xi32>
    %gather3A_240 = tpu.vector_load_idx %arg12[%select_n3A_180, %add3A_239] : memref<12x8xf32, #tpu.memory_space<vmem>>[vector<16xi32>, vector<16xi32>], vector<16xf32>,
    %gather3A_241 = tpu.vector_load_idx %arg11[%select_n3A_202, %add3A_239] : memref<12x8xf32, #tpu.memory_space<vmem>>[vector<16xi32>, vector<16xi32>], vector<16xf32>,
    %mul3A_242 = arith.mulf %gather3A_240, %gather3A_241 : vector<16xf32>
    %add3A_243 = arith.addf %add3A_233, %mul3A_242 : vector<16xf32>
    %mul3A_244 = arith.constant 0 : i32
    %mul3A_245 = vector.broadcast %mul3A_244 : i32 to vector<16xi32>
    %mul3A_246 = arith.muli %iota3A, %mul3A_245 : vector<16xi32>
    %add3A_247 = arith.constant 4 : i32
    %add3A_248 = vector.broadcast %add3A_247 : i32 to vector<16xi32>
    %add3A_249 = arith.addi %mul3A_246, %add3A_248 : vector<16xi32>
    %gather3A_250 = tpu.vector_load_idx %arg12[%select_n3A_180, %add3A_249] : memref<12x8xf32, #tpu.memory_space<vmem>>[vector<16xi32>, vector<16xi32>], vector<16xf32>,
    %gather3A_251 = tpu.vector_load_idx %arg11[%select_n3A_202, %add3A_249] : memref<12x8xf32, #tpu.memory_space<vmem>>[vector<16xi32>, vector<16xi32>], vector<16xf32>,
    %mul3A_252 = arith.mulf %gather3A_250, %gather3A_251 : vector<16xf32>
    %add3A_253 = arith.addf %add3A_243, %mul3A_252 : vector<16xf32>
    %mul3A_254 = arith.constant 0 : i32
    %mul3A_255 = vector.broadcast %mul3A_254 : i32 to vector<16xi32>
    %mul3A_256 = arith.muli %iota3A, %mul3A_255 : vector<16xi32>
    %add3A_257 = arith.constant 5 : i32
    %add3A_258 = vector.broadcast %add3A_257 : i32 to vector<16xi32>
    %add3A_259 = arith.addi %mul3A_256, %add3A_258 : vector<16xi32>
    %gather3A_260 = tpu.vector_load_idx %arg12[%select_n3A_180, %add3A_259] : memref<12x8xf32, #tpu.memory_space<vmem>>[vector<16xi32>, vector<16xi32>], vector<16xf32>,
    %gather3A_261 = tpu.vector_load_idx %arg11[%select_n3A_202, %add3A_259] : memref<12x8xf32, #tpu.memory_space<vmem>>[vector<16xi32>, vector<16xi32>], vector<16xf32>,
    %mul3A_262 = arith.mulf %gather3A_260, %gather3A_261 : vector<16xf32>
    %add3A_263 = arith.addf %add3A_253, %mul3A_262 : vector<16xf32>
    %mul3A_264 = arith.constant 0 : i32
    %mul3A_265 = vector.broadcast %mul3A_264 : i32 to vector<16xi32>
    %mul3A_266 = arith.muli %iota3A, %mul3A_265 : vector<16xi32>
    %add3A_267 = arith.constant 6 : i32
    %add3A_268 = vector.broadcast %add3A_267 : i32 to vector<16xi32>
    %add3A_269 = arith.addi %mul3A_266, %add3A_268 : vector<16xi32>
    %gather3A_270 = tpu.vector_load_idx %arg12[%select_n3A_180, %add3A_269] : memref<12x8xf32, #tpu.memory_space<vmem>>[vector<16xi32>, vector<16xi32>], vector<16xf32>,
    %gather3A_271 = tpu.vector_load_idx %arg11[%select_n3A_202, %add3A_269] : memref<12x8xf32, #tpu.memory_space<vmem>>[vector<16xi32>, vector<16xi32>], vector<16xf32>,
    %mul3A_272 = arith.mulf %gather3A_270, %gather3A_271 : vector<16xf32>
    %add3A_273 = arith.addf %add3A_263, %mul3A_272 : vector<16xf32>
    %mul3A_274 = arith.constant 0 : i32
    %mul3A_275 = vector.broadcast %mul3A_274 : i32 to vector<16xi32>
    %mul3A_276 = arith.muli %iota3A, %mul3A_275 : vector<16xi32>
    %add3A_277 = arith.constant 7 : i32
    %add3A_278 = vector.broadcast %add3A_277 : i32 to vector<16xi32>
    %add3A_279 = arith.addi %mul3A_276, %add3A_278 : vector<16xi32>
    %gather3A_280 = tpu.vector_load_idx %arg12[%select_n3A_180, %add3A_279] : memref<12x8xf32, #tpu.memory_space<vmem>>[vector<16xi32>, vector<16xi32>], vector<16xf32>,
    %gather3A_281 = tpu.vector_load_idx %arg11[%select_n3A_202, %add3A_279] : memref<12x8xf32, #tpu.memory_space<vmem>>[vector<16xi32>, vector<16xi32>], vector<16xf32>,
    %mul3A_282 = arith.mulf %gather3A_280, %gather3A_281 : vector<16xf32>
    %add3A_283 = arith.addf %add3A_273, %mul3A_282 : vector<16xf32>
    %swap3A_284 = arith.constant 16 : index
    %swap3A_285 = tpu.vector_load %arg14[%swap3A_284] {strides = array<i32>} : memref<144xf32, #tpu.memory_space<vmem>>, vector<16xf32>,
    tpu.vector_store %arg14[%swap3A_284], %add3A_283 {strides = array<i32>} : memref<144xf32, #tpu.memory_space<vmem>>, vector<16xf32>,
    %add3A_286 = arith.constant 32 : i32
    %add3A_287 = vector.broadcast %add3A_286 : i32 to vector<16xi32>
    %add3A_288 = arith.addi %iota3A, %add3A_287 : vector<16xi32>
    %jit3A_289 = arith.constant 12 : i32
    %div3A_290 = vector.broadcast %jit3A_289 : i32 to vector<16xi32>
    %div3A_291 = arith.divsi %add3A_288, %div3A_290 : vector<16xi32>
    %sign3A_292 = arith.constant 0 : i32
    %sign3A_293 = vector.broadcast %sign3A_292 : i32 to vector<16xi32>
    %sign3A_294 = arith.cmpi sgt, %add3A_288, %sign3A_293 : vector<16xi32>
    %sign3A_295 = arith.extui %sign3A_294 : vector<16xi1> to vector<16xi32>
    %sign3A_296 = arith.constant 0 : i32
    %sign3A_297 = vector.broadcast %sign3A_296 : i32 to vector<16xi32>
    %sign3A_298 = arith.cmpi slt, %add3A_288, %sign3A_297 : vector<16xi32>
    %sign3A_299 = arith.extui %sign3A_298 : vector<16xi1> to vector<16xi32>
    %sign3A_300 = arith.subi %sign3A_295, %sign3A_299 : vector<16xi32>
    %sign3A_301 = arith.constant 0 : i32
    %sign3A_302 = arith.cmpi sgt, %jit3A_289, %sign3A_301 : i32
    %sign3A_303 = arith.extui %sign3A_302 : i1 to i32
    %sign3A_304 = arith.constant 0 : i32
    %sign3A_305 = arith.cmpi slt, %jit3A_289, %sign3A_304 : i32
    %sign3A_306 = arith.extui %sign3A_305 : i1 to i32
    %sign3A_307 = arith.subi %sign3A_303, %sign3A_306 : i32
    %ne3A_308 = vector.broadcast %sign3A_307 : i32 to vector<16xi32>
    %ne3A_309 = arith.cmpi ne, %sign3A_300, %ne3A_308 : vector<16xi32>
    %rem3A_310 = vector.broadcast %jit3A_289 : i32 to vector<16xi32>
    %rem3A_311 = arith.remsi %add3A_288, %rem3A_310 : vector<16xi32>
    %ne3A_312 = arith.constant 0 : i32
    %ne3A_313 = vector.broadcast %ne3A_312 : i32 to vector<16xi32>
    %ne3A_314 = arith.cmpi ne, %rem3A_311, %ne3A_313 : vector<16xi32>
    %and3A_315 = arith.andi %ne3A_309, %ne3A_314 : vector<16xi1>
    %sub3A_316 = arith.constant 1 : i32
    %sub3A_317 = vector.broadcast %sub3A_316 : i32 to vector<16xi32>
    %sub3A_318 = arith.subi %div3A_291, %sub3A_317 : vector<16xi32>
    %select_n3A_319 = arith.select %and3A_315, %sub3A_318, %div3A_291 : vector<16xi1>, vector<16xi32>
    %jit3A_320 = arith.constant 12 : i32
    %eq3A_321 = arith.constant 0 : i32
    %eq3A_322 = arith.cmpi eq, %jit3A_320, %eq3A_321 : i32
    %jit3A_323 = arith.constant 1 : i32
    %select_n3A_324 = arith.select %eq3A_322, %jit3A_323, %jit3A_320 : i32
    %rem3A_325 = vector.broadcast %select_n3A_324 : i32 to vector<16xi32>
    %rem3A_326 = arith.remsi %add3A_288, %rem3A_325 : vector<16xi32>
    %ne3A_327 = arith.constant 0 : i32
    %ne3A_328 = vector.broadcast %ne3A_327 : i32 to vector<16xi32>
    %ne3A_329 = arith.cmpi ne, %rem3A_326, %ne3A_328 : vector<16xi32>
    %lt3A_330 = arith.constant 0 : i32
    %lt3A_331 = vector.broadcast %lt3A_330 : i32 to vector<16xi32>
    %lt3A_332 = arith.cmpi slt, %rem3A_326, %lt3A_331 : vector<16xi32>
    %lt3A_333 = arith.constant 0 : i32
    %lt3A_334 = arith.cmpi slt, %select_n3A_324, %lt3A_333 : i32
    %ne3A_335 = vector.broadcast %lt3A_334 : i1 to vector<16xi1>
    %ne3A_336 = vector.broadcast %ne3A_335 : vector<16xi1> to vector<16xi1>
    %ne3A_337 = arith.xori %lt3A_332, %ne3A_336 : vector<16xi1>
    %and3A_338 = arith.andi %ne3A_337, %ne3A_329 : vector<16xi1>
    %add3A_339 = vector.broadcast %select_n3A_324 : i32 to vector<16xi32>
    %add3A_340 = arith.addi %rem3A_326, %add3A_339 : vector<16xi32>
    %select_n3A_341 = arith.select %and3A_338, %add3A_340, %rem3A_326 : vector<16xi1>, vector<16xi32>
    %gather3A_342 = tpu.vector_load_idx %arg13[%select_n3A_319] : memref<12xf32, #tpu.memory_space<vmem>>[vector<16xi32>], vector<16xf32>,
    %mul3A_343 = arith.constant 0 : i32
    %mul3A_344 = vector.broadcast %mul3A_343 : i32 to vector<16xi32>
    %mul3A_345 = arith.muli %iota3A, %mul3A_344 : vector<16xi32>
    %add3A_346 = arith.constant 0 : i32
    %add3A_347 = vector.broadcast %add3A_346 : i32 to vector<16xi32>
    %add3A_348 = arith.addi %mul3A_345, %add3A_347 : vector<16xi32>
    %gather3A_349 = tpu.vector_load_idx %arg12[%select_n3A_319, %add3A_348] : memref<12x8xf32, #tpu.memory_space<vmem>>[vector<16xi32>, vector<16xi32>], vector<16xf32>,
    %gather3A_350 = tpu.vector_load_idx %arg11[%select_n3A_341, %add3A_348] : memref<12x8xf32, #tpu.memory_space<vmem>>[vector<16xi32>, vector<16xi32>], vector<16xf32>,
    %mul3A_351 = arith.mulf %gather3A_349, %gather3A_350 : vector<16xf32>
    %add3A_352 = arith.addf %gather3A_342, %mul3A_351 : vector<16xf32>
    %mul3A_353 = arith.constant 0 : i32
    %mul3A_354 = vector.broadcast %mul3A_353 : i32 to vector<16xi32>
    %mul3A_355 = arith.muli %iota3A, %mul3A_354 : vector<16xi32>
    %add3A_356 = arith.constant 1 : i32
    %add3A_357 = vector.broadcast %add3A_356 : i32 to vector<16xi32>
    %add3A_358 = arith.addi %mul3A_355, %add3A_357 : vector<16xi32>
    %gather3A_359 = tpu.vector_load_idx %arg12[%select_n3A_319, %add3A_358] : memref<12x8xf32, #tpu.memory_space<vmem>>[vector<16xi32>, vector<16xi32>], vector<16xf32>,
    %gather3A_360 = tpu.vector_load_idx %arg11[%select_n3A_341, %add3A_358] : memref<12x8xf32, #tpu.memory_space<vmem>>[vector<16xi32>, vector<16xi32>], vector<16xf32>,
    %mul3A_361 = arith.mulf %gather3A_359, %gather3A_360 : vector<16xf32>
    %add3A_362 = arith.addf %add3A_352, %mul3A_361 : vector<16xf32>
    %mul3A_363 = arith.constant 0 : i32
    %mul3A_364 = vector.broadcast %mul3A_363 : i32 to vector<16xi32>
    %mul3A_365 = arith.muli %iota3A, %mul3A_364 : vector<16xi32>
    %add3A_366 = arith.constant 2 : i32
    %add3A_367 = vector.broadcast %add3A_366 : i32 to vector<16xi32>
    %add3A_368 = arith.addi %mul3A_365, %add3A_367 : vector<16xi32>
    %gather3A_369 = tpu.vector_load_idx %arg12[%select_n3A_319, %add3A_368] : memref<12x8xf32, #tpu.memory_space<vmem>>[vector<16xi32>, vector<16xi32>], vector<16xf32>,
    %gather3A_370 = tpu.vector_load_idx %arg11[%select_n3A_341, %add3A_368] : memref<12x8xf32, #tpu.memory_space<vmem>>[vector<16xi32>, vector<16xi32>], vector<16xf32>,
    %mul3A_371 = arith.mulf %gather3A_369, %gather3A_370 : vector<16xf32>
    %add3A_372 = arith.addf %add3A_362, %mul3A_371 : vector<16xf32>
    %mul3A_373 = arith.constant 0 : i32
    %mul3A_374 = vector.broadcast %mul3A_373 : i32 to vector<16xi32>
    %mul3A_375 = arith.muli %iota3A, %mul3A_374 : vector<16xi32>
    %add3A_376 = arith.constant 3 : i32
    %add3A_377 = vector.broadcast %add3A_376 : i32 to vector<16xi32>
    %add3A_378 = arith.addi %mul3A_375, %add3A_377 : vector<16xi32>
    %gather3A_379 = tpu.vector_load_idx %arg12[%select_n3A_319, %add3A_378] : memref<12x8xf32, #tpu.memory_space<vmem>>[vector<16xi32>, vector<16xi32>], vector<16xf32>,
    %gather3A_380 = tpu.vector_load_idx %arg11[%select_n3A_341, %add3A_378] : memref<12x8xf32, #tpu.memory_space<vmem>>[vector<16xi32>, vector<16xi32>], vector<16xf32>,
    %mul3A_381 = arith.mulf %gather3A_379, %gather3A_380 : vector<16xf32>
    %add3A_382 = arith.addf %add3A_372, %mul3A_381 : vector<16xf32>
    %mul3A_383 = arith.constant 0 : i32
    %mul3A_384 = vector.broadcast %mul3A_383 : i32 to vector<16xi32>
    %mul3A_385 = arith.muli %iota3A, %mul3A_384 : vector<16xi32>
    %add3A_386 = arith.constant 4 : i32
    %add3A_387 = vector.broadcast %add3A_386 : i32 to vector<16xi32>
    %add3A_388 = arith.addi %mul3A_385, %add3A_387 : vector<16xi32>
    %gather3A_389 = tpu.vector_load_idx %arg12[%select_n3A_319, %add3A_388] : memref<12x8xf32, #tpu.memory_space<vmem>>[vector<16xi32>, vector<16xi32>], vector<16xf32>,
    %gather3A_390 = tpu.vector_load_idx %arg11[%select_n3A_341, %add3A_388] : memref<12x8xf32, #tpu.memory_space<vmem>>[vector<16xi32>, vector<16xi32>], vector<16xf32>,
    %mul3A_391 = arith.mulf %gather3A_389, %gather3A_390 : vector<16xf32>
    %add3A_392 = arith.addf %add3A_382, %mul3A_391 : vector<16xf32>
    %mul3A_393 = arith.constant 0 : i32
    %mul3A_394 = vector.broadcast %mul3A_393 : i32 to vector<16xi32>
    %mul3A_395 = arith.muli %iota3A, %mul3A_394 : vector<16xi32>
    %add3A_396 = arith.constant 5 : i32
    %add3A_397 = vector.broadcast %add3A_396 : i32 to vector<16xi32>
    %add3A_398 = arith.addi %mul3A_395, %add3A_397 : vector<16xi32>
    %gather3A_399 = tpu.vector_load_idx %arg12[%select_n3A_319, %add3A_398] : memref<12x8xf32, #tpu.memory_space<vmem>>[vector<16xi32>, vector<16xi32>], vector<16xf32>,
    %gather3A_400 = tpu.vector_load_idx %arg11[%select_n3A_341, %add3A_398] : memref<12x8xf32, #tpu.memory_space<vmem>>[vector<16xi32>, vector<16xi32>], vector<16xf32>,
    %mul3A_401 = arith.mulf %gather3A_399, %gather3A_400 : vector<16xf32>
    %add3A_402 = arith.addf %add3A_392, %mul3A_401 : vector<16xf32>
    %mul3A_403 = arith.constant 0 : i32
    %mul3A_404 = vector.broadcast %mul3A_403 : i32 to vector<16xi32>
    %mul3A_405 = arith.muli %iota3A, %mul3A_404 : vector<16xi32>
    %add3A_406 = arith.constant 6 : i32
    %add3A_407 = vector.broadcast %add3A_406 : i32 to vector<16xi32>
    %add3A_408 = arith.addi %mul3A_405, %add3A_407 : vector<16xi32>
    %gather3A_409 = tpu.vector_load_idx %arg12[%select_n3A_319, %add3A_408] : memref<12x8xf32, #tpu.memory_space<vmem>>[vector<16xi32>, vector<16xi32>], vector<16xf32>,
    %gather3A_410 = tpu.vector_load_idx %arg11[%select_n3A_341, %add3A_408] : memref<12x8xf32, #tpu.memory_space<vmem>>[vector<16xi32>, vector<16xi32>], vector<16xf32>,
    %mul3A_411 = arith.mulf %gather3A_409, %gather3A_410 : vector<16xf32>
    %add3A_412 = arith.addf %add3A_402, %mul3A_411 : vector<16xf32>
    %mul3A_413 = arith.constant 0 : i32
    %mul3A_414 = vector.broadcast %mul3A_413 : i32 to vector<16xi32>
    %mul3A_415 = arith.muli %iota3A, %mul3A_414 : vector<16xi32>
    %add3A_416 = arith.constant 7 : i32
    %add3A_417 = vector.broadcast %add3A_416 : i32 to vector<16xi32>
    %add3A_418 = arith.addi %mul3A_415, %add3A_417 : vector<16xi32>
    %gather3A_419 = tpu.vector_load_idx %arg12[%select_n3A_319, %add3A_418] : memref<12x8xf32, #tpu.memory_space<vmem>>[vector<16xi32>, vector<16xi32>], vector<16xf32>,
    %gather3A_420 = tpu.vector_load_idx %arg11[%select_n3A_341, %add3A_418] : memref<12x8xf32, #tpu.memory_space<vmem>>[vector<16xi32>, vector<16xi32>], vector<16xf32>,
    %mul3A_421 = arith.mulf %gather3A_419, %gather3A_420 : vector<16xf32>
    %add3A_422 = arith.addf %add3A_412, %mul3A_421 : vector<16xf32>
    %swap3A_423 = arith.constant 32 : index
    %swap3A_424 = tpu.vector_load %arg14[%swap3A_423] {strides = array<i32>} : memref<144xf32, #tpu.memory_space<vmem>>, vector<16xf32>,
    tpu.vector_store %arg14[%swap3A_423], %add3A_422 {strides = array<i32>} : memref<144xf32, #tpu.memory_space<vmem>>, vector<16xf32>,
    %add3A_425 = arith.constant 48 : i32
    %add3A_426 = vector.broadcast %add3A_425 : i32 to vector<16xi32>
    %add3A_427 = arith.addi %iota3A, %add3A_426 : vector<16xi32>
    %jit3A_428 = arith.constant 12 : i32
    %div3A_429 = vector.broadcast %jit3A_428 : i32 to vector<16xi32>
    %div3A_430 = arith.divsi %add3A_427, %div3A_429 : vector<16xi32>
    %sign3A_431 = arith.constant 0 : i32
    %sign3A_432 = vector.broadcast %sign3A_431 : i32 to vector<16xi32>
    %sign3A_433 = arith.cmpi sgt, %add3A_427, %sign3A_432 : vector<16xi32>
    %sign3A_434 = arith.extui %sign3A_433 : vector<16xi1> to vector<16xi32>
    %sign3A_435 = arith.constant 0 : i32
    %sign3A_436 = vector.broadcast %sign3A_435 : i32 to vector<16xi32>
    %sign3A_437 = arith.cmpi slt, %add3A_427, %sign3A_436 : vector<16xi32>
    %sign3A_438 = arith.extui %sign3A_437 : vector<16xi1> to vector<16xi32>
    %sign3A_439 = arith.subi %sign3A_434, %sign3A_438 : vector<16xi32>
    %sign3A_440 = arith.constant 0 : i32
    %sign3A_441 = arith.cmpi sgt, %jit3A_428, %sign3A_440 : i32
    %sign3A_442 = arith.extui %sign3A_441 : i1 to i32
    %sign3A_443 = arith.constant 0 : i32
    %sign3A_444 = arith.cmpi slt, %jit3A_428, %sign3A_443 : i32
    %sign3A_445 = arith.extui %sign3A_444 : i1 to i32
    %sign3A_446 = arith.subi %sign3A_442, %sign3A_445 : i32
    %ne3A_447 = vector.broadcast %sign3A_446 : i32 to vector<16xi32>
    %ne3A_448 = arith.cmpi ne, %sign3A_439, %ne3A_447 : vector<16xi32>
    %rem3A_449 = vector.broadcast %jit3A_428 : i32 to vector<16xi32>
    %rem3A_450 = arith.remsi %add3A_427, %rem3A_449 : vector<16xi32>
    %ne3A_451 = arith.constant 0 : i32
    %ne3A_452 = vector.broadcast %ne3A_451 : i32 to vector<16xi32>
    %ne3A_453 = arith.cmpi ne, %rem3A_450, %ne3A_452 : vector<16xi32>
    %and3A_454 = arith.andi %ne3A_448, %ne3A_453 : vector<16xi1>
    %sub3A_455 = arith.constant 1 : i32
    %sub3A_456 = vector.broadcast %sub3A_455 : i32 to vector<16xi32>
    %sub3A_457 = arith.subi %div3A_430, %sub3A_456 : vector<16xi32>
    %select_n3A_458 = arith.select %and3A_454, %sub3A_457, %div3A_430 : vector<16xi1>, vector<16xi32>
    %jit3A_459 = arith.constant 12 : i32
    %eq3A_460 = arith.constant 0 : i32
    %eq3A_461 = arith.cmpi eq, %jit3A_459, %eq3A_460 : i32
    %jit3A_462 = arith.constant 1 : i32
    %select_n3A_463 = arith.select %eq3A_461, %jit3A_462, %jit3A_459 : i32
    %rem3A_464 = vector.broadcast %select_n3A_463 : i32 to vector<16xi32>
    %rem3A_465 = arith.remsi %add3A_427, %rem3A_464 : vector<16xi32>
    %ne3A_466 = arith.constant 0 : i32
    %ne3A_467 = vector.broadcast %ne3A_466 : i32 to vector<16xi32>
    %ne3A_468 = arith.cmpi ne, %rem3A_465, %ne3A_467 : vector<16xi32>
    %lt3A_469 = arith.constant 0 : i32
    %lt3A_470 = vector.broadcast %lt3A_469 : i32 to vector<16xi32>
    %lt3A_471 = arith.cmpi slt, %rem3A_465, %lt3A_470 : vector<16xi32>
    %lt3A_472 = arith.constant 0 : i32
    %lt3A_473 = arith.cmpi slt, %select_n3A_463, %lt3A_472 : i32
    %ne3A_474 = vector.broadcast %lt3A_473 : i1 to vector<16xi1>
    %ne3A_475 = vector.broadcast %ne3A_474 : vector<16xi1> to vector<16xi1>
    %ne3A_476 = arith.xori %lt3A_471, %ne3A_475 : vector<16xi1>
    %and3A_477 = arith.andi %ne3A_476, %ne3A_468 : vector<16xi1>
    %add3A_478 = vector.broadcast %select_n3A_463 : i32 to vector<16xi32>
    %add3A_479 = arith.addi %rem3A_465, %add3A_478 : vector<16xi32>
    %select_n3A_480 = arith.select %and3A_477, %add3A_479, %rem3A_465 : vector<16xi1>, vector<16xi32>
    %gather3A_481 = tpu.vector_load_idx %arg13[%select_n3A_458] : memref<12xf32, #tpu.memory_space<vmem>>[vector<16xi32>], vector<16xf32>,
    %mul3A_482 = arith.constant 0 : i32
    %mul3A_483 = vector.broadcast %mul3A_482 : i32 to vector<16xi32>
    %mul3A_484 = arith.muli %iota3A, %mul3A_483 : vector<16xi32>
    %add3A_485 = arith.constant 0 : i32
    %add3A_486 = vector.broadcast %add3A_485 : i32 to vector<16xi32>
    %add3A_487 = arith.addi %mul3A_484, %add3A_486 : vector<16xi32>
    %gather3A_488 = tpu.vector_load_idx %arg12[%select_n3A_458, %add3A_487] : memref<12x8xf32, #tpu.memory_space<vmem>>[vector<16xi32>, vector<16xi32>], vector<16xf32>,
    %gather3A_489 = tpu.vector_load_idx %arg11[%select_n3A_480, %add3A_487] : memref<12x8xf32, #tpu.memory_space<vmem>>[vector<16xi32>, vector<16xi32>], vector<16xf32>,
    %mul3A_490 = arith.mulf %gather3A_488, %gather3A_489 : vector<16xf32>
    %add3A_491 = arith.addf %gather3A_481, %mul3A_490 : vector<16xf32>
    %mul3A_492 = arith.constant 0 : i32
    %mul3A_493 = vector.broadcast %mul3A_492 : i32 to vector<16xi32>
    %mul3A_494 = arith.muli %iota3A, %mul3A_493 : vector<16xi32>
    %add3A_495 = arith.constant 1 : i32
    %add3A_496 = vector.broadcast %add3A_495 : i32 to vector<16xi32>
    %add3A_497 = arith.addi %mul3A_494, %add3A_496 : vector<16xi32>
    %gather3A_498 = tpu.vector_load_idx %arg12[%select_n3A_458, %add3A_497] : memref<12x8xf32, #tpu.memory_space<vmem>>[vector<16xi32>, vector<16xi32>], vector<16xf32>,
    %gather3A_499 = tpu.vector_load_idx %arg11[%select_n3A_480, %add3A_497] : memref<12x8xf32, #tpu.memory_space<vmem>>[vector<16xi32>, vector<16xi32>], vector<16xf32>,
    %mul3A_500 = arith.mulf %gather3A_498, %gather3A_499 : vector<16xf32>
    %add3A_501 = arith.addf %add3A_491, %mul3A_500 : vector<16xf32>
    %mul3A_502 = arith.constant 0 : i32
    %mul3A_503 = vector.broadcast %mul3A_502 : i32 to vector<16xi32>
    %mul3A_504 = arith.muli %iota3A, %mul3A_503 : vector<16xi32>
    %add3A_505 = arith.constant 2 : i32
    %add3A_506 = vector.broadcast %add3A_505 : i32 to vector<16xi32>
    %add3A_507 = arith.addi %mul3A_504, %add3A_506 : vector<16xi32>
    %gather3A_508 = tpu.vector_load_idx %arg12[%select_n3A_458, %add3A_507] : memref<12x8xf32, #tpu.memory_space<vmem>>[vector<16xi32>, vector<16xi32>], vector<16xf32>,
    %gather3A_509 = tpu.vector_load_idx %arg11[%select_n3A_480, %add3A_507] : memref<12x8xf32, #tpu.memory_space<vmem>>[vector<16xi32>, vector<16xi32>], vector<16xf32>,
    %mul3A_510 = arith.mulf %gather3A_508, %gather3A_509 : vector<16xf32>
    %add3A_511 = arith.addf %add3A_501, %mul3A_510 : vector<16xf32>
    %mul3A_512 = arith.constant 0 : i32
    %mul3A_513 = vector.broadcast %mul3A_512 : i32 to vector<16xi32>
    %mul3A_514 = arith.muli %iota3A, %mul3A_513 : vector<16xi32>
    %add3A_515 = arith.constant 3 : i32
    %add3A_516 = vector.broadcast %add3A_515 : i32 to vector<16xi32>
    %add3A_517 = arith.addi %mul3A_514, %add3A_516 : vector<16xi32>
    %gather3A_518 = tpu.vector_load_idx %arg12[%select_n3A_458, %add3A_517] : memref<12x8xf32, #tpu.memory_space<vmem>>[vector<16xi32>, vector<16xi32>], vector<16xf32>,
    %gather3A_519 = tpu.vector_load_idx %arg11[%select_n3A_480, %add3A_517] : memref<12x8xf32, #tpu.memory_space<vmem>>[vector<16xi32>, vector<16xi32>], vector<16xf32>,
    %mul3A_520 = arith.mulf %gather3A_518, %gather3A_519 : vector<16xf32>
    %add3A_521 = arith.addf %add3A_511, %mul3A_520 : vector<16xf32>
    %mul3A_522 = arith.constant 0 : i32
    %mul3A_523 = vector.broadcast %mul3A_522 : i32 to vector<16xi32>
    %mul3A_524 = arith.muli %iota3A, %mul3A_523 : vector<16xi32>
    %add3A_525 = arith.constant 4 : i32
    %add3A_526 = vector.broadcast %add3A_525 : i32 to vector<16xi32>
    %add3A_527 = arith.addi %mul3A_524, %add3A_526 : vector<16xi32>
    %gather3A_528 = tpu.vector_load_idx %arg12[%select_n3A_458, %add3A_527] : memref<12x8xf32, #tpu.memory_space<vmem>>[vector<16xi32>, vector<16xi32>], vector<16xf32>,
    %gather3A_529 = tpu.vector_load_idx %arg11[%select_n3A_480, %add3A_527] : memref<12x8xf32, #tpu.memory_space<vmem>>[vector<16xi32>, vector<16xi32>], vector<16xf32>,
    %mul3A_530 = arith.mulf %gather3A_528, %gather3A_529 : vector<16xf32>
    %add3A_531 = arith.addf %add3A_521, %mul3A_530 : vector<16xf32>
    %mul3A_532 = arith.constant 0 : i32
    %mul3A_533 = vector.broadcast %mul3A_532 : i32 to vector<16xi32>
    %mul3A_534 = arith.muli %iota3A, %mul3A_533 : vector<16xi32>
    %add3A_535 = arith.constant 5 : i32
    %add3A_536 = vector.broadcast %add3A_535 : i32 to vector<16xi32>
    %add3A_537 = arith.addi %mul3A_534, %add3A_536 : vector<16xi32>
    %gather3A_538 = tpu.vector_load_idx %arg12[%select_n3A_458, %add3A_537] : memref<12x8xf32, #tpu.memory_space<vmem>>[vector<16xi32>, vector<16xi32>], vector<16xf32>,
    %gather3A_539 = tpu.vector_load_idx %arg11[%select_n3A_480, %add3A_537] : memref<12x8xf32, #tpu.memory_space<vmem>>[vector<16xi32>, vector<16xi32>], vector<16xf32>,
    %mul3A_540 = arith.mulf %gather3A_538, %gather3A_539 : vector<16xf32>
    %add3A_541 = arith.addf %add3A_531, %mul3A_540 : vector<16xf32>
    %mul3A_542 = arith.constant 0 : i32
    %mul3A_543 = vector.broadcast %mul3A_542 : i32 to vector<16xi32>
    %mul3A_544 = arith.muli %iota3A, %mul3A_543 : vector<16xi32>
    %add3A_545 = arith.constant 6 : i32
    %add3A_546 = vector.broadcast %add3A_545 : i32 to vector<16xi32>
    %add3A_547 = arith.addi %mul3A_544, %add3A_546 : vector<16xi32>
    %gather3A_548 = tpu.vector_load_idx %arg12[%select_n3A_458, %add3A_547] : memref<12x8xf32, #tpu.memory_space<vmem>>[vector<16xi32>, vector<16xi32>], vector<16xf32>,
    %gather3A_549 = tpu.vector_load_idx %arg11[%select_n3A_480, %add3A_547] : memref<12x8xf32, #tpu.memory_space<vmem>>[vector<16xi32>, vector<16xi32>], vector<16xf32>,
    %mul3A_550 = arith.mulf %gather3A_548, %gather3A_549 : vector<16xf32>
    %add3A_551 = arith.addf %add3A_541, %mul3A_550 : vector<16xf32>
    %mul3A_552 = arith.constant 0 : i32
    %mul3A_553 = vector.broadcast %mul3A_552 : i32 to vector<16xi32>
    %mul3A_554 = arith.muli %iota3A, %mul3A_553 : vector<16xi32>
    %add3A_555 = arith.constant 7 : i32
    %add3A_556 = vector.broadcast %add3A_555 : i32 to vector<16xi32>
    %add3A_557 = arith.addi %mul3A_554, %add3A_556 : vector<16xi32>
    %gather3A_558 = tpu.vector_load_idx %arg12[%select_n3A_458, %add3A_557] : memref<12x8xf32, #tpu.memory_space<vmem>>[vector<16xi32>, vector<16xi32>], vector<16xf32>,
    %gather3A_559 = tpu.vector_load_idx %arg11[%select_n3A_480, %add3A_557] : memref<12x8xf32, #tpu.memory_space<vmem>>[vector<16xi32>, vector<16xi32>], vector<16xf32>,
    %mul3A_560 = arith.mulf %gather3A_558, %gather3A_559 : vector<16xf32>
    %add3A_561 = arith.addf %add3A_551, %mul3A_560 : vector<16xf32>
    %swap3A_562 = arith.constant 48 : index
    %swap3A_563 = tpu.vector_load %arg14[%swap3A_562] {strides = array<i32>} : memref<144xf32, #tpu.memory_space<vmem>>, vector<16xf32>,
    tpu.vector_store %arg14[%swap3A_562], %add3A_561 {strides = array<i32>} : memref<144xf32, #tpu.memory_space<vmem>>, vector<16xf32>,
    %add3A_564 = arith.constant 64 : i32
    %add3A_565 = vector.broadcast %add3A_564 : i32 to vector<16xi32>
    %add3A_566 = arith.addi %iota3A, %add3A_565 : vector<16xi32>
    %jit3A_567 = arith.constant 12 : i32
    %div3A_568 = vector.broadcast %jit3A_567 : i32 to vector<16xi32>
    %div3A_569 = arith.divsi %add3A_566, %div3A_568 : vector<16xi32>
    %sign3A_570 = arith.constant 0 : i32
    %sign3A_571 = vector.broadcast %sign3A_570 : i32 to vector<16xi32>
    %sign3A_572 = arith.cmpi sgt, %add3A_566, %sign3A_571 : vector<16xi32>
    %sign3A_573 = arith.extui %sign3A_572 : vector<16xi1> to vector<16xi32>
    %sign3A_574 = arith.constant 0 : i32
    %sign3A_575 = vector.broadcast %sign3A_574 : i32 to vector<16xi32>
    %sign3A_576 = arith.cmpi slt, %add3A_566, %sign3A_575 : vector<16xi32>
    %sign3A_577 = arith.extui %sign3A_576 : vector<16xi1> to vector<16xi32>
    %sign3A_578 = arith.subi %sign3A_573, %sign3A_577 : vector<16xi32>
    %sign3A_579 = arith.constant 0 : i32
    %sign3A_580 = arith.cmpi sgt, %jit3A_567, %sign3A_579 : i32
    %sign3A_581 = arith.extui %sign3A_580 : i1 to i32
    %sign3A_582 = arith.constant 0 : i32
    %sign3A_583 = arith.cmpi slt, %jit3A_567, %sign3A_582 : i32
    %sign3A_584 = arith.extui %sign3A_583 : i1 to i32
    %sign3A_585 = arith.subi %sign3A_581, %sign3A_584 : i32
    %ne3A_586 = vector.broadcast %sign3A_585 : i32 to vector<16xi32>
    %ne3A_587 = arith.cmpi ne, %sign3A_578, %ne3A_586 : vector<16xi32>
    %rem3A_588 = vector.broadcast %jit3A_567 : i32 to vector<16xi32>
    %rem3A_589 = arith.remsi %add3A_566, %rem3A_588 : vector<16xi32>
    %ne3A_590 = arith.constant 0 : i32
    %ne3A_591 = vector.broadcast %ne3A_590 : i32 to vector<16xi32>
    %ne3A_592 = arith.cmpi ne, %rem3A_589, %ne3A_591 : vector<16xi32>
    %and3A_593 = arith.andi %ne3A_587, %ne3A_592 : vector<16xi1>
    %sub3A_594 = arith.constant 1 : i32
    %sub3A_595 = vector.broadcast %sub3A_594 : i32 to vector<16xi32>
    %sub3A_596 = arith.subi %div3A_569, %sub3A_595 : vector<16xi32>
    %select_n3A_597 = arith.select %and3A_593, %sub3A_596, %div3A_569 : vector<16xi1>, vector<16xi32>
    %jit3A_598 = arith.constant 12 : i32
    %eq3A_599 = arith.constant 0 : i32
    %eq3A_600 = arith.cmpi eq, %jit3A_598, %eq3A_599 : i32
    %jit3A_601 = arith.constant 1 : i32
    %select_n3A_602 = arith.select %eq3A_600, %jit3A_601, %jit3A_598 : i32
    %rem3A_603 = vector.broadcast %select_n3A_602 : i32 to vector<16xi32>
    %rem3A_604 = arith.remsi %add3A_566, %rem3A_603 : vector<16xi32>
    %ne3A_605 = arith.constant 0 : i32
    %ne3A_606 = vector.broadcast %ne3A_605 : i32 to vector<16xi32>
    %ne3A_607 = arith.cmpi ne, %rem3A_604, %ne3A_606 : vector<16xi32>
    %lt3A_608 = arith.constant 0 : i32
    %lt3A_609 = vector.broadcast %lt3A_608 : i32 to vector<16xi32>
    %lt3A_610 = arith.cmpi slt, %rem3A_604, %lt3A_609 : vector<16xi32>
    %lt3A_611 = arith.constant 0 : i32
    %lt3A_612 = arith.cmpi slt, %select_n3A_602, %lt3A_611 : i32
    %ne3A_613 = vector.broadcast %lt3A_612 : i1 to vector<16xi1>
    %ne3A_614 = vector.broadcast %ne3A_613 : vector<16xi1> to vector<16xi1>
    %ne3A_615 = arith.xori %lt3A_610, %ne3A_614 : vector<16xi1>
    %and3A_616 = arith.andi %ne3A_615, %ne3A_607 : vector<16xi1>
    %add3A_617 = vector.broadcast %select_n3A_602 : i32 to vector<16xi32>
    %add3A_618 = arith.addi %rem3A_604, %add3A_617 : vector<16xi32>
    %select_n3A_619 = arith.select %and3A_616, %add3A_618, %rem3A_604 : vector<16xi1>, vector<16xi32>
    %gather3A_620 = tpu.vector_load_idx %arg13[%select_n3A_597] : memref<12xf32, #tpu.memory_space<vmem>>[vector<16xi32>], vector<16xf32>,
    %mul3A_621 = arith.constant 0 : i32
    %mul3A_622 = vector.broadcast %mul3A_621 : i32 to vector<16xi32>
    %mul3A_623 = arith.muli %iota3A, %mul3A_622 : vector<16xi32>
    %add3A_624 = arith.constant 0 : i32
    %add3A_625 = vector.broadcast %add3A_624 : i32 to vector<16xi32>
    %add3A_626 = arith.addi %mul3A_623, %add3A_625 : vector<16xi32>
    %gather3A_627 = tpu.vector_load_idx %arg12[%select_n3A_597, %add3A_626] : memref<12x8xf32, #tpu.memory_space<vmem>>[vector<16xi32>, vector<16xi32>], vector<16xf32>,
    %gather3A_628 = tpu.vector_load_idx %arg11[%select_n3A_619, %add3A_626] : memref<12x8xf32, #tpu.memory_space<vmem>>[vector<16xi32>, vector<16xi32>], vector<16xf32>,
    %mul3A_629 = arith.mulf %gather3A_627, %gather3A_628 : vector<16xf32>
    %add3A_630 = arith.addf %gather3A_620, %mul3A_629 : vector<16xf32>
    %mul3A_631 = arith.constant 0 : i32
    %mul3A_632 = vector.broadcast %mul3A_631 : i32 to vector<16xi32>
    %mul3A_633 = arith.muli %iota3A, %mul3A_632 : vector<16xi32>
    %add3A_634 = arith.constant 1 : i32
    %add3A_635 = vector.broadcast %add3A_634 : i32 to vector<16xi32>
    %add3A_636 = arith.addi %mul3A_633, %add3A_635 : vector<16xi32>
    %gather3A_637 = tpu.vector_load_idx %arg12[%select_n3A_597, %add3A_636] : memref<12x8xf32, #tpu.memory_space<vmem>>[vector<16xi32>, vector<16xi32>], vector<16xf32>,
    %gather3A_638 = tpu.vector_load_idx %arg11[%select_n3A_619, %add3A_636] : memref<12x8xf32, #tpu.memory_space<vmem>>[vector<16xi32>, vector<16xi32>], vector<16xf32>,
    %mul3A_639 = arith.mulf %gather3A_637, %gather3A_638 : vector<16xf32>
    %add3A_640 = arith.addf %add3A_630, %mul3A_639 : vector<16xf32>
    %mul3A_641 = arith.constant 0 : i32
    %mul3A_642 = vector.broadcast %mul3A_641 : i32 to vector<16xi32>
    %mul3A_643 = arith.muli %iota3A, %mul3A_642 : vector<16xi32>
    %add3A_644 = arith.constant 2 : i32
    %add3A_645 = vector.broadcast %add3A_644 : i32 to vector<16xi32>
    %add3A_646 = arith.addi %mul3A_643, %add3A_645 : vector<16xi32>
    %gather3A_647 = tpu.vector_load_idx %arg12[%select_n3A_597, %add3A_646] : memref<12x8xf32, #tpu.memory_space<vmem>>[vector<16xi32>, vector<16xi32>], vector<16xf32>,
    %gather3A_648 = tpu.vector_load_idx %arg11[%select_n3A_619, %add3A_646] : memref<12x8xf32, #tpu.memory_space<vmem>>[vector<16xi32>, vector<16xi32>], vector<16xf32>,
    %mul3A_649 = arith.mulf %gather3A_647, %gather3A_648 : vector<16xf32>
    %add3A_650 = arith.addf %add3A_640, %mul3A_649 : vector<16xf32>
    %mul3A_651 = arith.constant 0 : i32
    %mul3A_652 = vector.broadcast %mul3A_651 : i32 to vector<16xi32>
    %mul3A_653 = arith.muli %iota3A, %mul3A_652 : vector<16xi32>
    %add3A_654 = arith.constant 3 : i32
    %add3A_655 = vector.broadcast %add3A_654 : i32 to vector<16xi32>
    %add3A_656 = arith.addi %mul3A_653, %add3A_655 : vector<16xi32>
    %gather3A_657 = tpu.vector_load_idx %arg12[%select_n3A_597, %add3A_656] : memref<12x8xf32, #tpu.memory_space<vmem>>[vector<16xi32>, vector<16xi32>], vector<16xf32>,
    %gather3A_658 = tpu.vector_load_idx %arg11[%select_n3A_619, %add3A_656] : memref<12x8xf32, #tpu.memory_space<vmem>>[vector<16xi32>, vector<16xi32>], vector<16xf32>,
    %mul3A_659 = arith.mulf %gather3A_657, %gather3A_658 : vector<16xf32>
    %add3A_660 = arith.addf %add3A_650, %mul3A_659 : vector<16xf32>
    %mul3A_661 = arith.constant 0 : i32
    %mul3A_662 = vector.broadcast %mul3A_661 : i32 to vector<16xi32>
    %mul3A_663 = arith.muli %iota3A, %mul3A_662 : vector<16xi32>
    %add3A_664 = arith.constant 4 : i32
    %add3A_665 = vector.broadcast %add3A_664 : i32 to vector<16xi32>
    %add3A_666 = arith.addi %mul3A_663, %add3A_665 : vector<16xi32>
    %gather3A_667 = tpu.vector_load_idx %arg12[%select_n3A_597, %add3A_666] : memref<12x8xf32, #tpu.memory_space<vmem>>[vector<16xi32>, vector<16xi32>], vector<16xf32>,
    %gather3A_668 = tpu.vector_load_idx %arg11[%select_n3A_619, %add3A_666] : memref<12x8xf32, #tpu.memory_space<vmem>>[vector<16xi32>, vector<16xi32>], vector<16xf32>,
    %mul3A_669 = arith.mulf %gather3A_667, %gather3A_668 : vector<16xf32>
    %add3A_670 = arith.addf %add3A_660, %mul3A_669 : vector<16xf32>
    %mul3A_671 = arith.constant 0 : i32
    %mul3A_672 = vector.broadcast %mul3A_671 : i32 to vector<16xi32>
    %mul3A_673 = arith.muli %iota3A, %mul3A_672 : vector<16xi32>
    %add3A_674 = arith.constant 5 : i32
    %add3A_675 = vector.broadcast %add3A_674 : i32 to vector<16xi32>
    %add3A_676 = arith.addi %mul3A_673, %add3A_675 : vector<16xi32>
    %gather3A_677 = tpu.vector_load_idx %arg12[%select_n3A_597, %add3A_676] : memref<12x8xf32, #tpu.memory_space<vmem>>[vector<16xi32>, vector<16xi32>], vector<16xf32>,
    %gather3A_678 = tpu.vector_load_idx %arg11[%select_n3A_619, %add3A_676] : memref<12x8xf32, #tpu.memory_space<vmem>>[vector<16xi32>, vector<16xi32>], vector<16xf32>,
    %mul3A_679 = arith.mulf %gather3A_677, %gather3A_678 : vector<16xf32>
    %add3A_680 = arith.addf %add3A_670, %mul3A_679 : vector<16xf32>
    %mul3A_681 = arith.constant 0 : i32
    %mul3A_682 = vector.broadcast %mul3A_681 : i32 to vector<16xi32>
    %mul3A_683 = arith.muli %iota3A, %mul3A_682 : vector<16xi32>
    %add3A_684 = arith.constant 6 : i32
    %add3A_685 = vector.broadcast %add3A_684 : i32 to vector<16xi32>
    %add3A_686 = arith.addi %mul3A_683, %add3A_685 : vector<16xi32>
    %gather3A_687 = tpu.vector_load_idx %arg12[%select_n3A_597, %add3A_686] : memref<12x8xf32, #tpu.memory_space<vmem>>[vector<16xi32>, vector<16xi32>], vector<16xf32>,
    %gather3A_688 = tpu.vector_load_idx %arg11[%select_n3A_619, %add3A_686] : memref<12x8xf32, #tpu.memory_space<vmem>>[vector<16xi32>, vector<16xi32>], vector<16xf32>,
    %mul3A_689 = arith.mulf %gather3A_687, %gather3A_688 : vector<16xf32>
    %add3A_690 = arith.addf %add3A_680, %mul3A_689 : vector<16xf32>
    %mul3A_691 = arith.constant 0 : i32
    %mul3A_692 = vector.broadcast %mul3A_691 : i32 to vector<16xi32>
    %mul3A_693 = arith.muli %iota3A, %mul3A_692 : vector<16xi32>
    %add3A_694 = arith.constant 7 : i32
    %add3A_695 = vector.broadcast %add3A_694 : i32 to vector<16xi32>
    %add3A_696 = arith.addi %mul3A_693, %add3A_695 : vector<16xi32>
    %gather3A_697 = tpu.vector_load_idx %arg12[%select_n3A_597, %add3A_696] : memref<12x8xf32, #tpu.memory_space<vmem>>[vector<16xi32>, vector<16xi32>], vector<16xf32>,
    %gather3A_698 = tpu.vector_load_idx %arg11[%select_n3A_619, %add3A_696] : memref<12x8xf32, #tpu.memory_space<vmem>>[vector<16xi32>, vector<16xi32>], vector<16xf32>,
    %mul3A_699 = arith.mulf %gather3A_697, %gather3A_698 : vector<16xf32>
    %add3A_700 = arith.addf %add3A_690, %mul3A_699 : vector<16xf32>
    %swap3A_701 = arith.constant 64 : index
    %swap3A_702 = tpu.vector_load %arg14[%swap3A_701] {strides = array<i32>} : memref<144xf32, #tpu.memory_space<vmem>>, vector<16xf32>,
    tpu.vector_store %arg14[%swap3A_701], %add3A_700 {strides = array<i32>} : memref<144xf32, #tpu.memory_space<vmem>>, vector<16xf32>,
    %add3A_703 = arith.constant 80 : i32
    %add3A_704 = vector.broadcast %add3A_703 : i32 to vector<16xi32>
    %add3A_705 = arith.addi %iota3A, %add3A_704 : vector<16xi32>
    %jit3A_706 = arith.constant 12 : i32
    %div3A_707 = vector.broadcast %jit3A_706 : i32 to vector<16xi32>
    %div3A_708 = arith.divsi %add3A_705, %div3A_707 : vector<16xi32>
    %sign3A_709 = arith.constant 0 : i32
    %sign3A_710 = vector.broadcast %sign3A_709 : i32 to vector<16xi32>
    %sign3A_711 = arith.cmpi sgt, %add3A_705, %sign3A_710 : vector<16xi32>
    %sign3A_712 = arith.extui %sign3A_711 : vector<16xi1> to vector<16xi32>
    %sign3A_713 = arith.constant 0 : i32
    %sign3A_714 = vector.broadcast %sign3A_713 : i32 to vector<16xi32>
    %sign3A_715 = arith.cmpi slt, %add3A_705, %sign3A_714 : vector<16xi32>
    %sign3A_716 = arith.extui %sign3A_715 : vector<16xi1> to vector<16xi32>
    %sign3A_717 = arith.subi %sign3A_712, %sign3A_716 : vector<16xi32>
    %sign3A_718 = arith.constant 0 : i32
    %sign3A_719 = arith.cmpi sgt, %jit3A_706, %sign3A_718 : i32
    %sign3A_720 = arith.extui %sign3A_719 : i1 to i32
    %sign3A_721 = arith.constant 0 : i32
    %sign3A_722 = arith.cmpi slt, %jit3A_706, %sign3A_721 : i32
    %sign3A_723 = arith.extui %sign3A_722 : i1 to i32
    %sign3A_724 = arith.subi %sign3A_720, %sign3A_723 : i32
    %ne3A_725 = vector.broadcast %sign3A_724 : i32 to vector<16xi32>
    %ne3A_726 = arith.cmpi ne, %sign3A_717, %ne3A_725 : vector<16xi32>
    %rem3A_727 = vector.broadcast %jit3A_706 : i32 to vector<16xi32>
    %rem3A_728 = arith.remsi %add3A_705, %rem3A_727 : vector<16xi32>
    %ne3A_729 = arith.constant 0 : i32
    %ne3A_730 = vector.broadcast %ne3A_729 : i32 to vector<16xi32>
    %ne3A_731 = arith.cmpi ne, %rem3A_728, %ne3A_730 : vector<16xi32>
    %and3A_732 = arith.andi %ne3A_726, %ne3A_731 : vector<16xi1>
    %sub3A_733 = arith.constant 1 : i32
    %sub3A_734 = vector.broadcast %sub3A_733 : i32 to vector<16xi32>
    %sub3A_735 = arith.subi %div3A_708, %sub3A_734 : vector<16xi32>
    %select_n3A_736 = arith.select %and3A_732, %sub3A_735, %div3A_708 : vector<16xi1>, vector<16xi32>
    %jit3A_737 = arith.constant 12 : i32
    %eq3A_738 = arith.constant 0 : i32
    %eq3A_739 = arith.cmpi eq, %jit3A_737, %eq3A_738 : i32
    %jit3A_740 = arith.constant 1 : i32
    %select_n3A_741 = arith.select %eq3A_739, %jit3A_740, %jit3A_737 : i32
    %rem3A_742 = vector.broadcast %select_n3A_741 : i32 to vector<16xi32>
    %rem3A_743 = arith.remsi %add3A_705, %rem3A_742 : vector<16xi32>
    %ne3A_744 = arith.constant 0 : i32
    %ne3A_745 = vector.broadcast %ne3A_744 : i32 to vector<16xi32>
    %ne3A_746 = arith.cmpi ne, %rem3A_743, %ne3A_745 : vector<16xi32>
    %lt3A_747 = arith.constant 0 : i32
    %lt3A_748 = vector.broadcast %lt3A_747 : i32 to vector<16xi32>
    %lt3A_749 = arith.cmpi slt, %rem3A_743, %lt3A_748 : vector<16xi32>
    %lt3A_750 = arith.constant 0 : i32
    %lt3A_751 = arith.cmpi slt, %select_n3A_741, %lt3A_750 : i32
    %ne3A_752 = vector.broadcast %lt3A_751 : i1 to vector<16xi1>
    %ne3A_753 = vector.broadcast %ne3A_752 : vector<16xi1> to vector<16xi1>
    %ne3A_754 = arith.xori %lt3A_749, %ne3A_753 : vector<16xi1>
    %and3A_755 = arith.andi %ne3A_754, %ne3A_746 : vector<16xi1>
    %add3A_756 = vector.broadcast %select_n3A_741 : i32 to vector<16xi32>
    %add3A_757 = arith.addi %rem3A_743, %add3A_756 : vector<16xi32>
    %select_n3A_758 = arith.select %and3A_755, %add3A_757, %rem3A_743 : vector<16xi1>, vector<16xi32>
    %gather3A_759 = tpu.vector_load_idx %arg13[%select_n3A_736] : memref<12xf32, #tpu.memory_space<vmem>>[vector<16xi32>], vector<16xf32>,
    %mul3A_760 = arith.constant 0 : i32
    %mul3A_761 = vector.broadcast %mul3A_760 : i32 to vector<16xi32>
    %mul3A_762 = arith.muli %iota3A, %mul3A_761 : vector<16xi32>
    %add3A_763 = arith.constant 0 : i32
    %add3A_764 = vector.broadcast %add3A_763 : i32 to vector<16xi32>
    %add3A_765 = arith.addi %mul3A_762, %add3A_764 : vector<16xi32>
    %gather3A_766 = tpu.vector_load_idx %arg12[%select_n3A_736, %add3A_765] : memref<12x8xf32, #tpu.memory_space<vmem>>[vector<16xi32>, vector<16xi32>], vector<16xf32>,
    %gather3A_767 = tpu.vector_load_idx %arg11[%select_n3A_758, %add3A_765] : memref<12x8xf32, #tpu.memory_space<vmem>>[vector<16xi32>, vector<16xi32>], vector<16xf32>,
    %mul3A_768 = arith.mulf %gather3A_766, %gather3A_767 : vector<16xf32>
    %add3A_769 = arith.addf %gather3A_759, %mul3A_768 : vector<16xf32>
    %mul3A_770 = arith.constant 0 : i32
    %mul3A_771 = vector.broadcast %mul3A_770 : i32 to vector<16xi32>
    %mul3A_772 = arith.muli %iota3A, %mul3A_771 : vector<16xi32>
    %add3A_773 = arith.constant 1 : i32
    %add3A_774 = vector.broadcast %add3A_773 : i32 to vector<16xi32>
    %add3A_775 = arith.addi %mul3A_772, %add3A_774 : vector<16xi32>
    %gather3A_776 = tpu.vector_load_idx %arg12[%select_n3A_736, %add3A_775] : memref<12x8xf32, #tpu.memory_space<vmem>>[vector<16xi32>, vector<16xi32>], vector<16xf32>,
    %gather3A_777 = tpu.vector_load_idx %arg11[%select_n3A_758, %add3A_775] : memref<12x8xf32, #tpu.memory_space<vmem>>[vector<16xi32>, vector<16xi32>], vector<16xf32>,
    %mul3A_778 = arith.mulf %gather3A_776, %gather3A_777 : vector<16xf32>
    %add3A_779 = arith.addf %add3A_769, %mul3A_778 : vector<16xf32>
    %mul3A_780 = arith.constant 0 : i32
    %mul3A_781 = vector.broadcast %mul3A_780 : i32 to vector<16xi32>
    %mul3A_782 = arith.muli %iota3A, %mul3A_781 : vector<16xi32>
    %add3A_783 = arith.constant 2 : i32
    %add3A_784 = vector.broadcast %add3A_783 : i32 to vector<16xi32>
    %add3A_785 = arith.addi %mul3A_782, %add3A_784 : vector<16xi32>
    %gather3A_786 = tpu.vector_load_idx %arg12[%select_n3A_736, %add3A_785] : memref<12x8xf32, #tpu.memory_space<vmem>>[vector<16xi32>, vector<16xi32>], vector<16xf32>,
    %gather3A_787 = tpu.vector_load_idx %arg11[%select_n3A_758, %add3A_785] : memref<12x8xf32, #tpu.memory_space<vmem>>[vector<16xi32>, vector<16xi32>], vector<16xf32>,
    %mul3A_788 = arith.mulf %gather3A_786, %gather3A_787 : vector<16xf32>
    %add3A_789 = arith.addf %add3A_779, %mul3A_788 : vector<16xf32>
    %mul3A_790 = arith.constant 0 : i32
    %mul3A_791 = vector.broadcast %mul3A_790 : i32 to vector<16xi32>
    %mul3A_792 = arith.muli %iota3A, %mul3A_791 : vector<16xi32>
    %add3A_793 = arith.constant 3 : i32
    %add3A_794 = vector.broadcast %add3A_793 : i32 to vector<16xi32>
    %add3A_795 = arith.addi %mul3A_792, %add3A_794 : vector<16xi32>
    %gather3A_796 = tpu.vector_load_idx %arg12[%select_n3A_736, %add3A_795] : memref<12x8xf32, #tpu.memory_space<vmem>>[vector<16xi32>, vector<16xi32>], vector<16xf32>,
    %gather3A_797 = tpu.vector_load_idx %arg11[%select_n3A_758, %add3A_795] : memref<12x8xf32, #tpu.memory_space<vmem>>[vector<16xi32>, vector<16xi32>], vector<16xf32>,
    %mul3A_798 = arith.mulf %gather3A_796, %gather3A_797 : vector<16xf32>
    %add3A_799 = arith.addf %add3A_789, %mul3A_798 : vector<16xf32>
    %mul3A_800 = arith.constant 0 : i32
    %mul3A_801 = vector.broadcast %mul3A_800 : i32 to vector<16xi32>
    %mul3A_802 = arith.muli %iota3A, %mul3A_801 : vector<16xi32>
    %add3A_803 = arith.constant 4 : i32
    %add3A_804 = vector.broadcast %add3A_803 : i32 to vector<16xi32>
    %add3A_805 = arith.addi %mul3A_802, %add3A_804 : vector<16xi32>
    %gather3A_806 = tpu.vector_load_idx %arg12[%select_n3A_736, %add3A_805] : memref<12x8xf32, #tpu.memory_space<vmem>>[vector<16xi32>, vector<16xi32>], vector<16xf32>,
    %gather3A_807 = tpu.vector_load_idx %arg11[%select_n3A_758, %add3A_805] : memref<12x8xf32, #tpu.memory_space<vmem>>[vector<16xi32>, vector<16xi32>], vector<16xf32>,
    %mul3A_808 = arith.mulf %gather3A_806, %gather3A_807 : vector<16xf32>
    %add3A_809 = arith.addf %add3A_799, %mul3A_808 : vector<16xf32>
    %mul3A_810 = arith.constant 0 : i32
    %mul3A_811 = vector.broadcast %mul3A_810 : i32 to vector<16xi32>
    %mul3A_812 = arith.muli %iota3A, %mul3A_811 : vector<16xi32>
    %add3A_813 = arith.constant 5 : i32
    %add3A_814 = vector.broadcast %add3A_813 : i32 to vector<16xi32>
    %add3A_815 = arith.addi %mul3A_812, %add3A_814 : vector<16xi32>
    %gather3A_816 = tpu.vector_load_idx %arg12[%select_n3A_736, %add3A_815] : memref<12x8xf32, #tpu.memory_space<vmem>>[vector<16xi32>, vector<16xi32>], vector<16xf32>,
    %gather3A_817 = tpu.vector_load_idx %arg11[%select_n3A_758, %add3A_815] : memref<12x8xf32, #tpu.memory_space<vmem>>[vector<16xi32>, vector<16xi32>], vector<16xf32>,
    %mul3A_818 = arith.mulf %gather3A_816, %gather3A_817 : vector<16xf32>
    %add3A_819 = arith.addf %add3A_809, %mul3A_818 : vector<16xf32>
    %mul3A_820 = arith.constant 0 : i32
    %mul3A_821 = vector.broadcast %mul3A_820 : i32 to vector<16xi32>
    %mul3A_822 = arith.muli %iota3A, %mul3A_821 : vector<16xi32>
    %add3A_823 = arith.constant 6 : i32
    %add3A_824 = vector.broadcast %add3A_823 : i32 to vector<16xi32>
    %add3A_825 = arith.addi %mul3A_822, %add3A_824 : vector<16xi32>
    %gather3A_826 = tpu.vector_load_idx %arg12[%select_n3A_736, %add3A_825] : memref<12x8xf32, #tpu.memory_space<vmem>>[vector<16xi32>, vector<16xi32>], vector<16xf32>,
    %gather3A_827 = tpu.vector_load_idx %arg11[%select_n3A_758, %add3A_825] : memref<12x8xf32, #tpu.memory_space<vmem>>[vector<16xi32>, vector<16xi32>], vector<16xf32>,
    %mul3A_828 = arith.mulf %gather3A_826, %gather3A_827 : vector<16xf32>
    %add3A_829 = arith.addf %add3A_819, %mul3A_828 : vector<16xf32>
    %mul3A_830 = arith.constant 0 : i32
    %mul3A_831 = vector.broadcast %mul3A_830 : i32 to vector<16xi32>
    %mul3A_832 = arith.muli %iota3A, %mul3A_831 : vector<16xi32>
    %add3A_833 = arith.constant 7 : i32
    %add3A_834 = vector.broadcast %add3A_833 : i32 to vector<16xi32>
    %add3A_835 = arith.addi %mul3A_832, %add3A_834 : vector<16xi32>
    %gather3A_836 = tpu.vector_load_idx %arg12[%select_n3A_736, %add3A_835] : memref<12x8xf32, #tpu.memory_space<vmem>>[vector<16xi32>, vector<16xi32>], vector<16xf32>,
    %gather3A_837 = tpu.vector_load_idx %arg11[%select_n3A_758, %add3A_835] : memref<12x8xf32, #tpu.memory_space<vmem>>[vector<16xi32>, vector<16xi32>], vector<16xf32>,
    %mul3A_838 = arith.mulf %gather3A_836, %gather3A_837 : vector<16xf32>
    %add3A_839 = arith.addf %add3A_829, %mul3A_838 : vector<16xf32>
    %swap3A_840 = arith.constant 80 : index
    %swap3A_841 = tpu.vector_load %arg14[%swap3A_840] {strides = array<i32>} : memref<144xf32, #tpu.memory_space<vmem>>, vector<16xf32>,
    tpu.vector_store %arg14[%swap3A_840], %add3A_839 {strides = array<i32>} : memref<144xf32, #tpu.memory_space<vmem>>, vector<16xf32>,
    %add3A_842 = arith.constant 96 : i32
    %add3A_843 = vector.broadcast %add3A_842 : i32 to vector<16xi32>
    %add3A_844 = arith.addi %iota3A, %add3A_843 : vector<16xi32>
    %jit3A_845 = arith.constant 12 : i32
    %div3A_846 = vector.broadcast %jit3A_845 : i32 to vector<16xi32>
    %div3A_847 = arith.divsi %add3A_844, %div3A_846 : vector<16xi32>
    %sign3A_848 = arith.constant 0 : i32
    %sign3A_849 = vector.broadcast %sign3A_848 : i32 to vector<16xi32>
    %sign3A_850 = arith.cmpi sgt, %add3A_844, %sign3A_849 : vector<16xi32>
    %sign3A_851 = arith.extui %sign3A_850 : vector<16xi1> to vector<16xi32>
    %sign3A_852 = arith.constant 0 : i32
    %sign3A_853 = vector.broadcast %sign3A_852 : i32 to vector<16xi32>
    %sign3A_854 = arith.cmpi slt, %add3A_844, %sign3A_853 : vector<16xi32>
    %sign3A_855 = arith.extui %sign3A_854 : vector<16xi1> to vector<16xi32>
    %sign3A_856 = arith.subi %sign3A_851, %sign3A_855 : vector<16xi32>
    %sign3A_857 = arith.constant 0 : i32
    %sign3A_858 = arith.cmpi sgt, %jit3A_845, %sign3A_857 : i32
    %sign3A_859 = arith.extui %sign3A_858 : i1 to i32
    %sign3A_860 = arith.constant 0 : i32
    %sign3A_861 = arith.cmpi slt, %jit3A_845, %sign3A_860 : i32
    %sign3A_862 = arith.extui %sign3A_861 : i1 to i32
    %sign3A_863 = arith.subi %sign3A_859, %sign3A_862 : i32
    %ne3A_864 = vector.broadcast %sign3A_863 : i32 to vector<16xi32>
    %ne3A_865 = arith.cmpi ne, %sign3A_856, %ne3A_864 : vector<16xi32>
    %rem3A_866 = vector.broadcast %jit3A_845 : i32 to vector<16xi32>
    %rem3A_867 = arith.remsi %add3A_844, %rem3A_866 : vector<16xi32>
    %ne3A_868 = arith.constant 0 : i32
    %ne3A_869 = vector.broadcast %ne3A_868 : i32 to vector<16xi32>
    %ne3A_870 = arith.cmpi ne, %rem3A_867, %ne3A_869 : vector<16xi32>
    %and3A_871 = arith.andi %ne3A_865, %ne3A_870 : vector<16xi1>
    %sub3A_872 = arith.constant 1 : i32
    %sub3A_873 = vector.broadcast %sub3A_872 : i32 to vector<16xi32>
    %sub3A_874 = arith.subi %div3A_847, %sub3A_873 : vector<16xi32>
    %select_n3A_875 = arith.select %and3A_871, %sub3A_874, %div3A_847 : vector<16xi1>, vector<16xi32>
    %jit3A_876 = arith.constant 12 : i32
    %eq3A_877 = arith.constant 0 : i32
    %eq3A_878 = arith.cmpi eq, %jit3A_876, %eq3A_877 : i32
    %jit3A_879 = arith.constant 1 : i32
    %select_n3A_880 = arith.select %eq3A_878, %jit3A_879, %jit3A_876 : i32
    %rem3A_881 = vector.broadcast %select_n3A_880 : i32 to vector<16xi32>
    %rem3A_882 = arith.remsi %add3A_844, %rem3A_881 : vector<16xi32>
    %ne3A_883 = arith.constant 0 : i32
    %ne3A_884 = vector.broadcast %ne3A_883 : i32 to vector<16xi32>
    %ne3A_885 = arith.cmpi ne, %rem3A_882, %ne3A_884 : vector<16xi32>
    %lt3A_886 = arith.constant 0 : i32
    %lt3A_887 = vector.broadcast %lt3A_886 : i32 to vector<16xi32>
    %lt3A_888 = arith.cmpi slt, %rem3A_882, %lt3A_887 : vector<16xi32>
    %lt3A_889 = arith.constant 0 : i32
    %lt3A_890 = arith.cmpi slt, %select_n3A_880, %lt3A_889 : i32
    %ne3A_891 = vector.broadcast %lt3A_890 : i1 to vector<16xi1>
    %ne3A_892 = vector.broadcast %ne3A_891 : vector<16xi1> to vector<16xi1>
    %ne3A_893 = arith.xori %lt3A_888, %ne3A_892 : vector<16xi1>
    %and3A_894 = arith.andi %ne3A_893, %ne3A_885 : vector<16xi1>
    %add3A_895 = vector.broadcast %select_n3A_880 : i32 to vector<16xi32>
    %add3A_896 = arith.addi %rem3A_882, %add3A_895 : vector<16xi32>
    %select_n3A_897 = arith.select %and3A_894, %add3A_896, %rem3A_882 : vector<16xi1>, vector<16xi32>
    %gather3A_898 = tpu.vector_load_idx %arg13[%select_n3A_875] : memref<12xf32, #tpu.memory_space<vmem>>[vector<16xi32>], vector<16xf32>,
    %mul3A_899 = arith.constant 0 : i32
    %mul3A_900 = vector.broadcast %mul3A_899 : i32 to vector<16xi32>
    %mul3A_901 = arith.muli %iota3A, %mul3A_900 : vector<16xi32>
    %add3A_902 = arith.constant 0 : i32
    %add3A_903 = vector.broadcast %add3A_902 : i32 to vector<16xi32>
    %add3A_904 = arith.addi %mul3A_901, %add3A_903 : vector<16xi32>
    %gather3A_905 = tpu.vector_load_idx %arg12[%select_n3A_875, %add3A_904] : memref<12x8xf32, #tpu.memory_space<vmem>>[vector<16xi32>, vector<16xi32>], vector<16xf32>,
    %gather3A_906 = tpu.vector_load_idx %arg11[%select_n3A_897, %add3A_904] : memref<12x8xf32, #tpu.memory_space<vmem>>[vector<16xi32>, vector<16xi32>], vector<16xf32>,
    %mul3A_907 = arith.mulf %gather3A_905, %gather3A_906 : vector<16xf32>
    %add3A_908 = arith.addf %gather3A_898, %mul3A_907 : vector<16xf32>
    %mul3A_909 = arith.constant 0 : i32
    %mul3A_910 = vector.broadcast %mul3A_909 : i32 to vector<16xi32>
    %mul3A_911 = arith.muli %iota3A, %mul3A_910 : vector<16xi32>
    %add3A_912 = arith.constant 1 : i32
    %add3A_913 = vector.broadcast %add3A_912 : i32 to vector<16xi32>
    %add3A_914 = arith.addi %mul3A_911, %add3A_913 : vector<16xi32>
    %gather3A_915 = tpu.vector_load_idx %arg12[%select_n3A_875, %add3A_914] : memref<12x8xf32, #tpu.memory_space<vmem>>[vector<16xi32>, vector<16xi32>], vector<16xf32>,
    %gather3A_916 = tpu.vector_load_idx %arg11[%select_n3A_897, %add3A_914] : memref<12x8xf32, #tpu.memory_space<vmem>>[vector<16xi32>, vector<16xi32>], vector<16xf32>,
    %mul3A_917 = arith.mulf %gather3A_915, %gather3A_916 : vector<16xf32>
    %add3A_918 = arith.addf %add3A_908, %mul3A_917 : vector<16xf32>
    %mul3A_919 = arith.constant 0 : i32
    %mul3A_920 = vector.broadcast %mul3A_919 : i32 to vector<16xi32>
    %mul3A_921 = arith.muli %iota3A, %mul3A_920 : vector<16xi32>
    %add3A_922 = arith.constant 2 : i32
    %add3A_923 = vector.broadcast %add3A_922 : i32 to vector<16xi32>
    %add3A_924 = arith.addi %mul3A_921, %add3A_923 : vector<16xi32>
    %gather3A_925 = tpu.vector_load_idx %arg12[%select_n3A_875, %add3A_924] : memref<12x8xf32, #tpu.memory_space<vmem>>[vector<16xi32>, vector<16xi32>], vector<16xf32>,
    %gather3A_926 = tpu.vector_load_idx %arg11[%select_n3A_897, %add3A_924] : memref<12x8xf32, #tpu.memory_space<vmem>>[vector<16xi32>, vector<16xi32>], vector<16xf32>,
    %mul3A_927 = arith.mulf %gather3A_925, %gather3A_926 : vector<16xf32>
    %add3A_928 = arith.addf %add3A_918, %mul3A_927 : vector<16xf32>
    %mul3A_929 = arith.constant 0 : i32
    %mul3A_930 = vector.broadcast %mul3A_929 : i32 to vector<16xi32>
    %mul3A_931 = arith.muli %iota3A, %mul3A_930 : vector<16xi32>
    %add3A_932 = arith.constant 3 : i32
    %add3A_933 = vector.broadcast %add3A_932 : i32 to vector<16xi32>
    %add3A_934 = arith.addi %mul3A_931, %add3A_933 : vector<16xi32>
    %gather3A_935 = tpu.vector_load_idx %arg12[%select_n3A_875, %add3A_934] : memref<12x8xf32, #tpu.memory_space<vmem>>[vector<16xi32>, vector<16xi32>], vector<16xf32>,
    %gather3A_936 = tpu.vector_load_idx %arg11[%select_n3A_897, %add3A_934] : memref<12x8xf32, #tpu.memory_space<vmem>>[vector<16xi32>, vector<16xi32>], vector<16xf32>,
    %mul3A_937 = arith.mulf %gather3A_935, %gather3A_936 : vector<16xf32>
    %add3A_938 = arith.addf %add3A_928, %mul3A_937 : vector<16xf32>
    %mul3A_939 = arith.constant 0 : i32
    %mul3A_940 = vector.broadcast %mul3A_939 : i32 to vector<16xi32>
    %mul3A_941 = arith.muli %iota3A, %mul3A_940 : vector<16xi32>
    %add3A_942 = arith.constant 4 : i32
    %add3A_943 = vector.broadcast %add3A_942 : i32 to vector<16xi32>
    %add3A_944 = arith.addi %mul3A_941, %add3A_943 : vector<16xi32>
    %gather3A_945 = tpu.vector_load_idx %arg12[%select_n3A_875, %add3A_944] : memref<12x8xf32, #tpu.memory_space<vmem>>[vector<16xi32>, vector<16xi32>], vector<16xf32>,
    %gather3A_946 = tpu.vector_load_idx %arg11[%select_n3A_897, %add3A_944] : memref<12x8xf32, #tpu.memory_space<vmem>>[vector<16xi32>, vector<16xi32>], vector<16xf32>,
    %mul3A_947 = arith.mulf %gather3A_945, %gather3A_946 : vector<16xf32>
    %add3A_948 = arith.addf %add3A_938, %mul3A_947 : vector<16xf32>
    %mul3A_949 = arith.constant 0 : i32
    %mul3A_950 = vector.broadcast %mul3A_949 : i32 to vector<16xi32>
    %mul3A_951 = arith.muli %iota3A, %mul3A_950 : vector<16xi32>
    %add3A_952 = arith.constant 5 : i32
    %add3A_953 = vector.broadcast %add3A_952 : i32 to vector<16xi32>
    %add3A_954 = arith.addi %mul3A_951, %add3A_953 : vector<16xi32>
    %gather3A_955 = tpu.vector_load_idx %arg12[%select_n3A_875, %add3A_954] : memref<12x8xf32, #tpu.memory_space<vmem>>[vector<16xi32>, vector<16xi32>], vector<16xf32>,
    %gather3A_956 = tpu.vector_load_idx %arg11[%select_n3A_897, %add3A_954] : memref<12x8xf32, #tpu.memory_space<vmem>>[vector<16xi32>, vector<16xi32>], vector<16xf32>,
    %mul3A_957 = arith.mulf %gather3A_955, %gather3A_956 : vector<16xf32>
    %add3A_958 = arith.addf %add3A_948, %mul3A_957 : vector<16xf32>
    %mul3A_959 = arith.constant 0 : i32
    %mul3A_960 = vector.broadcast %mul3A_959 : i32 to vector<16xi32>
    %mul3A_961 = arith.muli %iota3A, %mul3A_960 : vector<16xi32>
    %add3A_962 = arith.constant 6 : i32
    %add3A_963 = vector.broadcast %add3A_962 : i32 to vector<16xi32>
    %add3A_964 = arith.addi %mul3A_961, %add3A_963 : vector<16xi32>
    %gather3A_965 = tpu.vector_load_idx %arg12[%select_n3A_875, %add3A_964] : memref<12x8xf32, #tpu.memory_space<vmem>>[vector<16xi32>, vector<16xi32>], vector<16xf32>,
    %gather3A_966 = tpu.vector_load_idx %arg11[%select_n3A_897, %add3A_964] : memref<12x8xf32, #tpu.memory_space<vmem>>[vector<16xi32>, vector<16xi32>], vector<16xf32>,
    %mul3A_967 = arith.mulf %gather3A_965, %gather3A_966 : vector<16xf32>
    %add3A_968 = arith.addf %add3A_958, %mul3A_967 : vector<16xf32>
    %mul3A_969 = arith.constant 0 : i32
    %mul3A_970 = vector.broadcast %mul3A_969 : i32 to vector<16xi32>
    %mul3A_971 = arith.muli %iota3A, %mul3A_970 : vector<16xi32>
    %add3A_972 = arith.constant 7 : i32
    %add3A_973 = vector.broadcast %add3A_972 : i32 to vector<16xi32>
    %add3A_974 = arith.addi %mul3A_971, %add3A_973 : vector<16xi32>
    %gather3A_975 = tpu.vector_load_idx %arg12[%select_n3A_875, %add3A_974] : memref<12x8xf32, #tpu.memory_space<vmem>>[vector<16xi32>, vector<16xi32>], vector<16xf32>,
    %gather3A_976 = tpu.vector_load_idx %arg11[%select_n3A_897, %add3A_974] : memref<12x8xf32, #tpu.memory_space<vmem>>[vector<16xi32>, vector<16xi32>], vector<16xf32>,
    %mul3A_977 = arith.mulf %gather3A_975, %gather3A_976 : vector<16xf32>
    %add3A_978 = arith.addf %add3A_968, %mul3A_977 : vector<16xf32>
    %swap3A_979 = arith.constant 96 : index
    %swap3A_980 = tpu.vector_load %arg14[%swap3A_979] {strides = array<i32>} : memref<144xf32, #tpu.memory_space<vmem>>, vector<16xf32>,
    tpu.vector_store %arg14[%swap3A_979], %add3A_978 {strides = array<i32>} : memref<144xf32, #tpu.memory_space<vmem>>, vector<16xf32>,
    %add3A_981 = arith.constant 112 : i32
    %add3A_982 = vector.broadcast %add3A_981 : i32 to vector<16xi32>
    %add3A_983 = arith.addi %iota3A, %add3A_982 : vector<16xi32>
    %jit3A_984 = arith.constant 12 : i32
    %div3A_985 = vector.broadcast %jit3A_984 : i32 to vector<16xi32>
    %div3A_986 = arith.divsi %add3A_983, %div3A_985 : vector<16xi32>
    %sign3A_987 = arith.constant 0 : i32
    %sign3A_988 = vector.broadcast %sign3A_987 : i32 to vector<16xi32>
    %sign3A_989 = arith.cmpi sgt, %add3A_983, %sign3A_988 : vector<16xi32>
    %sign3A_990 = arith.extui %sign3A_989 : vector<16xi1> to vector<16xi32>
    %sign3A_991 = arith.constant 0 : i32
    %sign3A_992 = vector.broadcast %sign3A_991 : i32 to vector<16xi32>
    %sign3A_993 = arith.cmpi slt, %add3A_983, %sign3A_992 : vector<16xi32>
    %sign3A_994 = arith.extui %sign3A_993 : vector<16xi1> to vector<16xi32>
    %sign3A_995 = arith.subi %sign3A_990, %sign3A_994 : vector<16xi32>
    %sign3A_996 = arith.constant 0 : i32
    %sign3A_997 = arith.cmpi sgt, %jit3A_984, %sign3A_996 : i32
    %sign3A_998 = arith.extui %sign3A_997 : i1 to i32
    %sign3A_999 = arith.constant 0 : i32
    %sign3A_1000 = arith.cmpi slt, %jit3A_984, %sign3A_999 : i32
    %sign3A_1001 = arith.extui %sign3A_1000 : i1 to i32
    %sign3A_1002 = arith.subi %sign3A_998, %sign3A_1001 : i32
    %ne3A_1003 = vector.broadcast %sign3A_1002 : i32 to vector<16xi32>
    %ne3A_1004 = arith.cmpi ne, %sign3A_995, %ne3A_1003 : vector<16xi32>
    %rem3A_1005 = vector.broadcast %jit3A_984 : i32 to vector<16xi32>
    %rem3A_1006 = arith.remsi %add3A_983, %rem3A_1005 : vector<16xi32>
    %ne3A_1007 = arith.constant 0 : i32
    %ne3A_1008 = vector.broadcast %ne3A_1007 : i32 to vector<16xi32>
    %ne3A_1009 = arith.cmpi ne, %rem3A_1006, %ne3A_1008 : vector<16xi32>
    %and3A_1010 = arith.andi %ne3A_1004, %ne3A_1009 : vector<16xi1>
    %sub3A_1011 = arith.constant 1 : i32
    %sub3A_1012 = vector.broadcast %sub3A_1011 : i32 to vector<16xi32>
    %sub3A_1013 = arith.subi %div3A_986, %sub3A_1012 : vector<16xi32>
    %select_n3A_1014 = arith.select %and3A_1010, %sub3A_1013, %div3A_986 : vector<16xi1>, vector<16xi32>
    %jit3A_1015 = arith.constant 12 : i32
    %eq3A_1016 = arith.constant 0 : i32
    %eq3A_1017 = arith.cmpi eq, %jit3A_1015, %eq3A_1016 : i32
    %jit3A_1018 = arith.constant 1 : i32
    %select_n3A_1019 = arith.select %eq3A_1017, %jit3A_1018, %jit3A_1015 : i32
    %rem3A_1020 = vector.broadcast %select_n3A_1019 : i32 to vector<16xi32>
    %rem3A_1021 = arith.remsi %add3A_983, %rem3A_1020 : vector<16xi32>
    %ne3A_1022 = arith.constant 0 : i32
    %ne3A_1023 = vector.broadcast %ne3A_1022 : i32 to vector<16xi32>
    %ne3A_1024 = arith.cmpi ne, %rem3A_1021, %ne3A_1023 : vector<16xi32>
    %lt3A_1025 = arith.constant 0 : i32
    %lt3A_1026 = vector.broadcast %lt3A_1025 : i32 to vector<16xi32>
    %lt3A_1027 = arith.cmpi slt, %rem3A_1021, %lt3A_1026 : vector<16xi32>
    %lt3A_1028 = arith.constant 0 : i32
    %lt3A_1029 = arith.cmpi slt, %select_n3A_1019, %lt3A_1028 : i32
    %ne3A_1030 = vector.broadcast %lt3A_1029 : i1 to vector<16xi1>
    %ne3A_1031 = vector.broadcast %ne3A_1030 : vector<16xi1> to vector<16xi1>
    %ne3A_1032 = arith.xori %lt3A_1027, %ne3A_1031 : vector<16xi1>
    %and3A_1033 = arith.andi %ne3A_1032, %ne3A_1024 : vector<16xi1>
    %add3A_1034 = vector.broadcast %select_n3A_1019 : i32 to vector<16xi32>
    %add3A_1035 = arith.addi %rem3A_1021, %add3A_1034 : vector<16xi32>
    %select_n3A_1036 = arith.select %and3A_1033, %add3A_1035, %rem3A_1021 : vector<16xi1>, vector<16xi32>
    %gather3A_1037 = tpu.vector_load_idx %arg13[%select_n3A_1014] : memref<12xf32, #tpu.memory_space<vmem>>[vector<16xi32>], vector<16xf32>,
    %mul3A_1038 = arith.constant 0 : i32
    %mul3A_1039 = vector.broadcast %mul3A_1038 : i32 to vector<16xi32>
    %mul3A_1040 = arith.muli %iota3A, %mul3A_1039 : vector<16xi32>
    %add3A_1041 = arith.constant 0 : i32
    %add3A_1042 = vector.broadcast %add3A_1041 : i32 to vector<16xi32>
    %add3A_1043 = arith.addi %mul3A_1040, %add3A_1042 : vector<16xi32>
    %gather3A_1044 = tpu.vector_load_idx %arg12[%select_n3A_1014, %add3A_1043] : memref<12x8xf32, #tpu.memory_space<vmem>>[vector<16xi32>, vector<16xi32>], vector<16xf32>,
    %gather3A_1045 = tpu.vector_load_idx %arg11[%select_n3A_1036, %add3A_1043] : memref<12x8xf32, #tpu.memory_space<vmem>>[vector<16xi32>, vector<16xi32>], vector<16xf32>,
    %mul3A_1046 = arith.mulf %gather3A_1044, %gather3A_1045 : vector<16xf32>
    %add3A_1047 = arith.addf %gather3A_1037, %mul3A_1046 : vector<16xf32>
    %mul3A_1048 = arith.constant 0 : i32
    %mul3A_1049 = vector.broadcast %mul3A_1048 : i32 to vector<16xi32>
    %mul3A_1050 = arith.muli %iota3A, %mul3A_1049 : vector<16xi32>
    %add3A_1051 = arith.constant 1 : i32
    %add3A_1052 = vector.broadcast %add3A_1051 : i32 to vector<16xi32>
    %add3A_1053 = arith.addi %mul3A_1050, %add3A_1052 : vector<16xi32>
    %gather3A_1054 = tpu.vector_load_idx %arg12[%select_n3A_1014, %add3A_1053] : memref<12x8xf32, #tpu.memory_space<vmem>>[vector<16xi32>, vector<16xi32>], vector<16xf32>,
    %gather3A_1055 = tpu.vector_load_idx %arg11[%select_n3A_1036, %add3A_1053] : memref<12x8xf32, #tpu.memory_space<vmem>>[vector<16xi32>, vector<16xi32>], vector<16xf32>,
    %mul3A_1056 = arith.mulf %gather3A_1054, %gather3A_1055 : vector<16xf32>
    %add3A_1057 = arith.addf %add3A_1047, %mul3A_1056 : vector<16xf32>
    %mul3A_1058 = arith.constant 0 : i32
    %mul3A_1059 = vector.broadcast %mul3A_1058 : i32 to vector<16xi32>
    %mul3A_1060 = arith.muli %iota3A, %mul3A_1059 : vector<16xi32>
    %add3A_1061 = arith.constant 2 : i32
    %add3A_1062 = vector.broadcast %add3A_1061 : i32 to vector<16xi32>
    %add3A_1063 = arith.addi %mul3A_1060, %add3A_1062 : vector<16xi32>
    %gather3A_1064 = tpu.vector_load_idx %arg12[%select_n3A_1014, %add3A_1063] : memref<12x8xf32, #tpu.memory_space<vmem>>[vector<16xi32>, vector<16xi32>], vector<16xf32>,
    %gather3A_1065 = tpu.vector_load_idx %arg11[%select_n3A_1036, %add3A_1063] : memref<12x8xf32, #tpu.memory_space<vmem>>[vector<16xi32>, vector<16xi32>], vector<16xf32>,
    %mul3A_1066 = arith.mulf %gather3A_1064, %gather3A_1065 : vector<16xf32>
    %add3A_1067 = arith.addf %add3A_1057, %mul3A_1066 : vector<16xf32>
    %mul3A_1068 = arith.constant 0 : i32
    %mul3A_1069 = vector.broadcast %mul3A_1068 : i32 to vector<16xi32>
    %mul3A_1070 = arith.muli %iota3A, %mul3A_1069 : vector<16xi32>
    %add3A_1071 = arith.constant 3 : i32
    %add3A_1072 = vector.broadcast %add3A_1071 : i32 to vector<16xi32>
    %add3A_1073 = arith.addi %mul3A_1070, %add3A_1072 : vector<16xi32>
    %gather3A_1074 = tpu.vector_load_idx %arg12[%select_n3A_1014, %add3A_1073] : memref<12x8xf32, #tpu.memory_space<vmem>>[vector<16xi32>, vector<16xi32>], vector<16xf32>,
    %gather3A_1075 = tpu.vector_load_idx %arg11[%select_n3A_1036, %add3A_1073] : memref<12x8xf32, #tpu.memory_space<vmem>>[vector<16xi32>, vector<16xi32>], vector<16xf32>,
    %mul3A_1076 = arith.mulf %gather3A_1074, %gather3A_1075 : vector<16xf32>
    %add3A_1077 = arith.addf %add3A_1067, %mul3A_1076 : vector<16xf32>
    %mul3A_1078 = arith.constant 0 : i32
    %mul3A_1079 = vector.broadcast %mul3A_1078 : i32 to vector<16xi32>
    %mul3A_1080 = arith.muli %iota3A, %mul3A_1079 : vector<16xi32>
    %add3A_1081 = arith.constant 4 : i32
    %add3A_1082 = vector.broadcast %add3A_1081 : i32 to vector<16xi32>
    %add3A_1083 = arith.addi %mul3A_1080, %add3A_1082 : vector<16xi32>
    %gather3A_1084 = tpu.vector_load_idx %arg12[%select_n3A_1014, %add3A_1083] : memref<12x8xf32, #tpu.memory_space<vmem>>[vector<16xi32>, vector<16xi32>], vector<16xf32>,
    %gather3A_1085 = tpu.vector_load_idx %arg11[%select_n3A_1036, %add3A_1083] : memref<12x8xf32, #tpu.memory_space<vmem>>[vector<16xi32>, vector<16xi32>], vector<16xf32>,
    %mul3A_1086 = arith.mulf %gather3A_1084, %gather3A_1085 : vector<16xf32>
    %add3A_1087 = arith.addf %add3A_1077, %mul3A_1086 : vector<16xf32>
    %mul3A_1088 = arith.constant 0 : i32
    %mul3A_1089 = vector.broadcast %mul3A_1088 : i32 to vector<16xi32>
    %mul3A_1090 = arith.muli %iota3A, %mul3A_1089 : vector<16xi32>
    %add3A_1091 = arith.constant 5 : i32
    %add3A_1092 = vector.broadcast %add3A_1091 : i32 to vector<16xi32>
    %add3A_1093 = arith.addi %mul3A_1090, %add3A_1092 : vector<16xi32>
    %gather3A_1094 = tpu.vector_load_idx %arg12[%select_n3A_1014, %add3A_1093] : memref<12x8xf32, #tpu.memory_space<vmem>>[vector<16xi32>, vector<16xi32>], vector<16xf32>,
    %gather3A_1095 = tpu.vector_load_idx %arg11[%select_n3A_1036, %add3A_1093] : memref<12x8xf32, #tpu.memory_space<vmem>>[vector<16xi32>, vector<16xi32>], vector<16xf32>,
    %mul3A_1096 = arith.mulf %gather3A_1094, %gather3A_1095 : vector<16xf32>
    %add3A_1097 = arith.addf %add3A_1087, %mul3A_1096 : vector<16xf32>
    %mul3A_1098 = arith.constant 0 : i32
    %mul3A_1099 = vector.broadcast %mul3A_1098 : i32 to vector<16xi32>
    %mul3A_1100 = arith.muli %iota3A, %mul3A_1099 : vector<16xi32>
    %add3A_1101 = arith.constant 6 : i32
    %add3A_1102 = vector.broadcast %add3A_1101 : i32 to vector<16xi32>
    %add3A_1103 = arith.addi %mul3A_1100, %add3A_1102 : vector<16xi32>
    %gather3A_1104 = tpu.vector_load_idx %arg12[%select_n3A_1014, %add3A_1103] : memref<12x8xf32, #tpu.memory_space<vmem>>[vector<16xi32>, vector<16xi32>], vector<16xf32>,
    %gather3A_1105 = tpu.vector_load_idx %arg11[%select_n3A_1036, %add3A_1103] : memref<12x8xf32, #tpu.memory_space<vmem>>[vector<16xi32>, vector<16xi32>], vector<16xf32>,
    %mul3A_1106 = arith.mulf %gather3A_1104, %gather3A_1105 : vector<16xf32>
    %add3A_1107 = arith.addf %add3A_1097, %mul3A_1106 : vector<16xf32>
    %mul3A_1108 = arith.constant 0 : i32
    %mul3A_1109 = vector.broadcast %mul3A_1108 : i32 to vector<16xi32>
    %mul3A_1110 = arith.muli %iota3A, %mul3A_1109 : vector<16xi32>
    %add3A_1111 = arith.constant 7 : i32
    %add3A_1112 = vector.broadcast %add3A_1111 : i32 to vector<16xi32>
    %add3A_1113 = arith.addi %mul3A_1110, %add3A_1112 : vector<16xi32>
    %gather3A_1114 = tpu.vector_load_idx %arg12[%select_n3A_1014, %add3A_1113] : memref<12x8xf32, #tpu.memory_space<vmem>>[vector<16xi32>, vector<16xi32>], vector<16xf32>,
    %gather3A_1115 = tpu.vector_load_idx %arg11[%select_n3A_1036, %add3A_1113] : memref<12x8xf32, #tpu.memory_space<vmem>>[vector<16xi32>, vector<16xi32>], vector<16xf32>,
    %mul3A_1116 = arith.mulf %gather3A_1114, %gather3A_1115 : vector<16xf32>
    %add3A_1117 = arith.addf %add3A_1107, %mul3A_1116 : vector<16xf32>
    %swap3A_1118 = arith.constant 112 : index
    %swap3A_1119 = tpu.vector_load %arg14[%swap3A_1118] {strides = array<i32>} : memref<144xf32, #tpu.memory_space<vmem>>, vector<16xf32>,
    tpu.vector_store %arg14[%swap3A_1118], %add3A_1117 {strides = array<i32>} : memref<144xf32, #tpu.memory_space<vmem>>, vector<16xf32>,
    %add3A_1120 = arith.constant 128 : i32
    %add3A_1121 = vector.broadcast %add3A_1120 : i32 to vector<16xi32>
    %add3A_1122 = arith.addi %iota3A, %add3A_1121 : vector<16xi32>
    %jit3A_1123 = arith.constant 12 : i32
    %div3A_1124 = vector.broadcast %jit3A_1123 : i32 to vector<16xi32>
    %div3A_1125 = arith.divsi %add3A_1122, %div3A_1124 : vector<16xi32>
    %sign3A_1126 = arith.constant 0 : i32
    %sign3A_1127 = vector.broadcast %sign3A_1126 : i32 to vector<16xi32>
    %sign3A_1128 = arith.cmpi sgt, %add3A_1122, %sign3A_1127 : vector<16xi32>
    %sign3A_1129 = arith.extui %sign3A_1128 : vector<16xi1> to vector<16xi32>
    %sign3A_1130 = arith.constant 0 : i32
    %sign3A_1131 = vector.broadcast %sign3A_1130 : i32 to vector<16xi32>
    %sign3A_1132 = arith.cmpi slt, %add3A_1122, %sign3A_1131 : vector<16xi32>
    %sign3A_1133 = arith.extui %sign3A_1132 : vector<16xi1> to vector<16xi32>
    %sign3A_1134 = arith.subi %sign3A_1129, %sign3A_1133 : vector<16xi32>
    %sign3A_1135 = arith.constant 0 : i32
    %sign3A_1136 = arith.cmpi sgt, %jit3A_1123, %sign3A_1135 : i32
    %sign3A_1137 = arith.extui %sign3A_1136 : i1 to i32
    %sign3A_1138 = arith.constant 0 : i32
    %sign3A_1139 = arith.cmpi slt, %jit3A_1123, %sign3A_1138 : i32
    %sign3A_1140 = arith.extui %sign3A_1139 : i1 to i32
    %sign3A_1141 = arith.subi %sign3A_1137, %sign3A_1140 : i32
    %ne3A_1142 = vector.broadcast %sign3A_1141 : i32 to vector<16xi32>
    %ne3A_1143 = arith.cmpi ne, %sign3A_1134, %ne3A_1142 : vector<16xi32>
    %rem3A_1144 = vector.broadcast %jit3A_1123 : i32 to vector<16xi32>
    %rem3A_1145 = arith.remsi %add3A_1122, %rem3A_1144 : vector<16xi32>
    %ne3A_1146 = arith.constant 0 : i32
    %ne3A_1147 = vector.broadcast %ne3A_1146 : i32 to vector<16xi32>
    %ne3A_1148 = arith.cmpi ne, %rem3A_1145, %ne3A_1147 : vector<16xi32>
    %and3A_1149 = arith.andi %ne3A_1143, %ne3A_1148 : vector<16xi1>
    %sub3A_1150 = arith.constant 1 : i32
    %sub3A_1151 = vector.broadcast %sub3A_1150 : i32 to vector<16xi32>
    %sub3A_1152 = arith.subi %div3A_1125, %sub3A_1151 : vector<16xi32>
    %select_n3A_1153 = arith.select %and3A_1149, %sub3A_1152, %div3A_1125 : vector<16xi1>, vector<16xi32>
    %jit3A_1154 = arith.constant 12 : i32
    %eq3A_1155 = arith.constant 0 : i32
    %eq3A_1156 = arith.cmpi eq, %jit3A_1154, %eq3A_1155 : i32
    %jit3A_1157 = arith.constant 1 : i32
    %select_n3A_1158 = arith.select %eq3A_1156, %jit3A_1157, %jit3A_1154 : i32
    %rem3A_1159 = vector.broadcast %select_n3A_1158 : i32 to vector<16xi32>
    %rem3A_1160 = arith.remsi %add3A_1122, %rem3A_1159 : vector<16xi32>
    %ne3A_1161 = arith.constant 0 : i32
    %ne3A_1162 = vector.broadcast %ne3A_1161 : i32 to vector<16xi32>
    %ne3A_1163 = arith.cmpi ne, %rem3A_1160, %ne3A_1162 : vector<16xi32>
    %lt3A_1164 = arith.constant 0 : i32
    %lt3A_1165 = vector.broadcast %lt3A_1164 : i32 to vector<16xi32>
    %lt3A_1166 = arith.cmpi slt, %rem3A_1160, %lt3A_1165 : vector<16xi32>
    %lt3A_1167 = arith.constant 0 : i32
    %lt3A_1168 = arith.cmpi slt, %select_n3A_1158, %lt3A_1167 : i32
    %ne3A_1169 = vector.broadcast %lt3A_1168 : i1 to vector<16xi1>
    %ne3A_1170 = vector.broadcast %ne3A_1169 : vector<16xi1> to vector<16xi1>
    %ne3A_1171 = arith.xori %lt3A_1166, %ne3A_1170 : vector<16xi1>
    %and3A_1172 = arith.andi %ne3A_1171, %ne3A_1163 : vector<16xi1>
    %add3A_1173 = vector.broadcast %select_n3A_1158 : i32 to vector<16xi32>
    %add3A_1174 = arith.addi %rem3A_1160, %add3A_1173 : vector<16xi32>
    %select_n3A_1175 = arith.select %and3A_1172, %add3A_1174, %rem3A_1160 : vector<16xi1>, vector<16xi32>
    %gather3A_1176 = tpu.vector_load_idx %arg13[%select_n3A_1153] : memref<12xf32, #tpu.memory_space<vmem>>[vector<16xi32>], vector<16xf32>,
    %mul3A_1177 = arith.constant 0 : i32
    %mul3A_1178 = vector.broadcast %mul3A_1177 : i32 to vector<16xi32>
    %mul3A_1179 = arith.muli %iota3A, %mul3A_1178 : vector<16xi32>
    %add3A_1180 = arith.constant 0 : i32
    %add3A_1181 = vector.broadcast %add3A_1180 : i32 to vector<16xi32>
    %add3A_1182 = arith.addi %mul3A_1179, %add3A_1181 : vector<16xi32>
    %gather3A_1183 = tpu.vector_load_idx %arg12[%select_n3A_1153, %add3A_1182] : memref<12x8xf32, #tpu.memory_space<vmem>>[vector<16xi32>, vector<16xi32>], vector<16xf32>,
    %gather3A_1184 = tpu.vector_load_idx %arg11[%select_n3A_1175, %add3A_1182] : memref<12x8xf32, #tpu.memory_space<vmem>>[vector<16xi32>, vector<16xi32>], vector<16xf32>,
    %mul3A_1185 = arith.mulf %gather3A_1183, %gather3A_1184 : vector<16xf32>
    %add3A_1186 = arith.addf %gather3A_1176, %mul3A_1185 : vector<16xf32>
    %mul3A_1187 = arith.constant 0 : i32
    %mul3A_1188 = vector.broadcast %mul3A_1187 : i32 to vector<16xi32>
    %mul3A_1189 = arith.muli %iota3A, %mul3A_1188 : vector<16xi32>
    %add3A_1190 = arith.constant 1 : i32
    %add3A_1191 = vector.broadcast %add3A_1190 : i32 to vector<16xi32>
    %add3A_1192 = arith.addi %mul3A_1189, %add3A_1191 : vector<16xi32>
    %gather3A_1193 = tpu.vector_load_idx %arg12[%select_n3A_1153, %add3A_1192] : memref<12x8xf32, #tpu.memory_space<vmem>>[vector<16xi32>, vector<16xi32>], vector<16xf32>,
    %gather3A_1194 = tpu.vector_load_idx %arg11[%select_n3A_1175, %add3A_1192] : memref<12x8xf32, #tpu.memory_space<vmem>>[vector<16xi32>, vector<16xi32>], vector<16xf32>,
    %mul3A_1195 = arith.mulf %gather3A_1193, %gather3A_1194 : vector<16xf32>
    %add3A_1196 = arith.addf %add3A_1186, %mul3A_1195 : vector<16xf32>
    %mul3A_1197 = arith.constant 0 : i32
    %mul3A_1198 = vector.broadcast %mul3A_1197 : i32 to vector<16xi32>
    %mul3A_1199 = arith.muli %iota3A, %mul3A_1198 : vector<16xi32>
    %add3A_1200 = arith.constant 2 : i32
    %add3A_1201 = vector.broadcast %add3A_1200 : i32 to vector<16xi32>
    %add3A_1202 = arith.addi %mul3A_1199, %add3A_1201 : vector<16xi32>
    %gather3A_1203 = tpu.vector_load_idx %arg12[%select_n3A_1153, %add3A_1202] : memref<12x8xf32, #tpu.memory_space<vmem>>[vector<16xi32>, vector<16xi32>], vector<16xf32>,
    %gather3A_1204 = tpu.vector_load_idx %arg11[%select_n3A_1175, %add3A_1202] : memref<12x8xf32, #tpu.memory_space<vmem>>[vector<16xi32>, vector<16xi32>], vector<16xf32>,
    %mul3A_1205 = arith.mulf %gather3A_1203, %gather3A_1204 : vector<16xf32>
    %add3A_1206 = arith.addf %add3A_1196, %mul3A_1205 : vector<16xf32>
    %mul3A_1207 = arith.constant 0 : i32
    %mul3A_1208 = vector.broadcast %mul3A_1207 : i32 to vector<16xi32>
    %mul3A_1209 = arith.muli %iota3A, %mul3A_1208 : vector<16xi32>
    %add3A_1210 = arith.constant 3 : i32
    %add3A_1211 = vector.broadcast %add3A_1210 : i32 to vector<16xi32>
    %add3A_1212 = arith.addi %mul3A_1209, %add3A_1211 : vector<16xi32>
    %gather3A_1213 = tpu.vector_load_idx %arg12[%select_n3A_1153, %add3A_1212] : memref<12x8xf32, #tpu.memory_space<vmem>>[vector<16xi32>, vector<16xi32>], vector<16xf32>,
    %gather3A_1214 = tpu.vector_load_idx %arg11[%select_n3A_1175, %add3A_1212] : memref<12x8xf32, #tpu.memory_space<vmem>>[vector<16xi32>, vector<16xi32>], vector<16xf32>,
    %mul3A_1215 = arith.mulf %gather3A_1213, %gather3A_1214 : vector<16xf32>
    %add3A_1216 = arith.addf %add3A_1206, %mul3A_1215 : vector<16xf32>
    %mul3A_1217 = arith.constant 0 : i32
    %mul3A_1218 = vector.broadcast %mul3A_1217 : i32 to vector<16xi32>
    %mul3A_1219 = arith.muli %iota3A, %mul3A_1218 : vector<16xi32>
    %add3A_1220 = arith.constant 4 : i32
    %add3A_1221 = vector.broadcast %add3A_1220 : i32 to vector<16xi32>
    %add3A_1222 = arith.addi %mul3A_1219, %add3A_1221 : vector<16xi32>
    %gather3A_1223 = tpu.vector_load_idx %arg12[%select_n3A_1153, %add3A_1222] : memref<12x8xf32, #tpu.memory_space<vmem>>[vector<16xi32>, vector<16xi32>], vector<16xf32>,
    %gather3A_1224 = tpu.vector_load_idx %arg11[%select_n3A_1175, %add3A_1222] : memref<12x8xf32, #tpu.memory_space<vmem>>[vector<16xi32>, vector<16xi32>], vector<16xf32>,
    %mul3A_1225 = arith.mulf %gather3A_1223, %gather3A_1224 : vector<16xf32>
    %add3A_1226 = arith.addf %add3A_1216, %mul3A_1225 : vector<16xf32>
    %mul3A_1227 = arith.constant 0 : i32
    %mul3A_1228 = vector.broadcast %mul3A_1227 : i32 to vector<16xi32>
    %mul3A_1229 = arith.muli %iota3A, %mul3A_1228 : vector<16xi32>
    %add3A_1230 = arith.constant 5 : i32
    %add3A_1231 = vector.broadcast %add3A_1230 : i32 to vector<16xi32>
    %add3A_1232 = arith.addi %mul3A_1229, %add3A_1231 : vector<16xi32>
    %gather3A_1233 = tpu.vector_load_idx %arg12[%select_n3A_1153, %add3A_1232] : memref<12x8xf32, #tpu.memory_space<vmem>>[vector<16xi32>, vector<16xi32>], vector<16xf32>,
    %gather3A_1234 = tpu.vector_load_idx %arg11[%select_n3A_1175, %add3A_1232] : memref<12x8xf32, #tpu.memory_space<vmem>>[vector<16xi32>, vector<16xi32>], vector<16xf32>,
    %mul3A_1235 = arith.mulf %gather3A_1233, %gather3A_1234 : vector<16xf32>
    %add3A_1236 = arith.addf %add3A_1226, %mul3A_1235 : vector<16xf32>
    %mul3A_1237 = arith.constant 0 : i32
    %mul3A_1238 = vector.broadcast %mul3A_1237 : i32 to vector<16xi32>
    %mul3A_1239 = arith.muli %iota3A, %mul3A_1238 : vector<16xi32>
    %add3A_1240 = arith.constant 6 : i32
    %add3A_1241 = vector.broadcast %add3A_1240 : i32 to vector<16xi32>
    %add3A_1242 = arith.addi %mul3A_1239, %add3A_1241 : vector<16xi32>
    %gather3A_1243 = tpu.vector_load_idx %arg12[%select_n3A_1153, %add3A_1242] : memref<12x8xf32, #tpu.memory_space<vmem>>[vector<16xi32>, vector<16xi32>], vector<16xf32>,
    %gather3A_1244 = tpu.vector_load_idx %arg11[%select_n3A_1175, %add3A_1242] : memref<12x8xf32, #tpu.memory_space<vmem>>[vector<16xi32>, vector<16xi32>], vector<16xf32>,
    %mul3A_1245 = arith.mulf %gather3A_1243, %gather3A_1244 : vector<16xf32>
    %add3A_1246 = arith.addf %add3A_1236, %mul3A_1245 : vector<16xf32>
    %mul3A_1247 = arith.constant 0 : i32
    %mul3A_1248 = vector.broadcast %mul3A_1247 : i32 to vector<16xi32>
    %mul3A_1249 = arith.muli %iota3A, %mul3A_1248 : vector<16xi32>
    %add3A_1250 = arith.constant 7 : i32
    %add3A_1251 = vector.broadcast %add3A_1250 : i32 to vector<16xi32>
    %add3A_1252 = arith.addi %mul3A_1249, %add3A_1251 : vector<16xi32>
    %gather3A_1253 = tpu.vector_load_idx %arg12[%select_n3A_1153, %add3A_1252] : memref<12x8xf32, #tpu.memory_space<vmem>>[vector<16xi32>, vector<16xi32>], vector<16xf32>,
    %gather3A_1254 = tpu.vector_load_idx %arg11[%select_n3A_1175, %add3A_1252] : memref<12x8xf32, #tpu.memory_space<vmem>>[vector<16xi32>, vector<16xi32>], vector<16xf32>,
    %mul3A_1255 = arith.mulf %gather3A_1253, %gather3A_1254 : vector<16xf32>
    %add3A_1256 = arith.addf %add3A_1246, %mul3A_1255 : vector<16xf32>
    %swap3A_1257 = arith.constant 128 : index
    %swap3A_1258 = tpu.vector_load %arg14[%swap3A_1257] {strides = array<i32>} : memref<144xf32, #tpu.memory_space<vmem>>, vector<16xf32>,
    tpu.vector_store %arg14[%swap3A_1257], %add3A_1256 {strides = array<i32>} : memref<144xf32, #tpu.memory_space<vmem>>, vector<16xf32>,
    %scan3A = arith.constant 0 : i32
    %scan3A_1259 = arith.constant 0 : i32
    %scan3A_1260 = arith.constant 12 : i32
    %scan3A_1261 = arith.addi %scan3A_1259, %scan3A_1260 : i32
    %scan3A_1262 = arith.constant 1 : i32
    scf.for %scan3A_1318 = %scan3A_1259 to %scan3A_1261 step %scan3A_1262  : i32 {
      %mul3A_1319 = arith.constant 2 : i32
      %mul3A_1320 = arith.muli %scan3A_1318, %mul3A_1319 : i32
      %mul3A_1321 = arith.constant 2 : i32
      %mul3A_1322 = arith.muli %scan3A_1318, %mul3A_1321 : i32
      %dma_wait3A_1323 = arith.constant 0 : i32
      %dma_wait3A_1324 = arith.constant 0 : i32
      %dma_wait3A_1325 = tpu.memref_slice %arg2[%mul3A_1320, %mul3A_2, %dma_wait3A_1323, %dma_wait3A_1324] : memref<25x128x8x128xi32, #tpu.memory_space<hbm>> -> memref<1x4x8x128xi32, #tpu.memory_space<hbm>>
      %dma_wait3A_1326 = tpu.memref_squeeze %dma_wait3A_1325 : memref<1x4x8x128xi32, #tpu.memory_space<hbm>> -> memref<4x8x128xi32, #tpu.memory_space<hbm>>
      %dma_wait3A_1327 = arith.constant 0 : i32
      %dma_wait3A_1328 = arith.constant 0 : i32
      %dma_wait3A_1329 = tpu.memref_slice %arg2[%mul3A_1320, %mul3A_2, %dma_wait3A_1327, %dma_wait3A_1328] : memref<25x128x8x128xi32, #tpu.memory_space<hbm>> -> memref<1x4x8x128xi32, #tpu.memory_space<hbm>>
      %dma_wait3A_1330 = tpu.memref_squeeze %dma_wait3A_1329 : memref<1x4x8x128xi32, #tpu.memory_space<hbm>> -> memref<4x8x128xi32, #tpu.memory_space<hbm>>
      tpu.wait_dma2 semaphore(%arg15 : memref<!tpu.dma_semaphore, #tpu.memory_space<semaphore_mem>>) src(%dma_wait3A_1330 : memref<4x8x128xi32, #tpu.memory_space<hbm>>) dst(%arg7 : memref<4x8x128xi32, #tpu.memory_space<vmem>>)
      %gt3A = arith.constant 1 : i32
      %gt3A_1331 = arith.cmpi sgt, %mul3A_1322, %gt3A : i32
      %convert_element_type3A = arith.extui %gt3A_1331 : i1 to i32
      %cond3A = arith.constant 0 : i32
      %cond3A_1332 = arith.cmpi ne, %convert_element_type3A, %cond3A : i32
      scf.if %cond3A_1332 {
        %dma_wait3A_1390 = arith.constant 0 : i32
        %dma_wait3A_1391 = arith.constant 0 : i32
        %dma_wait3A_1392 = arith.constant 0 : i32
        %dma_wait3A_1393 = tpu.memref_slice %arg6[%dma_wait3A_1390, %mul3A_1320, %mul3A_2, %dma_wait3A_1391, %dma_wait3A_1392] : memref<12x25x128x8x128xf32, #tpu.memory_space<hbm>> -> memref<12x1x4x8x128xf32, #tpu.memory_space<hbm>>
        %dma_wait3A_1394 = tpu.memref_squeeze %dma_wait3A_1393 : memref<12x1x4x8x128xf32, #tpu.memory_space<hbm>> -> memref<12x4x8x128xf32, #tpu.memory_space<hbm>>
        %dma_wait3A_1395 = arith.constant 0 : i32
        %dma_wait3A_1396 = arith.constant 0 : i32
        %dma_wait3A_1397 = arith.constant 0 : i32
        %dma_wait3A_1398 = tpu.memref_slice %arg6[%dma_wait3A_1395, %mul3A_1320, %mul3A_2, %dma_wait3A_1396, %dma_wait3A_1397] : memref<12x25x128x8x128xf32, #tpu.memory_space<hbm>> -> memref<12x1x4x8x128xf32, #tpu.memory_space<hbm>>
        %dma_wait3A_1399 = tpu.memref_squeeze %dma_wait3A_1398 : memref<12x1x4x8x128xf32, #tpu.memory_space<hbm>> -> memref<12x4x8x128xf32, #tpu.memory_space<hbm>>
        tpu.wait_dma2 semaphore(%arg17 : memref<!tpu.dma_semaphore, #tpu.memory_space<semaphore_mem>>) src(%arg9 : memref<12x4x8x128xf32, #tpu.memory_space<vmem>>) dst(%dma_wait3A_1399 : memref<12x4x8x128xf32, #tpu.memory_space<hbm>>)
      } else {
      }
      %parallel_loop3A_1333 = arith.constant 0 : i32
      %parallel_loop3A_1334 = arith.constant 256 : i32
      %parallel_loop3A_1335 = arith.constant 1 : i32
      scf.for %parallel_loop3A_1390 = %parallel_loop3A_1333 to %parallel_loop3A_1334 step %parallel_loop3A_1335  : i32 {
        %parallel_loop3A_1391 = arith.constant 64 : i32
        %parallel_loop3A_1392 = arith.divsi %parallel_loop3A_1390, %parallel_loop3A_1391 : i32
        %parallel_loop3A_1393 = arith.constant 0 : i32
        %parallel_loop3A_1394 = arith.cmpi sgt, %parallel_loop3A_1390, %parallel_loop3A_1393 : i32
        %parallel_loop3A_1395 = arith.extui %parallel_loop3A_1394 : i1 to i32
        %parallel_loop3A_1396 = arith.constant 0 : i32
        %parallel_loop3A_1397 = arith.cmpi slt, %parallel_loop3A_1390, %parallel_loop3A_1396 : i32
        %parallel_loop3A_1398 = arith.extui %parallel_loop3A_1397 : i1 to i32
        %parallel_loop3A_1399 = arith.subi %parallel_loop3A_1395, %parallel_loop3A_1398 : i32
        %parallel_loop3A_1400 = arith.constant 0 : i32
        %parallel_loop3A_1401 = arith.cmpi sgt, %parallel_loop3A_1391, %parallel_loop3A_1400 : i32
        %parallel_loop3A_1402 = arith.extui %parallel_loop3A_1401 : i1 to i32
        %parallel_loop3A_1403 = arith.constant 0 : i32
        %parallel_loop3A_1404 = arith.cmpi slt, %parallel_loop3A_1391, %parallel_loop3A_1403 : i32
        %parallel_loop3A_1405 = arith.extui %parallel_loop3A_1404 : i1 to i32
        %parallel_loop3A_1406 = arith.subi %parallel_loop3A_1402, %parallel_loop3A_1405 : i32
        %parallel_loop3A_1407 = arith.cmpi ne, %parallel_loop3A_1399, %parallel_loop3A_1406 : i32
        %parallel_loop3A_1408 = arith.remsi %parallel_loop3A_1390, %parallel_loop3A_1391 : i32
        %parallel_loop3A_1409 = arith.constant 0 : i32
        %parallel_loop3A_1410 = arith.cmpi ne, %parallel_loop3A_1408, %parallel_loop3A_1409 : i32
        %parallel_loop3A_1411 = arith.andi %parallel_loop3A_1407, %parallel_loop3A_1410 : i1
        %parallel_loop3A_1412 = arith.constant 1 : i32
        %parallel_loop3A_1413 = arith.subi %parallel_loop3A_1392, %parallel_loop3A_1412 : i32
        %parallel_loop3A_1414 = arith.select %parallel_loop3A_1411, %parallel_loop3A_1413, %parallel_loop3A_1392 : i32
        %parallel_loop3A_1415 = arith.constant 64 : i32
        %parallel_loop3A_1416 = arith.constant 0 : i32
        %parallel_loop3A_1417 = arith.cmpi eq, %parallel_loop3A_1415, %parallel_loop3A_1416 : i32
        %parallel_loop3A_1418 = arith.constant 1 : i32
        %parallel_loop3A_1419 = arith.select %parallel_loop3A_1417, %parallel_loop3A_1418, %parallel_loop3A_1415 : i32
        %parallel_loop3A_1420 = arith.remsi %parallel_loop3A_1390, %parallel_loop3A_1419 : i32
        %parallel_loop3A_1421 = arith.constant 0 : i32
        %parallel_loop3A_1422 = arith.cmpi ne, %parallel_loop3A_1420, %parallel_loop3A_1421 : i32
        %parallel_loop3A_1423 = arith.constant 0 : i32
        %parallel_loop3A_1424 = arith.cmpi slt, %parallel_loop3A_1420, %parallel_loop3A_1423 : i32
        %parallel_loop3A_1425 = arith.constant 0 : i32
        %parallel_loop3A_1426 = arith.cmpi slt, %parallel_loop3A_1419, %parallel_loop3A_1425 : i32
        %parallel_loop3A_1427 = arith.xori %parallel_loop3A_1424, %parallel_loop3A_1426 : i1
        %parallel_loop3A_1428 = arith.andi %parallel_loop3A_1427, %parallel_loop3A_1422 : i1
        %parallel_loop3A_1429 = arith.addi %parallel_loop3A_1420, %parallel_loop3A_1419 : i32
        %parallel_loop3A_1430 = arith.select %parallel_loop3A_1428, %parallel_loop3A_1429, %parallel_loop3A_1420 : i32
        %parallel_loop3A_1431 = arith.constant 8 : i32
        %parallel_loop3A_1432 = arith.divsi %parallel_loop3A_1430, %parallel_loop3A_1431 : i32
        %parallel_loop3A_1433 = arith.constant 0 : i32
        %parallel_loop3A_1434 = arith.cmpi sgt, %parallel_loop3A_1430, %parallel_loop3A_1433 : i32
        %parallel_loop3A_1435 = arith.extui %parallel_loop3A_1434 : i1 to i32
        %parallel_loop3A_1436 = arith.constant 0 : i32
        %parallel_loop3A_1437 = arith.cmpi slt, %parallel_loop3A_1430, %parallel_loop3A_1436 : i32
        %parallel_loop3A_1438 = arith.extui %parallel_loop3A_1437 : i1 to i32
        %parallel_loop3A_1439 = arith.subi %parallel_loop3A_1435, %parallel_loop3A_1438 : i32
        %parallel_loop3A_1440 = arith.constant 0 : i32
        %parallel_loop3A_1441 = arith.cmpi sgt, %parallel_loop3A_1431, %parallel_loop3A_1440 : i32
        %parallel_loop3A_1442 = arith.extui %parallel_loop3A_1441 : i1 to i32
        %parallel_loop3A_1443 = arith.constant 0 : i32
        %parallel_loop3A_1444 = arith.cmpi slt, %parallel_loop3A_1431, %parallel_loop3A_1443 : i32
        %parallel_loop3A_1445 = arith.extui %parallel_loop3A_1444 : i1 to i32
        %parallel_loop3A_1446 = arith.subi %parallel_loop3A_1442, %parallel_loop3A_1445 : i32
        %parallel_loop3A_1447 = arith.cmpi ne, %parallel_loop3A_1439, %parallel_loop3A_1446 : i32
        %parallel_loop3A_1448 = arith.remsi %parallel_loop3A_1430, %parallel_loop3A_1431 : i32
        %parallel_loop3A_1449 = arith.constant 0 : i32
        %parallel_loop3A_1450 = arith.cmpi ne, %parallel_loop3A_1448, %parallel_loop3A_1449 : i32
        %parallel_loop3A_1451 = arith.andi %parallel_loop3A_1447, %parallel_loop3A_1450 : i1
        %parallel_loop3A_1452 = arith.constant 1 : i32
        %parallel_loop3A_1453 = arith.subi %parallel_loop3A_1432, %parallel_loop3A_1452 : i32
        %parallel_loop3A_1454 = arith.select %parallel_loop3A_1451, %parallel_loop3A_1453, %parallel_loop3A_1432 : i32
        %parallel_loop3A_1455 = arith.constant 8 : i32
        %parallel_loop3A_1456 = arith.constant 0 : i32
        %parallel_loop3A_1457 = arith.cmpi eq, %parallel_loop3A_1455, %parallel_loop3A_1456 : i32
        %parallel_loop3A_1458 = arith.constant 1 : i32
        %parallel_loop3A_1459 = arith.select %parallel_loop3A_1457, %parallel_loop3A_1458, %parallel_loop3A_1455 : i32
        %parallel_loop3A_1460 = arith.remsi %parallel_loop3A_1430, %parallel_loop3A_1459 : i32
        %parallel_loop3A_1461 = arith.constant 0 : i32
        %parallel_loop3A_1462 = arith.cmpi ne, %parallel_loop3A_1460, %parallel_loop3A_1461 : i32
        %parallel_loop3A_1463 = arith.constant 0 : i32
        %parallel_loop3A_1464 = arith.cmpi slt, %parallel_loop3A_1460, %parallel_loop3A_1463 : i32
        %parallel_loop3A_1465 = arith.constant 0 : i32
        %parallel_loop3A_1466 = arith.cmpi slt, %parallel_loop3A_1459, %parallel_loop3A_1465 : i32
        %parallel_loop3A_1467 = arith.xori %parallel_loop3A_1464, %parallel_loop3A_1466 : i1
        %parallel_loop3A_1468 = arith.andi %parallel_loop3A_1467, %parallel_loop3A_1462 : i1
        %parallel_loop3A_1469 = arith.addi %parallel_loop3A_1460, %parallel_loop3A_1459 : i32
        %parallel_loop3A_1470 = arith.select %parallel_loop3A_1468, %parallel_loop3A_1469, %parallel_loop3A_1460 : i32
        %parallel_loop3A_1471 = arith.constant 16 : i32
        %parallel_loop3A_1472 = arith.muli %parallel_loop3A_1470, %parallel_loop3A_1471 : i32
        %parallel_loop3A_1473 = arith.index_cast %parallel_loop3A_1414 : i32 to index
        %parallel_loop3A_1474 = arith.index_cast %parallel_loop3A_1454 : i32 to index
        %parallel_loop3A_1475 = arith.index_cast %parallel_loop3A_1472 : i32 to index
        %parallel_loop3A_1476 = tpu.vector_load %arg7[%parallel_loop3A_1473, %parallel_loop3A_1474, %parallel_loop3A_1475] {strides = array<i32>} : memref<4x8x128xi32, #tpu.memory_space<vmem>>, vector<16xi32>,
        %parallel_loop3A_1477 = arith.constant 0 : i32
        %parallel_loop3A_1478 = vector.broadcast %parallel_loop3A_1477 : i32 to vector<16xi32>
        %parallel_loop3A_1479 = arith.addi %parallel_loop3A_1476, %parallel_loop3A_1478 : vector<16xi32>
        %parallel_loop3A_1480 = tpu.vector_load_idx %arg14[%parallel_loop3A_1479] : memref<144xf32, #tpu.memory_space<vmem>>[vector<16xi32>], vector<16xf32>,
        %parallel_loop3A_1481 = arith.constant 0 : i32
        %parallel_loop3A_1482 = arith.index_cast %parallel_loop3A_1481 : i32 to index
        %parallel_loop3A_1483 = arith.index_cast %parallel_loop3A_1414 : i32 to index
        %parallel_loop3A_1484 = arith.index_cast %parallel_loop3A_1454 : i32 to index
        %parallel_loop3A_1485 = arith.index_cast %parallel_loop3A_1472 : i32 to index
        %parallel_loop3A_1486 = tpu.vector_load %arg9[%parallel_loop3A_1482, %parallel_loop3A_1483, %parallel_loop3A_1484, %parallel_loop3A_1485] {strides = array<i32>} : memref<12x4x8x128xf32, #tpu.memory_space<vmem>>, vector<16xf32>,
        tpu.vector_store %arg9[%parallel_loop3A_1482, %parallel_loop3A_1483, %parallel_loop3A_1484, %parallel_loop3A_1485], %parallel_loop3A_1480 {strides = array<i32>} : memref<12x4x8x128xf32, #tpu.memory_space<vmem>>, vector<16xf32>,
        %parallel_loop3A_1487 = arith.constant 12 : i32
        %parallel_loop3A_1488 = vector.broadcast %parallel_loop3A_1487 : i32 to vector<16xi32>
        %parallel_loop3A_1489 = arith.addi %parallel_loop3A_1476, %parallel_loop3A_1488 : vector<16xi32>
        %parallel_loop3A_1490 = tpu.vector_load_idx %arg14[%parallel_loop3A_1489] : memref<144xf32, #tpu.memory_space<vmem>>[vector<16xi32>], vector<16xf32>,
        %parallel_loop3A_1491 = arith.constant 1 : i32
        %parallel_loop3A_1492 = arith.index_cast %parallel_loop3A_1491 : i32 to index
        %parallel_loop3A_1493 = arith.index_cast %parallel_loop3A_1414 : i32 to index
        %parallel_loop3A_1494 = arith.index_cast %parallel_loop3A_1454 : i32 to index
        %parallel_loop3A_1495 = arith.index_cast %parallel_loop3A_1472 : i32 to index
        %parallel_loop3A_1496 = tpu.vector_load %arg9[%parallel_loop3A_1492, %parallel_loop3A_1493, %parallel_loop3A_1494, %parallel_loop3A_1495] {strides = array<i32>} : memref<12x4x8x128xf32, #tpu.memory_space<vmem>>, vector<16xf32>,
        tpu.vector_store %arg9[%parallel_loop3A_1492, %parallel_loop3A_1493, %parallel_loop3A_1494, %parallel_loop3A_1495], %parallel_loop3A_1490 {strides = array<i32>} : memref<12x4x8x128xf32, #tpu.memory_space<vmem>>, vector<16xf32>,
        %parallel_loop3A_1497 = arith.constant 24 : i32
        %parallel_loop3A_1498 = vector.broadcast %parallel_loop3A_1497 : i32 to vector<16xi32>
        %parallel_loop3A_1499 = arith.addi %parallel_loop3A_1476, %parallel_loop3A_1498 : vector<16xi32>
        %parallel_loop3A_1500 = tpu.vector_load_idx %arg14[%parallel_loop3A_1499] : memref<144xf32, #tpu.memory_space<vmem>>[vector<16xi32>], vector<16xf32>,
        %parallel_loop3A_1501 = arith.constant 2 : i32
        %parallel_loop3A_1502 = arith.index_cast %parallel_loop3A_1501 : i32 to index
        %parallel_loop3A_1503 = arith.index_cast %parallel_loop3A_1414 : i32 to index
        %parallel_loop3A_1504 = arith.index_cast %parallel_loop3A_1454 : i32 to index
        %parallel_loop3A_1505 = arith.index_cast %parallel_loop3A_1472 : i32 to index
        %parallel_loop3A_1506 = tpu.vector_load %arg9[%parallel_loop3A_1502, %parallel_loop3A_1503, %parallel_loop3A_1504, %parallel_loop3A_1505] {strides = array<i32>} : memref<12x4x8x128xf32, #tpu.memory_space<vmem>>, vector<16xf32>,
        tpu.vector_store %arg9[%parallel_loop3A_1502, %parallel_loop3A_1503, %parallel_loop3A_1504, %parallel_loop3A_1505], %parallel_loop3A_1500 {strides = array<i32>} : memref<12x4x8x128xf32, #tpu.memory_space<vmem>>, vector<16xf32>,
        %parallel_loop3A_1507 = arith.constant 36 : i32
        %parallel_loop3A_1508 = vector.broadcast %parallel_loop3A_1507 : i32 to vector<16xi32>
        %parallel_loop3A_1509 = arith.addi %parallel_loop3A_1476, %parallel_loop3A_1508 : vector<16xi32>
        %parallel_loop3A_1510 = tpu.vector_load_idx %arg14[%parallel_loop3A_1509] : memref<144xf32, #tpu.memory_space<vmem>>[vector<16xi32>], vector<16xf32>,
        %parallel_loop3A_1511 = arith.constant 3 : i32
        %parallel_loop3A_1512 = arith.index_cast %parallel_loop3A_1511 : i32 to index
        %parallel_loop3A_1513 = arith.index_cast %parallel_loop3A_1414 : i32 to index
        %parallel_loop3A_1514 = arith.index_cast %parallel_loop3A_1454 : i32 to index
        %parallel_loop3A_1515 = arith.index_cast %parallel_loop3A_1472 : i32 to index
        %parallel_loop3A_1516 = tpu.vector_load %arg9[%parallel_loop3A_1512, %parallel_loop3A_1513, %parallel_loop3A_1514, %parallel_loop3A_1515] {strides = array<i32>} : memref<12x4x8x128xf32, #tpu.memory_space<vmem>>, vector<16xf32>,
        tpu.vector_store %arg9[%parallel_loop3A_1512, %parallel_loop3A_1513, %parallel_loop3A_1514, %parallel_loop3A_1515], %parallel_loop3A_1510 {strides = array<i32>} : memref<12x4x8x128xf32, #tpu.memory_space<vmem>>, vector<16xf32>,
        %parallel_loop3A_1517 = arith.constant 48 : i32
        %parallel_loop3A_1518 = vector.broadcast %parallel_loop3A_1517 : i32 to vector<16xi32>
        %parallel_loop3A_1519 = arith.addi %parallel_loop3A_1476, %parallel_loop3A_1518 : vector<16xi32>
        %parallel_loop3A_1520 = tpu.vector_load_idx %arg14[%parallel_loop3A_1519] : memref<144xf32, #tpu.memory_space<vmem>>[vector<16xi32>], vector<16xf32>,
        %parallel_loop3A_1521 = arith.constant 4 : i32
        %parallel_loop3A_1522 = arith.index_cast %parallel_loop3A_1521 : i32 to index
        %parallel_loop3A_1523 = arith.index_cast %parallel_loop3A_1414 : i32 to index
        %parallel_loop3A_1524 = arith.index_cast %parallel_loop3A_1454 : i32 to index
        %parallel_loop3A_1525 = arith.index_cast %parallel_loop3A_1472 : i32 to index
        %parallel_loop3A_1526 = tpu.vector_load %arg9[%parallel_loop3A_1522, %parallel_loop3A_1523, %parallel_loop3A_1524, %parallel_loop3A_1525] {strides = array<i32>} : memref<12x4x8x128xf32, #tpu.memory_space<vmem>>, vector<16xf32>,
        tpu.vector_store %arg9[%parallel_loop3A_1522, %parallel_loop3A_1523, %parallel_loop3A_1524, %parallel_loop3A_1525], %parallel_loop3A_1520 {strides = array<i32>} : memref<12x4x8x128xf32, #tpu.memory_space<vmem>>, vector<16xf32>,
        %parallel_loop3A_1527 = arith.constant 60 : i32
        %parallel_loop3A_1528 = vector.broadcast %parallel_loop3A_1527 : i32 to vector<16xi32>
        %parallel_loop3A_1529 = arith.addi %parallel_loop3A_1476, %parallel_loop3A_1528 : vector<16xi32>
        %parallel_loop3A_1530 = tpu.vector_load_idx %arg14[%parallel_loop3A_1529] : memref<144xf32, #tpu.memory_space<vmem>>[vector<16xi32>], vector<16xf32>,
        %parallel_loop3A_1531 = arith.constant 5 : i32
        %parallel_loop3A_1532 = arith.index_cast %parallel_loop3A_1531 : i32 to index
        %parallel_loop3A_1533 = arith.index_cast %parallel_loop3A_1414 : i32 to index
        %parallel_loop3A_1534 = arith.index_cast %parallel_loop3A_1454 : i32 to index
        %parallel_loop3A_1535 = arith.index_cast %parallel_loop3A_1472 : i32 to index
        %parallel_loop3A_1536 = tpu.vector_load %arg9[%parallel_loop3A_1532, %parallel_loop3A_1533, %parallel_loop3A_1534, %parallel_loop3A_1535] {strides = array<i32>} : memref<12x4x8x128xf32, #tpu.memory_space<vmem>>, vector<16xf32>,
        tpu.vector_store %arg9[%parallel_loop3A_1532, %parallel_loop3A_1533, %parallel_loop3A_1534, %parallel_loop3A_1535], %parallel_loop3A_1530 {strides = array<i32>} : memref<12x4x8x128xf32, #tpu.memory_space<vmem>>, vector<16xf32>,
        %parallel_loop3A_1537 = arith.constant 72 : i32
        %parallel_loop3A_1538 = vector.broadcast %parallel_loop3A_1537 : i32 to vector<16xi32>
        %parallel_loop3A_1539 = arith.addi %parallel_loop3A_1476, %parallel_loop3A_1538 : vector<16xi32>
        %parallel_loop3A_1540 = tpu.vector_load_idx %arg14[%parallel_loop3A_1539] : memref<144xf32, #tpu.memory_space<vmem>>[vector<16xi32>], vector<16xf32>,
        %parallel_loop3A_1541 = arith.constant 6 : i32
        %parallel_loop3A_1542 = arith.index_cast %parallel_loop3A_1541 : i32 to index
        %parallel_loop3A_1543 = arith.index_cast %parallel_loop3A_1414 : i32 to index
        %parallel_loop3A_1544 = arith.index_cast %parallel_loop3A_1454 : i32 to index
        %parallel_loop3A_1545 = arith.index_cast %parallel_loop3A_1472 : i32 to index
        %parallel_loop3A_1546 = tpu.vector_load %arg9[%parallel_loop3A_1542, %parallel_loop3A_1543, %parallel_loop3A_1544, %parallel_loop3A_1545] {strides = array<i32>} : memref<12x4x8x128xf32, #tpu.memory_space<vmem>>, vector<16xf32>,
        tpu.vector_store %arg9[%parallel_loop3A_1542, %parallel_loop3A_1543, %parallel_loop3A_1544, %parallel_loop3A_1545], %parallel_loop3A_1540 {strides = array<i32>} : memref<12x4x8x128xf32, #tpu.memory_space<vmem>>, vector<16xf32>,
        %parallel_loop3A_1547 = arith.constant 84 : i32
        %parallel_loop3A_1548 = vector.broadcast %parallel_loop3A_1547 : i32 to vector<16xi32>
        %parallel_loop3A_1549 = arith.addi %parallel_loop3A_1476, %parallel_loop3A_1548 : vector<16xi32>
        %parallel_loop3A_1550 = tpu.vector_load_idx %arg14[%parallel_loop3A_1549] : memref<144xf32, #tpu.memory_space<vmem>>[vector<16xi32>], vector<16xf32>,
        %parallel_loop3A_1551 = arith.constant 7 : i32
        %parallel_loop3A_1552 = arith.index_cast %parallel_loop3A_1551 : i32 to index
        %parallel_loop3A_1553 = arith.index_cast %parallel_loop3A_1414 : i32 to index
        %parallel_loop3A_1554 = arith.index_cast %parallel_loop3A_1454 : i32 to index
        %parallel_loop3A_1555 = arith.index_cast %parallel_loop3A_1472 : i32 to index
        %parallel_loop3A_1556 = tpu.vector_load %arg9[%parallel_loop3A_1552, %parallel_loop3A_1553, %parallel_loop3A_1554, %parallel_loop3A_1555] {strides = array<i32>} : memref<12x4x8x128xf32, #tpu.memory_space<vmem>>, vector<16xf32>,
        tpu.vector_store %arg9[%parallel_loop3A_1552, %parallel_loop3A_1553, %parallel_loop3A_1554, %parallel_loop3A_1555], %parallel_loop3A_1550 {strides = array<i32>} : memref<12x4x8x128xf32, #tpu.memory_space<vmem>>, vector<16xf32>,
        %parallel_loop3A_1557 = arith.constant 96 : i32
        %parallel_loop3A_1558 = vector.broadcast %parallel_loop3A_1557 : i32 to vector<16xi32>
        %parallel_loop3A_1559 = arith.addi %parallel_loop3A_1476, %parallel_loop3A_1558 : vector<16xi32>
        %parallel_loop3A_1560 = tpu.vector_load_idx %arg14[%parallel_loop3A_1559] : memref<144xf32, #tpu.memory_space<vmem>>[vector<16xi32>], vector<16xf32>,
        %parallel_loop3A_1561 = arith.constant 8 : i32
        %parallel_loop3A_1562 = arith.index_cast %parallel_loop3A_1561 : i32 to index
        %parallel_loop3A_1563 = arith.index_cast %parallel_loop3A_1414 : i32 to index
        %parallel_loop3A_1564 = arith.index_cast %parallel_loop3A_1454 : i32 to index
        %parallel_loop3A_1565 = arith.index_cast %parallel_loop3A_1472 : i32 to index
        %parallel_loop3A_1566 = tpu.vector_load %arg9[%parallel_loop3A_1562, %parallel_loop3A_1563, %parallel_loop3A_1564, %parallel_loop3A_1565] {strides = array<i32>} : memref<12x4x8x128xf32, #tpu.memory_space<vmem>>, vector<16xf32>,
        tpu.vector_store %arg9[%parallel_loop3A_1562, %parallel_loop3A_1563, %parallel_loop3A_1564, %parallel_loop3A_1565], %parallel_loop3A_1560 {strides = array<i32>} : memref<12x4x8x128xf32, #tpu.memory_space<vmem>>, vector<16xf32>,
        %parallel_loop3A_1567 = arith.constant 108 : i32
        %parallel_loop3A_1568 = vector.broadcast %parallel_loop3A_1567 : i32 to vector<16xi32>
        %parallel_loop3A_1569 = arith.addi %parallel_loop3A_1476, %parallel_loop3A_1568 : vector<16xi32>
        %parallel_loop3A_1570 = tpu.vector_load_idx %arg14[%parallel_loop3A_1569] : memref<144xf32, #tpu.memory_space<vmem>>[vector<16xi32>], vector<16xf32>,
        %parallel_loop3A_1571 = arith.constant 9 : i32
        %parallel_loop3A_1572 = arith.index_cast %parallel_loop3A_1571 : i32 to index
        %parallel_loop3A_1573 = arith.index_cast %parallel_loop3A_1414 : i32 to index
        %parallel_loop3A_1574 = arith.index_cast %parallel_loop3A_1454 : i32 to index
        %parallel_loop3A_1575 = arith.index_cast %parallel_loop3A_1472 : i32 to index
        %parallel_loop3A_1576 = tpu.vector_load %arg9[%parallel_loop3A_1572, %parallel_loop3A_1573, %parallel_loop3A_1574, %parallel_loop3A_1575] {strides = array<i32>} : memref<12x4x8x128xf32, #tpu.memory_space<vmem>>, vector<16xf32>,
        tpu.vector_store %arg9[%parallel_loop3A_1572, %parallel_loop3A_1573, %parallel_loop3A_1574, %parallel_loop3A_1575], %parallel_loop3A_1570 {strides = array<i32>} : memref<12x4x8x128xf32, #tpu.memory_space<vmem>>, vector<16xf32>,
        %parallel_loop3A_1577 = arith.constant 120 : i32
        %parallel_loop3A_1578 = vector.broadcast %parallel_loop3A_1577 : i32 to vector<16xi32>
        %parallel_loop3A_1579 = arith.addi %parallel_loop3A_1476, %parallel_loop3A_1578 : vector<16xi32>
        %parallel_loop3A_1580 = tpu.vector_load_idx %arg14[%parallel_loop3A_1579] : memref<144xf32, #tpu.memory_space<vmem>>[vector<16xi32>], vector<16xf32>,
        %parallel_loop3A_1581 = arith.constant 10 : i32
        %parallel_loop3A_1582 = arith.index_cast %parallel_loop3A_1581 : i32 to index
        %parallel_loop3A_1583 = arith.index_cast %parallel_loop3A_1414 : i32 to index
        %parallel_loop3A_1584 = arith.index_cast %parallel_loop3A_1454 : i32 to index
        %parallel_loop3A_1585 = arith.index_cast %parallel_loop3A_1472 : i32 to index
        %parallel_loop3A_1586 = tpu.vector_load %arg9[%parallel_loop3A_1582, %parallel_loop3A_1583, %parallel_loop3A_1584, %parallel_loop3A_1585] {strides = array<i32>} : memref<12x4x8x128xf32, #tpu.memory_space<vmem>>, vector<16xf32>,
        tpu.vector_store %arg9[%parallel_loop3A_1582, %parallel_loop3A_1583, %parallel_loop3A_1584, %parallel_loop3A_1585], %parallel_loop3A_1580 {strides = array<i32>} : memref<12x4x8x128xf32, #tpu.memory_space<vmem>>, vector<16xf32>,
        %parallel_loop3A_1587 = arith.constant 132 : i32
        %parallel_loop3A_1588 = vector.broadcast %parallel_loop3A_1587 : i32 to vector<16xi32>
        %parallel_loop3A_1589 = arith.addi %parallel_loop3A_1476, %parallel_loop3A_1588 : vector<16xi32>
        %parallel_loop3A_1590 = tpu.vector_load_idx %arg14[%parallel_loop3A_1589] : memref<144xf32, #tpu.memory_space<vmem>>[vector<16xi32>], vector<16xf32>,
        %parallel_loop3A_1591 = arith.constant 11 : i32
        %parallel_loop3A_1592 = arith.index_cast %parallel_loop3A_1591 : i32 to index
        %parallel_loop3A_1593 = arith.index_cast %parallel_loop3A_1414 : i32 to index
        %parallel_loop3A_1594 = arith.index_cast %parallel_loop3A_1454 : i32 to index
        %parallel_loop3A_1595 = arith.index_cast %parallel_loop3A_1472 : i32 to index
        %parallel_loop3A_1596 = tpu.vector_load %arg9[%parallel_loop3A_1592, %parallel_loop3A_1593, %parallel_loop3A_1594, %parallel_loop3A_1595] {strides = array<i32>} : memref<12x4x8x128xf32, #tpu.memory_space<vmem>>, vector<16xf32>,
        tpu.vector_store %arg9[%parallel_loop3A_1592, %parallel_loop3A_1593, %parallel_loop3A_1594, %parallel_loop3A_1595], %parallel_loop3A_1590 {strides = array<i32>} : memref<12x4x8x128xf32, #tpu.memory_space<vmem>>, vector<16xf32>,
      } {sc.loop_unroll_factor = 4 : i64, sc.parallel_access}
      %lt3A_1336 = arith.constant 23 : i32
      %lt3A_1337 = arith.cmpi slt, %mul3A_1322, %lt3A_1336 : i32
      %convert_element_type3A_1338 = arith.extui %lt3A_1337 : i1 to i32
      %cond3A_1339 = arith.constant 0 : i32
      %cond3A_1340 = arith.cmpi ne, %convert_element_type3A_1338, %cond3A_1339 : i32
      scf.if %cond3A_1340 {
        %add3A_1390 = arith.constant 2 : i32
        %add3A_1391 = arith.addi %mul3A_1320, %add3A_1390 : i32
        %dma_start3A_1392 = arith.constant 0 : i32
        %dma_start3A_1393 = arith.constant 0 : i32
        %dma_start3A_1394 = tpu.memref_slice %arg2[%add3A_1391, %mul3A_2, %dma_start3A_1392, %dma_start3A_1393] : memref<25x128x8x128xi32, #tpu.memory_space<hbm>> -> memref<1x4x8x128xi32, #tpu.memory_space<hbm>>
        %dma_start3A_1395 = tpu.memref_squeeze %dma_start3A_1394 : memref<1x4x8x128xi32, #tpu.memory_space<hbm>> -> memref<4x8x128xi32, #tpu.memory_space<hbm>>
        %dma_start3A_1396 = arith.constant 0 : i32
        %dma_start3A_1397 = arith.constant 0 : i32
        %dma_start3A_1398 = tpu.memref_slice %arg2[%add3A_1391, %mul3A_2, %dma_start3A_1396, %dma_start3A_1397] : memref<25x128x8x128xi32, #tpu.memory_space<hbm>> -> memref<1x4x8x128xi32, #tpu.memory_space<hbm>>
        %dma_start3A_1399 = tpu.memref_squeeze %dma_start3A_1398 : memref<1x4x8x128xi32, #tpu.memory_space<hbm>> -> memref<4x8x128xi32, #tpu.memory_space<hbm>>
        tpu.enqueue_dma source(%dma_start3A_1399 : memref<4x8x128xi32, #tpu.memory_space<hbm>>) target(%arg7 : memref<4x8x128xi32, #tpu.memory_space<vmem>>) target_semaphore(%arg15 : memref<!tpu.dma_semaphore, #tpu.memory_space<semaphore_mem>>)
      } else {
      }
      %dma_start3A_1341 = arith.constant 0 : i32
      %dma_start3A_1342 = arith.constant 0 : i32
      %dma_start3A_1343 = arith.constant 0 : i32
      %dma_start3A_1344 = tpu.memref_slice %arg6[%dma_start3A_1341, %mul3A_1320, %mul3A_2, %dma_start3A_1342, %dma_start3A_1343] : memref<12x25x128x8x128xf32, #tpu.memory_space<hbm>> -> memref<12x1x4x8x128xf32, #tpu.memory_space<hbm>>
      %dma_start3A_1345 = tpu.memref_squeeze %dma_start3A_1344 : memref<12x1x4x8x128xf32, #tpu.memory_space<hbm>> -> memref<12x4x8x128xf32, #tpu.memory_space<hbm>>
      %dma_start3A_1346 = arith.constant 0 : i32
      %dma_start3A_1347 = arith.constant 0 : i32
      %dma_start3A_1348 = arith.constant 0 : i32
      %dma_start3A_1349 = tpu.memref_slice %arg6[%dma_start3A_1346, %mul3A_1320, %mul3A_2, %dma_start3A_1347, %dma_start3A_1348] : memref<12x25x128x8x128xf32, #tpu.memory_space<hbm>> -> memref<12x1x4x8x128xf32, #tpu.memory_space<hbm>>
      %dma_start3A_1350 = tpu.memref_squeeze %dma_start3A_1349 : memref<12x1x4x8x128xf32, #tpu.memory_space<hbm>> -> memref<12x4x8x128xf32, #tpu.memory_space<hbm>>
      tpu.enqueue_dma source(%arg9 : memref<12x4x8x128xf32, #tpu.memory_space<vmem>>) target(%dma_start3A_1350 : memref<12x4x8x128xf32, #tpu.memory_space<hbm>>) target_semaphore(%arg17 : memref<!tpu.dma_semaphore, #tpu.memory_space<semaphore_mem>>)
      %mul3A_1351 = arith.constant 2 : i32
      %mul3A_1352 = arith.muli %scan3A_1318, %mul3A_1351 : i32
      %add3A_1353 = arith.constant 1 : i32
      %add3A_1354 = arith.addi %mul3A_1352, %add3A_1353 : i32
      %mul3A_1355 = arith.constant 2 : i32
      %mul3A_1356 = arith.muli %scan3A_1318, %mul3A_1355 : i32
      %add3A_1357 = arith.constant 1 : i32
      %add3A_1358 = arith.addi %mul3A_1356, %add3A_1357 : i32
      %dma_wait3A_1359 = arith.constant 0 : i32
      %dma_wait3A_1360 = arith.constant 0 : i32
      %dma_wait3A_1361 = tpu.memref_slice %arg2[%add3A_1354, %mul3A_2, %dma_wait3A_1359, %dma_wait3A_1360] : memref<25x128x8x128xi32, #tpu.memory_space<hbm>> -> memref<1x4x8x128xi32, #tpu.memory_space<hbm>>
      %dma_wait3A_1362 = tpu.memref_squeeze %dma_wait3A_1361 : memref<1x4x8x128xi32, #tpu.memory_space<hbm>> -> memref<4x8x128xi32, #tpu.memory_space<hbm>>
      %dma_wait3A_1363 = arith.constant 0 : i32
      %dma_wait3A_1364 = arith.constant 0 : i32
      %dma_wait3A_1365 = tpu.memref_slice %arg2[%add3A_1354, %mul3A_2, %dma_wait3A_1363, %dma_wait3A_1364] : memref<25x128x8x128xi32, #tpu.memory_space<hbm>> -> memref<1x4x8x128xi32, #tpu.memory_space<hbm>>
      %dma_wait3A_1366 = tpu.memref_squeeze %dma_wait3A_1365 : memref<1x4x8x128xi32, #tpu.memory_space<hbm>> -> memref<4x8x128xi32, #tpu.memory_space<hbm>>
      tpu.wait_dma2 semaphore(%arg16 : memref<!tpu.dma_semaphore, #tpu.memory_space<semaphore_mem>>) src(%dma_wait3A_1366 : memref<4x8x128xi32, #tpu.memory_space<hbm>>) dst(%arg8 : memref<4x8x128xi32, #tpu.memory_space<vmem>>)
      %gt3A_1367 = arith.constant 1 : i32
      %gt3A_1368 = arith.cmpi sgt, %add3A_1358, %gt3A_1367 : i32
      %convert_element_type3A_1369 = arith.extui %gt3A_1368 : i1 to i32
      %cond3A_1370 = arith.constant 0 : i32
      %cond3A_1371 = arith.cmpi ne, %convert_element_type3A_1369, %cond3A_1370 : i32
      scf.if %cond3A_1371 {
        %dma_wait3A_1390 = arith.constant 0 : i32
        %dma_wait3A_1391 = arith.constant 0 : i32
        %dma_wait3A_1392 = arith.constant 0 : i32
        %dma_wait3A_1393 = tpu.memref_slice %arg6[%dma_wait3A_1390, %add3A_1354, %mul3A_2, %dma_wait3A_1391, %dma_wait3A_1392] : memref<12x25x128x8x128xf32, #tpu.memory_space<hbm>> -> memref<12x1x4x8x128xf32, #tpu.memory_space<hbm>>
        %dma_wait3A_1394 = tpu.memref_squeeze %dma_wait3A_1393 : memref<12x1x4x8x128xf32, #tpu.memory_space<hbm>> -> memref<12x4x8x128xf32, #tpu.memory_space<hbm>>
        %dma_wait3A_1395 = arith.constant 0 : i32
        %dma_wait3A_1396 = arith.constant 0 : i32
        %dma_wait3A_1397 = arith.constant 0 : i32
        %dma_wait3A_1398 = tpu.memref_slice %arg6[%dma_wait3A_1395, %add3A_1354, %mul3A_2, %dma_wait3A_1396, %dma_wait3A_1397] : memref<12x25x128x8x128xf32, #tpu.memory_space<hbm>> -> memref<12x1x4x8x128xf32, #tpu.memory_space<hbm>>
        %dma_wait3A_1399 = tpu.memref_squeeze %dma_wait3A_1398 : memref<12x1x4x8x128xf32, #tpu.memory_space<hbm>> -> memref<12x4x8x128xf32, #tpu.memory_space<hbm>>
        tpu.wait_dma2 semaphore(%arg18 : memref<!tpu.dma_semaphore, #tpu.memory_space<semaphore_mem>>) src(%arg10 : memref<12x4x8x128xf32, #tpu.memory_space<vmem>>) dst(%dma_wait3A_1399 : memref<12x4x8x128xf32, #tpu.memory_space<hbm>>)
      } else {
      }
      %parallel_loop3A_1372 = arith.constant 0 : i32
      %parallel_loop3A_1373 = arith.constant 256 : i32
      %parallel_loop3A_1374 = arith.constant 1 : i32
      scf.for %parallel_loop3A_1390 = %parallel_loop3A_1372 to %parallel_loop3A_1373 step %parallel_loop3A_1374  : i32 {
        %parallel_loop3A_1391 = arith.constant 64 : i32
        %parallel_loop3A_1392 = arith.divsi %parallel_loop3A_1390, %parallel_loop3A_1391 : i32
        %parallel_loop3A_1393 = arith.constant 0 : i32
        %parallel_loop3A_1394 = arith.cmpi sgt, %parallel_loop3A_1390, %parallel_loop3A_1393 : i32
        %parallel_loop3A_1395 = arith.extui %parallel_loop3A_1394 : i1 to i32
        %parallel_loop3A_1396 = arith.constant 0 : i32
        %parallel_loop3A_1397 = arith.cmpi slt, %parallel_loop3A_1390, %parallel_loop3A_1396 : i32
        %parallel_loop3A_1398 = arith.extui %parallel_loop3A_1397 : i1 to i32
        %parallel_loop3A_1399 = arith.subi %parallel_loop3A_1395, %parallel_loop3A_1398 : i32
        %parallel_loop3A_1400 = arith.constant 0 : i32
        %parallel_loop3A_1401 = arith.cmpi sgt, %parallel_loop3A_1391, %parallel_loop3A_1400 : i32
        %parallel_loop3A_1402 = arith.extui %parallel_loop3A_1401 : i1 to i32
        %parallel_loop3A_1403 = arith.constant 0 : i32
        %parallel_loop3A_1404 = arith.cmpi slt, %parallel_loop3A_1391, %parallel_loop3A_1403 : i32
        %parallel_loop3A_1405 = arith.extui %parallel_loop3A_1404 : i1 to i32
        %parallel_loop3A_1406 = arith.subi %parallel_loop3A_1402, %parallel_loop3A_1405 : i32
        %parallel_loop3A_1407 = arith.cmpi ne, %parallel_loop3A_1399, %parallel_loop3A_1406 : i32
        %parallel_loop3A_1408 = arith.remsi %parallel_loop3A_1390, %parallel_loop3A_1391 : i32
        %parallel_loop3A_1409 = arith.constant 0 : i32
        %parallel_loop3A_1410 = arith.cmpi ne, %parallel_loop3A_1408, %parallel_loop3A_1409 : i32
        %parallel_loop3A_1411 = arith.andi %parallel_loop3A_1407, %parallel_loop3A_1410 : i1
        %parallel_loop3A_1412 = arith.constant 1 : i32
        %parallel_loop3A_1413 = arith.subi %parallel_loop3A_1392, %parallel_loop3A_1412 : i32
        %parallel_loop3A_1414 = arith.select %parallel_loop3A_1411, %parallel_loop3A_1413, %parallel_loop3A_1392 : i32
        %parallel_loop3A_1415 = arith.constant 64 : i32
        %parallel_loop3A_1416 = arith.constant 0 : i32
        %parallel_loop3A_1417 = arith.cmpi eq, %parallel_loop3A_1415, %parallel_loop3A_1416 : i32
        %parallel_loop3A_1418 = arith.constant 1 : i32
        %parallel_loop3A_1419 = arith.select %parallel_loop3A_1417, %parallel_loop3A_1418, %parallel_loop3A_1415 : i32
        %parallel_loop3A_1420 = arith.remsi %parallel_loop3A_1390, %parallel_loop3A_1419 : i32
        %parallel_loop3A_1421 = arith.constant 0 : i32
        %parallel_loop3A_1422 = arith.cmpi ne, %parallel_loop3A_1420, %parallel_loop3A_1421 : i32
        %parallel_loop3A_1423 = arith.constant 0 : i32
        %parallel_loop3A_1424 = arith.cmpi slt, %parallel_loop3A_1420, %parallel_loop3A_1423 : i32
        %parallel_loop3A_1425 = arith.constant 0 : i32
        %parallel_loop3A_1426 = arith.cmpi slt, %parallel_loop3A_1419, %parallel_loop3A_1425 : i32
        %parallel_loop3A_1427 = arith.xori %parallel_loop3A_1424, %parallel_loop3A_1426 : i1
        %parallel_loop3A_1428 = arith.andi %parallel_loop3A_1427, %parallel_loop3A_1422 : i1
        %parallel_loop3A_1429 = arith.addi %parallel_loop3A_1420, %parallel_loop3A_1419 : i32
        %parallel_loop3A_1430 = arith.select %parallel_loop3A_1428, %parallel_loop3A_1429, %parallel_loop3A_1420 : i32
        %parallel_loop3A_1431 = arith.constant 8 : i32
        %parallel_loop3A_1432 = arith.divsi %parallel_loop3A_1430, %parallel_loop3A_1431 : i32
        %parallel_loop3A_1433 = arith.constant 0 : i32
        %parallel_loop3A_1434 = arith.cmpi sgt, %parallel_loop3A_1430, %parallel_loop3A_1433 : i32
        %parallel_loop3A_1435 = arith.extui %parallel_loop3A_1434 : i1 to i32
        %parallel_loop3A_1436 = arith.constant 0 : i32
        %parallel_loop3A_1437 = arith.cmpi slt, %parallel_loop3A_1430, %parallel_loop3A_1436 : i32
        %parallel_loop3A_1438 = arith.extui %parallel_loop3A_1437 : i1 to i32
        %parallel_loop3A_1439 = arith.subi %parallel_loop3A_1435, %parallel_loop3A_1438 : i32
        %parallel_loop3A_1440 = arith.constant 0 : i32
        %parallel_loop3A_1441 = arith.cmpi sgt, %parallel_loop3A_1431, %parallel_loop3A_1440 : i32
        %parallel_loop3A_1442 = arith.extui %parallel_loop3A_1441 : i1 to i32
        %parallel_loop3A_1443 = arith.constant 0 : i32
        %parallel_loop3A_1444 = arith.cmpi slt, %parallel_loop3A_1431, %parallel_loop3A_1443 : i32
        %parallel_loop3A_1445 = arith.extui %parallel_loop3A_1444 : i1 to i32
        %parallel_loop3A_1446 = arith.subi %parallel_loop3A_1442, %parallel_loop3A_1445 : i32
        %parallel_loop3A_1447 = arith.cmpi ne, %parallel_loop3A_1439, %parallel_loop3A_1446 : i32
        %parallel_loop3A_1448 = arith.remsi %parallel_loop3A_1430, %parallel_loop3A_1431 : i32
        %parallel_loop3A_1449 = arith.constant 0 : i32
        %parallel_loop3A_1450 = arith.cmpi ne, %parallel_loop3A_1448, %parallel_loop3A_1449 : i32
        %parallel_loop3A_1451 = arith.andi %parallel_loop3A_1447, %parallel_loop3A_1450 : i1
        %parallel_loop3A_1452 = arith.constant 1 : i32
        %parallel_loop3A_1453 = arith.subi %parallel_loop3A_1432, %parallel_loop3A_1452 : i32
        %parallel_loop3A_1454 = arith.select %parallel_loop3A_1451, %parallel_loop3A_1453, %parallel_loop3A_1432 : i32
        %parallel_loop3A_1455 = arith.constant 8 : i32
        %parallel_loop3A_1456 = arith.constant 0 : i32
        %parallel_loop3A_1457 = arith.cmpi eq, %parallel_loop3A_1455, %parallel_loop3A_1456 : i32
        %parallel_loop3A_1458 = arith.constant 1 : i32
        %parallel_loop3A_1459 = arith.select %parallel_loop3A_1457, %parallel_loop3A_1458, %parallel_loop3A_1455 : i32
        %parallel_loop3A_1460 = arith.remsi %parallel_loop3A_1430, %parallel_loop3A_1459 : i32
        %parallel_loop3A_1461 = arith.constant 0 : i32
        %parallel_loop3A_1462 = arith.cmpi ne, %parallel_loop3A_1460, %parallel_loop3A_1461 : i32
        %parallel_loop3A_1463 = arith.constant 0 : i32
        %parallel_loop3A_1464 = arith.cmpi slt, %parallel_loop3A_1460, %parallel_loop3A_1463 : i32
        %parallel_loop3A_1465 = arith.constant 0 : i32
        %parallel_loop3A_1466 = arith.cmpi slt, %parallel_loop3A_1459, %parallel_loop3A_1465 : i32
        %parallel_loop3A_1467 = arith.xori %parallel_loop3A_1464, %parallel_loop3A_1466 : i1
        %parallel_loop3A_1468 = arith.andi %parallel_loop3A_1467, %parallel_loop3A_1462 : i1
        %parallel_loop3A_1469 = arith.addi %parallel_loop3A_1460, %parallel_loop3A_1459 : i32
        %parallel_loop3A_1470 = arith.select %parallel_loop3A_1468, %parallel_loop3A_1469, %parallel_loop3A_1460 : i32
        %parallel_loop3A_1471 = arith.constant 16 : i32
        %parallel_loop3A_1472 = arith.muli %parallel_loop3A_1470, %parallel_loop3A_1471 : i32
        %parallel_loop3A_1473 = arith.index_cast %parallel_loop3A_1414 : i32 to index
        %parallel_loop3A_1474 = arith.index_cast %parallel_loop3A_1454 : i32 to index
        %parallel_loop3A_1475 = arith.index_cast %parallel_loop3A_1472 : i32 to index
        %parallel_loop3A_1476 = tpu.vector_load %arg8[%parallel_loop3A_1473, %parallel_loop3A_1474, %parallel_loop3A_1475] {strides = array<i32>} : memref<4x8x128xi32, #tpu.memory_space<vmem>>, vector<16xi32>,
        %parallel_loop3A_1477 = arith.constant 0 : i32
        %parallel_loop3A_1478 = vector.broadcast %parallel_loop3A_1477 : i32 to vector<16xi32>
        %parallel_loop3A_1479 = arith.addi %parallel_loop3A_1476, %parallel_loop3A_1478 : vector<16xi32>
        %parallel_loop3A_1480 = tpu.vector_load_idx %arg14[%parallel_loop3A_1479] : memref<144xf32, #tpu.memory_space<vmem>>[vector<16xi32>], vector<16xf32>,
        %parallel_loop3A_1481 = arith.constant 0 : i32
        %parallel_loop3A_1482 = arith.index_cast %parallel_loop3A_1481 : i32 to index
        %parallel_loop3A_1483 = arith.index_cast %parallel_loop3A_1414 : i32 to index
        %parallel_loop3A_1484 = arith.index_cast %parallel_loop3A_1454 : i32 to index
        %parallel_loop3A_1485 = arith.index_cast %parallel_loop3A_1472 : i32 to index
        %parallel_loop3A_1486 = tpu.vector_load %arg10[%parallel_loop3A_1482, %parallel_loop3A_1483, %parallel_loop3A_1484, %parallel_loop3A_1485] {strides = array<i32>} : memref<12x4x8x128xf32, #tpu.memory_space<vmem>>, vector<16xf32>,
        tpu.vector_store %arg10[%parallel_loop3A_1482, %parallel_loop3A_1483, %parallel_loop3A_1484, %parallel_loop3A_1485], %parallel_loop3A_1480 {strides = array<i32>} : memref<12x4x8x128xf32, #tpu.memory_space<vmem>>, vector<16xf32>,
        %parallel_loop3A_1487 = arith.constant 12 : i32
        %parallel_loop3A_1488 = vector.broadcast %parallel_loop3A_1487 : i32 to vector<16xi32>
        %parallel_loop3A_1489 = arith.addi %parallel_loop3A_1476, %parallel_loop3A_1488 : vector<16xi32>
        %parallel_loop3A_1490 = tpu.vector_load_idx %arg14[%parallel_loop3A_1489] : memref<144xf32, #tpu.memory_space<vmem>>[vector<16xi32>], vector<16xf32>,
        %parallel_loop3A_1491 = arith.constant 1 : i32
        %parallel_loop3A_1492 = arith.index_cast %parallel_loop3A_1491 : i32 to index
        %parallel_loop3A_1493 = arith.index_cast %parallel_loop3A_1414 : i32 to index
        %parallel_loop3A_1494 = arith.index_cast %parallel_loop3A_1454 : i32 to index
        %parallel_loop3A_1495 = arith.index_cast %parallel_loop3A_1472 : i32 to index
        %parallel_loop3A_1496 = tpu.vector_load %arg10[%parallel_loop3A_1492, %parallel_loop3A_1493, %parallel_loop3A_1494, %parallel_loop3A_1495] {strides = array<i32>} : memref<12x4x8x128xf32, #tpu.memory_space<vmem>>, vector<16xf32>,
        tpu.vector_store %arg10[%parallel_loop3A_1492, %parallel_loop3A_1493, %parallel_loop3A_1494, %parallel_loop3A_1495], %parallel_loop3A_1490 {strides = array<i32>} : memref<12x4x8x128xf32, #tpu.memory_space<vmem>>, vector<16xf32>,
        %parallel_loop3A_1497 = arith.constant 24 : i32
        %parallel_loop3A_1498 = vector.broadcast %parallel_loop3A_1497 : i32 to vector<16xi32>
        %parallel_loop3A_1499 = arith.addi %parallel_loop3A_1476, %parallel_loop3A_1498 : vector<16xi32>
        %parallel_loop3A_1500 = tpu.vector_load_idx %arg14[%parallel_loop3A_1499] : memref<144xf32, #tpu.memory_space<vmem>>[vector<16xi32>], vector<16xf32>,
        %parallel_loop3A_1501 = arith.constant 2 : i32
        %parallel_loop3A_1502 = arith.index_cast %parallel_loop3A_1501 : i32 to index
        %parallel_loop3A_1503 = arith.index_cast %parallel_loop3A_1414 : i32 to index
        %parallel_loop3A_1504 = arith.index_cast %parallel_loop3A_1454 : i32 to index
        %parallel_loop3A_1505 = arith.index_cast %parallel_loop3A_1472 : i32 to index
        %parallel_loop3A_1506 = tpu.vector_load %arg10[%parallel_loop3A_1502, %parallel_loop3A_1503, %parallel_loop3A_1504, %parallel_loop3A_1505] {strides = array<i32>} : memref<12x4x8x128xf32, #tpu.memory_space<vmem>>, vector<16xf32>,
        tpu.vector_store %arg10[%parallel_loop3A_1502, %parallel_loop3A_1503, %parallel_loop3A_1504, %parallel_loop3A_1505], %parallel_loop3A_1500 {strides = array<i32>} : memref<12x4x8x128xf32, #tpu.memory_space<vmem>>, vector<16xf32>,
        %parallel_loop3A_1507 = arith.constant 36 : i32
        %parallel_loop3A_1508 = vector.broadcast %parallel_loop3A_1507 : i32 to vector<16xi32>
        %parallel_loop3A_1509 = arith.addi %parallel_loop3A_1476, %parallel_loop3A_1508 : vector<16xi32>
        %parallel_loop3A_1510 = tpu.vector_load_idx %arg14[%parallel_loop3A_1509] : memref<144xf32, #tpu.memory_space<vmem>>[vector<16xi32>], vector<16xf32>,
        %parallel_loop3A_1511 = arith.constant 3 : i32
        %parallel_loop3A_1512 = arith.index_cast %parallel_loop3A_1511 : i32 to index
        %parallel_loop3A_1513 = arith.index_cast %parallel_loop3A_1414 : i32 to index
        %parallel_loop3A_1514 = arith.index_cast %parallel_loop3A_1454 : i32 to index
        %parallel_loop3A_1515 = arith.index_cast %parallel_loop3A_1472 : i32 to index
        %parallel_loop3A_1516 = tpu.vector_load %arg10[%parallel_loop3A_1512, %parallel_loop3A_1513, %parallel_loop3A_1514, %parallel_loop3A_1515] {strides = array<i32>} : memref<12x4x8x128xf32, #tpu.memory_space<vmem>>, vector<16xf32>,
        tpu.vector_store %arg10[%parallel_loop3A_1512, %parallel_loop3A_1513, %parallel_loop3A_1514, %parallel_loop3A_1515], %parallel_loop3A_1510 {strides = array<i32>} : memref<12x4x8x128xf32, #tpu.memory_space<vmem>>, vector<16xf32>,
        %parallel_loop3A_1517 = arith.constant 48 : i32
        %parallel_loop3A_1518 = vector.broadcast %parallel_loop3A_1517 : i32 to vector<16xi32>
        %parallel_loop3A_1519 = arith.addi %parallel_loop3A_1476, %parallel_loop3A_1518 : vector<16xi32>
        %parallel_loop3A_1520 = tpu.vector_load_idx %arg14[%parallel_loop3A_1519] : memref<144xf32, #tpu.memory_space<vmem>>[vector<16xi32>], vector<16xf32>,
        %parallel_loop3A_1521 = arith.constant 4 : i32
        %parallel_loop3A_1522 = arith.index_cast %parallel_loop3A_1521 : i32 to index
        %parallel_loop3A_1523 = arith.index_cast %parallel_loop3A_1414 : i32 to index
        %parallel_loop3A_1524 = arith.index_cast %parallel_loop3A_1454 : i32 to index
        %parallel_loop3A_1525 = arith.index_cast %parallel_loop3A_1472 : i32 to index
        %parallel_loop3A_1526 = tpu.vector_load %arg10[%parallel_loop3A_1522, %parallel_loop3A_1523, %parallel_loop3A_1524, %parallel_loop3A_1525] {strides = array<i32>} : memref<12x4x8x128xf32, #tpu.memory_space<vmem>>, vector<16xf32>,
        tpu.vector_store %arg10[%parallel_loop3A_1522, %parallel_loop3A_1523, %parallel_loop3A_1524, %parallel_loop3A_1525], %parallel_loop3A_1520 {strides = array<i32>} : memref<12x4x8x128xf32, #tpu.memory_space<vmem>>, vector<16xf32>,
        %parallel_loop3A_1527 = arith.constant 60 : i32
        %parallel_loop3A_1528 = vector.broadcast %parallel_loop3A_1527 : i32 to vector<16xi32>
        %parallel_loop3A_1529 = arith.addi %parallel_loop3A_1476, %parallel_loop3A_1528 : vector<16xi32>
        %parallel_loop3A_1530 = tpu.vector_load_idx %arg14[%parallel_loop3A_1529] : memref<144xf32, #tpu.memory_space<vmem>>[vector<16xi32>], vector<16xf32>,
        %parallel_loop3A_1531 = arith.constant 5 : i32
        %parallel_loop3A_1532 = arith.index_cast %parallel_loop3A_1531 : i32 to index
        %parallel_loop3A_1533 = arith.index_cast %parallel_loop3A_1414 : i32 to index
        %parallel_loop3A_1534 = arith.index_cast %parallel_loop3A_1454 : i32 to index
        %parallel_loop3A_1535 = arith.index_cast %parallel_loop3A_1472 : i32 to index
        %parallel_loop3A_1536 = tpu.vector_load %arg10[%parallel_loop3A_1532, %parallel_loop3A_1533, %parallel_loop3A_1534, %parallel_loop3A_1535] {strides = array<i32>} : memref<12x4x8x128xf32, #tpu.memory_space<vmem>>, vector<16xf32>,
        tpu.vector_store %arg10[%parallel_loop3A_1532, %parallel_loop3A_1533, %parallel_loop3A_1534, %parallel_loop3A_1535], %parallel_loop3A_1530 {strides = array<i32>} : memref<12x4x8x128xf32, #tpu.memory_space<vmem>>, vector<16xf32>,
        %parallel_loop3A_1537 = arith.constant 72 : i32
        %parallel_loop3A_1538 = vector.broadcast %parallel_loop3A_1537 : i32 to vector<16xi32>
        %parallel_loop3A_1539 = arith.addi %parallel_loop3A_1476, %parallel_loop3A_1538 : vector<16xi32>
        %parallel_loop3A_1540 = tpu.vector_load_idx %arg14[%parallel_loop3A_1539] : memref<144xf32, #tpu.memory_space<vmem>>[vector<16xi32>], vector<16xf32>,
        %parallel_loop3A_1541 = arith.constant 6 : i32
        %parallel_loop3A_1542 = arith.index_cast %parallel_loop3A_1541 : i32 to index
        %parallel_loop3A_1543 = arith.index_cast %parallel_loop3A_1414 : i32 to index
        %parallel_loop3A_1544 = arith.index_cast %parallel_loop3A_1454 : i32 to index
        %parallel_loop3A_1545 = arith.index_cast %parallel_loop3A_1472 : i32 to index
        %parallel_loop3A_1546 = tpu.vector_load %arg10[%parallel_loop3A_1542, %parallel_loop3A_1543, %parallel_loop3A_1544, %parallel_loop3A_1545] {strides = array<i32>} : memref<12x4x8x128xf32, #tpu.memory_space<vmem>>, vector<16xf32>,
        tpu.vector_store %arg10[%parallel_loop3A_1542, %parallel_loop3A_1543, %parallel_loop3A_1544, %parallel_loop3A_1545], %parallel_loop3A_1540 {strides = array<i32>} : memref<12x4x8x128xf32, #tpu.memory_space<vmem>>, vector<16xf32>,
        %parallel_loop3A_1547 = arith.constant 84 : i32
        %parallel_loop3A_1548 = vector.broadcast %parallel_loop3A_1547 : i32 to vector<16xi32>
        %parallel_loop3A_1549 = arith.addi %parallel_loop3A_1476, %parallel_loop3A_1548 : vector<16xi32>
        %parallel_loop3A_1550 = tpu.vector_load_idx %arg14[%parallel_loop3A_1549] : memref<144xf32, #tpu.memory_space<vmem>>[vector<16xi32>], vector<16xf32>,
        %parallel_loop3A_1551 = arith.constant 7 : i32
        %parallel_loop3A_1552 = arith.index_cast %parallel_loop3A_1551 : i32 to index
        %parallel_loop3A_1553 = arith.index_cast %parallel_loop3A_1414 : i32 to index
        %parallel_loop3A_1554 = arith.index_cast %parallel_loop3A_1454 : i32 to index
        %parallel_loop3A_1555 = arith.index_cast %parallel_loop3A_1472 : i32 to index
        %parallel_loop3A_1556 = tpu.vector_load %arg10[%parallel_loop3A_1552, %parallel_loop3A_1553, %parallel_loop3A_1554, %parallel_loop3A_1555] {strides = array<i32>} : memref<12x4x8x128xf32, #tpu.memory_space<vmem>>, vector<16xf32>,
        tpu.vector_store %arg10[%parallel_loop3A_1552, %parallel_loop3A_1553, %parallel_loop3A_1554, %parallel_loop3A_1555], %parallel_loop3A_1550 {strides = array<i32>} : memref<12x4x8x128xf32, #tpu.memory_space<vmem>>, vector<16xf32>,
        %parallel_loop3A_1557 = arith.constant 96 : i32
        %parallel_loop3A_1558 = vector.broadcast %parallel_loop3A_1557 : i32 to vector<16xi32>
        %parallel_loop3A_1559 = arith.addi %parallel_loop3A_1476, %parallel_loop3A_1558 : vector<16xi32>
        %parallel_loop3A_1560 = tpu.vector_load_idx %arg14[%parallel_loop3A_1559] : memref<144xf32, #tpu.memory_space<vmem>>[vector<16xi32>], vector<16xf32>,
        %parallel_loop3A_1561 = arith.constant 8 : i32
        %parallel_loop3A_1562 = arith.index_cast %parallel_loop3A_1561 : i32 to index
        %parallel_loop3A_1563 = arith.index_cast %parallel_loop3A_1414 : i32 to index
        %parallel_loop3A_1564 = arith.index_cast %parallel_loop3A_1454 : i32 to index
        %parallel_loop3A_1565 = arith.index_cast %parallel_loop3A_1472 : i32 to index
        %parallel_loop3A_1566 = tpu.vector_load %arg10[%parallel_loop3A_1562, %parallel_loop3A_1563, %parallel_loop3A_1564, %parallel_loop3A_1565] {strides = array<i32>} : memref<12x4x8x128xf32, #tpu.memory_space<vmem>>, vector<16xf32>,
        tpu.vector_store %arg10[%parallel_loop3A_1562, %parallel_loop3A_1563, %parallel_loop3A_1564, %parallel_loop3A_1565], %parallel_loop3A_1560 {strides = array<i32>} : memref<12x4x8x128xf32, #tpu.memory_space<vmem>>, vector<16xf32>,
        %parallel_loop3A_1567 = arith.constant 108 : i32
        %parallel_loop3A_1568 = vector.broadcast %parallel_loop3A_1567 : i32 to vector<16xi32>
        %parallel_loop3A_1569 = arith.addi %parallel_loop3A_1476, %parallel_loop3A_1568 : vector<16xi32>
        %parallel_loop3A_1570 = tpu.vector_load_idx %arg14[%parallel_loop3A_1569] : memref<144xf32, #tpu.memory_space<vmem>>[vector<16xi32>], vector<16xf32>,
        %parallel_loop3A_1571 = arith.constant 9 : i32
        %parallel_loop3A_1572 = arith.index_cast %parallel_loop3A_1571 : i32 to index
        %parallel_loop3A_1573 = arith.index_cast %parallel_loop3A_1414 : i32 to index
        %parallel_loop3A_1574 = arith.index_cast %parallel_loop3A_1454 : i32 to index
        %parallel_loop3A_1575 = arith.index_cast %parallel_loop3A_1472 : i32 to index
        %parallel_loop3A_1576 = tpu.vector_load %arg10[%parallel_loop3A_1572, %parallel_loop3A_1573, %parallel_loop3A_1574, %parallel_loop3A_1575] {strides = array<i32>} : memref<12x4x8x128xf32, #tpu.memory_space<vmem>>, vector<16xf32>,
        tpu.vector_store %arg10[%parallel_loop3A_1572, %parallel_loop3A_1573, %parallel_loop3A_1574, %parallel_loop3A_1575], %parallel_loop3A_1570 {strides = array<i32>} : memref<12x4x8x128xf32, #tpu.memory_space<vmem>>, vector<16xf32>,
        %parallel_loop3A_1577 = arith.constant 120 : i32
        %parallel_loop3A_1578 = vector.broadcast %parallel_loop3A_1577 : i32 to vector<16xi32>
        %parallel_loop3A_1579 = arith.addi %parallel_loop3A_1476, %parallel_loop3A_1578 : vector<16xi32>
        %parallel_loop3A_1580 = tpu.vector_load_idx %arg14[%parallel_loop3A_1579] : memref<144xf32, #tpu.memory_space<vmem>>[vector<16xi32>], vector<16xf32>,
        %parallel_loop3A_1581 = arith.constant 10 : i32
        %parallel_loop3A_1582 = arith.index_cast %parallel_loop3A_1581 : i32 to index
        %parallel_loop3A_1583 = arith.index_cast %parallel_loop3A_1414 : i32 to index
        %parallel_loop3A_1584 = arith.index_cast %parallel_loop3A_1454 : i32 to index
        %parallel_loop3A_1585 = arith.index_cast %parallel_loop3A_1472 : i32 to index
        %parallel_loop3A_1586 = tpu.vector_load %arg10[%parallel_loop3A_1582, %parallel_loop3A_1583, %parallel_loop3A_1584, %parallel_loop3A_1585] {strides = array<i32>} : memref<12x4x8x128xf32, #tpu.memory_space<vmem>>, vector<16xf32>,
        tpu.vector_store %arg10[%parallel_loop3A_1582, %parallel_loop3A_1583, %parallel_loop3A_1584, %parallel_loop3A_1585], %parallel_loop3A_1580 {strides = array<i32>} : memref<12x4x8x128xf32, #tpu.memory_space<vmem>>, vector<16xf32>,
        %parallel_loop3A_1587 = arith.constant 132 : i32
        %parallel_loop3A_1588 = vector.broadcast %parallel_loop3A_1587 : i32 to vector<16xi32>
        %parallel_loop3A_1589 = arith.addi %parallel_loop3A_1476, %parallel_loop3A_1588 : vector<16xi32>
        %parallel_loop3A_1590 = tpu.vector_load_idx %arg14[%parallel_loop3A_1589] : memref<144xf32, #tpu.memory_space<vmem>>[vector<16xi32>], vector<16xf32>,
        %parallel_loop3A_1591 = arith.constant 11 : i32
        %parallel_loop3A_1592 = arith.index_cast %parallel_loop3A_1591 : i32 to index
        %parallel_loop3A_1593 = arith.index_cast %parallel_loop3A_1414 : i32 to index
        %parallel_loop3A_1594 = arith.index_cast %parallel_loop3A_1454 : i32 to index
        %parallel_loop3A_1595 = arith.index_cast %parallel_loop3A_1472 : i32 to index
        %parallel_loop3A_1596 = tpu.vector_load %arg10[%parallel_loop3A_1592, %parallel_loop3A_1593, %parallel_loop3A_1594, %parallel_loop3A_1595] {strides = array<i32>} : memref<12x4x8x128xf32, #tpu.memory_space<vmem>>, vector<16xf32>,
        tpu.vector_store %arg10[%parallel_loop3A_1592, %parallel_loop3A_1593, %parallel_loop3A_1594, %parallel_loop3A_1595], %parallel_loop3A_1590 {strides = array<i32>} : memref<12x4x8x128xf32, #tpu.memory_space<vmem>>, vector<16xf32>,
      } {sc.loop_unroll_factor = 4 : i64, sc.parallel_access}
      %lt3A_1375 = arith.constant 23 : i32
      %lt3A_1376 = arith.cmpi slt, %add3A_1358, %lt3A_1375 : i32
      %convert_element_type3A_1377 = arith.extui %lt3A_1376 : i1 to i32
      %cond3A_1378 = arith.constant 0 : i32
      %cond3A_1379 = arith.cmpi ne, %convert_element_type3A_1377, %cond3A_1378 : i32
      scf.if %cond3A_1379 {
        %add3A_1390 = arith.constant 2 : i32
        %add3A_1391 = arith.addi %add3A_1354, %add3A_1390 : i32
        %dma_start3A_1392 = arith.constant 0 : i32
        %dma_start3A_1393 = arith.constant 0 : i32
        %dma_start3A_1394 = tpu.memref_slice %arg2[%add3A_1391, %mul3A_2, %dma_start3A_1392, %dma_start3A_1393] : memref<25x128x8x128xi32, #tpu.memory_space<hbm>> -> memref<1x4x8x128xi32, #tpu.memory_space<hbm>>
        %dma_start3A_1395 = tpu.memref_squeeze %dma_start3A_1394 : memref<1x4x8x128xi32, #tpu.memory_space<hbm>> -> memref<4x8x128xi32, #tpu.memory_space<hbm>>
        %dma_start3A_1396 = arith.constant 0 : i32
        %dma_start3A_1397 = arith.constant 0 : i32
        %dma_start3A_1398 = tpu.memref_slice %arg2[%add3A_1391, %mul3A_2, %dma_start3A_1396, %dma_start3A_1397] : memref<25x128x8x128xi32, #tpu.memory_space<hbm>> -> memref<1x4x8x128xi32, #tpu.memory_space<hbm>>
        %dma_start3A_1399 = tpu.memref_squeeze %dma_start3A_1398 : memref<1x4x8x128xi32, #tpu.memory_space<hbm>> -> memref<4x8x128xi32, #tpu.memory_space<hbm>>
        tpu.enqueue_dma source(%dma_start3A_1399 : memref<4x8x128xi32, #tpu.memory_space<hbm>>) target(%arg8 : memref<4x8x128xi32, #tpu.memory_space<vmem>>) target_semaphore(%arg16 : memref<!tpu.dma_semaphore, #tpu.memory_space<semaphore_mem>>)
      } else {
      }
      %dma_start3A_1380 = arith.constant 0 : i32
      %dma_start3A_1381 = arith.constant 0 : i32
      %dma_start3A_1382 = arith.constant 0 : i32
      %dma_start3A_1383 = tpu.memref_slice %arg6[%dma_start3A_1380, %add3A_1354, %mul3A_2, %dma_start3A_1381, %dma_start3A_1382] : memref<12x25x128x8x128xf32, #tpu.memory_space<hbm>> -> memref<12x1x4x8x128xf32, #tpu.memory_space<hbm>>
      %dma_start3A_1384 = tpu.memref_squeeze %dma_start3A_1383 : memref<12x1x4x8x128xf32, #tpu.memory_space<hbm>> -> memref<12x4x8x128xf32, #tpu.memory_space<hbm>>
      %dma_start3A_1385 = arith.constant 0 : i32
      %dma_start3A_1386 = arith.constant 0 : i32
      %dma_start3A_1387 = arith.constant 0 : i32
      %dma_start3A_1388 = tpu.memref_slice %arg6[%dma_start3A_1385, %add3A_1354, %mul3A_2, %dma_start3A_1386, %dma_start3A_1387] : memref<12x25x128x8x128xf32, #tpu.memory_space<hbm>> -> memref<12x1x4x8x128xf32, #tpu.memory_space<hbm>>
      %dma_start3A_1389 = tpu.memref_squeeze %dma_start3A_1388 : memref<12x1x4x8x128xf32, #tpu.memory_space<hbm>> -> memref<12x4x8x128xf32, #tpu.memory_space<hbm>>
      tpu.enqueue_dma source(%arg10 : memref<12x4x8x128xf32, #tpu.memory_space<vmem>>) target(%dma_start3A_1389 : memref<12x4x8x128xf32, #tpu.memory_space<hbm>>) target_semaphore(%arg18 : memref<!tpu.dma_semaphore, #tpu.memory_space<semaphore_mem>>)
    }
    %scan3A_1263 = arith.constant 12 : i32
    %dma_wait3A = arith.constant 24 : i32
    %dma_wait3A_1264 = arith.constant 0 : i32
    %dma_wait3A_1265 = arith.constant 0 : i32
    %dma_wait3A_1266 = tpu.memref_slice %arg2[%dma_wait3A, %mul3A_2, %dma_wait3A_1264, %dma_wait3A_1265] : memref<25x128x8x128xi32, #tpu.memory_space<hbm>> -> memref<1x4x8x128xi32, #tpu.memory_space<hbm>>
    %dma_wait3A_1267 = tpu.memref_squeeze %dma_wait3A_1266 : memref<1x4x8x128xi32, #tpu.memory_space<hbm>> -> memref<4x8x128xi32, #tpu.memory_space<hbm>>
    %dma_wait3A_1268 = arith.constant 0 : i32
    %dma_wait3A_1269 = arith.constant 0 : i32
    %dma_wait3A_1270 = tpu.memref_slice %arg2[%dma_wait3A, %mul3A_2, %dma_wait3A_1268, %dma_wait3A_1269] : memref<25x128x8x128xi32, #tpu.memory_space<hbm>> -> memref<1x4x8x128xi32, #tpu.memory_space<hbm>>
    %dma_wait3A_1271 = tpu.memref_squeeze %dma_wait3A_1270 : memref<1x4x8x128xi32, #tpu.memory_space<hbm>> -> memref<4x8x128xi32, #tpu.memory_space<hbm>>
    tpu.wait_dma2 semaphore(%arg15 : memref<!tpu.dma_semaphore, #tpu.memory_space<semaphore_mem>>) src(%dma_wait3A_1271 : memref<4x8x128xi32, #tpu.memory_space<hbm>>) dst(%arg7 : memref<4x8x128xi32, #tpu.memory_space<vmem>>)
    %dma_wait3A_1272 = arith.constant 24 : i32
    %dma_wait3A_1273 = arith.constant 0 : i32
    %dma_wait3A_1274 = arith.constant 0 : i32
    %dma_wait3A_1275 = arith.constant 0 : i32
    %dma_wait3A_1276 = tpu.memref_slice %arg6[%dma_wait3A_1273, %dma_wait3A_1272, %mul3A_2, %dma_wait3A_1274, %dma_wait3A_1275] : memref<12x25x128x8x128xf32, #tpu.memory_space<hbm>> -> memref<12x1x4x8x128xf32, #tpu.memory_space<hbm>>
    %dma_wait3A_1277 = tpu.memref_squeeze %dma_wait3A_1276 : memref<12x1x4x8x128xf32, #tpu.memory_space<hbm>> -> memref<12x4x8x128xf32, #tpu.memory_space<hbm>>
    %dma_wait3A_1278 = arith.constant 0 : i32
    %dma_wait3A_1279 = arith.constant 0 : i32
    %dma_wait3A_1280 = arith.constant 0 : i32
    %dma_wait3A_1281 = tpu.memref_slice %arg6[%dma_wait3A_1278, %dma_wait3A_1272, %mul3A_2, %dma_wait3A_1279, %dma_wait3A_1280] : memref<12x25x128x8x128xf32, #tpu.memory_space<hbm>> -> memref<12x1x4x8x128xf32, #tpu.memory_space<hbm>>
    %dma_wait3A_1282 = tpu.memref_squeeze %dma_wait3A_1281 : memref<12x1x4x8x128xf32, #tpu.memory_space<hbm>> -> memref<12x4x8x128xf32, #tpu.memory_space<hbm>>
    tpu.wait_dma2 semaphore(%arg17 : memref<!tpu.dma_semaphore, #tpu.memory_space<semaphore_mem>>) src(%arg9 : memref<12x4x8x128xf32, #tpu.memory_space<vmem>>) dst(%dma_wait3A_1282 : memref<12x4x8x128xf32, #tpu.memory_space<hbm>>)
    %parallel_loop3A = arith.constant 0 : i32
    %parallel_loop3A_1283 = arith.constant 256 : i32
    %parallel_loop3A_1284 = arith.constant 1 : i32
    scf.for %parallel_loop3A_1318 = %parallel_loop3A to %parallel_loop3A_1283 step %parallel_loop3A_1284  : i32 {
      %parallel_loop3A_1319 = arith.constant 64 : i32
      %parallel_loop3A_1320 = arith.divsi %parallel_loop3A_1318, %parallel_loop3A_1319 : i32
      %parallel_loop3A_1321 = arith.constant 0 : i32
      %parallel_loop3A_1322 = arith.cmpi sgt, %parallel_loop3A_1318, %parallel_loop3A_1321 : i32
      %parallel_loop3A_1323 = arith.extui %parallel_loop3A_1322 : i1 to i32
      %parallel_loop3A_1324 = arith.constant 0 : i32
      %parallel_loop3A_1325 = arith.cmpi slt, %parallel_loop3A_1318, %parallel_loop3A_1324 : i32
      %parallel_loop3A_1326 = arith.extui %parallel_loop3A_1325 : i1 to i32
      %parallel_loop3A_1327 = arith.subi %parallel_loop3A_1323, %parallel_loop3A_1326 : i32
      %parallel_loop3A_1328 = arith.constant 0 : i32
      %parallel_loop3A_1329 = arith.cmpi sgt, %parallel_loop3A_1319, %parallel_loop3A_1328 : i32
      %parallel_loop3A_1330 = arith.extui %parallel_loop3A_1329 : i1 to i32
      %parallel_loop3A_1331 = arith.constant 0 : i32
      %parallel_loop3A_1332 = arith.cmpi slt, %parallel_loop3A_1319, %parallel_loop3A_1331 : i32
      %parallel_loop3A_1333 = arith.extui %parallel_loop3A_1332 : i1 to i32
      %parallel_loop3A_1334 = arith.subi %parallel_loop3A_1330, %parallel_loop3A_1333 : i32
      %parallel_loop3A_1335 = arith.cmpi ne, %parallel_loop3A_1327, %parallel_loop3A_1334 : i32
      %parallel_loop3A_1336 = arith.remsi %parallel_loop3A_1318, %parallel_loop3A_1319 : i32
      %parallel_loop3A_1337 = arith.constant 0 : i32
      %parallel_loop3A_1338 = arith.cmpi ne, %parallel_loop3A_1336, %parallel_loop3A_1337 : i32
      %parallel_loop3A_1339 = arith.andi %parallel_loop3A_1335, %parallel_loop3A_1338 : i1
      %parallel_loop3A_1340 = arith.constant 1 : i32
      %parallel_loop3A_1341 = arith.subi %parallel_loop3A_1320, %parallel_loop3A_1340 : i32
      %parallel_loop3A_1342 = arith.select %parallel_loop3A_1339, %parallel_loop3A_1341, %parallel_loop3A_1320 : i32
      %parallel_loop3A_1343 = arith.constant 64 : i32
      %parallel_loop3A_1344 = arith.constant 0 : i32
      %parallel_loop3A_1345 = arith.cmpi eq, %parallel_loop3A_1343, %parallel_loop3A_1344 : i32
      %parallel_loop3A_1346 = arith.constant 1 : i32
      %parallel_loop3A_1347 = arith.select %parallel_loop3A_1345, %parallel_loop3A_1346, %parallel_loop3A_1343 : i32
      %parallel_loop3A_1348 = arith.remsi %parallel_loop3A_1318, %parallel_loop3A_1347 : i32
      %parallel_loop3A_1349 = arith.constant 0 : i32
      %parallel_loop3A_1350 = arith.cmpi ne, %parallel_loop3A_1348, %parallel_loop3A_1349 : i32
      %parallel_loop3A_1351 = arith.constant 0 : i32
      %parallel_loop3A_1352 = arith.cmpi slt, %parallel_loop3A_1348, %parallel_loop3A_1351 : i32
      %parallel_loop3A_1353 = arith.constant 0 : i32
      %parallel_loop3A_1354 = arith.cmpi slt, %parallel_loop3A_1347, %parallel_loop3A_1353 : i32
      %parallel_loop3A_1355 = arith.xori %parallel_loop3A_1352, %parallel_loop3A_1354 : i1
      %parallel_loop3A_1356 = arith.andi %parallel_loop3A_1355, %parallel_loop3A_1350 : i1
      %parallel_loop3A_1357 = arith.addi %parallel_loop3A_1348, %parallel_loop3A_1347 : i32
      %parallel_loop3A_1358 = arith.select %parallel_loop3A_1356, %parallel_loop3A_1357, %parallel_loop3A_1348 : i32
      %parallel_loop3A_1359 = arith.constant 8 : i32
      %parallel_loop3A_1360 = arith.divsi %parallel_loop3A_1358, %parallel_loop3A_1359 : i32
      %parallel_loop3A_1361 = arith.constant 0 : i32
      %parallel_loop3A_1362 = arith.cmpi sgt, %parallel_loop3A_1358, %parallel_loop3A_1361 : i32
      %parallel_loop3A_1363 = arith.extui %parallel_loop3A_1362 : i1 to i32
      %parallel_loop3A_1364 = arith.constant 0 : i32
      %parallel_loop3A_1365 = arith.cmpi slt, %parallel_loop3A_1358, %parallel_loop3A_1364 : i32
      %parallel_loop3A_1366 = arith.extui %parallel_loop3A_1365 : i1 to i32
      %parallel_loop3A_1367 = arith.subi %parallel_loop3A_1363, %parallel_loop3A_1366 : i32
      %parallel_loop3A_1368 = arith.constant 0 : i32
      %parallel_loop3A_1369 = arith.cmpi sgt, %parallel_loop3A_1359, %parallel_loop3A_1368 : i32
      %parallel_loop3A_1370 = arith.extui %parallel_loop3A_1369 : i1 to i32
      %parallel_loop3A_1371 = arith.constant 0 : i32
      %parallel_loop3A_1372 = arith.cmpi slt, %parallel_loop3A_1359, %parallel_loop3A_1371 : i32
      %parallel_loop3A_1373 = arith.extui %parallel_loop3A_1372 : i1 to i32
      %parallel_loop3A_1374 = arith.subi %parallel_loop3A_1370, %parallel_loop3A_1373 : i32
      %parallel_loop3A_1375 = arith.cmpi ne, %parallel_loop3A_1367, %parallel_loop3A_1374 : i32
      %parallel_loop3A_1376 = arith.remsi %parallel_loop3A_1358, %parallel_loop3A_1359 : i32
      %parallel_loop3A_1377 = arith.constant 0 : i32
      %parallel_loop3A_1378 = arith.cmpi ne, %parallel_loop3A_1376, %parallel_loop3A_1377 : i32
      %parallel_loop3A_1379 = arith.andi %parallel_loop3A_1375, %parallel_loop3A_1378 : i1
      %parallel_loop3A_1380 = arith.constant 1 : i32
      %parallel_loop3A_1381 = arith.subi %parallel_loop3A_1360, %parallel_loop3A_1380 : i32
      %parallel_loop3A_1382 = arith.select %parallel_loop3A_1379, %parallel_loop3A_1381, %parallel_loop3A_1360 : i32
      %parallel_loop3A_1383 = arith.constant 8 : i32
      %parallel_loop3A_1384 = arith.constant 0 : i32
      %parallel_loop3A_1385 = arith.cmpi eq, %parallel_loop3A_1383, %parallel_loop3A_1384 : i32
      %parallel_loop3A_1386 = arith.constant 1 : i32
      %parallel_loop3A_1387 = arith.select %parallel_loop3A_1385, %parallel_loop3A_1386, %parallel_loop3A_1383 : i32
      %parallel_loop3A_1388 = arith.remsi %parallel_loop3A_1358, %parallel_loop3A_1387 : i32
      %parallel_loop3A_1389 = arith.constant 0 : i32
      %parallel_loop3A_1390 = arith.cmpi ne, %parallel_loop3A_1388, %parallel_loop3A_1389 : i32
      %parallel_loop3A_1391 = arith.constant 0 : i32
      %parallel_loop3A_1392 = arith.cmpi slt, %parallel_loop3A_1388, %parallel_loop3A_1391 : i32
      %parallel_loop3A_1393 = arith.constant 0 : i32
      %parallel_loop3A_1394 = arith.cmpi slt, %parallel_loop3A_1387, %parallel_loop3A_1393 : i32
      %parallel_loop3A_1395 = arith.xori %parallel_loop3A_1392, %parallel_loop3A_1394 : i1
      %parallel_loop3A_1396 = arith.andi %parallel_loop3A_1395, %parallel_loop3A_1390 : i1
      %parallel_loop3A_1397 = arith.addi %parallel_loop3A_1388, %parallel_loop3A_1387 : i32
      %parallel_loop3A_1398 = arith.select %parallel_loop3A_1396, %parallel_loop3A_1397, %parallel_loop3A_1388 : i32
      %parallel_loop3A_1399 = arith.constant 16 : i32
      %parallel_loop3A_1400 = arith.muli %parallel_loop3A_1398, %parallel_loop3A_1399 : i32
      %parallel_loop3A_1401 = arith.index_cast %parallel_loop3A_1342 : i32 to index
      %parallel_loop3A_1402 = arith.index_cast %parallel_loop3A_1382 : i32 to index
      %parallel_loop3A_1403 = arith.index_cast %parallel_loop3A_1400 : i32 to index
      %parallel_loop3A_1404 = tpu.vector_load %arg7[%parallel_loop3A_1401, %parallel_loop3A_1402, %parallel_loop3A_1403] {strides = array<i32>} : memref<4x8x128xi32, #tpu.memory_space<vmem>>, vector<16xi32>,
      %parallel_loop3A_1405 = arith.constant 0 : i32
      %parallel_loop3A_1406 = vector.broadcast %parallel_loop3A_1405 : i32 to vector<16xi32>
      %parallel_loop3A_1407 = arith.addi %parallel_loop3A_1404, %parallel_loop3A_1406 : vector<16xi32>
      %parallel_loop3A_1408 = tpu.vector_load_idx %arg14[%parallel_loop3A_1407] : memref<144xf32, #tpu.memory_space<vmem>>[vector<16xi32>], vector<16xf32>,
      %parallel_loop3A_1409 = arith.constant 0 : i32
      %parallel_loop3A_1410 = arith.index_cast %parallel_loop3A_1409 : i32 to index
      %parallel_loop3A_1411 = arith.index_cast %parallel_loop3A_1342 : i32 to index
      %parallel_loop3A_1412 = arith.index_cast %parallel_loop3A_1382 : i32 to index
      %parallel_loop3A_1413 = arith.index_cast %parallel_loop3A_1400 : i32 to index
      %parallel_loop3A_1414 = tpu.vector_load %arg9[%parallel_loop3A_1410, %parallel_loop3A_1411, %parallel_loop3A_1412, %parallel_loop3A_1413] {strides = array<i32>} : memref<12x4x8x128xf32, #tpu.memory_space<vmem>>, vector<16xf32>,
      tpu.vector_store %arg9[%parallel_loop3A_1410, %parallel_loop3A_1411, %parallel_loop3A_1412, %parallel_loop3A_1413], %parallel_loop3A_1408 {strides = array<i32>} : memref<12x4x8x128xf32, #tpu.memory_space<vmem>>, vector<16xf32>,
      %parallel_loop3A_1415 = arith.constant 12 : i32
      %parallel_loop3A_1416 = vector.broadcast %parallel_loop3A_1415 : i32 to vector<16xi32>
      %parallel_loop3A_1417 = arith.addi %parallel_loop3A_1404, %parallel_loop3A_1416 : vector<16xi32>
      %parallel_loop3A_1418 = tpu.vector_load_idx %arg14[%parallel_loop3A_1417] : memref<144xf32, #tpu.memory_space<vmem>>[vector<16xi32>], vector<16xf32>,
      %parallel_loop3A_1419 = arith.constant 1 : i32
      %parallel_loop3A_1420 = arith.index_cast %parallel_loop3A_1419 : i32 to index
      %parallel_loop3A_1421 = arith.index_cast %parallel_loop3A_1342 : i32 to index
      %parallel_loop3A_1422 = arith.index_cast %parallel_loop3A_1382 : i32 to index
      %parallel_loop3A_1423 = arith.index_cast %parallel_loop3A_1400 : i32 to index
      %parallel_loop3A_1424 = tpu.vector_load %arg9[%parallel_loop3A_1420, %parallel_loop3A_1421, %parallel_loop3A_1422, %parallel_loop3A_1423] {strides = array<i32>} : memref<12x4x8x128xf32, #tpu.memory_space<vmem>>, vector<16xf32>,
      tpu.vector_store %arg9[%parallel_loop3A_1420, %parallel_loop3A_1421, %parallel_loop3A_1422, %parallel_loop3A_1423], %parallel_loop3A_1418 {strides = array<i32>} : memref<12x4x8x128xf32, #tpu.memory_space<vmem>>, vector<16xf32>,
      %parallel_loop3A_1425 = arith.constant 24 : i32
      %parallel_loop3A_1426 = vector.broadcast %parallel_loop3A_1425 : i32 to vector<16xi32>
      %parallel_loop3A_1427 = arith.addi %parallel_loop3A_1404, %parallel_loop3A_1426 : vector<16xi32>
      %parallel_loop3A_1428 = tpu.vector_load_idx %arg14[%parallel_loop3A_1427] : memref<144xf32, #tpu.memory_space<vmem>>[vector<16xi32>], vector<16xf32>,
      %parallel_loop3A_1429 = arith.constant 2 : i32
      %parallel_loop3A_1430 = arith.index_cast %parallel_loop3A_1429 : i32 to index
      %parallel_loop3A_1431 = arith.index_cast %parallel_loop3A_1342 : i32 to index
      %parallel_loop3A_1432 = arith.index_cast %parallel_loop3A_1382 : i32 to index
      %parallel_loop3A_1433 = arith.index_cast %parallel_loop3A_1400 : i32 to index
      %parallel_loop3A_1434 = tpu.vector_load %arg9[%parallel_loop3A_1430, %parallel_loop3A_1431, %parallel_loop3A_1432, %parallel_loop3A_1433] {strides = array<i32>} : memref<12x4x8x128xf32, #tpu.memory_space<vmem>>, vector<16xf32>,
      tpu.vector_store %arg9[%parallel_loop3A_1430, %parallel_loop3A_1431, %parallel_loop3A_1432, %parallel_loop3A_1433], %parallel_loop3A_1428 {strides = array<i32>} : memref<12x4x8x128xf32, #tpu.memory_space<vmem>>, vector<16xf32>,
      %parallel_loop3A_1435 = arith.constant 36 : i32
      %parallel_loop3A_1436 = vector.broadcast %parallel_loop3A_1435 : i32 to vector<16xi32>
      %parallel_loop3A_1437 = arith.addi %parallel_loop3A_1404, %parallel_loop3A_1436 : vector<16xi32>
      %parallel_loop3A_1438 = tpu.vector_load_idx %arg14[%parallel_loop3A_1437] : memref<144xf32, #tpu.memory_space<vmem>>[vector<16xi32>], vector<16xf32>,
      %parallel_loop3A_1439 = arith.constant 3 : i32
      %parallel_loop3A_1440 = arith.index_cast %parallel_loop3A_1439 : i32 to index
      %parallel_loop3A_1441 = arith.index_cast %parallel_loop3A_1342 : i32 to index
      %parallel_loop3A_1442 = arith.index_cast %parallel_loop3A_1382 : i32 to index
      %parallel_loop3A_1443 = arith.index_cast %parallel_loop3A_1400 : i32 to index
      %parallel_loop3A_1444 = tpu.vector_load %arg9[%parallel_loop3A_1440, %parallel_loop3A_1441, %parallel_loop3A_1442, %parallel_loop3A_1443] {strides = array<i32>} : memref<12x4x8x128xf32, #tpu.memory_space<vmem>>, vector<16xf32>,
      tpu.vector_store %arg9[%parallel_loop3A_1440, %parallel_loop3A_1441, %parallel_loop3A_1442, %parallel_loop3A_1443], %parallel_loop3A_1438 {strides = array<i32>} : memref<12x4x8x128xf32, #tpu.memory_space<vmem>>, vector<16xf32>,
      %parallel_loop3A_1445 = arith.constant 48 : i32
      %parallel_loop3A_1446 = vector.broadcast %parallel_loop3A_1445 : i32 to vector<16xi32>
      %parallel_loop3A_1447 = arith.addi %parallel_loop3A_1404, %parallel_loop3A_1446 : vector<16xi32>
      %parallel_loop3A_1448 = tpu.vector_load_idx %arg14[%parallel_loop3A_1447] : memref<144xf32, #tpu.memory_space<vmem>>[vector<16xi32>], vector<16xf32>,
      %parallel_loop3A_1449 = arith.constant 4 : i32
      %parallel_loop3A_1450 = arith.index_cast %parallel_loop3A_1449 : i32 to index
      %parallel_loop3A_1451 = arith.index_cast %parallel_loop3A_1342 : i32 to index
      %parallel_loop3A_1452 = arith.index_cast %parallel_loop3A_1382 : i32 to index
      %parallel_loop3A_1453 = arith.index_cast %parallel_loop3A_1400 : i32 to index
      %parallel_loop3A_1454 = tpu.vector_load %arg9[%parallel_loop3A_1450, %parallel_loop3A_1451, %parallel_loop3A_1452, %parallel_loop3A_1453] {strides = array<i32>} : memref<12x4x8x128xf32, #tpu.memory_space<vmem>>, vector<16xf32>,
      tpu.vector_store %arg9[%parallel_loop3A_1450, %parallel_loop3A_1451, %parallel_loop3A_1452, %parallel_loop3A_1453], %parallel_loop3A_1448 {strides = array<i32>} : memref<12x4x8x128xf32, #tpu.memory_space<vmem>>, vector<16xf32>,
      %parallel_loop3A_1455 = arith.constant 60 : i32
      %parallel_loop3A_1456 = vector.broadcast %parallel_loop3A_1455 : i32 to vector<16xi32>
      %parallel_loop3A_1457 = arith.addi %parallel_loop3A_1404, %parallel_loop3A_1456 : vector<16xi32>
      %parallel_loop3A_1458 = tpu.vector_load_idx %arg14[%parallel_loop3A_1457] : memref<144xf32, #tpu.memory_space<vmem>>[vector<16xi32>], vector<16xf32>,
      %parallel_loop3A_1459 = arith.constant 5 : i32
      %parallel_loop3A_1460 = arith.index_cast %parallel_loop3A_1459 : i32 to index
      %parallel_loop3A_1461 = arith.index_cast %parallel_loop3A_1342 : i32 to index
      %parallel_loop3A_1462 = arith.index_cast %parallel_loop3A_1382 : i32 to index
      %parallel_loop3A_1463 = arith.index_cast %parallel_loop3A_1400 : i32 to index
      %parallel_loop3A_1464 = tpu.vector_load %arg9[%parallel_loop3A_1460, %parallel_loop3A_1461, %parallel_loop3A_1462, %parallel_loop3A_1463] {strides = array<i32>} : memref<12x4x8x128xf32, #tpu.memory_space<vmem>>, vector<16xf32>,
      tpu.vector_store %arg9[%parallel_loop3A_1460, %parallel_loop3A_1461, %parallel_loop3A_1462, %parallel_loop3A_1463], %parallel_loop3A_1458 {strides = array<i32>} : memref<12x4x8x128xf32, #tpu.memory_space<vmem>>, vector<16xf32>,
      %parallel_loop3A_1465 = arith.constant 72 : i32
      %parallel_loop3A_1466 = vector.broadcast %parallel_loop3A_1465 : i32 to vector<16xi32>
      %parallel_loop3A_1467 = arith.addi %parallel_loop3A_1404, %parallel_loop3A_1466 : vector<16xi32>
      %parallel_loop3A_1468 = tpu.vector_load_idx %arg14[%parallel_loop3A_1467] : memref<144xf32, #tpu.memory_space<vmem>>[vector<16xi32>], vector<16xf32>,
      %parallel_loop3A_1469 = arith.constant 6 : i32
      %parallel_loop3A_1470 = arith.index_cast %parallel_loop3A_1469 : i32 to index
      %parallel_loop3A_1471 = arith.index_cast %parallel_loop3A_1342 : i32 to index
      %parallel_loop3A_1472 = arith.index_cast %parallel_loop3A_1382 : i32 to index
      %parallel_loop3A_1473 = arith.index_cast %parallel_loop3A_1400 : i32 to index
      %parallel_loop3A_1474 = tpu.vector_load %arg9[%parallel_loop3A_1470, %parallel_loop3A_1471, %parallel_loop3A_1472, %parallel_loop3A_1473] {strides = array<i32>} : memref<12x4x8x128xf32, #tpu.memory_space<vmem>>, vector<16xf32>,
      tpu.vector_store %arg9[%parallel_loop3A_1470, %parallel_loop3A_1471, %parallel_loop3A_1472, %parallel_loop3A_1473], %parallel_loop3A_1468 {strides = array<i32>} : memref<12x4x8x128xf32, #tpu.memory_space<vmem>>, vector<16xf32>,
      %parallel_loop3A_1475 = arith.constant 84 : i32
      %parallel_loop3A_1476 = vector.broadcast %parallel_loop3A_1475 : i32 to vector<16xi32>
      %parallel_loop3A_1477 = arith.addi %parallel_loop3A_1404, %parallel_loop3A_1476 : vector<16xi32>
      %parallel_loop3A_1478 = tpu.vector_load_idx %arg14[%parallel_loop3A_1477] : memref<144xf32, #tpu.memory_space<vmem>>[vector<16xi32>], vector<16xf32>,
      %parallel_loop3A_1479 = arith.constant 7 : i32
      %parallel_loop3A_1480 = arith.index_cast %parallel_loop3A_1479 : i32 to index
      %parallel_loop3A_1481 = arith.index_cast %parallel_loop3A_1342 : i32 to index
      %parallel_loop3A_1482 = arith.index_cast %parallel_loop3A_1382 : i32 to index
      %parallel_loop3A_1483 = arith.index_cast %parallel_loop3A_1400 : i32 to index
      %parallel_loop3A_1484 = tpu.vector_load %arg9[%parallel_loop3A_1480, %parallel_loop3A_1481, %parallel_loop3A_1482, %parallel_loop3A_1483] {strides = array<i32>} : memref<12x4x8x128xf32, #tpu.memory_space<vmem>>, vector<16xf32>,
      tpu.vector_store %arg9[%parallel_loop3A_1480, %parallel_loop3A_1481, %parallel_loop3A_1482, %parallel_loop3A_1483], %parallel_loop3A_1478 {strides = array<i32>} : memref<12x4x8x128xf32, #tpu.memory_space<vmem>>, vector<16xf32>,
      %parallel_loop3A_1485 = arith.constant 96 : i32
      %parallel_loop3A_1486 = vector.broadcast %parallel_loop3A_1485 : i32 to vector<16xi32>
      %parallel_loop3A_1487 = arith.addi %parallel_loop3A_1404, %parallel_loop3A_1486 : vector<16xi32>
      %parallel_loop3A_1488 = tpu.vector_load_idx %arg14[%parallel_loop3A_1487] : memref<144xf32, #tpu.memory_space<vmem>>[vector<16xi32>], vector<16xf32>,
      %parallel_loop3A_1489 = arith.constant 8 : i32
      %parallel_loop3A_1490 = arith.index_cast %parallel_loop3A_1489 : i32 to index
      %parallel_loop3A_1491 = arith.index_cast %parallel_loop3A_1342 : i32 to index
      %parallel_loop3A_1492 = arith.index_cast %parallel_loop3A_1382 : i32 to index
      %parallel_loop3A_1493 = arith.index_cast %parallel_loop3A_1400 : i32 to index
      %parallel_loop3A_1494 = tpu.vector_load %arg9[%parallel_loop3A_1490, %parallel_loop3A_1491, %parallel_loop3A_1492, %parallel_loop3A_1493] {strides = array<i32>} : memref<12x4x8x128xf32, #tpu.memory_space<vmem>>, vector<16xf32>,
      tpu.vector_store %arg9[%parallel_loop3A_1490, %parallel_loop3A_1491, %parallel_loop3A_1492, %parallel_loop3A_1493], %parallel_loop3A_1488 {strides = array<i32>} : memref<12x4x8x128xf32, #tpu.memory_space<vmem>>, vector<16xf32>,
      %parallel_loop3A_1495 = arith.constant 108 : i32
      %parallel_loop3A_1496 = vector.broadcast %parallel_loop3A_1495 : i32 to vector<16xi32>
      %parallel_loop3A_1497 = arith.addi %parallel_loop3A_1404, %parallel_loop3A_1496 : vector<16xi32>
      %parallel_loop3A_1498 = tpu.vector_load_idx %arg14[%parallel_loop3A_1497] : memref<144xf32, #tpu.memory_space<vmem>>[vector<16xi32>], vector<16xf32>,
      %parallel_loop3A_1499 = arith.constant 9 : i32
      %parallel_loop3A_1500 = arith.index_cast %parallel_loop3A_1499 : i32 to index
      %parallel_loop3A_1501 = arith.index_cast %parallel_loop3A_1342 : i32 to index
      %parallel_loop3A_1502 = arith.index_cast %parallel_loop3A_1382 : i32 to index
      %parallel_loop3A_1503 = arith.index_cast %parallel_loop3A_1400 : i32 to index
      %parallel_loop3A_1504 = tpu.vector_load %arg9[%parallel_loop3A_1500, %parallel_loop3A_1501, %parallel_loop3A_1502, %parallel_loop3A_1503] {strides = array<i32>} : memref<12x4x8x128xf32, #tpu.memory_space<vmem>>, vector<16xf32>,
      tpu.vector_store %arg9[%parallel_loop3A_1500, %parallel_loop3A_1501, %parallel_loop3A_1502, %parallel_loop3A_1503], %parallel_loop3A_1498 {strides = array<i32>} : memref<12x4x8x128xf32, #tpu.memory_space<vmem>>, vector<16xf32>,
      %parallel_loop3A_1505 = arith.constant 120 : i32
      %parallel_loop3A_1506 = vector.broadcast %parallel_loop3A_1505 : i32 to vector<16xi32>
      %parallel_loop3A_1507 = arith.addi %parallel_loop3A_1404, %parallel_loop3A_1506 : vector<16xi32>
      %parallel_loop3A_1508 = tpu.vector_load_idx %arg14[%parallel_loop3A_1507] : memref<144xf32, #tpu.memory_space<vmem>>[vector<16xi32>], vector<16xf32>,
      %parallel_loop3A_1509 = arith.constant 10 : i32
      %parallel_loop3A_1510 = arith.index_cast %parallel_loop3A_1509 : i32 to index
      %parallel_loop3A_1511 = arith.index_cast %parallel_loop3A_1342 : i32 to index
      %parallel_loop3A_1512 = arith.index_cast %parallel_loop3A_1382 : i32 to index
      %parallel_loop3A_1513 = arith.index_cast %parallel_loop3A_1400 : i32 to index
      %parallel_loop3A_1514 = tpu.vector_load %arg9[%parallel_loop3A_1510, %parallel_loop3A_1511, %parallel_loop3A_1512, %parallel_loop3A_1513] {strides = array<i32>} : memref<12x4x8x128xf32, #tpu.memory_space<vmem>>, vector<16xf32>,
      tpu.vector_store %arg9[%parallel_loop3A_1510, %parallel_loop3A_1511, %parallel_loop3A_1512, %parallel_loop3A_1513], %parallel_loop3A_1508 {strides = array<i32>} : memref<12x4x8x128xf32, #tpu.memory_space<vmem>>, vector<16xf32>,
      %parallel_loop3A_1515 = arith.constant 132 : i32
      %parallel_loop3A_1516 = vector.broadcast %parallel_loop3A_1515 : i32 to vector<16xi32>
      %parallel_loop3A_1517 = arith.addi %parallel_loop3A_1404, %parallel_loop3A_1516 : vector<16xi32>
      %parallel_loop3A_1518 = tpu.vector_load_idx %arg14[%parallel_loop3A_1517] : memref<144xf32, #tpu.memory_space<vmem>>[vector<16xi32>], vector<16xf32>,
      %parallel_loop3A_1519 = arith.constant 11 : i32
      %parallel_loop3A_1520 = arith.index_cast %parallel_loop3A_1519 : i32 to index
      %parallel_loop3A_1521 = arith.index_cast %parallel_loop3A_1342 : i32 to index
      %parallel_loop3A_1522 = arith.index_cast %parallel_loop3A_1382 : i32 to index
      %parallel_loop3A_1523 = arith.index_cast %parallel_loop3A_1400 : i32 to index
      %parallel_loop3A_1524 = tpu.vector_load %arg9[%parallel_loop3A_1520, %parallel_loop3A_1521, %parallel_loop3A_1522, %parallel_loop3A_1523] {strides = array<i32>} : memref<12x4x8x128xf32, #tpu.memory_space<vmem>>, vector<16xf32>,
      tpu.vector_store %arg9[%parallel_loop3A_1520, %parallel_loop3A_1521, %parallel_loop3A_1522, %parallel_loop3A_1523], %parallel_loop3A_1518 {strides = array<i32>} : memref<12x4x8x128xf32, #tpu.memory_space<vmem>>, vector<16xf32>,
    } {sc.loop_unroll_factor = 4 : i64, sc.parallel_access}
    %dma_start3A_1285 = arith.constant 24 : i32
    %dma_start3A_1286 = arith.constant 0 : i32
    %dma_start3A_1287 = arith.constant 0 : i32
    %dma_start3A_1288 = arith.constant 0 : i32
    %dma_start3A_1289 = tpu.memref_slice %arg6[%dma_start3A_1286, %dma_start3A_1285, %mul3A_2, %dma_start3A_1287, %dma_start3A_1288] : memref<12x25x128x8x128xf32, #tpu.memory_space<hbm>> -> memref<12x1x4x8x128xf32, #tpu.memory_space<hbm>>
    %dma_start3A_1290 = tpu.memref_squeeze %dma_start3A_1289 : memref<12x1x4x8x128xf32, #tpu.memory_space<hbm>> -> memref<12x4x8x128xf32, #tpu.memory_space<hbm>>
    %dma_start3A_1291 = arith.constant 0 : i32
    %dma_start3A_1292 = arith.constant 0 : i32
    %dma_start3A_1293 = arith.constant 0 : i32
    %dma_start3A_1294 = tpu.memref_slice %arg6[%dma_start3A_1291, %dma_start3A_1285, %mul3A_2, %dma_start3A_1292, %dma_start3A_1293] : memref<12x25x128x8x128xf32, #tpu.memory_space<hbm>> -> memref<12x1x4x8x128xf32, #tpu.memory_space<hbm>>
    %dma_start3A_1295 = tpu.memref_squeeze %dma_start3A_1294 : memref<12x1x4x8x128xf32, #tpu.memory_space<hbm>> -> memref<12x4x8x128xf32, #tpu.memory_space<hbm>>
    tpu.enqueue_dma source(%arg9 : memref<12x4x8x128xf32, #tpu.memory_space<vmem>>) target(%dma_start3A_1295 : memref<12x4x8x128xf32, #tpu.memory_space<hbm>>) target_semaphore(%arg17 : memref<!tpu.dma_semaphore, #tpu.memory_space<semaphore_mem>>)
    %dma_wait3A_1296 = arith.constant 24 : i32
    %dma_wait3A_1297 = arith.constant 0 : i32
    %dma_wait3A_1298 = arith.constant 0 : i32
    %dma_wait3A_1299 = arith.constant 0 : i32
    %dma_wait3A_1300 = tpu.memref_slice %arg6[%dma_wait3A_1297, %dma_wait3A_1296, %mul3A_2, %dma_wait3A_1298, %dma_wait3A_1299] : memref<12x25x128x8x128xf32, #tpu.memory_space<hbm>> -> memref<12x1x4x8x128xf32, #tpu.memory_space<hbm>>
    %dma_wait3A_1301 = tpu.memref_squeeze %dma_wait3A_1300 : memref<12x1x4x8x128xf32, #tpu.memory_space<hbm>> -> memref<12x4x8x128xf32, #tpu.memory_space<hbm>>
    %dma_wait3A_1302 = arith.constant 0 : i32
    %dma_wait3A_1303 = arith.constant 0 : i32
    %dma_wait3A_1304 = arith.constant 0 : i32
    %dma_wait3A_1305 = tpu.memref_slice %arg6[%dma_wait3A_1302, %dma_wait3A_1296, %mul3A_2, %dma_wait3A_1303, %dma_wait3A_1304] : memref<12x25x128x8x128xf32, #tpu.memory_space<hbm>> -> memref<12x1x4x8x128xf32, #tpu.memory_space<hbm>>
    %dma_wait3A_1306 = tpu.memref_squeeze %dma_wait3A_1305 : memref<12x1x4x8x128xf32, #tpu.memory_space<hbm>> -> memref<12x4x8x128xf32, #tpu.memory_space<hbm>>
    tpu.wait_dma2 semaphore(%arg18 : memref<!tpu.dma_semaphore, #tpu.memory_space<semaphore_mem>>) src(%arg10 : memref<12x4x8x128xf32, #tpu.memory_space<vmem>>) dst(%dma_wait3A_1306 : memref<12x4x8x128xf32, #tpu.memory_space<hbm>>)
    %dma_wait3A_1307 = arith.constant 24 : i32
    %dma_wait3A_1308 = arith.constant 0 : i32
    %dma_wait3A_1309 = arith.constant 0 : i32
    %dma_wait3A_1310 = arith.constant 0 : i32
    %dma_wait3A_1311 = tpu.memref_slice %arg6[%dma_wait3A_1308, %dma_wait3A_1307, %mul3A_2, %dma_wait3A_1309, %dma_wait3A_1310] : memref<12x25x128x8x128xf32, #tpu.memory_space<hbm>> -> memref<12x1x4x8x128xf32, #tpu.memory_space<hbm>>
    %dma_wait3A_1312 = tpu.memref_squeeze %dma_wait3A_1311 : memref<12x1x4x8x128xf32, #tpu.memory_space<hbm>> -> memref<12x4x8x128xf32, #tpu.memory_space<hbm>>
    %dma_wait3A_1313 = arith.constant 0 : i32
    %dma_wait3A_1314 = arith.constant 0 : i32
    %dma_wait3A_1315 = arith.constant 0 : i32
    %dma_wait3A_1316 = tpu.memref_slice %arg6[%dma_wait3A_1313, %dma_wait3A_1307, %mul3A_2, %dma_wait3A_1314, %dma_wait3A_1315] : memref<12x25x128x8x128xf32, #tpu.memory_space<hbm>> -> memref<12x1x4x8x128xf32, #tpu.memory_space<hbm>>
    %dma_wait3A_1317 = tpu.memref_squeeze %dma_wait3A_1316 : memref<12x1x4x8x128xf32, #tpu.memory_space<hbm>> -> memref<12x4x8x128xf32, #tpu.memory_space<hbm>>
    tpu.wait_dma2 semaphore(%arg17 : memref<!tpu.dma_semaphore, #tpu.memory_space<semaphore_mem>>) src(%arg9 : memref<12x4x8x128xf32, #tpu.memory_space<vmem>>) dst(%dma_wait3A_1317 : memref<12x4x8x128xf32, #tpu.memory_space<hbm>>)
    return
  }
}

</mosaic_0001>

<sc_bundles>
// kernel: kernel.3.cloned.1.call-start
scs
__scs_entry_jumppad:
0x0: {  	(pc) =	sbr.rel $0x88, $3  }
0x1: {  	(tag) =	ssettag $0x0;
	lr =	simm.s32 $0x1  }
0x2: {  	[smem:$0x3F9D] =	sst lr;
	_ =	strace $0xD0000000  }
0x3: {  	_ = 	snop  }
0x4: {  	_ = 	snop  }
0x5: {  	_ = 	snop  }
0x6: {  	_ = 	snop  }
0x7: {  	_ = 	snop  }
__scs_overlays_trampoline_lowered:
0x8: {  	[smem:$0x3FAC] =	sst s0  }
0x9: {  	[smem:$0x3FAD] =	sst s1  }
0xa: {  	[smem:$0x3FAE] =	sst s2  }
0xb: {  	[smem:$0x3FAF] =	sst s3  }
0xc: {  	[smem:$0x3FB0] =	sst s4  }
0xd: {  	[smem:$0x3FB1] =	sst s5  }
0xe: {  	[smem:$0x3FB2] =	sst s6  }
0xf: {  	[smem:$0x3FB3] =	sst s7  }
0x10: {  	[smem:$0x3FB4] =	sst s8  }
0x11: {  	[smem:$0x3FB5] =	sst s9;
	s0 =	simm.s32 @!p0 $0x0  }
0x12: {  	s1 =	sld [smem:$0x3F9B];
	s0 =	simm.s32 @p0 $0x1  }
0x13: {  	[smem:$0x3FB6] =	sst s0;
	s0 =	simm.s32 @!p1 $0x0  }
0x14: {  	s2 =	sld [smem:$0x3F9A];
	s0 =	simm.s32 @p1 $0x1  }
0x15: {  	[smem:$0x3FB7] =	sst s0;
	s0 =	simm.s32 @!p2 $0x0  }
0x16: {  	s3 =	sld [smem:$0x3FDB];
	s0 =	simm.s32 @p2 $0x1  }
0x17: {  	s4 =	simm.s32 $0x1BF5;
	[smem:$0x3FB9] =	sst s0  }
0x18: {  	s0 =	sld [smem:$0x3F9C];
	_ =	swait.ge [sflag:s4], $0x0  }
0x19: {  	s7 =	sld [smem:$0x3F9D]  }
0x1a: {  	s8 =	sadd.s32 $0xFFFFE003, lr  }
0x1b: {  	s9 =	sadd.s32 $0xFFFFFEF7, lr;
	s5 =	simm.s32 $0xFFFFFFFF;
	p2 =	slt.u32 s8, $0xFFFFF086  }
0x1c: {  	p1 =	slt.u32 s9, $0xF7A;
	s5 =	simm.s32 @!p2 $0x0  }
0x1d: {  	s5 =	simm.s32 @p1 $0x1;
	p0 =	seq.s32 s7, s2  }
0x1e: {  	s7 =	smul.u32 @!p0 $0xF7A, s2;
	p2 =	seq.s32 @!p0 s5, $0x0  }
0x1f: {  	s9 =	smul.u32 $0xF7A, s1;
	s8 =	simm.s32 @!p0 $0x1BF5;
	p2 =	por !p2, p0  }
0x20: {  	[sflag:s8] =	ssyncset.s32 @!p0 $0xFFFFF086;
	s6 =	sadd.s32 @!p0 s3, s7;
	s7 =	simm.s32 @!p0 $0x108  }
0x21: {  	s3 =	sadd.s32 s3, s9;
	s6 =	sadd.s32 @!p0 $0x88, s6;
	s7 =	simm.s32 @p2 $0x1082  }
0x22: {  	[simem:s7], [sflag:s8] =	dma.local @!p0 [hbm:s6], $0xF7A  }
0x23: {  	s9 =	sor.u32 $0xD0000000, s2;
	s6 =	simm.s32 $0x108;
	_ =	swait.ge @!p0 [sflag:s8], $0x0  }
0x24: {  	s3 =	sadd.s32 $0x88, s3;
	s6 =	simm.s32 @!p1 $0x1082;
	[sflag:s4] =	ssyncset.s32 $0xFFFFF086  }
0x25: {  	[simem:s6], [sflag:s4] =	dma.local [hbm:s3], $0xF7A  }
0x26: {  	[smem:$0x3F9D] =	sst s1;
	(tag) =	ssettag s2;
	_ =	strace s9  }
0x27: {  	s1 =	sld [smem:$0x3FAD]  }
0x28: {  	s2 =	sld [smem:$0x3FAE]  }
0x29: {  	s4 =	sld [smem:$0x3FB0]  }
0x2a: {  	p0 =	seq.s32 s5, $0x0;
	s5 =	sld [smem:$0x3FB1]  }
0x2b: {  	s6 =	sld [smem:$0x3FB2]  }
0x2c: {  	s7 =	sld [smem:$0x3FB3]  }
0x2d: {  	s3 =	simm.s32 $0x108;
	s8 =	sld [smem:$0x3FB4]  }
0x2e: {  	s3 =	simm.s32 @!p0 $0x1082;
	s9 =	sld [smem:$0x3FB5]  }
0x2f: {  	lr =	sadd.s32 s0, s3;
	s0 =	sld [smem:$0x3FAC]  }
0x30: {  	s3 =	sld [smem:$0x3FAF]  }
0x31: {  	[smem:$0x3FB8] =	sst s10  }
0x32: {  	s10 =	sld [smem:$0x3FB6];
	_ =	sdelay $0x3  }
0x33: {  	p0 =	seq.s32 s10, $0x1;
	s10 =	sld [smem:$0x3FB8];
	_ =	sdelay $0x3  }
0x34: {  	[smem:$0x3FB8] =	sst s10  }
0x35: {  	s10 =	sld [smem:$0x3FB7];
	_ =	sdelay $0x3  }
0x36: {  	p1 =	seq.s32 s10, $0x1;
	s10 =	sld [smem:$0x3FB8];
	_ =	sdelay $0x3  }
0x37: {  	[smem:$0x3FB8] =	sst s10  }
0x38: {  	s10 =	sld [smem:$0x3FB9]  }
0x39: {  	_ = 	snop;
	(pc) =	sbr.ind lr, $3  }
0x3a: {  	_ = 	snop  }
0x3b: {  	_ = 	snop  }
0x3c: {  	p2 =	seq.s32 s10, $0x1;
	s10 =	sld [smem:$0x3FB8]  }
0x3d: {  	_ =	shalt  }
0x3e: {  	_ =	shalt  }
0x3f: {  	_ =	shalt  }
0x40: {  	_ =	shalt  }
0x41: {  	_ =	shalt  }
0x42: {  	_ =	shalt  }
0x43: {  	_ =	shalt  }
0x44: {  	_ =	shalt  }
0x45: {  	_ =	shalt  }
0x46: {  	_ =	shalt  }
0x47: {  	_ =	shalt  }
0x48: {  	_ =	shalt  }
0x49: {  	_ =	shalt  }
0x4a: {  	_ =	shalt  }
0x4b: {  	_ =	shalt  }
0x4c: {  	_ =	shalt  }
0x4d: {  	_ =	shalt  }
0x4e: {  	_ =	shalt  }
0x4f: {  	_ =	shalt  }
0x50: {  	_ =	shalt  }
0x51: {  	_ =	shalt  }
0x52: {  	_ =	shalt  }
0x53: {  	_ =	shalt  }
0x54: {  	_ =	shalt  }
0x55: {  	_ =	shalt  }
0x56: {  	_ =	shalt  }
0x57: {  	_ =	shalt  }
0x58: {  	_ =	shalt  }
0x59: {  	_ =	shalt  }
0x5a: {  	_ =	shalt  }
0x5b: {  	_ =	shalt  }
0x5c: {  	_ =	shalt  }
0x5d: {  	_ =	shalt  }
0x5e: {  	_ =	shalt  }
0x5f: {  	_ =	shalt  }
0x60: {  	_ =	shalt  }
0x61: {  	_ =	shalt  }
0x62: {  	_ =	shalt  }
0x63: {  	_ =	shalt  }
0x64: {  	_ =	shalt  }
0x65: {  	_ =	shalt  }
0x66: {  	_ =	shalt  }
0x67: {  	_ =	shalt  }
0x68: {  	_ =	shalt  }
0x69: {  	_ =	shalt  }
0x6a: {  	_ =	shalt  }
0x6b: {  	_ =	shalt  }
0x6c: {  	_ =	shalt  }
0x6d: {  	_ =	shalt  }
0x6e: {  	_ =	shalt  }
0x6f: {  	_ =	shalt  }
0x70: {  	_ =	shalt  }
0x71: {  	_ =	shalt  }
0x72: {  	_ =	shalt  }
0x73: {  	_ =	shalt  }
0x74: {  	_ =	shalt  }
0x75: {  	_ =	shalt  }
0x76: {  	_ =	shalt  }
0x77: {  	_ =	shalt  }
0x78: {  	_ =	shalt  }
0x79: {  	_ =	shalt  }
0x7a: {  	_ =	shalt  }
0x7b: {  	_ =	shalt  }
0x7c: {  	_ =	shalt  }
0x7d: {  	_ =	shalt  }
0x7e: {  	_ =	shalt  }
0x7f: {  	_ =	shalt  }
0x80: {  	_ =	shalt  }
0x81: {  	_ =	shalt  }
0x82: {  	_ =	shalt  }
0x83: {  	_ =	shalt  }
0x84: {  	_ =	shalt  }
0x85: {  	_ =	shalt  }
0x86: {  	_ =	shalt  }
0x87: {  	_ =	shalt  }
.Lfunc_end0:
.L_simem_size_0:
called_computation_lowered:
.L_overlay_start_0:
0x88: {  	s2 =	sld [smem:$0x3FD9]  }
0x89: {  	s3 =	sld [smem:$0x3FFE];
	_ =	sdelay $0x1  }
0x8a: {  	s1 =	srdreg.scid  }
0x8b: {  	s0 =	sand.u32 $0x1, s1  }
0x8c: {  	s17 =	sshll.u32 s0, $0xA;
	s2 =	sadd.s32 s3, s2  }
0x8d: {  	s2 =	sadd.s32 s2, s17  }
0x8e: {  	[smem:$0x3FC4] =	sst s2  }
0x8f: {  	_ = 	snop  }
0x90: {  	s2 =	sld [smem:$0x3FC9]  }
0x91: {  	s18 =	sld [smem:$0x3FC6]  }
0x92: {  	s4 =	sld [smem:$0x3FD0];
	(tm) =	ssettm $0x1  }
0x93: {  	s5 =	sld [smem:$0x3FFB];
	_ =	sdelay $0x3  }
0x94: {  	_ =	strace s5  }
0x95: {  	s5 =	sld [smem:$0x3FFC];
	_ =	sdelay $0x3  }
0x96: {  	_ =	strace s5  }
0x97: {  	s5 =	sld [smem:$0x3FFD];
	_ =	sdelay $0x3  }
0x98: {  	_ =	strace s5  }
0x99: {  	_ =	strace $0x8FFFFFFF  }
0x9a: {  	s19 =	sld [smem:$0x3FDB];
	_ =	sdelay $0x1  }
0x9b: {  	s6 =	simm.s32 $_scs_section_size  }
0x9c: {  	s7 =	simm.s32 $_size__tile_overlayer_lowered;
	s8 =	simm.s32 $_tile_overlayer_lowered  }
0x9d: {  	s22 =	simm.s32 $0x1BFF;
	s21 =	sshll.u32 s8, $0x1;
	s5 =	sadd.s32 s6, s19  }
0x9e: {  	s9 =	simm.s32 $0x0;
	s20 =	sshll.u32 s7, $0x1;
	s7 =	sadd.s32 s21, s5  }
0x9f: {  	[timem:s9], [sflag:s22] =	dma.local [hbm:s7], s20  }
0xa0: {  	_ =	swait.ge [sflag:s22], s20  }
0xa1: {  	s6 =	ssub.s32 $0x0, s20;
	[sflag:s22] =	ssyncset.done $0x0  }
0xa2: {  	[sflag:s22] =	ssyncadd.s32 s6;
	_ =	sdelay $0x1  }
0xa3: {  	s23 =	simm.s32 $0x1B8B  }
0xa4: {  	_ =	swait.ge [sflag:s23], $0x1  }
0xa5: {  	[sflag:s23] =	ssyncset.done $0x0  }
0xa6: {  	s25 =	simm.s32 $0x1B8E;
	s24 =	sld [smem:$0x3FFE];
	[sflag:s23] =	ssyncadd.s32 $0xFFFFFFFF  }
0xa7: {  	s26 =	simm.s32 $execute0_lowered;
	[smem:$0x3FD2] =	sst s25  }
0xa8: {  	s7 =	sshll.u32 s26, $0x1;
	_ =	strace $0x80000046;
	[dreg:$0x1] =	wrdreg $0xFFFFFFFF  }
0xa9: {  	s28 =	simm.s32 $_size_execute0_lowered;
	s5 =	sadd.s32 s5, s7;
	[dreg:$0x0] =	wrdreg $0x0  }
0xaa: {  	s7 =	sshll.u32 s28, $0x1;
	[dreg:$0x2] =	wrdreg s5  }
0xab: {  	[dreg:$0x3] =	wrdreg s7  }
0xac: {  	[dreg:$0x4] =	wrdreg $0xC0  }
0xad: {  	_ =	task [dreg:s9], $0x5FFFF  }
0xae: {  	[dreg:$0x1] =	wrdreg $0xFFFFFFFF  }
0xaf: {  	[dreg:$0x0] =	wrdreg $0x60  }
0xb0: {  	[dreg:$0x2] =	wrdreg s2  }
0xb1: {  	[dreg:$0x3] =	wrdreg s24  }
0xb2: {  	[dreg:$0x4] =	wrdreg s18  }
0xb3: {  	[dreg:$0x5] =	wrdreg s4  }
0xb4: {  	[dreg:$0x6] =	wrdreg $0x9  }
0xb5: {  	_ =	task.clear_ibuf [dreg:s9], $0x7FFFF;
	_ =	strace $0x90000046  }
0xb6: {  	s29 =	simm.s32 $0x9;
	_ =	strace $0x80000048  }
0xb7: {  	_ =	swait.ge [sflag:s29], $0x1  }
0xb8: {  	[sflag:s29] =	ssyncadd.s32 $0xFFFFFFFF  }
0xb9: {  	_ =	strace $0x90000048  }
0xba: {  	_ =	sfence  }
0xbb: {  	s30 =	sld [smem:$0x0];
	_ =	sdelay $0x2  }
0xbc: {  	s31 =	sshll.u32 s1, $0xD;
	s1 =	sshrl.u32 s1, $0x2  }
0xbd: {  	s3 =	sand.u32 $0x4000, s31;
	s1 =	sadd.s32 s1, s30  }
0xbe: {  	s0 =	sor.u32 s3, s0;
	s1 =	sshll.u32 s1, $0x11  }
0xbf: {  	s0 =	sor.u32 s1, s0  }
0xc0: {  	s0 =	sadd.s32 $0x8F2B, s0  }
0xc1: {  	[sflag:s0] =	ssyncadd.remote.s32 $0x1  }
0xc2: {  	_ =	sfence.sel $0xFFFF  }
0xc3: {  	[dreg:$0x0] =	wrdreg $0xFFFFFFFF;
	(pc) =	sbr.abs _section_cstart, $3  }
0xc4: {  	[dreg:$0x1] =	wrdreg $0xFFFFFFFF  }
0xc5: {  	_ =	task.clear_ibuf [dreg:s9], $0x2FFFF;
	_ =	strace $0x9FFFFFFF  }
0xc6: {  	(tm) =	ssettm $0x7FFFFFFF  }
0xc7: {  	_ =	shalt  }
tec
execute0_lowered:
.L_overlay_start_1:
0x0: {  	(tag) =	ssettag $0x1  }
0x1: {  	vm0 =	vcmask $0x2F00;
	v0 =	vimm.s32 $0x1;
	v1 =	vimm.s32 $0x18100800  }
0x2: {  	v2 =	vimm.s32 $0x38302820;
	v3 =	vimm.s32 $0x58504840;
	vm1 =	vcmask $0x1F10  }
0x3: {  	v4 =	vimm.s32 $0x59514941;
	v5 =	vimm.s32 $0x5A524A42;
	v1 =	vunpack.c.0.s8.s32 v1  }
0x4: {  	v2 =	vunpack.c.0.s8.s32 v2;
	v3 =	vunpack.c.0.s8.s32 v3;
	v0 =	vsel vm0, $0x0, v0  }
0x5: {  	v9 =	vunpack.c.0.s8.s32 v4;
	v4 =	vimm.s32 $0x3A322A22;
	[tilespmem:$0x1FB50] =	vst v0;
	v0 =	vimm.s32 $0x8  }
0x6: {  	v5 =	vunpack.c.0.s8.s32 v5;
	v0 =	vsel vm0, $0x0, v0;
	v6 =	vsel vm1, v2, v1  }
0x7: {  	v7 =	vsel vm1, v1, v3;
	v1 =	vimm.s32 $0x39312921;
	[tilespmem:$0x1FB60] =	vst v0;
	v0 =	vimm.s32 $0x19110901  }
0x8: {  	[tilespmem:$0x1FB80] =	vst v9;
	v8 =	vunpack.c.0.s8.s32 v1;
	v1 =	vimm.s32 $0x1A120A02;
	v0 =	vunpack.c.0.s8.s32 v0  }
0x9: {  	v4 =	vunpack.c.0.s8.s32 v4;
	[tilespmem:$0x1FBB0] =	vst v5;
	v1 =	vunpack.c.0.s8.s32 v1  }
0xa: {  	[tilespmem:$0x1FB70] =	vst v8;
	v8 =	vsel vm1, v8, v0;
	v9 =	vsel vm1, v0, v9  }
0xb: {  	[tilespmem:$0x1FBA0] =	vst v4;
	v0 =	vimm.s32 $0xA;
	v10 =	vsel vm1, v4, v1;
	v11 =	vsel vm1, v1, v5  }
0xc: {  	v1 =	vimm.s32 $0x3B332B23;
	v4 =	vimm.s32 $0x5B534B43;
	v5 =	vimm.s32 $0x5C544C44  }
0xd: {  	v0 =	vsel vm0, $0x2, v0;
	v12 =	vunpack.c.0.s8.s32 v1;
	v13 =	vunpack.c.0.s8.s32 v4  }
0xe: {  	v1 =	vimm.s32 $0x1C140C04;
	v4 =	vimm.s32 $0x3C342C24;
	v5 =	vunpack.c.0.s8.s32 v5  }
0xf: {  	[tilespmem:$0x1FB90] =	vst v0;
	v0 =	vimm.s32 $0x1B130B03;
	v1 =	vunpack.c.0.s8.s32 v1;
	v4 =	vunpack.c.0.s8.s32 v4  }
0x10: {  	v0 =	vunpack.c.0.s8.s32 v0  }
0x11: {  	[tilespmem:$0x1FBC0] =	vst v12;
	v14 =	vsel vm1, v4, v1;
	v15 =	vsel vm1, v1, v5  }
0x12: {  	[tilespmem:$0x1FBF0] =	vst v4;
	v1 =	vimm.s32 $0x1D150D05;
	v4 =	vimm.s32 $0x3D352D25;
	v12 =	vsel vm1, v12, v0  }
0x13: {  	[tilespmem:$0x1FBD0] =	vst v13;
	v13 =	vsel vm1, v0, v13;
	v0 =	vimm.s32 $0xC;
	v1 =	vunpack.c.0.s8.s32 v1  }
0x14: {  	[tilespmem:$0x1FC00] =	vst v5;
	v16 =	vunpack.c.0.s8.s32 v4;
	v4 =	vimm.s32 $0x5D554D45;
	v0 =	vsel vm0, $0x4, v0  }
0x15: {  	v17 =	vunpack.c.0.s8.s32 v4;
	[tilespmem:$0x1FBE0] =	vst v0  }
0x16: {  	v0 =	vimm.s32 $0xD;
	[tilespmem:$0x1FC20] =	vst v16;
	v16 =	vsel vm1, v16, v1  }
0x17: {  	v0 =	vsel vm0, $0x5, v0;
	[tilespmem:$0x1FC30] =	vst v17;
	v17 =	vsel vm1, v1, v17;
	v1 =	vimm.s32 $0xE  }
0x18: {  	v5 =	vimm.s32 $0x3E362E26;
	v4 =	vimm.s32 $0x1E160E06;
	[tilespmem:$0x1FC10] =	vst v0;
	v1 =	vsel vm0, $0x6, v1  }
0x19: {  	v0 =	vunpack.c.0.s8.s32 v4;
	v4 =	vunpack.c.0.s8.s32 v5;
	[tilespmem:$0x1FC40] =	vst v1;
	v1 =	vimm.s32 $0x5E564E46  }
0x1a: {  	v5 =	vunpack.c.0.s8.s32 v1  }
0x1b: {  	[tilespmem:$0x1FC50] =	vst v4;
	v18 =	vsel vm1, v4, v0;
	v1 =	vimm.s32 $0x1F170F07;
	v4 =	vimm.s32 $0x3F372F27  }
0x1c: {  	v1 =	vunpack.c.0.s8.s32 v1;
	v20 =	vsel vm1, v0, v5;
	v0 =	vimm.s32 $0xF  }
0x1d: {  	v19 =	vunpack.c.0.s8.s32 v4;
	v4 =	vimm.s32 $0x5F574F47;
	v0 =	vsel vm0, $0x7, v0  }
0x1e: {  	vm2 =	vcmask $0xF00;
	v4 =	vunpack.c.0.s8.s32 v4;
	[tilespmem:$0x1FC70] =	vst v0;
	v0 =	vlaneseq.u32  }
0x1f: {  	[tilespmem:$0x1FC80] =	vst v19;
	v19 =	vsel vm1, v19, v1;
	v37 =	vshrl.u32 v0, $0x3;
	v0 =	vimm.s32 $0x3  }
0x20: {  	v21 =	vsel vm1, v1, v4;
	v1 =	vimm.s32 $0x18;
	v0 =	vsel vm2, $0x2, v0  }
0x21: {  	[tilespmem:$0x1FCA0] =	vst v0;
	v0 =	vsel vm2, $0x10, v1  }
0x22: {  	[tilespmem:$0x1FCB0] =	vst v0;
	v0 =	vimm.s32 $0x19  }
0x23: {  	v0 =	vsel vm2, $0x11, v0  }
0x24: {  	[tilespmem:$0x1FCC0] =	vst v0;
	v0 =	vimm.s32 $0x1A  }
0x25: {  	v1 =	vimm.s32 $0x1B;
	v0 =	vsel vm2, $0x12, v0  }
0x26: {  	[tilespmem:$0x1FCD0] =	vst v0;
	v0 =	vsel vm2, $0x13, v1  }
0x27: {  	[tilespmem:$0x1FCE0] =	vst v0;
	v0 =	vimm.s32 $0x1C  }
0x28: {  	v0 =	vsel vm2, $0x14, v0  }
0x29: {  	[tilespmem:$0x1FCF0] =	vst v0;
	v0 =	vimm.s32 $0x1D  }
0x2a: {  	v1 =	vimm.s32 $0x1E;
	v0 =	vsel vm2, $0x15, v0  }
0x2b: {  	[tilespmem:$0x1FD00] =	vst v0;
	v0 =	vsel vm2, $0x16, v1  }
0x2c: {  	[tilespmem:$0x1FD10] =	vst v0;
	v0 =	vimm.s32 $0x1F  }
0x2d: {  	v0 =	vsel vm2, $0x17, v0  }
0x2e: {  	[tilespmem:$0x1FD20] =	vst v0;
	v0 =	vimm.s32 $0x5  }
0x2f: {  	v1 =	vimm.s32 $0x28;
	v0 =	vsel vm0, $0x4, v0  }
0x30: {  	[tilespmem:$0x1FD30] =	vst v0;
	v0 =	vsel vm0, $0x20, v1  }
0x31: {  	[tilespmem:$0x1FD40] =	vst v0;
	v0 =	vimm.s32 $0x29  }
0x32: {  	v0 =	vsel vm0, $0x21, v0  }
0x33: {  	[tilespmem:$0x1FD50] =	vst v0;
	v0 =	vimm.s32 $0x2A  }
0x34: {  	v1 =	vimm.s32 $0x2B;
	v0 =	vsel vm0, $0x22, v0  }
0x35: {  	[tilespmem:$0x1FD60] =	vst v0;
	v0 =	vsel vm0, $0x23, v1  }
0x36: {  	[tilespmem:$0x1FD70] =	vst v0;
	v0 =	vimm.s32 $0x2C  }
0x37: {  	v0 =	vsel vm0, $0x24, v0  }
0x38: {  	[tilespmem:$0x1FD80] =	vst v0;
	v0 =	vimm.s32 $0x2D  }
0x39: {  	v1 =	vimm.s32 $0x2E;
	v0 =	vsel vm0, $0x25, v0  }
0x3a: {  	[tilespmem:$0x1FD90] =	vst v0;
	v0 =	vsel vm0, $0x26, v1  }
0x3b: {  	[tilespmem:$0x1FDA0] =	vst v0;
	v0 =	vimm.s32 $0x2F  }
0x3c: {  	v0 =	vsel vm0, $0x27, v0  }
0x3d: {  	[tilespmem:$0x1FDB0] =	vst v0;
	v0 =	vimm.s32 $0x7  }
0x3e: {  	v1 =	vimm.s32 $0x38;
	v0 =	vsel vm2, $0x6, v0  }
0x3f: {  	[tilespmem:$0x1FDC0] =	vst v0;
	v0 =	vsel vm2, $0x30, v1  }
0x40: {  	[tilespmem:$0x1FDD0] =	vst v0;
	v0 =	vimm.s32 $0x39  }
0x41: {  	v0 =	vsel vm2, $0x31, v0  }
0x42: {  	[tilespmem:$0x1FDE0] =	vst v0;
	v0 =	vimm.s32 $0x3A  }
0x43: {  	v1 =	vimm.s32 $0x3B;
	v0 =	vsel vm2, $0x32, v0  }
0x44: {  	[tilespmem:$0x1FDF0] =	vst v0;
	v0 =	vsel vm2, $0x33, v1  }
0x45: {  	[tilespmem:$0x1FE00] =	vst v0;
	v0 =	vimm.s32 $0x3C  }
0x46: {  	v0 =	vsel vm2, $0x34, v0  }
0x47: {  	[tilespmem:$0x1FE10] =	vst v0;
	v0 =	vimm.s32 $0x3D  }
0x48: {  	v1 =	vimm.s32 $0x3E;
	v0 =	vsel vm2, $0x35, v0  }
0x49: {  	[tilespmem:$0x1FE20] =	vst v0;
	v0 =	vsel vm2, $0x36, v1  }
0x4a: {  	[tilespmem:$0x1FE30] =	vst v0;
	v0 =	vimm.s32 $0x3F  }
0x4b: {  	v0 =	vsel vm2, $0x37, v0  }
0x4c: {  	[tilespmem:$0x1FE40] =	vst v0;
	v0 =	vimm.s32 $0x48  }
0x4d: {  	v1 =	vimm.s32 $0x49;
	v0 =	vsel vm0, $0x40, v0  }
0x4e: {  	[tilespmem:$0x1FE50] =	vst v0;
	v0 =	vsel vm0, $0x41, v1  }
0x4f: {  	[tilespmem:$0x1FE60] =	vst v0;
	v0 =	vimm.s32 $0x4A  }
0x50: {  	v0 =	vsel vm0, $0x42, v0  }
0x51: {  	[tilespmem:$0x1FE70] =	vst v0;
	v0 =	vimm.s32 $0x4B  }
0x52: {  	v1 =	vimm.s32 $0x4C;
	v0 =	vsel vm0, $0x43, v0  }
0x53: {  	[tilespmem:$0x1FE80] =	vst v0;
	v0 =	vsel vm0, $0x44, v1  }
0x54: {  	[tilespmem:$0x1FE90] =	vst v0;
	v0 =	vimm.s32 $0x4D  }
0x55: {  	[tilespmem:$0x1FC60] =	vst v5;
	v0 =	vsel vm0, $0x45, v0  }
0x56: {  	[tilespmem:$0x1FEA0] =	vst v0;
	v0 =	vimm.s32 $0x4E  }
0x57: {  	s4 =	rddreg [dreg:$0x0];
	[tilespmem:$0x1FC90] =	vst v4;
	v1 =	vimm.s32 $0x4F;
	v0 =	vsel vm0, $0x46, v0  }
0x58: {  	s0 =	rddreg [dreg:$0x1];
	s3 =	simm.s32 $0x0;
	[tilespmem:$0x1FEB0] =	vst v0;
	v0 =	vsel vm0, $0x47, v1  }
0x59: {  	[smem:$0x7FF] =	sst s3;
	[tilespmem:$0x1FEC0] =	vst v0;
	v0 =	vimm.s32 $0x58  }
0x5a: {  	s5 =	rddreg [dreg:$0x3];
	_ =	strace $0x80000047;
	v0 =	vsel vm2, $0x50, v0;
	[tilespmem:$0x1FF50] =	vst v6  }
0x5b: {  	[tilespmem:$0x1FED0] =	vst v0;
	v0 =	vimm.s32 $0x59  }
0x5c: {  	v1 =	vimm.s32 $0x5A;
	[tilespmem:$0x1FF60] =	vst v7;
	v0 =	vsel vm2, $0x51, v0  }
0x5d: {  	[tilespmem:$0x1FEE0] =	vst v0;
	v0 =	vsel vm2, $0x52, v1  }
0x5e: {  	[tilespmem:$0x1FEF0] =	vst v0;
	v0 =	vimm.s32 $0x5B  }
0x5f: {  	[tilespmem:$0x1FF80] =	vst v8;
	v0 =	vsel vm2, $0x53, v0  }
0x60: {  	[tilespmem:$0x1FF00] =	vst v0;
	v0 =	vimm.s32 $0x5C  }
0x61: {  	s1 =	srdreg.scid;
	[tilespmem:$0x1FF90] =	vst v9;
	v1 =	vimm.s32 $0x5D;
	v0 =	vsel vm2, $0x54, v0  }
0x62: {  	s2 =	stileid.u32;
	s1 =	sand.u32 $0x1, s1;
	[tilespmem:$0x1FF10] =	vst v0;
	v0 =	vsel vm2, $0x55, v1  }
0x63: {  	s16 =	simm.s32 $0x1000;
	s2 =	sshll.u32 s2, $0xD;
	s22 =	sshll.u32 s1, $0xC;
	[tilespmem:$0x1FF20] =	vst v0;
	v0 =	vimm.s32 $0x5E  }
0x64: {  	s18 =	simm.s32 $0x1A060;
	s23 =	sadd.s32 $0x400, s0;
	s6 =	sor.u32 s22, s2;
	[tilespmem:$0x1FFA0] =	vst v10;
	v0 =	vsel vm2, $0x56, v0  }
0x65: {  	s0 =	sadd.s32 $0x600, s0;
	s24 =	sshrl.u32 s6, $0x3;
	[dreg:$0x5] =	wrdreg s23;
	[tilespmem:$0x1FF30] =	vst v0;
	v0 =	vimm.s32 $0x5F  }
0x66: {  	s20 =	simm.s32 $0x1;
	s26 =	sadd.s32 s4, s24;
	[dreg:$0x6] =	wrdreg s0;
	[tilespmem:$0x1FFB0] =	vst v11;
	v1 =	vimm.s32 $0x9;
	v0 =	vsel vm2, $0x57, v0  }
0x67: {  	s1 =	ssub.s32 $0x2, s1;
	v38 =	vsel vm1, v3, v2;
	s28 =	sadd.s32 $0x4000, s26;
	[dreg:$0x7] =	wrdreg s26;
	[tilespmem:$0x1FF40] =	vst v0;
	v0 =	vsel vm0, $0x1, v1  }
0x68: {  	s25 =	sshrl.u32 s1, $0x1;
	s30 =	sor.u32 $0x40000, s6;
	v48 =	vcombine.low v8, v9;
	v49 =	vcombine.low v10, v11;
	v3 =	vmovc v15;
	[dreg:$0x8] =	wrdreg s28;
	[tilespmem:$0x1FF70] =	vst v0;
	v0 =	vimm.s32 $0xB  }
0x69: {  	s31 =	sor.u32 $0x60000, s6;
	s29 =	sadd.s32 s24, s5;
	v44 =	vmovc v16;
	v45 =	vmovc v17;
	v5 =	vcombine.low v6, v7;
	v50 =	vmul.u32 $0x8, v37;
	[dreg:$0x9] =	wrdreg s30;
	[tilespmem:$0x1FFC0] =	vst v12;
	v0 =	vsel vm0, $0x3, v0  }
0x6a: {  	v46 =	vmovc v18;
	v51 =	vcombine.low v18, v20;
	v52 =	vcombine.low v19, v21;
	s0 =	ssub.s32 s1, s25;
	[dreg:$0xa] =	wrdreg s31;
	s1 =	sadd.s32 $0x60000, s29;
	[tilespmem:$0x1FFD0] =	vst v0;
	v0 =	vadd.s32 $0x1, v37  }
0x6b: {  	s21 =	simm.s32 $0x1A0D0;
	v47 =	vmovc v19;
	v4 =	vmovc v20;
	v11 =	vmov v13;
	v6 =	vcombine.low v12, v13;
	[dreg:$0xb] =	wrdreg s1;
	s0 =	smax.u32 s0, $0x1;
	[tilespmem:$0x1FFE0] =	vst v0;
	v0 =	vadd.s32 $0x8, v50  }
0x6c: {  	s24 =	simm.s32 $0x2;
	v12 =	vmovc v14;
	v7 =	vcombine.low v14, v15;
	v9 =	vcombine.low v16, v17;
	v8 =	vmov v21;
	s1 =	simm.s32 $0x0;
	[dreg:$0xc] =	wrdreg s0;
	[tilespmem:$0x1FFF0] =	vst v0  }
.LBB2_1:
0x6d: {  	[dreg:$0xd] =	wrdreg s1  }
0x6e: {  	s25 =	simm.s32 $0x0;
	s0 =	rddreg [dreg:$0x7]  }
0x6f: {  	[tilespmem:s25], [sflag:$0x1] =	stream.linear.gather [hbm4b:s0+s25], $0x1000, $0x38;
	[tilespmem:$0x1A160] =	vst v63  }
0x70: {  	s26 =	rddreg [dreg:$0x8]  }
0x71: {  	[tilespmem:s16], [sflag:$0x2] =	stream.linear.gather [hbm4b:s26+s25], $0x1000, $0x38;
	[tilespmem:$0x1A160] =	vst v63  }
0x72: {  	s28 =	rddreg [dreg:$0x5];
	s2 =	simm.s32 $0x1A000;
	s3 =	simm.s32 $0x5  }
0x73: {  	[tilespmem:s2], [sflag:$0x5] =	stream.linear.gather [hbm4b:s28+s25], $0x60, $0x38;
	[tilespmem:$0x1A160] =	vst v63  }
0x74: {  	_ =	swait.ge [sflag:s3], $0x60  }
0x75: {  	[sflag:s3] =	ssyncset.done $0x0  }
0x76: {  	s29 =	rddreg [dreg:$0x6];
	[sflag:s3] =	ssyncadd.s32 $0xFFFFFFA0  }
0x77: {  	[tilespmem:s18], [sflag:$0x5] =	stream.linear.gather [hbm4b:s29+s25], $0x60, $0x38;
	[tilespmem:$0x1A160] =	vst v63  }
0x78: {  	_ =	swait.ge [sflag:s3], $0x60  }
0x79: {  	[sflag:s3] =	ssyncset.done $0x0  }
0x7a: {  	[sflag:s3] =	ssyncadd.s32 $0xFFFFFFA0  }
0x7b: {  	s4 =	simm.s32 $0x1A0C0;
	s31 =	rddreg [dreg:$0x2]  }
0x7c: {  	[tilespmem:s4], [sflag:$0x5] =	stream.linear.gather [hbm4b:s31+s25], $0x10, $0x38;
	[tilespmem:$0x1A160] =	vst v63  }
0x7d: {  	_ =	swait.ge [sflag:s3], $0x10  }
0x7e: {  	v2 =	vld [tilespmem:$0x1FF70];
	_ =	sdelay $0x5  }
0x7f: {  	[sflag:s3] =	ssyncset.done $0x0  }
0x80: {  	[sflag:s3] =	ssyncadd.s32 $0xFFFFFFF0  }
0x81: {  	v13 =	vld.idx.msk [tilespmem:v2+s18+$0x0], $0xffff  }
0x82: {  	v2 =	vld [tilespmem:$0x1FB90];
	_ =	sdelay $0x3  }
0x83: {  	v1 =	vld [tilespmem:$0x1FB60];
	_ =	sdelay $0x3  }
0x84: {  	v15 =	vld.idx.msk [tilespmem:v2+s18+$0x0], $0xffff  }
0x85: {  	v2 =	vld [tilespmem:$0x1FFD0];
	_ =	sdelay $0x1  }
0x86: {  	v10 =	vld.idx.msk [tilespmem:v5+s2+$0x0], $0xffff  }
0x87: {  	v1 =	vld.idx.msk [tilespmem:v1+s18+$0x0], $0xffff  }
0x88: {  	v0 =	vld [tilespmem:$0x1FB50];
	_ =	sdelay $0x3  }
0x89: {  	v1 =	vmul.f32 v10, v1;
	v10 =	vld.idx.msk [tilespmem:v2+s18+$0x0], $0xffff  }
0x8a: {  	v2 =	vld [tilespmem:$0x1FBE0];
	_ =	sdelay $0x1  }
0x8b: {  	v14 =	vld.idx.msk [tilespmem:v48+s2+$0x0], $0xffff  }
0x8c: {  	v0 =	vld.idx.msk [tilespmem:v0+s4+$0x0], $0xffff;
	_ =	sdelay $0x4  }
0x8d: {  	v0 =	vadd.f32 v1, v0;
	v1 =	vmul.f32 v14, v13;
	v13 =	vld.idx.msk [tilespmem:v2+s18+$0x0], $0xffff  }
0x8e: {  	v2 =	vld [tilespmem:$0x1FC10];
	_ =	sdelay $0x2  }
0x8f: {  	v16 =	vld.idx.msk [tilespmem:v49+s2+$0x0], $0xffff;
	_ =	sdelay $0x4  }
0x90: {  	v0 =	vadd.f32 v1, v0;
	v1 =	vmul.f32 v16, v15;
	v15 =	vld.idx.msk [tilespmem:v2+s18+$0x0], $0xffff  }
0x91: {  	v2 =	vld [tilespmem:$0x1FC40];
	_ =	sdelay $0x2  }
0x92: {  	v17 =	vld.idx.msk [tilespmem:v6+s2+$0x0], $0xffff;
	_ =	sdelay $0x4  }
0x93: {  	v0 =	vadd.f32 v1, v0;
	v1 =	vmul.f32 v17, v10;
	v10 =	vld.idx.msk [tilespmem:v2+s18+$0x0], $0xffff  }
0x94: {  	v2 =	vld [tilespmem:$0x1FC70];
	_ =	sdelay $0x1  }
0x95: {  	v14 =	vld.idx.msk [tilespmem:v7+s2+$0x0], $0xffff;
	_ =	sdelay $0x1  }
0x96: {  	v27 =	vld.idx.msk [tilespmem:v9+s2+$0x0], $0xffff;
	_ =	sdelay $0x1  }
0x97: {  	v28 =	vld.idx.msk [tilespmem:v51+s2+$0x0], $0xffff  }
0x98: {  	v0 =	vadd.f32 v1, v0;
	v1 =	vmul.f32 v14, v13;
	v14 =	vld.idx.msk [tilespmem:v52+s2+$0x0], $0xffff  }
0x99: {  	v13 =	vld.idx.msk [tilespmem:v2+s18+$0x0], $0xffff  }
0x9a: {  	v0 =	vadd.f32 v1, v0;
	v1 =	vmul.f32 v27, v15;
	v2 =	vld [tilespmem:$0x1FF50];
	_ =	sdelay $0x1  }
0x9b: {  	v0 =	vadd.f32 v1, v0;
	v1 =	vmul.f32 v28, v10;
	_ =	sdelay $0x1  }
0x9c: {  	v0 =	vadd.f32 v1, v0;
	v1 =	vmul.f32 v14, v13  }
0x9d: {  	v13 =	vcombine.low v38, v2;
	v2 =	vld [tilespmem:$0x1FB80]  }
0x9e: {  	v0 =	vadd.f32 v1, v0;
	v1 =	vld [tilespmem:$0x1FB70];
	_ =	sdelay $0x4  }
0x9f: {  	v1 =	vsel vm1, v2, v1;
	v2 =	vld [tilespmem:$0x1FF80];
	_ =	sdelay $0x3  }
0xa0: {  	[tilespmem:$0x1A0D0] =	vst v0;
	v0 =	vld [tilespmem:$0x1FBA0]  }
0xa1: {  	v14 =	vcombine.low v1, v2;
	v2 =	vld [tilespmem:$0x1FBB0];
	_ =	sdelay $0x4  }
0xa2: {  	v0 =	vsel vm1, v2, v0;
	v2 =	vld [tilespmem:$0x1FFE0];
	_ =	sdelay $0x7  }
0xa3: {  	v19 =	vld.idx.msk [tilespmem:v2+s4+$0x0], $0xffff  }
0xa4: {  	v2 =	vld [tilespmem:$0x1FFA0];
	_ =	sdelay $0x4  }
0xa5: {  	v15 =	vcombine.low v0, v2;
	v2 =	vld [tilespmem:$0x1FFF0];
	_ =	sdelay $0x6  }
0xa6: {  	v29 =	vld [tilespmem:$0x1FBD0]  }
0xa7: {  	v20 =	vld.idx.msk [tilespmem:v2+s18+$0x0], $0xffff  }
0xa8: {  	v2 =	vld [tilespmem:$0x1FBC0];
	_ =	sdelay $0x4  }
0xa9: {  	v22 =	vsel vm1, v29, v2;
	v2 =	vld [tilespmem:$0x1FFC0];
	_ =	sdelay $0x3  }
0xaa: {  	v30 =	vld [tilespmem:$0x1FC00]  }
0xab: {  	v16 =	vcombine.low v22, v2;
	v2 =	vld [tilespmem:$0x1FBF0];
	_ =	sdelay $0x3  }
0xac: {  	v31 =	vld [tilespmem:$0x1FC30]  }
0xad: {  	v25 =	vsel vm1, v30, v2;
	v2 =	vld [tilespmem:$0x1FC20];
	_ =	sdelay $0x3  }
0xae: {  	v32 =	vld [tilespmem:$0x1FC60];
	v10 =	vadd.s32 $0x9, v50  }
0xaf: {  	v57 =	vsel vm1, v31, v2;
	v2 =	vld [tilespmem:$0x1FC50]  }
0xb0: {  	v18 =	vadd.s32 $0xA, v50  }
0xb1: {  	v27 =	vadd.s32 $0xC, v50  }
0xb2: {  	v34 =	vld [tilespmem:$0x1FC90]  }
0xb3: {  	v10 =	vld.idx.msk [tilespmem:v10+s18+$0x0], $0xffff  }
0xb4: {  	v60 =	vsel vm1, v32, v2;
	v2 =	vld [tilespmem:$0x1FC80]  }
0xb5: {  	v53 =	vld.idx.msk [tilespmem:v18+s18+$0x0], $0xffff  }
0xb6: {  	v33 =	vld.idx.msk [tilespmem:v27+s18+$0x0], $0xffff  }
0xb7: {  	v23 =	vadd.s32 $0xB, v50;
	v21 =	vld.idx.msk [tilespmem:v13+s2+$0x0], $0xffff  }
0xb8: {  	v54 =	vld.idx.msk [tilespmem:v15+s2+$0x0], $0xffff  }
0xb9: {  	v27 =	vsel vm1, v34, v2;
	v2 =	vld [tilespmem:$0x1FF60]  }
0xba: {  	v55 =	vadd.s32 $0xD, v50;
	v26 =	vld.idx.msk [tilespmem:v14+s2+$0x0], $0xffff;
	v17 =	vcombine.low v25, v12;
	_ =	sdelay $0x1  }
0xbb: {  	v58 =	vadd.s32 $0xE, v50;
	v23 =	vld.idx.msk [tilespmem:v23+s18+$0x0], $0xffff;
	v18 =	vcombine.low v57, v44  }
0xbc: {  	v35 =	vmul.f32 v54, v53;
	v21 =	vmul.f32 v21, v20;
	v56 =	vld.idx.msk [tilespmem:v16+s2+$0x0], $0xffff  }
0xbd: {  	v20 =	vcombine.low v60, v46;
	v54 =	vcombine.low v2, v38;
	v2 =	vld [tilespmem:$0x1FF90]  }
0xbe: {  	v36 =	vld.idx.msk [tilespmem:v55+s18+$0x0], $0xffff;
	v10 =	vmul.f32 v26, v10;
	v19 =	vadd.f32 v21, v19  }
0xbf: {  	v61 =	vadd.s32 $0xF, v50;
	v59 =	vld.idx.msk [tilespmem:v17+s2+$0x0], $0xffff;
	v21 =	vcombine.low v27, v47  }
0xc0: {  	v41 =	vld.idx.msk [tilespmem:v58+s18+$0x0], $0xffff;
	v10 =	vadd.f32 v10, v19  }
0xc1: {  	v39 =	vld.idx.msk [tilespmem:v18+s2+$0x0], $0xffff  }
0xc2: {  	v10 =	vadd.f32 v35, v10;
	v40 =	vmul.f32 v56, v23;
	v55 =	vcombine.low v2, v1;
	v2 =	vld [tilespmem:$0x1FFB0]  }
0xc3: {  	v42 =	vld.idx.msk [tilespmem:v20+s2+$0x0], $0xffff  }
0xc4: {  	v61 =	vld.idx.msk [tilespmem:v61+s18+$0x0], $0xffff;
	v10 =	vadd.f32 v40, v10;
	v43 =	vmul.f32 v59, v33  }
0xc5: {  	v62 =	vld.idx.msk [tilespmem:v21+s2+$0x0], $0xffff  }
0xc6: {  	v10 =	vadd.f32 v43, v10;
	v63 =	vmul.f32 v39, v36  }
0xc7: {  	v58 =	vcombine.low v2, v0;
	v2 =	vld [tilespmem:$0x1FCC0]  }
0xc8: {  	v10 =	vadd.f32 v63, v10;
	v24 =	vmul.f32 v42, v41;
	_ =	sdelay $0x1  }
0xc9: {  	v10 =	vadd.f32 v24, v10;
	v26 =	vmul.f32 v62, v61;
	_ =	sdelay $0x1  }
0xca: {  	v10 =	vadd.f32 v26, v10;
	_ =	sdelay $0x1  }
0xcb: {  	[tilespmem:$0x1A0E0] =	vst v10  }
0xcc: {  	v28 =	vld.idx.msk [tilespmem:v2+s18+$0x0], $0xffff  }
0xcd: {  	v2 =	vld [tilespmem:$0x1FCD0];
	_ =	sdelay $0x3  }
0xce: {  	v0 =	vld [tilespmem:$0x1FCB0];
	_ =	sdelay $0x3  }
0xcf: {  	v30 =	vld.idx.msk [tilespmem:v2+s18+$0x0], $0xffff  }
0xd0: {  	v2 =	vld [tilespmem:$0x1FCE0];
	_ =	sdelay $0x1  }
0xd1: {  	v10 =	vld.idx.msk [tilespmem:v54+s2+$0x0], $0xffff  }
0xd2: {  	v0 =	vld.idx.msk [tilespmem:v0+s18+$0x0], $0xffff;
	_ =	sdelay $0x4  }
0xd3: {  	v0 =	vmul.f32 v10, v0;
	v10 =	vld.idx.msk [tilespmem:v2+s18+$0x0], $0xffff  }
0xd4: {  	v2 =	vld [tilespmem:$0x1FCF0];
	_ =	sdelay $0x6  }
0xd5: {  	v1 =	vld [tilespmem:$0x1FCA0]  }
0xd6: {  	v33 =	vld.idx.msk [tilespmem:v2+s18+$0x0], $0xffff  }
0xd7: {  	v2 =	vld [tilespmem:$0x1FD00];
	_ =	sdelay $0x5  }
0xd8: {  	v59 =	vcombine.low v11, v22;
	v29 =	vld.idx.msk [tilespmem:v55+s2+$0x0], $0xffff  }
0xd9: {  	v1 =	vld.idx.msk [tilespmem:v1+s4+$0x0], $0xffff  }
0xda: {  	v35 =	vld.idx.msk [tilespmem:v2+s18+$0x0], $0xffff  }
0xdb: {  	v2 =	vld [tilespmem:$0x1FD10]  }
0xdc: {  	v31 =	vld.idx.msk [tilespmem:v58+s2+$0x0], $0xffff;
	_ =	sdelay $0x1  }
0xdd: {  	v32 =	vld.idx.msk [tilespmem:v59+s2+$0x0], $0xffff  }
0xde: {  	v0 =	vadd.f32 v0, v1;
	v1 =	vmul.f32 v29, v28  }
0xdf: {  	v56 =	vcombine.low v3, v25  }
0xe0: {  	v0 =	vadd.f32 v1, v0;
	v1 =	vmul.f32 v31, v30  }
0xe1: {  	v22 =	vcombine.low v45, v57  }
0xe2: {  	v0 =	vadd.f32 v1, v0;
	v1 =	vmul.f32 v32, v10;
	v10 =	vld.idx.msk [tilespmem:v2+s18+$0x0], $0xffff  }
0xe3: {  	v53 =	vcombine.low v4, v60;
	v2 =	vld [tilespmem:$0x1FD20]  }
0xe4: {  	v57 =	vcombine.low v8, v27  }
0xe5: {  	v34 =	vld.idx.msk [tilespmem:v56+s2+$0x0], $0xffff;
	_ =	sdelay $0x1  }
0xe6: {  	v36 =	vld.idx.msk [tilespmem:v22+s2+$0x0], $0xffff;
	_ =	sdelay $0x1  }
0xe7: {  	v39 =	vld.idx.msk [tilespmem:v53+s2+$0x0], $0xffff  }
0xe8: {  	v41 =	vld.idx.msk [tilespmem:v57+s2+$0x0], $0xffff;
	v0 =	vadd.f32 v1, v0;
	v1 =	vmul.f32 v34, v33  }
0xe9: {  	v40 =	vld.idx.msk [tilespmem:v2+s18+$0x0], $0xffff  }
0xea: {  	v0 =	vadd.f32 v1, v0;
	v1 =	vmul.f32 v36, v35  }
0xeb: {  	v2 =	vld [tilespmem:$0x1FD50]  }
0xec: {  	v0 =	vadd.f32 v1, v0;
	v1 =	vmul.f32 v39, v10;
	_ =	sdelay $0x1  }
0xed: {  	v0 =	vadd.f32 v1, v0;
	v1 =	vmul.f32 v41, v40;
	_ =	sdelay $0x1  }
0xee: {  	v0 =	vadd.f32 v1, v0;
	_ =	sdelay $0x1  }
0xef: {  	[tilespmem:$0x1A0F0] =	vst v0  }
0xf0: {  	v42 =	vld.idx.msk [tilespmem:v2+s18+$0x0], $0xffff  }
0xf1: {  	v2 =	vld [tilespmem:$0x1FD60];
	_ =	sdelay $0x3  }
0xf2: {  	v1 =	vld [tilespmem:$0x1FD40];
	_ =	sdelay $0x3  }
0xf3: {  	v60 =	vld.idx.msk [tilespmem:v2+s18+$0x0], $0xffff  }
0xf4: {  	v2 =	vld [tilespmem:$0x1FD70];
	_ =	sdelay $0x1  }
0xf5: {  	v10 =	vld.idx.msk [tilespmem:v5+s2+$0x0], $0xffff  }
0xf6: {  	v1 =	vld.idx.msk [tilespmem:v1+s18+$0x0], $0xffff;
	_ =	sdelay $0x4  }
0xf7: {  	v1 =	vmul.f32 v10, v1;
	v10 =	vld.idx.msk [tilespmem:v2+s18+$0x0], $0xffff  }
0xf8: {  	v2 =	vld [tilespmem:$0x1FD80];
	_ =	sdelay $0x6  }
0xf9: {  	v0 =	vld [tilespmem:$0x1FD30]  }
0xfa: {  	v63 =	vld.idx.msk [tilespmem:v2+s18+$0x0], $0xffff  }
0xfb: {  	v2 =	vld [tilespmem:$0x1FD90];
	_ =	sdelay $0x5  }
0xfc: {  	v43 =	vld.idx.msk [tilespmem:v48+s2+$0x0], $0xffff  }
0xfd: {  	v0 =	vld.idx.msk [tilespmem:v0+s4+$0x0], $0xffff  }
0xfe: {  	v31 =	vld.idx.msk [tilespmem:v2+s18+$0x0], $0xffff  }
0xff: {  	v2 =	vld [tilespmem:$0x1FDA0]  }
0x100: {  	v61 =	vld.idx.msk [tilespmem:v49+s2+$0x0], $0xffff;
	_ =	sdelay $0x1  }
0x101: {  	v62 =	vld.idx.msk [tilespmem:v6+s2+$0x0], $0xffff  }
0x102: {  	v0 =	vadd.f32 v1, v0;
	v1 =	vmul.f32 v43, v42;
	_ =	sdelay $0x1  }
0x103: {  	v0 =	vadd.f32 v1, v0;
	v1 =	vmul.f32 v61, v60;
	_ =	sdelay $0x1  }
0x104: {  	v0 =	vadd.f32 v1, v0;
	v1 =	vmul.f32 v62, v10;
	v10 =	vld.idx.msk [tilespmem:v2+s18+$0x0], $0xffff  }
0x105: {  	v2 =	vld [tilespmem:$0x1FDB0];
	_ =	sdelay $0x1  }
0x106: {  	v30 =	vld.idx.msk [tilespmem:v7+s2+$0x0], $0xffff;
	_ =	sdelay $0x1  }
0x107: {  	v32 =	vld.idx.msk [tilespmem:v9+s2+$0x0], $0xffff;
	_ =	sdelay $0x1  }
0x108: {  	v33 =	vld.idx.msk [tilespmem:v51+s2+$0x0], $0xffff  }
0x109: {  	v35 =	vld.idx.msk [tilespmem:v52+s2+$0x0], $0xffff;
	v0 =	vadd.f32 v1, v0;
	v1 =	vmul.f32 v30, v63  }
0x10a: {  	v34 =	vld.idx.msk [tilespmem:v2+s18+$0x0], $0xffff  }
0x10b: {  	v0 =	vadd.f32 v1, v0;
	v1 =	vmul.f32 v32, v31;
	_ =	sdelay $0x1  }
0x10c: {  	v0 =	vadd.f32 v1, v0;
	v1 =	vmul.f32 v33, v10;
	_ =	sdelay $0x1  }
0x10d: {  	v10 =	vadd.s32 $0x5, v37;
	v0 =	vadd.f32 v1, v0;
	v1 =	vmul.f32 v35, v34  }
0x10e: {  	v36 =	vadd.s32 $0x28, v50  }
0x10f: {  	v0 =	vadd.f32 v1, v0;
	_ =	sdelay $0x1  }
0x110: {  	v1 =	vadd.s32 $0x29, v50;
	[tilespmem:$0x1A100] =	vst v0  }
0x111: {  	v0 =	vld.idx.msk [tilespmem:v10+s4+$0x0], $0xffff  }
0x112: {  	v10 =	vadd.s32 $0x2A, v50;
	v19 =	vld.idx.msk [tilespmem:v36+s18+$0x0], $0xffff  }
0x113: {  	v40 =	vadd.s32 $0x2B, v50;
	v39 =	vld.idx.msk [tilespmem:v13+s2+$0x0], $0xffff  }
0x114: {  	v41 =	vld.idx.msk [tilespmem:v14+s2+$0x0], $0xffff  }
0x115: {  	v42 =	vadd.s32 $0x2C, v50;
	v1 =	vld.idx.msk [tilespmem:v1+s18+$0x0], $0xffff  }
0x116: {  	v43 =	vld.idx.msk [tilespmem:v15+s2+$0x0], $0xffff  }
0x117: {  	v10 =	vld.idx.msk [tilespmem:v10+s18+$0x0], $0xffff  }
0x118: {  	v30 =	vadd.s32 $0x2D, v50;
	v31 =	vld.idx.msk [tilespmem:v40+s18+$0x0], $0xffff;
	v19 =	vmul.f32 v39, v19  }
0x119: {  	v32 =	vld.idx.msk [tilespmem:v16+s2+$0x0], $0xffff  }
0x11a: {  	v62 =	vadd.s32 $0x2E, v50;
	v33 =	vld.idx.msk [tilespmem:v42+s18+$0x0], $0xffff;
	v0 =	vadd.f32 v19, v0;
	v1 =	vmul.f32 v41, v1  }
0x11b: {  	v34 =	vld.idx.msk [tilespmem:v17+s2+$0x0], $0xffff  }
0x11c: {  	v35 =	vadd.s32 $0x2F, v50;
	v36 =	vld.idx.msk [tilespmem:v18+s2+$0x0], $0xffff;
	v0 =	vadd.f32 v1, v0;
	v1 =	vmul.f32 v43, v10  }
0x11d: {  	v10 =	vld.idx.msk [tilespmem:v30+s18+$0x0], $0xffff  }
0x11e: {  	v40 =	vld.idx.msk [tilespmem:v20+s2+$0x0], $0xffff;
	v0 =	vadd.f32 v1, v0;
	v1 =	vmul.f32 v32, v31  }
0x11f: {  	v39 =	vld.idx.msk [tilespmem:v62+s18+$0x0], $0xffff  }
0x120: {  	v42 =	vld.idx.msk [tilespmem:v21+s2+$0x0], $0xffff;
	v0 =	vadd.f32 v1, v0;
	v1 =	vmul.f32 v34, v33  }
0x121: {  	v41 =	vld.idx.msk [tilespmem:v35+s18+$0x0], $0xffff  }
0x122: {  	v0 =	vadd.f32 v1, v0;
	v1 =	vmul.f32 v36, v10  }
0x123: {  	v2 =	vld [tilespmem:$0x1FDE0]  }
0x124: {  	v0 =	vadd.f32 v1, v0;
	v1 =	vmul.f32 v40, v39;
	_ =	sdelay $0x1  }
0x125: {  	v0 =	vadd.f32 v1, v0;
	v1 =	vmul.f32 v42, v41;
	_ =	sdelay $0x1  }
0x126: {  	v0 =	vadd.f32 v1, v0;
	_ =	sdelay $0x1  }
0x127: {  	[tilespmem:$0x1A110] =	vst v0  }
0x128: {  	v43 =	vld.idx.msk [tilespmem:v2+s18+$0x0], $0xffff  }
0x129: {  	v2 =	vld [tilespmem:$0x1FDF0];
	_ =	sdelay $0x3  }
0x12a: {  	v1 =	vld [tilespmem:$0x1FDD0];
	_ =	sdelay $0x3  }
0x12b: {  	v61 =	vld.idx.msk [tilespmem:v2+s18+$0x0], $0xffff  }
0x12c: {  	v2 =	vld [tilespmem:$0x1FE00];
	_ =	sdelay $0x1  }
0x12d: {  	v10 =	vld.idx.msk [tilespmem:v54+s2+$0x0], $0xffff  }
0x12e: {  	v1 =	vld.idx.msk [tilespmem:v1+s18+$0x0], $0xffff;
	_ =	sdelay $0x4  }
0x12f: {  	v1 =	vmul.f32 v10, v1;
	v10 =	vld.idx.msk [tilespmem:v2+s18+$0x0], $0xffff  }
0x130: {  	v2 =	vld [tilespmem:$0x1FE10];
	_ =	sdelay $0x6  }
0x131: {  	v0 =	vld [tilespmem:$0x1FDC0]  }
0x132: {  	v30 =	vld.idx.msk [tilespmem:v2+s18+$0x0], $0xffff  }
0x133: {  	v2 =	vld [tilespmem:$0x1FE20];
	_ =	sdelay $0x5  }
0x134: {  	v60 =	vld.idx.msk [tilespmem:v55+s2+$0x0], $0xffff  }
0x135: {  	v0 =	vld.idx.msk [tilespmem:v0+s4+$0x0], $0xffff  }
0x136: {  	v32 =	vld.idx.msk [tilespmem:v2+s18+$0x0], $0xffff  }
0x137: {  	v2 =	vld [tilespmem:$0x1FE30]  }
0x138: {  	v62 =	vld.idx.msk [tilespmem:v58+s2+$0x0], $0xffff;
	_ =	sdelay $0x1  }
0x139: {  	v63 =	vld.idx.msk [tilespmem:v59+s2+$0x0], $0xffff  }
0x13a: {  	v0 =	vadd.f32 v1, v0;
	v1 =	vmul.f32 v60, v43;
	_ =	sdelay $0x1  }
0x13b: {  	v0 =	vadd.f32 v1, v0;
	v1 =	vmul.f32 v62, v61;
	_ =	sdelay $0x1  }
0x13c: {  	v0 =	vadd.f32 v1, v0;
	v1 =	vmul.f32 v63, v10;
	v10 =	vld.idx.msk [tilespmem:v2+s18+$0x0], $0xffff  }
0x13d: {  	v2 =	vld [tilespmem:$0x1FE40]  }
0x13e: {  	v31 =	vld.idx.msk [tilespmem:v56+s2+$0x0], $0xffff;
	_ =	sdelay $0x1  }
0x13f: {  	v33 =	vld.idx.msk [tilespmem:v22+s2+$0x0], $0xffff;
	_ =	sdelay $0x1  }
0x140: {  	v34 =	vld.idx.msk [tilespmem:v53+s2+$0x0], $0xffff  }
0x141: {  	v0 =	vadd.f32 v1, v0;
	v1 =	vmul.f32 v31, v30  }
0x142: {  	v36 =	vld.idx.msk [tilespmem:v57+s2+$0x0], $0xffff  }
0x143: {  	v0 =	vadd.f32 v1, v0;
	v1 =	vmul.f32 v33, v32;
	v35 =	vld.idx.msk [tilespmem:v2+s18+$0x0], $0xffff  }
0x144: {  	v2 =	vimm.s32 $0x9  }
0x145: {  	v0 =	vadd.f32 v1, v0;
	v1 =	vmul.f32 v34, v10;
	v10 =	vsel vm0, $0x8, v2;
	v2 =	vld [tilespmem:$0x1FE60];
	_ =	sdelay $0x2  }
0x146: {  	v0 =	vadd.f32 v1, v0;
	v1 =	vmul.f32 v36, v35;
	_ =	sdelay $0x1  }
0x147: {  	v0 =	vadd.f32 v1, v0;
	_ =	sdelay $0x1  }
0x148: {  	[tilespmem:$0x1A120] =	vst v0  }
0x149: {  	v39 =	vld.idx.msk [tilespmem:v2+s18+$0x0], $0xffff  }
0x14a: {  	v2 =	vld [tilespmem:$0x1FE70];
	_ =	sdelay $0x3  }
0x14b: {  	v1 =	vld [tilespmem:$0x1FE50];
	_ =	sdelay $0x3  }
0x14c: {  	v41 =	vld.idx.msk [tilespmem:v2+s18+$0x0], $0xffff  }
0x14d: {  	v2 =	vld [tilespmem:$0x1FE80]  }
0x14e: {  	v0 =	vld.idx.msk [tilespmem:v10+s4+$0x0], $0xffff  }
0x14f: {  	v10 =	vld.idx.msk [tilespmem:v5+s2+$0x0], $0xffff  }
0x150: {  	v1 =	vld.idx.msk [tilespmem:v1+s18+$0x0], $0xffff;
	_ =	sdelay $0x4  }
0x151: {  	v1 =	vmul.f32 v10, v1;
	v10 =	vld.idx.msk [tilespmem:v2+s18+$0x0], $0xffff  }
0x152: {  	v2 =	vld [tilespmem:$0x1FE90];
	_ =	sdelay $0x7  }
0x153: {  	v60 =	vld.idx.msk [tilespmem:v2+s18+$0x0], $0xffff  }
0x154: {  	v2 =	vld [tilespmem:$0x1FEA0];
	_ =	sdelay $0x6  }
0x155: {  	v40 =	vld.idx.msk [tilespmem:v48+s2+$0x0], $0xffff  }
0x156: {  	v62 =	vld.idx.msk [tilespmem:v2+s18+$0x0], $0xffff  }
0x157: {  	v2 =	vld [tilespmem:$0x1FEB0]  }
0x158: {  	v42 =	vld.idx.msk [tilespmem:v49+s2+$0x0], $0xffff;
	_ =	sdelay $0x1  }
0x159: {  	v43 =	vld.idx.msk [tilespmem:v6+s2+$0x0], $0xffff  }
0x15a: {  	v0 =	vadd.f32 v1, v0;
	v1 =	vmul.f32 v40, v39;
	_ =	sdelay $0x1  }
0x15b: {  	v0 =	vadd.f32 v1, v0;
	v1 =	vmul.f32 v42, v41;
	_ =	sdelay $0x1  }
0x15c: {  	v0 =	vadd.f32 v1, v0;
	v1 =	vmul.f32 v43, v10;
	v10 =	vld.idx.msk [tilespmem:v2+s18+$0x0], $0xffff  }
0x15d: {  	v2 =	vld [tilespmem:$0x1FEC0];
	_ =	sdelay $0x1  }
0x15e: {  	v61 =	vld.idx.msk [tilespmem:v7+s2+$0x0], $0xffff;
	_ =	sdelay $0x1  }
0x15f: {  	v63 =	vld.idx.msk [tilespmem:v9+s2+$0x0], $0xffff;
	_ =	sdelay $0x1  }
0x160: {  	v30 =	vld.idx.msk [tilespmem:v51+s2+$0x0], $0xffff  }
0x161: {  	v32 =	vld.idx.msk [tilespmem:v52+s2+$0x0], $0xffff;
	v0 =	vadd.f32 v1, v0;
	v1 =	vmul.f32 v61, v60  }
0x162: {  	v31 =	vld.idx.msk [tilespmem:v2+s18+$0x0], $0xffff  }
0x163: {  	v0 =	vadd.f32 v1, v0;
	v1 =	vmul.f32 v63, v62;
	_ =	sdelay $0x1  }
0x164: {  	v0 =	vadd.f32 v1, v0;
	v1 =	vmul.f32 v30, v10;
	_ =	sdelay $0x1  }
0x165: {  	v10 =	vadd.s32 $0x9, v37;
	v0 =	vadd.f32 v1, v0;
	v1 =	vmul.f32 v32, v31  }
0x166: {  	v33 =	vadd.s32 $0x48, v50  }
0x167: {  	v0 =	vadd.f32 v1, v0;
	_ =	sdelay $0x1  }
0x168: {  	v1 =	vadd.s32 $0x49, v50;
	[tilespmem:$0x1A130] =	vst v0  }
0x169: {  	v0 =	vld.idx.msk [tilespmem:v10+s4+$0x0], $0xffff  }
0x16a: {  	v10 =	vadd.s32 $0x4A, v50;
	v19 =	vld.idx.msk [tilespmem:v33+s18+$0x0], $0xffff  }
0x16b: {  	v34 =	vadd.s32 $0x4B, v50;
	v13 =	vld.idx.msk [tilespmem:v13+s2+$0x0], $0xffff  }
0x16c: {  	v14 =	vld.idx.msk [tilespmem:v14+s2+$0x0], $0xffff  }
0x16d: {  	v35 =	vadd.s32 $0x4C, v50;
	v1 =	vld.idx.msk [tilespmem:v1+s18+$0x0], $0xffff  }
0x16e: {  	v15 =	vld.idx.msk [tilespmem:v15+s2+$0x0], $0xffff  }
0x16f: {  	v36 =	vadd.s32 $0x4D, v50;
	v10 =	vld.idx.msk [tilespmem:v10+s18+$0x0], $0xffff  }
0x170: {  	v39 =	vld.idx.msk [tilespmem:v34+s18+$0x0], $0xffff;
	v13 =	vmul.f32 v13, v19  }
0x171: {  	v40 =	vadd.s32 $0x4E, v50;
	v16 =	vld.idx.msk [tilespmem:v16+s2+$0x0], $0xffff  }
0x172: {  	v0 =	vadd.f32 v13, v0;
	v1 =	vmul.f32 v14, v1;
	v13 =	vld.idx.msk [tilespmem:v35+s18+$0x0], $0xffff  }
0x173: {  	v41 =	vadd.s32 $0x4F, v50;
	v14 =	vld.idx.msk [tilespmem:v17+s2+$0x0], $0xffff  }
0x174: {  	v0 =	vadd.f32 v1, v0;
	v1 =	vmul.f32 v15, v10;
	v10 =	vld.idx.msk [tilespmem:v36+s18+$0x0], $0xffff  }
0x175: {  	v15 =	vld.idx.msk [tilespmem:v18+s2+$0x0], $0xffff  }
0x176: {  	v42 =	vld.idx.msk [tilespmem:v40+s18+$0x0], $0xffff;
	v0 =	vadd.f32 v1, v0;
	v1 =	vmul.f32 v16, v39  }
0x177: {  	v43 =	vld.idx.msk [tilespmem:v20+s2+$0x0], $0xffff  }
0x178: {  	v0 =	vadd.f32 v1, v0;
	v1 =	vmul.f32 v14, v13;
	v13 =	vld.idx.msk [tilespmem:v41+s18+$0x0], $0xffff  }
0x179: {  	v14 =	vld.idx.msk [tilespmem:v21+s2+$0x0], $0xffff  }
0x17a: {  	v2 =	vimm.s32 $0xB;
	v0 =	vadd.f32 v1, v0;
	v1 =	vmul.f32 v15, v10  }
0x17b: {  	v10 =	vsel vm2, $0xA, v2;
	v2 =	vld [tilespmem:$0x1FEE0]  }
0x17c: {  	v0 =	vadd.f32 v1, v0;
	v1 =	vmul.f32 v43, v42;
	_ =	sdelay $0x1  }
0x17d: {  	v0 =	vadd.f32 v1, v0;
	v1 =	vmul.f32 v14, v13;
	_ =	sdelay $0x1  }
0x17e: {  	v0 =	vadd.f32 v1, v0;
	_ =	sdelay $0x1  }
0x17f: {  	[tilespmem:$0x1A140] =	vst v0  }
0x180: {  	v13 =	vld.idx.msk [tilespmem:v2+s18+$0x0], $0xffff  }
0x181: {  	v2 =	vld [tilespmem:$0x1FEF0];
	_ =	sdelay $0x3  }
0x182: {  	v1 =	vld [tilespmem:$0x1FED0];
	_ =	sdelay $0x3  }
0x183: {  	v15 =	vld.idx.msk [tilespmem:v2+s18+$0x0], $0xffff  }
0x184: {  	v2 =	vld [tilespmem:$0x1FF00]  }
0x185: {  	v0 =	vld.idx.msk [tilespmem:v10+s4+$0x0], $0xffff  }
0x186: {  	v10 =	vld.idx.msk [tilespmem:v54+s2+$0x0], $0xffff  }
0x187: {  	v1 =	vld.idx.msk [tilespmem:v1+s18+$0x0], $0xffff;
	_ =	sdelay $0x4  }
0x188: {  	v1 =	vmul.f32 v10, v1;
	v10 =	vld.idx.msk [tilespmem:v2+s18+$0x0], $0xffff  }
0x189: {  	v2 =	vld [tilespmem:$0x1FF10];
	_ =	sdelay $0x2  }
0x18a: {  	v14 =	vld.idx.msk [tilespmem:v55+s2+$0x0], $0xffff;
	_ =	sdelay $0x4  }
0x18b: {  	v0 =	vadd.f32 v1, v0;
	v1 =	vmul.f32 v14, v13;
	v13 =	vld.idx.msk [tilespmem:v2+s18+$0x0], $0xffff  }
0x18c: {  	v2 =	vld [tilespmem:$0x1FF20];
	_ =	sdelay $0x2  }
0x18d: {  	v60 =	vld.idx.msk [tilespmem:v58+s2+$0x0], $0xffff;
	_ =	sdelay $0x4  }
0x18e: {  	v0 =	vadd.f32 v1, v0;
	v1 =	vmul.f32 v60, v15;
	v15 =	vld.idx.msk [tilespmem:v2+s18+$0x0], $0xffff  }
0x18f: {  	v2 =	vld [tilespmem:$0x1FF30];
	_ =	sdelay $0x2  }
0x190: {  	v61 =	vld.idx.msk [tilespmem:v59+s2+$0x0], $0xffff;
	_ =	sdelay $0x4  }
0x191: {  	v0 =	vadd.f32 v1, v0;
	v1 =	vmul.f32 v61, v10;
	v10 =	vld.idx.msk [tilespmem:v2+s18+$0x0], $0xffff  }
0x192: {  	v2 =	vld [tilespmem:$0x1FF40];
	_ =	sdelay $0x1  }
0x193: {  	v14 =	vld.idx.msk [tilespmem:v56+s2+$0x0], $0xffff;
	_ =	sdelay $0x1  }
0x194: {  	v62 =	vld.idx.msk [tilespmem:v22+s2+$0x0], $0xffff;
	_ =	sdelay $0x1  }
0x195: {  	v63 =	vld.idx.msk [tilespmem:v53+s2+$0x0], $0xffff  }
0x196: {  	v0 =	vadd.f32 v1, v0;
	v1 =	vmul.f32 v14, v13;
	v14 =	vld.idx.msk [tilespmem:v57+s2+$0x0], $0xffff  }
0x197: {  	v13 =	vld.idx.msk [tilespmem:v2+s18+$0x0], $0xffff  }
0x198: {  	v0 =	vadd.f32 v1, v0;
	v1 =	vmul.f32 v62, v15;
	_ =	sdelay $0x1  }
0x199: {  	v0 =	vadd.f32 v1, v0;
	v1 =	vmul.f32 v63, v10;
	_ =	sdelay $0x1  }
0x19a: {  	v0 =	vadd.f32 v1, v0;
	v1 =	vmul.f32 v14, v13;
	_ =	sdelay $0x1  }
0x19b: {  	v0 =	vadd.f32 v1, v0;
	_ =	sdelay $0x1  }
0x19c: {  	s30 =	simm.s32 $0x0;
	[tilespmem:$0x1A150] =	vst v0  }
.LBB2_2:
0x19d: {  	_ =	swait.ge [sflag:s20], $0x1000  }
0x19e: {  	p0 =	seq.s32 s30, $0x0;
	[sflag:s20] =	ssyncset.done $0x0  }
0x19f: {  	s1 =	simm.s32 $0x0;
	s0 =	simm.s32 @!p0 $0x3;
	[sflag:s20] =	ssyncadd.s32 $0xFFFFF000  }
0x1a0: {  	s28 =	sand.u32 $0x40, s1;
	_ =	swait.ge @!p0 [sflag:s0], $0xC000  }
0x1a1: {  	s19 =	sand.u32 $0xF80, s1;
	s17 =	sor.u32 $0x30, s28;
	[sflag:s0] =	ssyncset.done @!p0 $0x0  }
0x1a2: {  	s26 =	sor.u32 $0x10, s28;
	s23 =	sor.u32 s19, s17;
	[sflag:s0] =	ssyncadd.s32 @!p0 $0xFFFF4000  }
0x1a3: {  	s9 =	sor.u32 $0x20, s28;
	s2 =	sor.u32 s19, s26;
	v15 =	vld [tilespmem:s23+$0x0]  }
0x1a4: {  	s3 =	sor.u32 s19, s9;
	v14 =	vld [tilespmem:s2+$0x0]  }
0x1a5: {  	v13 =	vld [tilespmem:s3+$0x0]  }
0x1a6: {  	v53 =	vld [tilespmem:s1+$0x0];
	_ =	sdelay $0x4  }
0x1a7: {  	v0 =	vld.idx.msk [tilespmem:v15+s21+$0x0], $0xffff  }
0x1a8: {  	v10 =	vadd.s32 $0xC, v15;
	v1 =	vld.idx.msk [tilespmem:v14+s21+$0x0], $0xffff  }
0x1a9: {  	v16 =	vadd.s32 $0xC, v14;
	v17 =	vld.idx.msk [tilespmem:v13+s21+$0x0], $0xffff  }
0x1aa: {  	v18 =	vadd.s32 $0xC, v13;
	v19 =	vld.idx.msk [tilespmem:v53+s21+$0x0], $0xffff  }
0x1ab: {  	v20 =	vadd.s32 $0xC, v53  }
0x1ac: {  	[tilespmem:s23+$0x2000] =	vst v0  }
0x1ad: {  	[tilespmem:s2+$0x2000] =	vst v1;
	v0 =	vld.idx.msk [tilespmem:v10+s21+$0x0], $0xffff  }
0x1ae: {  	s25 =	simm.s32 $0x2000;
	[tilespmem:s3+$0x2000] =	vst v17;
	v1 =	vld.idx.msk [tilespmem:v16+s21+$0x0], $0xffff;
	v10 =	vadd.s32 $0x18, v15  }
0x1af: {  	[tilespmem:s25+$0x0] =	vst v19;
	v16 =	vadd.s32 $0x18, v14;
	v17 =	vld.idx.msk [tilespmem:v18+s21+$0x0], $0xffff  }
0x1b0: {  	s29 =	sor.u32 $0x3000, s19;
	v18 =	vadd.s32 $0x18, v13;
	v19 =	vld.idx.msk [tilespmem:v20+s21+$0x0], $0xffff  }
0x1b1: {  	s2 =	sor.u32 s17, s29;
	v20 =	vadd.s32 $0x18, v53  }
0x1b2: {  	s3 =	sor.u32 s26, s29;
	[tilespmem:s2+$0x0] =	vst v0  }
0x1b3: {  	s4 =	sor.u32 s9, s29;
	[tilespmem:s3+$0x0] =	vst v1;
	v0 =	vld.idx.msk [tilespmem:v10+s21+$0x0], $0xffff  }
0x1b4: {  	s0 =	sor.u32 s28, s29;
	[tilespmem:s4+$0x0] =	vst v17;
	v1 =	vld.idx.msk [tilespmem:v16+s21+$0x0], $0xffff;
	v10 =	vadd.s32 $0x24, v15  }
0x1b5: {  	[tilespmem:s0+$0x0] =	vst v19;
	v16 =	vadd.s32 $0x24, v14;
	v17 =	vld.idx.msk [tilespmem:v18+s21+$0x0], $0xffff  }
0x1b6: {  	s5 =	sor.u32 $0x4000, s19;
	v18 =	vadd.s32 $0x24, v13;
	v19 =	vld.idx.msk [tilespmem:v20+s21+$0x0], $0xffff  }
0x1b7: {  	s7 =	sor.u32 s17, s5;
	v20 =	vadd.s32 $0x24, v53  }
0x1b8: {  	s8 =	sor.u32 s26, s5;
	[tilespmem:s7+$0x0] =	vst v0  }
0x1b9: {  	s10 =	sor.u32 s9, s5;
	[tilespmem:s8+$0x0] =	vst v1;
	v0 =	vld.idx.msk [tilespmem:v10+s21+$0x0], $0xffff  }
0x1ba: {  	s0 =	sor.u32 s28, s5;
	[tilespmem:s10+$0x0] =	vst v17;
	v1 =	vld.idx.msk [tilespmem:v16+s21+$0x0], $0xffff;
	v10 =	vadd.s32 $0x30, v15  }
0x1bb: {  	[tilespmem:s0+$0x0] =	vst v19;
	v16 =	vadd.s32 $0x30, v14;
	v17 =	vld.idx.msk [tilespmem:v18+s21+$0x0], $0xffff  }
0x1bc: {  	s11 =	sor.u32 $0x5000, s19;
	v18 =	vadd.s32 $0x30, v13;
	v19 =	vld.idx.msk [tilespmem:v20+s21+$0x0], $0xffff  }
0x1bd: {  	s12 =	sor.u32 s17, s11;
	v20 =	vadd.s32 $0x30, v53  }
0x1be: {  	s13 =	sor.u32 s26, s11;
	[tilespmem:s12+$0x0] =	vst v0  }
0x1bf: {  	s14 =	sor.u32 s9, s11;
	[tilespmem:s13+$0x0] =	vst v1;
	v0 =	vld.idx.msk [tilespmem:v10+s21+$0x0], $0xffff  }
0x1c0: {  	s0 =	sor.u32 s28, s11;
	[tilespmem:s14+$0x0] =	vst v17;
	v1 =	vld.idx.msk [tilespmem:v16+s21+$0x0], $0xffff;
	v10 =	vadd.s32 $0x3C, v15  }
0x1c1: {  	[tilespmem:s0+$0x0] =	vst v19;
	v16 =	vadd.s32 $0x3C, v14;
	v17 =	vld.idx.msk [tilespmem:v18+s21+$0x0], $0xffff  }
0x1c2: {  	s15 =	sor.u32 $0x6000, s19;
	v18 =	vadd.s32 $0x3C, v13;
	v19 =	vld.idx.msk [tilespmem:v20+s21+$0x0], $0xffff  }
0x1c3: {  	s22 =	sor.u32 s17, s15;
	s10 =	simm.s32 $0x40;
	v20 =	vadd.s32 $0x3C, v53  }
0x1c4: {  	s23 =	sor.u32 s26, s15;
	v54 =	vld [tilespmem:s10+$0x0];
	[tilespmem:s22+$0x0] =	vst v0  }
0x1c5: {  	s25 =	sor.u32 s9, s15;
	[tilespmem:s23+$0x0] =	vst v1;
	v0 =	vld.idx.msk [tilespmem:v10+s21+$0x0], $0xffff  }
0x1c6: {  	s4 =	sand.u32 $0x40, s10;
	s0 =	sor.u32 s28, s15;
	[tilespmem:s25+$0x0] =	vst v17;
	v1 =	vld.idx.msk [tilespmem:v16+s21+$0x0], $0xffff  }
0x1c7: {  	s31 =	sand.u32 $0xF80, s10;
	s8 =	sor.u32 $0x10, s4;
	[tilespmem:s0+$0x0] =	vst v19;
	v17 =	vld.idx.msk [tilespmem:v18+s21+$0x0], $0xffff  }
0x1c8: {  	s3 =	sor.u32 s31, s8;
	v18 =	vld.idx.msk [tilespmem:v20+s21+$0x0], $0xffff  }
0x1c9: {  	v10 =	vadd.s32 $0x48, v15;
	v20 =	vld [tilespmem:s3+$0x0]  }
0x1ca: {  	s7 =	sor.u32 $0x30, s4;
	v16 =	vadd.s32 $0x48, v14  }
0x1cb: {  	s29 =	sor.u32 $0x7000, s19;
	s2 =	sor.u32 s31, s7  }
0x1cc: {  	v55 =	vld [tilespmem:s2+$0x0];
	s12 =	sor.u32 s17, s29  }
0x1cd: {  	v21 =	vadd.s32 $0x48, v53;
	s13 =	sor.u32 s26, s29;
	v19 =	vld.idx.msk [tilespmem:v54+s21+$0x0], $0xffff;
	[tilespmem:s12+$0x0] =	vst v0  }
0x1ce: {  	s1 =	sor.u32 $0x20, s4;
	v0 =	vadd.s32 $0x48, v13;
	[tilespmem:s13+$0x0] =	vst v1;
	v10 =	vld.idx.msk [tilespmem:v10+s21+$0x0], $0xffff  }
0x1cf: {  	v22 =	vadd.s32 $0x54, v15;
	s5 =	sor.u32 s31, s1;
	v16 =	vld.idx.msk [tilespmem:v16+s21+$0x0], $0xffff  }
0x1d0: {  	v23 =	vadd.s32 $0x54, v14;
	s0 =	sor.u32 s28, s29;
	v1 =	vld [tilespmem:s5+$0x0]  }
0x1d1: {  	s11 =	sor.u32 s9, s29;
	s14 =	sor.u32 $0x8000, s19;
	[tilespmem:s0+$0x0] =	vst v18;
	v26 =	vld.idx.msk [tilespmem:v20+s21+$0x0], $0xffff  }
0x1d2: {  	s15 =	sor.u32 s17, s14;
	[tilespmem:s11+$0x0] =	vst v17;
	v56 =	vadd.s32 $0xC, v20;
	v18 =	vld.idx.msk [tilespmem:v21+s21+$0x0], $0xffff  }
0x1d3: {  	s12 =	sor.u32 s26, s14;
	v0 =	vld.idx.msk [tilespmem:v0+s21+$0x0], $0xffff;
	[tilespmem:s15+$0x0] =	vst v10  }
0x1d4: {  	s13 =	simm.s32 $0x2040;
	[tilespmem:s12+$0x0] =	vst v16;
	v16 =	vadd.s32 $0x54, v13;
	v10 =	vld.idx.msk [tilespmem:v22+s21+$0x0], $0xffff  }
0x1d5: {  	[tilespmem:s13+$0x0] =	vst v19;
	v19 =	vld.idx.msk [tilespmem:v23+s21+$0x0], $0xffff;
	v22 =	vadd.s32 $0x54, v53  }
0x1d6: {  	s11 =	sor.u32 s28, s14;
	v21 =	vadd.s32 $0x60, v15;
	v23 =	vld.idx.msk [tilespmem:v55+s21+$0x0], $0xffff;
	[tilespmem:s3+$0x2000] =	vst v26  }
0x1d7: {  	s22 =	sor.u32 s9, s14;
	s23 =	sor.u32 $0x9000, s19;
	v17 =	vadd.s32 $0xC, v54;
	[tilespmem:s11+$0x0] =	vst v18;
	v56 =	vld.idx.msk [tilespmem:v56+s21+$0x0], $0xffff  }
0x1d8: {  	v25 =	vadd.s32 $0x60, v14;
	s25 =	sor.u32 s17, s23;
	[tilespmem:s22+$0x0] =	vst v0;
	v0 =	vld.idx.msk [tilespmem:v1+s21+$0x0], $0xffff  }
0x1d9: {  	v27 =	vadd.s32 $0xC, v55;
	s29 =	sor.u32 s26, s23;
	v16 =	vld.idx.msk [tilespmem:v16+s21+$0x0], $0xffff;
	[tilespmem:s25+$0x0] =	vst v10  }
0x1da: {  	v10 =	vadd.s32 $0xC, v1;
	[tilespmem:s29+$0x0] =	vst v19;
	v19 =	vld.idx.msk [tilespmem:v22+s21+$0x0], $0xffff  }
0x1db: {  	s22 =	sor.u32 $0x3000, s31;
	v18 =	vld.idx.msk [tilespmem:v21+s21+$0x0], $0xffff;
	v21 =	vadd.s32 $0x60, v13  }
0x1dc: {  	v17 =	vld.idx.msk [tilespmem:v17+s21+$0x0], $0xffff;
	v26 =	vadd.s32 $0x60, v53;
	[tilespmem:s2+$0x2000] =	vst v23;
	s25 =	sor.u32 s8, s22  }
0x1dd: {  	v23 =	vadd.s32 $0x6C, v15;
	v22 =	vld.idx.msk [tilespmem:v25+s21+$0x0], $0xffff;
	[tilespmem:s25+$0x0] =	vst v56  }
0x1de: {  	s3 =	sor.u32 s9, s23;
	v25 =	vld.idx.msk [tilespmem:v27+s21+$0x0], $0xffff;
	v27 =	vadd.s32 $0x6C, v14;
	[tilespmem:s5+$0x2000] =	vst v0  }
0x1df: {  	s14 =	sor.u32 s28, s23;
	s2 =	sor.u32 $0xA000, s19;
	[tilespmem:s3+$0x0] =	vst v16;
	v16 =	vadd.s32 $0x18, v20;
	v0 =	vld.idx.msk [tilespmem:v10+s21+$0x0], $0xffff  }
0x1e0: {  	s11 =	sor.u32 s17, s2;
	v10 =	vadd.s32 $0x18, v55;
	[tilespmem:s14+$0x0] =	vst v19;
	v21 =	vld.idx.msk [tilespmem:v21+s21+$0x0], $0xffff  }
0x1e1: {  	s15 =	sor.u32 s26, s2;
	[tilespmem:s11+$0x0] =	vst v18;
	v18 =	vadd.s32 $0x18, v1;
	v26 =	vld.idx.msk [tilespmem:v26+s21+$0x0], $0xffff  }
0x1e2: {  	s23 =	sor.u32 s7, s22;
	[tilespmem:s15+$0x0] =	vst v22;
	v19 =	vld.idx.msk [tilespmem:v23+s21+$0x0], $0xffff;
	v23 =	vadd.s32 $0x18, v54  }
0x1e3: {  	[tilespmem:s23+$0x0] =	vst v25;
	s11 =	sor.u32 s4, s22;
	v22 =	vld.idx.msk [tilespmem:v27+s21+$0x0], $0xffff;
	v27 =	vadd.s32 $0x6C, v13  }
0x1e4: {  	s29 =	sor.u32 s1, s22;
	v25 =	vadd.s32 $0x78, v15;
	[tilespmem:s11+$0x0] =	vst v17;
	v16 =	vld.idx.msk [tilespmem:v16+s21+$0x0], $0xffff  }
0x1e5: {  	s14 =	sor.u32 s9, s2;
	v10 =	vld.idx.msk [tilespmem:v10+s21+$0x0], $0xffff;
	[tilespmem:s29+$0x0] =	vst v0;
	v0 =	vadd.s32 $0x6C, v53  }
0x1e6: {  	v43 =	vadd.s32 $0x24, v20;
	s3 =	sor.u32 $0xB000, s19;
	s15 =	sor.u32 s28, s2;
	v17 =	vld.idx.msk [tilespmem:v18+s21+$0x0], $0xffff;
	[tilespmem:s14+$0x0] =	vst v21  }
0x1e7: {  	s12 =	sor.u32 s17, s3;
	v18 =	vadd.s32 $0x24, v55;
	[tilespmem:s15+$0x0] =	vst v26;
	v23 =	vld.idx.msk [tilespmem:v23+s21+$0x0], $0xffff  }
0x1e8: {  	s22 =	sor.u32 $0x4000, s31;
	[tilespmem:s12+$0x0] =	vst v19;
	v19 =	vadd.s32 $0x24, v1;
	v26 =	vld.idx.msk [tilespmem:v27+s21+$0x0], $0xffff  }
0x1e9: {  	s25 =	sor.u32 s8, s22;
	v21 =	vld.idx.msk [tilespmem:v25+s21+$0x0], $0xffff;
	v25 =	vadd.s32 $0x24, v54  }
0x1ea: {  	s23 =	sor.u32 s7, s22;
	[tilespmem:s25+$0x0] =	vst v16;
	v63 =	vld.idx.msk [tilespmem:v0+s21+$0x0], $0xffff;
	v0 =	vadd.s32 $0x84, v15  }
0x1eb: {  	s29 =	sor.u32 s1, s22;
	[tilespmem:s23+$0x0] =	vst v10;
	v10 =	vadd.s32 $0x78, v14;
	v27 =	vld.idx.msk [tilespmem:v43+s21+$0x0], $0xffff  }
0x1ec: {  	s2 =	sor.u32 s4, s22;
	s11 =	sor.u32 $0xC000, s19;
	v16 =	vadd.s32 $0x78, v13;
	v15 =	vld.idx.msk [tilespmem:v18+s21+$0x0], $0xffff;
	[tilespmem:s29+$0x0] =	vst v17  }
0x1ed: {  	v57 =	vadd.s32 $0x30, v20;
	s5 =	sor.u32 s17, s11;
	[tilespmem:s2+$0x0] =	vst v23;
	v19 =	vld.idx.msk [tilespmem:v19+s21+$0x0], $0xffff  }
0x1ee: {  	s12 =	sor.u32 s26, s3;
	v17 =	vadd.s32 $0x30, v55;
	v29 =	vld.idx.msk [tilespmem:v25+s21+$0x0], $0xffff;
	[tilespmem:s5+$0x0] =	vst v21  }
0x1ef: {  	v28 =	vadd.s32 $0x30, v54;
	v24 =	vadd.s32 $0x30, v1;
	s14 =	sor.u32 s9, s3;
	s15 =	sor.u32 $0x5000, s31;
	[tilespmem:s12+$0x0] =	vst v22;
	v30 =	vld.idx.msk [tilespmem:v0+s21+$0x0], $0xffff  }
0x1f0: {  	v62 =	vadd.s32 $0x3C, v20;
	v61 =	vadd.s32 $0x48, v20;
	v58 =	vadd.s32 $0x6C, v20;
	s19 =	sor.u32 $0xD000, s19;
	s23 =	sor.u32 s8, s15;
	[tilespmem:s14+$0x0] =	vst v26;
	v23 =	vld.idx.msk [tilespmem:v10+s21+$0x0], $0xffff  }
0x1f1: {  	v60 =	vadd.s32 $0x48, v1;
	v59 =	vadd.s32 $0x54, v1;
	v56 =	vadd.s32 $0x78, v20;
	s17 =	sor.u32 s17, s19;
	s22 =	sor.u32 s7, s15;
	v0 =	vld.idx.msk [tilespmem:v16+s21+$0x0], $0xffff;
	[tilespmem:s23+$0x0] =	vst v27  }
0x1f2: {  	s0 =	sor.u32 s9, s19;
	s3 =	sor.u32 s28, s3;
	v22 =	vadd.s32 $0x3C, v1;
	v13 =	vadd.s32 $0x84, v13;
	s25 =	sor.u32 s1, s15;
	v26 =	vadd.s32 $0x78, v53;
	[tilespmem:s22+$0x0] =	vst v15;
	v25 =	vld.idx.msk [tilespmem:v57+s21+$0x0], $0xffff  }
0x1f3: {  	s12 =	sor.u32 s26, s19;
	v14 =	vadd.s32 $0x84, v14;
	v18 =	vadd.s32 $0x54, v20;
	s29 =	sor.u32 s4, s15;
	s2 =	sshll.u32 s30, $0x1;
	v21 =	vadd.s32 $0x84, v20;
	v10 =	vld.idx.msk [tilespmem:v17+s21+$0x0], $0xffff;
	[tilespmem:s25+$0x0] =	vst v19  }
0x1f4: {  	s14 =	simm.s32 $0x4;
	s5 =	sor.u32 s28, s11;
	v16 =	vadd.s32 $0x60, v20;
	s23 =	sor.u32 s26, s11;
	v20 =	vadd.s32 $0x84, v1;
	v19 =	vadd.s32 $0x3C, v55;
	[tilespmem:s29+$0x0] =	vst v29;
	v27 =	vld.idx.msk [tilespmem:v24+s21+$0x0], $0xffff  }
0x1f5: {  	s11 =	sor.u32 s9, s11;
	s26 =	simm.s32 $0x80;
	v15 =	vadd.s32 $0x6C, v1;
	v57 =	vadd.s32 $0x78, v1;
	v17 =	vadd.s32 $0x60, v1;
	s25 =	sor.u32 s28, s19;
	v1 =	vld.idx.msk [tilespmem:v28+s21+$0x0], $0xffff;
	[tilespmem:s17+$0x0] =	vst v30  }
.LBB2_3:
0x1f6: {  	v24 =	vld [tilespmem:s26+$0x0];
	s19 =	sor.u32 $0x6000, s31;
	[tilespmem:s3+$0x0] =	vst v63;
	s9 =	smov.u32 s7;
	s17 =	smov.u32 s8  }
0x1f7: {  	v28 =	vadd.s32 $0x3C, v54;
	s3 =	sor.u32 s4, s19;
	s7 =	sor.u32 s17, s19;
	s8 =	sor.u32 s9, s19;
	v26 =	vld.idx.msk [tilespmem:v26+s21+$0x0], $0xffff;
	[tilespmem:s23+$0x0] =	vst v23  }
0x1f8: {  	s23 =	sor.u32 s1, s19;
	s19 =	smov.u32 s1;
	[tilespmem:s8+$0x0] =	vst v10;
	v10 =	vld.idx.msk [tilespmem:v14+s21+$0x0], $0xffff;
	v14 =	vmov v21  }
0x1f9: {  	v21 =	vadd.s32 $0x84, v53;
	v53 =	vmov v54;
	[tilespmem:s7+$0x0] =	vst v25;
	v19 =	vld.idx.msk [tilespmem:v19+s21+$0x0], $0xffff  }
0x1fa: {  	v23 =	vld.idx.msk [tilespmem:v62+s21+$0x0], $0xffff;
	[tilespmem:s23+$0x0] =	vst v27  }
0x1fb: {  	[tilespmem:s3+$0x0] =	vst v1;
	v1 =	vld.idx.msk [tilespmem:v22+s21+$0x0], $0xffff;
	v22 =	vadd.s32 $0x48, v55;
	v54 =	vmov v24  }
0x1fc: {  	v25 =	vld.idx.msk [tilespmem:v28+s21+$0x0], $0xffff;
	[tilespmem:s11+$0x0] =	vst v0  }
0x1fd: {  	s23 =	sor.u32 $0x7000, s31;
	[tilespmem:s5+$0x0] =	vst v26;
	v26 =	vld.idx.msk [tilespmem:v13+s21+$0x0], $0xffff;
	v13 =	vmov v20  }
0x1fe: {  	s10 =	sadd.s32 $0x40, s10;
	s22 =	sor.u32 s4, s23;
	s1 =	sor.u32 s9, s23;
	v20 =	vld.idx.msk [tilespmem:v21+s21+$0x0], $0xffff;
	[tilespmem:s12+$0x0] =	vst v10  }
0x1ff: {  	s14 =	sadd.s32 $0x4, s14;
	s28 =	sand.u32 $0x40, s10;
	s3 =	sor.u32 s17, s23;
	v10 =	vld.idx.msk [tilespmem:v24+s21+$0x0], $0xffff;
	[tilespmem:s1+$0x0] =	vst v19  }
0x200: {  	s29 =	sand.u32 $0xF80, s10;
	p1 =	slt.u32 s14, $0xFC;
	s7 =	sor.u32 $0x30, s28;
	[tilespmem:s3+$0x0] =	vst v23;
	v19 =	vld.idx.msk [tilespmem:v22+s21+$0x0], $0xffff  }
0x201: {  	s8 =	sor.u32 $0x10, s28;
	s11 =	sor.u32 s29, s7;
	v21 =	vadd.s32 $0x48, v53;
	s1 =	sor.u32 $0x20, s28;
	v22 =	vld.idx.msk [tilespmem:v61+s21+$0x0], $0xffff  }
0x202: {  	s5 =	sor.u32 s29, s8;
	s12 =	sor.u32 s19, s23;
	s3 =	sor.u32 s29, s1;
	v23 =	vadd.s32 $0x54, v55;
	v0 =	vld [tilespmem:s11+$0x0];
	[tilespmem:s22+$0x0] =	vst v25  }
0x203: {  	v24 =	vld [tilespmem:s5+$0x0];
	[tilespmem:s12+$0x0] =	vst v1  }
0x204: {  	v1 =	vadd.s32 $0xC, v54;
	s12 =	sor.u32 $0x8000, s31;
	v27 =	vld [tilespmem:s3+$0x0];
	[tilespmem:s0+$0x0] =	vst v26  }
0x205: {  	s0 =	sor.u32 s4, s12;
	s22 =	sor.u32 s17, s12;
	s23 =	sor.u32 s9, s12;
	v26 =	vld.idx.msk [tilespmem:v60+s21+$0x0], $0xffff;
	[tilespmem:s25+$0x0] =	vst v20  }
0x206: {  	s12 =	sor.u32 s19, s12;
	v20 =	vld.idx.msk [tilespmem:v21+s21+$0x0], $0xffff;
	[tilespmem:s23+$0x0] =	vst v19  }
0x207: {  	s13 =	sadd.s32 $0x40, s13;
	v19 =	vadd.s32 $0x54, v53;
	[tilespmem:s22+$0x0] =	vst v22;
	v21 =	vld.idx.msk [tilespmem:v23+s21+$0x0], $0xffff  }
0x208: {  	[tilespmem:s13+$0x0] =	vst v10;
	v10 =	vadd.s32 $0xC, v24;
	v28 =	vadd.s32 $0x18, v24;
	v23 =	vadd.s32 $0x24, v24;
	v29 =	vld.idx.msk [tilespmem:v18+s21+$0x0], $0xffff  }
0x209: {  	v34 =	vadd.s32 $0x60, v55;
	v30 =	vld.idx.msk [tilespmem:v1+s21+$0x0], $0xffff;
	v63 =	vadd.s32 $0xC, v27;
	v31 =	vadd.s32 $0x18, v27  }
0x20a: {  	v25 =	vadd.s32 $0x30, v24;
	v32 =	vadd.s32 $0x24, v27;
	v1 =	vadd.s32 $0x30, v27;
	v33 =	vld.idx.msk [tilespmem:v0+s21+$0x0], $0xffff  }
0x20b: {  	s22 =	sor.u32 $0x9000, s31;
	v62 =	vadd.s32 $0x3C, v24;
	v61 =	vadd.s32 $0x48, v24;
	v22 =	vadd.s32 $0x3C, v27;
	v35 =	vld.idx.msk [tilespmem:v24+s21+$0x0], $0xffff;
	[tilespmem:s12+$0x0] =	vst v26  }
0x20c: {  	v39 =	vadd.s32 $0xC, v0;
	v18 =	vadd.s32 $0x54, v24;
	s23 =	sor.u32 s9, s22;
	v60 =	vadd.s32 $0x48, v27;
	s12 =	sor.u32 s17, s22;
	v26 =	vld.idx.msk [tilespmem:v27+s21+$0x0], $0xffff;
	[tilespmem:s0+$0x0] =	vst v20;
	s0 =	sor.u32 s4, s22  }
0x20d: {  	v36 =	vadd.s32 $0x60, v24;
	v40 =	vadd.s32 $0x60, v27;
	s22 =	sor.u32 s19, s22;
	v41 =	vld.idx.msk [tilespmem:v59+s21+$0x0], $0xffff;
	v59 =	vadd.s32 $0x54, v27;
	[tilespmem:s23+$0x0] =	vst v21  }
0x20e: {  	v42 =	vadd.s32 $0x6C, v24;
	v43 =	vadd.s32 $0x78, v24;
	v2 =	vadd.s32 $0x6C, v27;
	[tilespmem:s12+$0x0] =	vst v29;
	v29 =	vld.idx.msk [tilespmem:v34+s21+$0x0], $0xffff  }
0x20f: {  	v20 =	vadd.s32 $0x84, v27;
	v21 =	vadd.s32 $0x84, v24;
	v24 =	vadd.s32 $0x78, v27;
	v19 =	vld.idx.msk [tilespmem:v19+s21+$0x0], $0xffff  }
0x210: {  	[tilespmem:s11+$0x2000] =	vst v33;
	v27 =	vld.idx.msk [tilespmem:v16+s21+$0x0], $0xffff;
	v33 =	vadd.s32 $0x6C, v55;
	v16 =	vmov v36  }
0x211: {  	[tilespmem:s5+$0x2000] =	vst v35;
	v34 =	vld.idx.msk [tilespmem:v39+s21+$0x0], $0xffff;
	v35 =	vadd.s32 $0x60, v53  }
0x212: {  	v10 =	vld.idx.msk [tilespmem:v10+s21+$0x0], $0xffff;
	[tilespmem:s3+$0x2000] =	vst v26;
	s3 =	sor.u32 $0xA000, s31  }
0x213: {  	v36 =	vadd.s32 $0x18, v0;
	v26 =	vld.idx.msk [tilespmem:v63+s21+$0x0], $0xffff;
	s5 =	sor.u32 s4, s3;
	s11 =	sor.u32 s17, s3;
	[tilespmem:s22+$0x0] =	vst v41;
	s12 =	sor.u32 s9, s3  }
0x214: {  	s22 =	sor.u32 s19, s3;
	v39 =	vld.idx.msk [tilespmem:v17+s21+$0x0], $0xffff;
	[tilespmem:s12+$0x0] =	vst v29;
	v17 =	vmov v40  }
0x215: {  	s3 =	sor.u32 $0x3000, s29;
	[tilespmem:s0+$0x0] =	vst v19;
	v19 =	vld.idx.msk [tilespmem:v33+s21+$0x0], $0xffff  }
0x216: {  	v29 =	vadd.s32 $0x18, v54;
	s12 =	sor.u32 s8, s3;
	s23 =	sor.u32 s7, s3;
	s0 =	sor.u32 s28, s3;
	v33 =	vld.idx.msk [tilespmem:v35+s21+$0x0], $0xffff;
	[tilespmem:s11+$0x0] =	vst v27  }
0x217: {  	s3 =	sor.u32 s1, s3;
	[tilespmem:s23+$0x0] =	vst v34;
	v27 =	vld.idx.msk [tilespmem:v58+s21+$0x0], $0xffff;
	v34 =	vadd.s32 $0x78, v55;
	v58 =	vmov v42  }
0x218: {  	[tilespmem:s12+$0x0] =	vst v10;
	v10 =	vld.idx.msk [tilespmem:v36+s21+$0x0], $0xffff  }
0x219: {  	s11 =	sor.u32 $0xB000, s31;
	v28 =	vld.idx.msk [tilespmem:v28+s21+$0x0], $0xffff;
	[tilespmem:s3+$0x0] =	vst v26;
	v26 =	vadd.s32 $0x6C, v53  }
0x21a: {  	s12 =	sor.u32 s9, s11;
	s3 =	sor.u32 s4, s11;
	[tilespmem:s0+$0x0] =	vst v30;
	v30 =	vld.idx.msk [tilespmem:v31+s21+$0x0], $0xffff;
	v31 =	vadd.s32 $0x24, v0;
	s0 =	sor.u32 s17, s11  }
0x21b: {  	s25 =	sor.u32 s19, s11;
	v29 =	vld.idx.msk [tilespmem:v29+s21+$0x0], $0xffff;
	[tilespmem:s12+$0x0] =	vst v19  }
0x21c: {  	s11 =	sor.u32 $0x4000, s29;
	[tilespmem:s22+$0x0] =	vst v39;
	v19 =	vld.idx.msk [tilespmem:v34+s21+$0x0], $0xffff  }
0x21d: {  	s12 =	sor.u32 s28, s11;
	s23 =	sor.u32 s7, s11;
	v34 =	vadd.s32 $0x24, v54;
	s22 =	sor.u32 s8, s11;
	[tilespmem:s5+$0x0] =	vst v33;
	v33 =	vld.idx.msk [tilespmem:v15+s21+$0x0], $0xffff;
	v15 =	vmov v2  }
0x21e: {  	s5 =	sor.u32 s1, s11;
	v2 =	vadd.s32 $0x84, v55;
	v55 =	vmov v0;
	[tilespmem:s23+$0x0] =	vst v10;
	v63 =	vld.idx.msk [tilespmem:v26+s21+$0x0], $0xffff  }
0x21f: {  	[tilespmem:s22+$0x0] =	vst v28;
	v0 =	vld.idx.msk [tilespmem:v31+s21+$0x0], $0xffff  }
0x220: {  	s11 =	sor.u32 $0xC000, s31;
	v10 =	vld.idx.msk [tilespmem:v23+s21+$0x0], $0xffff;
	[tilespmem:s5+$0x0] =	vst v30  }
0x221: {  	v26 =	vadd.s32 $0x30, v55;
	s23 =	sor.u32 s17, s11;
	s5 =	sor.u32 s4, s11;
	[tilespmem:s12+$0x0] =	vst v29;
	v28 =	vld.idx.msk [tilespmem:v32+s21+$0x0], $0xffff;
	s12 =	sor.u32 s9, s11  }
0x222: {  	s11 =	sor.u32 s19, s11;
	v29 =	vld.idx.msk [tilespmem:v34+s21+$0x0], $0xffff;
	[tilespmem:s12+$0x0] =	vst v19  }
0x223: {  	s12 =	sor.u32 $0x5000, s29;
	[tilespmem:s0+$0x0] =	vst v27;
	v2 =	vld.idx.msk [tilespmem:v2+s21+$0x0], $0xffff  }
0x224: {  	v30 =	vadd.s32 $0x30, v54;
	s0 =	sor.u32 s28, s12;
	s22 =	sor.u32 s8, s12;
	s15 =	sor.u32 s7, s12;
	v23 =	vld.idx.msk [tilespmem:v56+s21+$0x0], $0xffff;
	[tilespmem:s25+$0x0] =	vst v33;
	v56 =	vmov v43  }
.Ltmp0:
0x225: {  	s12 =	sor.u32 s1, s12;
	[tilespmem:s15+$0x0] =	vst v0;
	v0 =	vld.idx.msk [tilespmem:v57+s21+$0x0], $0xffff;
	v57 =	vmov v24;
	(pc) =	sbr.rel @p1 .LBB2_3-.Ltmp0, $4  }
0x226: {  	[tilespmem:s22+$0x0] =	vst v10;
	v10 =	vld.idx.msk [tilespmem:v26+s21+$0x0], $0xffff;
	v26 =	vadd.s32 $0x78, v53  }
0x227: {  	s15 =	sor.u32 $0xD000, s31;
	s31 =	smov.u32 s29;
	v25 =	vld.idx.msk [tilespmem:v25+s21+$0x0], $0xffff;
	[tilespmem:s12+$0x0] =	vst v28  }
0x228: {  	v19 =	vadd.s32 $0x3C, v55;
	s25 =	sor.u32 s4, s15;
	s4 =	sor.u32 s9, s15;
	s12 =	sor.u32 s17, s15;
	[tilespmem:s0+$0x0] =	vst v29;
	v27 =	vld.idx.msk [tilespmem:v1+s21+$0x0], $0xffff  }
0x229: {  	s26 =	sadd.s32 $0x40, s26;
	s0 =	sor.u32 s19, s15;
	v1 =	vld.idx.msk [tilespmem:v30+s21+$0x0], $0xffff;
	[tilespmem:s4+$0x0] =	vst v2;
	s4 =	smov.u32 s28  }
0x22a: {  	_ = 	snop  }
0x22b: {  	s9 =	sor.u32 $0x6000, s31  }
0x22c: {  	s10 =	sor.u32 s7, s9  }
0x22d: {  	v2 =	vadd.s32 $0x3C, v54;
	s13 =	sor.u32 s8, s9;
	[tilespmem:s10+$0x0] =	vst v10  }
0x22e: {  	s28 =	sor.u32 s1, s9;
	[tilespmem:s13+$0x0] =	vst v25;
	v10 =	vld.idx.msk [tilespmem:v19+s21+$0x0], $0xffff  }
0x22f: {  	v24 =	vadd.s32 $0x48, v55;
	s9 =	sor.u32 s4, s9;
	v19 =	vld.idx.msk [tilespmem:v62+s21+$0x0], $0xffff;
	[tilespmem:s28+$0x0] =	vst v27  }
0x230: {  	[tilespmem:s9+$0x0] =	vst v1;
	v1 =	vld.idx.msk [tilespmem:v22+s21+$0x0], $0xffff  }
0x231: {  	s29 =	sor.u32 $0x7000, s31  }
0x232: {  	s14 =	sor.u32 s7, s29;
	v2 =	vld.idx.msk [tilespmem:v2+s21+$0x0], $0xffff  }
0x233: {  	s15 =	sor.u32 s8, s29;
	v22 =	vadd.s32 $0x48, v54;
	[tilespmem:s14+$0x0] =	vst v10  }
0x234: {  	s17 =	sor.u32 s1, s29;
	[tilespmem:s15+$0x0] =	vst v19;
	v10 =	vld.idx.msk [tilespmem:v24+s21+$0x0], $0xffff  }
0x235: {  	v19 =	vld.idx.msk [tilespmem:v61+s21+$0x0], $0xffff;
	v24 =	vadd.s32 $0x54, v55;
	[tilespmem:s17+$0x0] =	vst v1  }
0x236: {  	s9 =	sor.u32 s4, s29;
	v1 =	vld.idx.msk [tilespmem:v60+s21+$0x0], $0xffff  }
0x237: {  	s19 =	sor.u32 $0x8000, s31;
	[tilespmem:s9+$0x0] =	vst v2  }
0x238: {  	s22 =	sor.u32 s7, s19;
	v2 =	vld.idx.msk [tilespmem:v22+s21+$0x0], $0xffff  }
0x239: {  	s26 =	sor.u32 s8, s19;
	v22 =	vadd.s32 $0x54, v54;
	[tilespmem:s22+$0x0] =	vst v10  }
0x23a: {  	s28 =	sor.u32 s1, s19;
	[tilespmem:s26+$0x0] =	vst v19;
	v10 =	vld.idx.msk [tilespmem:v24+s21+$0x0], $0xffff  }
0x23b: {  	v19 =	vadd.s32 $0x60, v55;
	v18 =	vld.idx.msk [tilespmem:v18+s21+$0x0], $0xffff;
	[tilespmem:s28+$0x0] =	vst v1  }
0x23c: {  	s9 =	sor.u32 s4, s19;
	v1 =	vld.idx.msk [tilespmem:v59+s21+$0x0], $0xffff  }
0x23d: {  	s29 =	sor.u32 $0x9000, s31;
	[tilespmem:s9+$0x0] =	vst v2  }
0x23e: {  	s14 =	sor.u32 s7, s29;
	v2 =	vld.idx.msk [tilespmem:v22+s21+$0x0], $0xffff  }
0x23f: {  	s15 =	sor.u32 s8, s29;
	v22 =	vadd.s32 $0x60, v54;
	[tilespmem:s14+$0x0] =	vst v10  }
0x240: {  	s17 =	sor.u32 s1, s29;
	[tilespmem:s15+$0x0] =	vst v18;
	v10 =	vld.idx.msk [tilespmem:v19+s21+$0x0], $0xffff  }
0x241: {  	v18 =	vadd.s32 $0x6C, v55;
	v16 =	vld.idx.msk [tilespmem:v16+s21+$0x0], $0xffff;
	[tilespmem:s17+$0x0] =	vst v1  }
0x242: {  	s9 =	sor.u32 s4, s29;
	v1 =	vld.idx.msk [tilespmem:v17+s21+$0x0], $0xffff  }
0x243: {  	s19 =	sor.u32 $0xA000, s31;
	[tilespmem:s9+$0x0] =	vst v2  }
0x244: {  	[tilespmem:s3+$0x0] =	vst v63;
	s22 =	sor.u32 s7, s19;
	v2 =	vld.idx.msk [tilespmem:v22+s21+$0x0], $0xffff  }
0x245: {  	s26 =	sor.u32 s8, s19;
	v17 =	vadd.s32 $0x6C, v54;
	[tilespmem:s22+$0x0] =	vst v10  }
0x246: {  	s28 =	sor.u32 s1, s19;
	[tilespmem:s26+$0x0] =	vst v16;
	v10 =	vld.idx.msk [tilespmem:v18+s21+$0x0], $0xffff  }
0x247: {  	v16 =	vld.idx.msk [tilespmem:v58+s21+$0x0], $0xffff;
	v18 =	vadd.s32 $0x78, v55;
	[tilespmem:s28+$0x0] =	vst v1  }
0x248: {  	[tilespmem:s23+$0x0] =	vst v23;
	s9 =	sor.u32 s4, s19;
	v1 =	vld.idx.msk [tilespmem:v15+s21+$0x0], $0xffff  }
0x249: {  	v14 =	vld.idx.msk [tilespmem:v14+s21+$0x0], $0xffff;
	s29 =	sor.u32 $0xB000, s31;
	[tilespmem:s9+$0x0] =	vst v2  }
0x24a: {  	[tilespmem:s11+$0x0] =	vst v0;
	s11 =	sor.u32 s7, s29;
	v2 =	vld.idx.msk [tilespmem:v17+s21+$0x0], $0xffff  }
0x24b: {  	v0 =	vadd.s32 $0x78, v54;
	s13 =	sor.u32 s8, s29;
	v15 =	vld.idx.msk [tilespmem:v26+s21+$0x0], $0xffff;
	[tilespmem:s11+$0x0] =	vst v10  }
0x24c: {  	s14 =	sor.u32 s1, s29;
	v10 =	vadd.s32 $0x84, v53;
	[tilespmem:s13+$0x0] =	vst v16;
	v17 =	vld.idx.msk [tilespmem:v18+s21+$0x0], $0xffff  }
0x24d: {  	v16 =	vadd.s32 $0x84, v55;
	v18 =	vld.idx.msk [tilespmem:v56+s21+$0x0], $0xffff;
	[tilespmem:s14+$0x0] =	vst v1  }
0x24e: {  	[tilespmem:s12+$0x0] =	vst v14;
	s3 =	sor.u32 s4, s29;
	v1 =	vld.idx.msk [tilespmem:v57+s21+$0x0], $0xffff  }
0x24f: {  	s15 =	sor.u32 $0xC000, s31;
	[tilespmem:s3+$0x0] =	vst v2;
	v2 =	vld.idx.msk [tilespmem:v13+s21+$0x0], $0xffff  }
0x250: {  	s17 =	sor.u32 s7, s15;
	[tilespmem:s5+$0x0] =	vst v15;
	v0 =	vld.idx.msk [tilespmem:v0+s21+$0x0], $0xffff  }
0x251: {  	s19 =	sor.u32 s8, s15;
	v10 =	vld.idx.msk [tilespmem:v10+s21+$0x0], $0xffff;
	[tilespmem:s17+$0x0] =	vst v17  }
0x252: {  	s22 =	sor.u32 s1, s15;
	v13 =	vadd.s32 $0x84, v54;
	[tilespmem:s19+$0x0] =	vst v18;
	v14 =	vld.idx.msk [tilespmem:v16+s21+$0x0], $0xffff  }
0x253: {  	v15 =	vld.idx.msk [tilespmem:v21+s21+$0x0], $0xffff;
	[tilespmem:s22+$0x0] =	vst v1  }
0x254: {  	s3 =	sor.u32 s4, s15;
	[tilespmem:s0+$0x0] =	vst v2  }
0x255: {  	s23 =	sor.u32 $0xD000, s31;
	[tilespmem:s3+$0x0] =	vst v0  }
0x256: {  	s26 =	sor.u32 s7, s23;
	v0 =	vld.idx.msk [tilespmem:v20+s21+$0x0], $0xffff;
	[tilespmem:s25+$0x0] =	vst v10  }
0x257: {  	s28 =	sor.u32 s8, s23;
	v1 =	vld.idx.msk [tilespmem:v13+s21+$0x0], $0xffff;
	[tilespmem:s26+$0x0] =	vst v14  }
0x258: {  	[tilespmem:s28+$0x0] =	vst v15  }
0x259: {  	s31 =	sshll.u32 s30, $0x12;
	s3 =	rddreg [dreg:$0x9]  }
0x25a: {  	s29 =	sor.u32 s1, s23;
	s3 =	sadd.s32 s3, s31  }
0x25b: {  	s7 =	rddreg [dreg:$0x0];
	s0 =	sor.u32 s4, s23;
	[tilespmem:s29+$0x0] =	vst v0;
	s5 =	sshrl.u32 s3, $0x3  }
0x25c: {  	s8 =	simm.s32 $0x0;
	s9 =	sor.u32 s6, s31;
	[tilespmem:s0+$0x0] =	vst v1;
	s0 =	sadd.s32 s7, s5  }
0x25d: {  	[tilespmem:s8], [sflag:$0x1] =	stream.linear.gather [hbm4b:s0+s8], $0x1000, $0x38;
	[tilespmem:$0x1A160] =	vst v63  }
0x25e: {  	s10 =	rddreg [dreg:$0x3];
	s0 =	sshrl.u32 s9, $0x3  }
0x25f: {  	s12 =	simm.s32 $0x2000;
	s11 =	simm.s32 $0x320000;
	s0 =	sadd.s32 s10, s0  }
0x260: {  	[hbm4b:s0+s16] =	stream.strided.scatter [tilespmem:s12], [sflag:$0x3], $0xC000, s11, s16, $0x38;
	[tilespmem:$0x1A160] =	vst v63  }
0x261: {  	_ =	swait.ge [sflag:s24], $0x1000  }
0x262: {  	[sflag:s24] =	ssyncset.done $0x0  }
0x263: {  	s13 =	simm.s32 $0x0;
	s0 =	simm.s32 @!p0 $0x4;
	[sflag:s24] =	ssyncadd.s32 $0xFFFFF000  }
0x264: {  	s9 =	sand.u32 $0x40, s13;
	_ =	swait.ge @!p0 [sflag:s0], $0xC000  }
0x265: {  	s19 =	sand.u32 $0xF80, s13;
	s26 =	sor.u32 $0x30, s9;
	[sflag:s0] =	ssyncset.done @!p0 $0x0  }
0x266: {  	s17 =	sor.u32 $0x10, s9;
	s14 =	sor.u32 s19, s26;
	[sflag:s0] =	ssyncadd.s32 @!p0 $0xFFFF4000  }
0x267: {  	s1 =	sor.u32 s19, s17;
	v15 =	vld [tilespmem:s14+$0x1000]  }
0x268: {  	s28 =	sor.u32 $0x20, s9;
	v14 =	vld [tilespmem:s1+$0x1000]  }
0x269: {  	s15 =	sor.u32 s19, s28  }
0x26a: {  	s16 =	simm.s32 $0x1000;
	v13 =	vld [tilespmem:s15+$0x1000]  }
0x26b: {  	v53 =	vld [tilespmem:s16+$0x0];
	_ =	sdelay $0x3  }
0x26c: {  	v0 =	vld.idx.msk [tilespmem:v15+s21+$0x0], $0xffff  }
0x26d: {  	v2 =	vadd.s32 $0xC, v15;
	v1 =	vld.idx.msk [tilespmem:v14+s21+$0x0], $0xffff  }
0x26e: {  	v10 =	vadd.s32 $0xC, v14  }
0x26f: {  	v16 =	vld.idx.msk [tilespmem:v13+s21+$0x0], $0xffff  }
0x270: {  	v17 =	vadd.s32 $0xC, v13;
	v18 =	vld.idx.msk [tilespmem:v53+s21+$0x0], $0xffff  }
0x271: {  	v19 =	vadd.s32 $0xC, v53;
	[tilespmem:s14+$0xE000] =	vst v0  }
0x272: {  	[tilespmem:s1+$0xE000] =	vst v1;
	v0 =	vld.idx.msk [tilespmem:v2+s21+$0x0], $0xffff  }
0x273: {  	v1 =	vld.idx.msk [tilespmem:v10+s21+$0x0], $0xffff;
	v2 =	vadd.s32 $0x18, v15  }
0x274: {  	s22 =	simm.s32 $0xE000;
	[tilespmem:s15+$0xE000] =	vst v16;
	v10 =	vadd.s32 $0x18, v14  }
0x275: {  	s23 =	sor.u32 $0xF000, s19;
	[tilespmem:s22+$0x0] =	vst v18;
	v16 =	vld.idx.msk [tilespmem:v17+s21+$0x0], $0xffff  }
0x276: {  	s25 =	sor.u32 s26, s23;
	v17 =	vadd.s32 $0x18, v13;
	v18 =	vld.idx.msk [tilespmem:v19+s21+$0x0], $0xffff  }
0x277: {  	s29 =	sor.u32 s17, s23;
	v19 =	vadd.s32 $0x18, v53;
	[tilespmem:s25+$0x0] =	vst v0  }
0x278: {  	[tilespmem:s29+$0x0] =	vst v1;
	v0 =	vld.idx.msk [tilespmem:v2+s21+$0x0], $0xffff  }
0x279: {  	s4 =	sor.u32 s28, s23;
	v1 =	vld.idx.msk [tilespmem:v10+s21+$0x0], $0xffff;
	v2 =	vadd.s32 $0x24, v15  }
0x27a: {  	s0 =	sor.u32 s9, s23;
	[tilespmem:s4+$0x0] =	vst v16;
	v10 =	vadd.s32 $0x24, v14  }
0x27b: {  	s5 =	sor.u32 $0x10000, s19;
	[tilespmem:s0+$0x0] =	vst v18;
	v16 =	vld.idx.msk [tilespmem:v17+s21+$0x0], $0xffff  }
0x27c: {  	s7 =	sor.u32 s26, s5;
	v17 =	vadd.s32 $0x24, v13;
	v18 =	vld.idx.msk [tilespmem:v19+s21+$0x0], $0xffff  }
0x27d: {  	s8 =	sor.u32 s17, s5;
	v19 =	vadd.s32 $0x24, v53;
	[tilespmem:s7+$0x0] =	vst v0  }
0x27e: {  	[tilespmem:s8+$0x0] =	vst v1;
	v0 =	vld.idx.msk [tilespmem:v2+s21+$0x0], $0xffff  }
0x27f: {  	s10 =	sor.u32 s28, s5;
	v1 =	vld.idx.msk [tilespmem:v10+s21+$0x0], $0xffff;
	v2 =	vadd.s32 $0x30, v15  }
0x280: {  	s0 =	sor.u32 s9, s5;
	[tilespmem:s10+$0x0] =	vst v16;
	v10 =	vadd.s32 $0x30, v14  }
0x281: {  	s11 =	sor.u32 $0x11000, s19;
	[tilespmem:s0+$0x0] =	vst v18;
	v16 =	vld.idx.msk [tilespmem:v17+s21+$0x0], $0xffff  }
0x282: {  	s12 =	sor.u32 s26, s11;
	v17 =	vadd.s32 $0x30, v13;
	v18 =	vld.idx.msk [tilespmem:v19+s21+$0x0], $0xffff  }
0x283: {  	s13 =	sor.u32 s17, s11;
	v19 =	vadd.s32 $0x30, v53;
	[tilespmem:s12+$0x0] =	vst v0  }
0x284: {  	[tilespmem:s13+$0x0] =	vst v1;
	v0 =	vld.idx.msk [tilespmem:v2+s21+$0x0], $0xffff  }
0x285: {  	s14 =	sor.u32 s28, s11;
	s15 =	simm.s32 $0x1040;
	v1 =	vld.idx.msk [tilespmem:v10+s21+$0x0], $0xffff;
	v2 =	vadd.s32 $0x3C, v15  }
0x286: {  	v54 =	vld [tilespmem:s15+$0x0];
	s0 =	sor.u32 s9, s11;
	[tilespmem:s14+$0x0] =	vst v16;
	v10 =	vadd.s32 $0x3C, v14  }
0x287: {  	s16 =	sor.u32 $0x12000, s19;
	[tilespmem:s0+$0x0] =	vst v18;
	v16 =	vld.idx.msk [tilespmem:v17+s21+$0x0], $0xffff  }
0x288: {  	s22 =	sor.u32 s26, s16;
	s13 =	simm.s32 $0x40;
	v17 =	vadd.s32 $0x3C, v13;
	v18 =	vld.idx.msk [tilespmem:v19+s21+$0x0], $0xffff  }
0x289: {  	s23 =	sor.u32 s17, s16;
	v19 =	vadd.s32 $0x3C, v53;
	s4 =	sand.u32 $0x40, s13;
	[tilespmem:s22+$0x0] =	vst v0  }
0x28a: {  	s1 =	sand.u32 $0xF80, s13;
	s8 =	sor.u32 $0x30, s4;
	[tilespmem:s23+$0x0] =	vst v1;
	v0 =	vld.idx.msk [tilespmem:v2+s21+$0x0], $0xffff  }
0x28b: {  	s25 =	sor.u32 s28, s16;
	s3 =	sor.u32 s1, s8;
	v1 =	vld.idx.msk [tilespmem:v10+s21+$0x0], $0xffff;
	v2 =	vadd.s32 $0x48, v15  }
0x28c: {  	s0 =	sor.u32 s9, s16;
	v55 =	vld [tilespmem:s3+$0x1000];
	[tilespmem:s25+$0x0] =	vst v16;
	v10 =	vadd.s32 $0x48, v14  }
0x28d: {  	s29 =	sor.u32 $0x13000, s19;
	[tilespmem:s0+$0x0] =	vst v18;
	v16 =	vld.idx.msk [tilespmem:v17+s21+$0x0], $0xffff  }
0x28e: {  	s12 =	sor.u32 s26, s29;
	v17 =	vld.idx.msk [tilespmem:v19+s21+$0x0], $0xffff  }
0x28f: {  	s14 =	sor.u32 s17, s29;
	v18 =	vld.idx.msk [tilespmem:v54+s21+$0x0], $0xffff;
	v19 =	vadd.s32 $0x48, v53;
	[tilespmem:s12+$0x0] =	vst v0  }
0x290: {  	s10 =	sor.u32 $0x10, s4;
	v0 =	vadd.s32 $0x48, v13;
	[tilespmem:s14+$0x0] =	vst v1;
	v2 =	vld.idx.msk [tilespmem:v2+s21+$0x0], $0xffff  }
0x291: {  	v21 =	vadd.s32 $0x54, v15;
	s7 =	sor.u32 $0x20, s4;
	s5 =	sor.u32 s1, s10;
	v10 =	vld.idx.msk [tilespmem:v10+s21+$0x0], $0xffff  }
0x292: {  	v22 =	vadd.s32 $0x54, v14;
	s11 =	sor.u32 s1, s7;
	s0 =	sor.u32 s9, s29;
	v1 =	vld [tilespmem:s5+$0x1000]  }
0x293: {  	s15 =	sor.u32 s28, s29;
	s16 =	sor.u32 $0x14000, s19;
	v20 =	vld [tilespmem:s11+$0x1000];
	[tilespmem:s0+$0x0] =	vst v17  }
0x294: {  	s22 =	sor.u32 s26, s16;
	[tilespmem:s15+$0x0] =	vst v16;
	v16 =	vadd.s32 $0xC, v54;
	v17 =	vld.idx.msk [tilespmem:v19+s21+$0x0], $0xffff  }
0x295: {  	s14 =	sor.u32 s17, s16;
	v0 =	vld.idx.msk [tilespmem:v0+s21+$0x0], $0xffff;
	[tilespmem:s22+$0x0] =	vst v2  }
0x296: {  	[tilespmem:s14+$0x0] =	vst v10;
	s14 =	simm.s32 $0xE040;
	v2 =	vld.idx.msk [tilespmem:v21+s21+$0x0], $0xffff  }
0x297: {  	v10 =	vadd.s32 $0x54, v13;
	[tilespmem:s14+$0x0] =	vst v18;
	v18 =	vld.idx.msk [tilespmem:v22+s21+$0x0], $0xffff  }
0x298: {  	v21 =	vadd.s32 $0x54, v53;
	v22 =	vld.idx.msk [tilespmem:v55+s21+$0x0], $0xffff  }
0x299: {  	s12 =	sor.u32 s9, s16;
	v19 =	vadd.s32 $0x60, v15;
	v16 =	vld.idx.msk [tilespmem:v16+s21+$0x0], $0xffff  }
0x29a: {  	v23 =	vadd.s32 $0x60, v14;
	s23 =	sor.u32 s28, s16;
	s15 =	sor.u32 $0x15000, s19;
	[tilespmem:s12+$0x0] =	vst v17;
	v24 =	vld.idx.msk [tilespmem:v1+s21+$0x0], $0xffff  }
0x29b: {  	v25 =	vadd.s32 $0xC, v55;
	s25 =	sor.u32 s26, s15;
	[tilespmem:s23+$0x0] =	vst v0;
	v0 =	vld.idx.msk [tilespmem:v20+s21+$0x0], $0xffff  }
0x29c: {  	s29 =	sor.u32 s17, s15;
	v26 =	vadd.s32 $0xC, v1;
	v10 =	vld.idx.msk [tilespmem:v10+s21+$0x0], $0xffff;
	[tilespmem:s25+$0x0] =	vst v2  }
0x29d: {  	v2 =	vadd.s32 $0xC, v20;
	[tilespmem:s29+$0x0] =	vst v18;
	v18 =	vld.idx.msk [tilespmem:v21+s21+$0x0], $0xffff  }
0x29e: {  	[tilespmem:s3+$0xE000] =	vst v22;
	v17 =	vld.idx.msk [tilespmem:v19+s21+$0x0], $0xffff;
	v19 =	vadd.s32 $0x60, v13  }
0x29f: {  	v21 =	vld.idx.msk [tilespmem:v23+s21+$0x0], $0xffff;
	[tilespmem:s5+$0xE000] =	vst v24;
	v24 =	vadd.s32 $0x60, v53  }
0x2a0: {  	s22 =	sor.u32 $0xF000, s1;
	v22 =	vadd.s32 $0x6C, v15;
	v23 =	vld.idx.msk [tilespmem:v25+s21+$0x0], $0xffff;
	s5 =	sor.u32 s28, s15;
	[tilespmem:s11+$0xE000] =	vst v0  }
0x2a1: {  	v25 =	vadd.s32 $0x6C, v14;
	v26 =	vld.idx.msk [tilespmem:v26+s21+$0x0], $0xffff;
	s11 =	sor.u32 s4, s22;
	[tilespmem:s5+$0x0] =	vst v10  }
0x2a2: {  	s3 =	sor.u32 $0x16000, s19;
	s15 =	sor.u32 s9, s15;
	v10 =	vadd.s32 $0x18, v1;
	[tilespmem:s11+$0x0] =	vst v16;
	v0 =	vld.idx.msk [tilespmem:v2+s21+$0x0], $0xffff  }
0x2a3: {  	s12 =	sor.u32 s26, s3;
	v2 =	vadd.s32 $0x18, v55;
	[tilespmem:s15+$0x0] =	vst v18;
	v19 =	vld.idx.msk [tilespmem:v19+s21+$0x0], $0xffff  }
0x2a4: {  	s16 =	sor.u32 s17, s3;
	[tilespmem:s12+$0x0] =	vst v17;
	v17 =	vadd.s32 $0x18, v20;
	v24 =	vld.idx.msk [tilespmem:v24+s21+$0x0], $0xffff  }
0x2a5: {  	s25 =	sor.u32 s10, s22;
	[tilespmem:s16+$0x0] =	vst v21;
	v18 =	vld.idx.msk [tilespmem:v22+s21+$0x0], $0xffff;
	v22 =	vadd.s32 $0x18, v54  }
0x2a6: {  	s23 =	sor.u32 s8, s22;
	v21 =	vld.idx.msk [tilespmem:v25+s21+$0x0], $0xffff;
	v25 =	vadd.s32 $0x6C, v13;
	[tilespmem:s25+$0x0] =	vst v26  }
0x2a7: {  	s29 =	sor.u32 s7, s22;
	[tilespmem:s23+$0x0] =	vst v23;
	v23 =	vadd.s32 $0x78, v15;
	v10 =	vld.idx.msk [tilespmem:v10+s21+$0x0], $0xffff  }
0x2a8: {  	s15 =	sor.u32 s28, s3;
	v2 =	vld.idx.msk [tilespmem:v2+s21+$0x0], $0xffff;
	[tilespmem:s29+$0x0] =	vst v0;
	v0 =	vadd.s32 $0x6C, v53  }
0x2a9: {  	s5 =	sor.u32 $0x17000, s19;
	s16 =	sor.u32 s9, s3;
	v16 =	vld.idx.msk [tilespmem:v17+s21+$0x0], $0xffff;
	v17 =	vadd.s32 $0x24, v55;
	[tilespmem:s15+$0x0] =	vst v19  }
0x2aa: {  	s12 =	sor.u32 s26, s5;
	v26 =	vadd.s32 $0x24, v1;
	[tilespmem:s16+$0x0] =	vst v24;
	v22 =	vld.idx.msk [tilespmem:v22+s21+$0x0], $0xffff  }
0x2ab: {  	s22 =	sor.u32 $0x10000, s1;
	[tilespmem:s12+$0x0] =	vst v18;
	v18 =	vadd.s32 $0x24, v20;
	v24 =	vld.idx.msk [tilespmem:v25+s21+$0x0], $0xffff  }
0x2ac: {  	s23 =	sor.u32 s8, s22;
	v19 =	vld.idx.msk [tilespmem:v23+s21+$0x0], $0xffff;
	v23 =	vadd.s32 $0x24, v54  }
0x2ad: {  	s25 =	sor.u32 s10, s22;
	[tilespmem:s23+$0x0] =	vst v2;
	v63 =	vld.idx.msk [tilespmem:v0+s21+$0x0], $0xffff;
	v0 =	vadd.s32 $0x84, v15  }
0x2ae: {  	s29 =	sor.u32 s7, s22;
	[tilespmem:s25+$0x0] =	vst v10;
	v2 =	vadd.s32 $0x78, v14;
	v10 =	vld.idx.msk [tilespmem:v17+s21+$0x0], $0xffff  }
0x2af: {  	s11 =	sor.u32 $0x18000, s19;
	s3 =	sor.u32 s4, s22;
	v15 =	vadd.s32 $0x78, v13;
	v17 =	vld.idx.msk [tilespmem:v26+s21+$0x0], $0xffff;
	[tilespmem:s29+$0x0] =	vst v16  }
0x2b0: {  	s12 =	sor.u32 s26, s11;
	v26 =	vadd.s32 $0x30, v55;
	[tilespmem:s3+$0x0] =	vst v22;
	v25 =	vld.idx.msk [tilespmem:v18+s21+$0x0], $0xffff  }
0x2b1: {  	v27 =	vadd.s32 $0x30, v1;
	s15 =	sor.u32 s17, s5;
	v28 =	vld.idx.msk [tilespmem:v23+s21+$0x0], $0xffff;
	[tilespmem:s12+$0x0] =	vst v19  }
0x2b2: {  	v30 =	vadd.s32 $0x30, v54;
	s22 =	sor.u32 $0x11000, s1;
	s16 =	sor.u32 s28, s5;
	[tilespmem:s15+$0x0] =	vst v21;
	v19 =	vadd.s32 $0x30, v20;
	v29 =	vld.idx.msk [tilespmem:v0+s21+$0x0], $0xffff  }
0x2b3: {  	v60 =	vadd.s32 $0x48, v20;
	v59 =	vadd.s32 $0x54, v20;
	v57 =	vadd.s32 $0x78, v20;
	s23 =	sor.u32 s8, s22;
	[tilespmem:s16+$0x0] =	vst v24;
	v23 =	vld.idx.msk [tilespmem:v2+s21+$0x0], $0xffff  }
0x2b4: {  	s2 =	sor.u32 $0x1, s2;
	v62 =	vadd.s32 $0x3C, v1;
	v61 =	vadd.s32 $0x48, v1;
	v58 =	vadd.s32 $0x6C, v1;
	s25 =	sor.u32 s10, s22;
	s29 =	sor.u32 s7, s22;
	v0 =	vld.idx.msk [tilespmem:v15+s21+$0x0], $0xffff;
	[tilespmem:s23+$0x0] =	vst v10  }
0x2b5: {  	v56 =	vadd.s32 $0x78, v1;
	v21 =	vadd.s32 $0x84, v1;
	s3 =	sor.u32 s9, s5;
	s5 =	sor.u32 s9, s11;
	s16 =	sor.u32 s4, s22;
	[tilespmem:s25+$0x0] =	vst v17;
	v10 =	vld.idx.msk [tilespmem:v26+s21+$0x0], $0xffff;
	v26 =	vadd.s32 $0x78, v53  }
0x2b6: {  	v14 =	vadd.s32 $0x84, v14;
	v13 =	vadd.s32 $0x84, v13;
	v16 =	vadd.s32 $0x60, v1;
	s22 =	sor.u32 $0x19000, s19;
	s12 =	sor.u32 s17, s11;
	s11 =	sor.u32 s28, s11;
	[tilespmem:s29+$0x0] =	vst v25;
	v25 =	vld.idx.msk [tilespmem:v27+s21+$0x0], $0xffff  }
0x2b7: {  	v22 =	vadd.s32 $0x3C, v20;
	v18 =	vadd.s32 $0x54, v1;
	s0 =	sor.u32 s28, s22;
	s25 =	sor.u32 s9, s22;
	s29 =	sor.u32 s26, s22;
	[tilespmem:s16+$0x0] =	vst v28;
	v1 =	vld.idx.msk [tilespmem:v19+s21+$0x0], $0xffff;
	v19 =	vadd.s32 $0x3C, v55  }
0x2b8: {  	v15 =	vadd.s32 $0x6C, v20;
	v17 =	vadd.s32 $0x60, v20;
	s23 =	sor.u32 s17, s22;
	s9 =	simm.s32 $0x4;
	v20 =	vadd.s32 $0x84, v20;
	s17 =	simm.s32 $0x1080;
	v27 =	vld.idx.msk [tilespmem:v30+s21+$0x0], $0xffff;
	[tilespmem:s29+$0x0] =	vst v29  }
.LBB2_5:
0x2b9: {  	v2 =	vld [tilespmem:s17+$0x0];
	s15 =	sor.u32 $0x12000, s1;
	[tilespmem:s3+$0x0] =	vst v63;
	s19 =	smov.u32 s8;
	s26 =	smov.u32 s10  }
0x2ba: {  	v24 =	vadd.s32 $0x3C, v54;
	s3 =	sor.u32 s4, s15;
	s8 =	sor.u32 s26, s15;
	s10 =	sor.u32 s19, s15;
	v26 =	vld.idx.msk [tilespmem:v26+s21+$0x0], $0xffff;
	[tilespmem:s12+$0x0] =	vst v23  }
0x2bb: {  	s28 =	smov.u32 s7;
	s12 =	sor.u32 s7, s15;
	[tilespmem:s10+$0x0] =	vst v10;
	v10 =	vld.idx.msk [tilespmem:v14+s21+$0x0], $0xffff;
	v14 =	vmov v21  }
0x2bc: {  	v21 =	vadd.s32 $0x84, v53;
	v53 =	vmov v54;
	[tilespmem:s8+$0x0] =	vst v25;
	v19 =	vld.idx.msk [tilespmem:v19+s21+$0x0], $0xffff  }
0x2bd: {  	v23 =	vld.idx.msk [tilespmem:v62+s21+$0x0], $0xffff;
	[tilespmem:s12+$0x0] =	vst v1  }
0x2be: {  	[tilespmem:s3+$0x0] =	vst v27;
	v1 =	vld.idx.msk [tilespmem:v22+s21+$0x0], $0xffff;
	v22 =	vadd.s32 $0x48, v55;
	v54 =	vmov v2  }
0x2bf: {  	v24 =	vld.idx.msk [tilespmem:v24+s21+$0x0], $0xffff;
	[tilespmem:s11+$0x0] =	vst v0  }
0x2c0: {  	s12 =	sor.u32 $0x13000, s1;
	[tilespmem:s5+$0x0] =	vst v26;
	v25 =	vld.idx.msk [tilespmem:v13+s21+$0x0], $0xffff;
	v13 =	vmov v20  }
0x2c1: {  	s13 =	sadd.s32 $0x40, s13;
	s15 =	sor.u32 s4, s12;
	s3 =	sor.u32 s19, s12;
	v20 =	vld.idx.msk [tilespmem:v21+s21+$0x0], $0xffff;
	[tilespmem:s23+$0x0] =	vst v10  }
0x2c2: {  	s9 =	sadd.s32 $0x4, s9;
	s29 =	sand.u32 $0x40, s13;
	s5 =	sor.u32 s26, s12;
	v2 =	vld.idx.msk [tilespmem:v2+s21+$0x0], $0xffff;
	[tilespmem:s3+$0x0] =	vst v19  }
0x2c3: {  	p0 =	slt.u32 s9, $0xFC;
	s8 =	sor.u32 $0x30, s29;
	s23 =	sand.u32 $0xF80, s13;
	[tilespmem:s5+$0x0] =	vst v23;
	v10 =	vld.idx.msk [tilespmem:v22+s21+$0x0], $0xffff  }
0x2c4: {  	s10 =	sor.u32 $0x10, s29;
	s7 =	sor.u32 $0x20, s29;
	s11 =	sor.u32 s23, s8;
	v19 =	vadd.s32 $0x48, v53;
	v21 =	vld.idx.msk [tilespmem:v61+s21+$0x0], $0xffff  }
0x2c5: {  	s12 =	sor.u32 s28, s12;
	s3 =	sor.u32 s23, s7;
	s5 =	sor.u32 s23, s10;
	v22 =	vadd.s32 $0x54, v55;
	v0 =	vld [tilespmem:s11+$0x1000];
	[tilespmem:s15+$0x0] =	vst v24  }
0x2c6: {  	v24 =	vld [tilespmem:s5+$0x1000];
	[tilespmem:s12+$0x0] =	vst v1  }
0x2c7: {  	v1 =	vadd.s32 $0xC, v54;
	s12 =	sor.u32 $0x14000, s1;
	v26 =	vld [tilespmem:s3+$0x1000];
	[tilespmem:s0+$0x0] =	vst v25  }
0x2c8: {  	s0 =	sor.u32 s4, s12;
	s15 =	sor.u32 s26, s12;
	s22 =	sor.u32 s19, s12;
	v27 =	vld.idx.msk [tilespmem:v60+s21+$0x0], $0xffff;
	[tilespmem:s25+$0x0] =	vst v20  }
0x2c9: {  	s12 =	sor.u32 s28, s12;
	v19 =	vld.idx.msk [tilespmem:v19+s21+$0x0], $0xffff;
	[tilespmem:s22+$0x0] =	vst v10  }
0x2ca: {  	s14 =	sadd.s32 $0x40, s14;
	v10 =	vadd.s32 $0x54, v53;
	[tilespmem:s15+$0x0] =	vst v21;
	v20 =	vld.idx.msk [tilespmem:v22+s21+$0x0], $0xffff  }
0x2cb: {  	[tilespmem:s14+$0x0] =	vst v2;
	v2 =	vadd.s32 $0xC, v24;
	v28 =	vadd.s32 $0x18, v24;
	v23 =	vadd.s32 $0x24, v24;
	v21 =	vld.idx.msk [tilespmem:v18+s21+$0x0], $0xffff  }
0x2cc: {  	v32 =	vadd.s32 $0x60, v55;
	v29 =	vld.idx.msk [tilespmem:v1+s21+$0x0], $0xffff;
	v30 =	vadd.s32 $0xC, v26;
	v31 =	vadd.s32 $0x18, v26  }
0x2cd: {  	v25 =	vadd.s32 $0x30, v24;
	v33 =	vadd.s32 $0x24, v26;
	v1 =	vadd.s32 $0x30, v26;
	v34 =	vld.idx.msk [tilespmem:v0+s21+$0x0], $0xffff  }
0x2ce: {  	s15 =	sor.u32 $0x15000, s1;
	v62 =	vadd.s32 $0x3C, v24;
	v61 =	vadd.s32 $0x48, v24;
	v22 =	vadd.s32 $0x3C, v26;
	v35 =	vld.idx.msk [tilespmem:v24+s21+$0x0], $0xffff;
	[tilespmem:s12+$0x0] =	vst v27  }
0x2cf: {  	v36 =	vadd.s32 $0xC, v0;
	v18 =	vadd.s32 $0x54, v24;
	s22 =	sor.u32 s19, s15;
	v60 =	vadd.s32 $0x48, v26;
	s12 =	sor.u32 s26, s15;
	v27 =	vld.idx.msk [tilespmem:v26+s21+$0x0], $0xffff;
	[tilespmem:s0+$0x0] =	vst v19;
	s0 =	sor.u32 s4, s15  }
0x2d0: {  	v39 =	vadd.s32 $0x60, v26;
	v19 =	vadd.s32 $0x60, v24;
	s15 =	sor.u32 s28, s15;
	v40 =	vld.idx.msk [tilespmem:v59+s21+$0x0], $0xffff;
	v59 =	vadd.s32 $0x54, v26;
	[tilespmem:s22+$0x0] =	vst v20  }
0x2d1: {  	v41 =	vadd.s32 $0x6C, v24;
	v42 =	vadd.s32 $0x78, v24;
	v43 =	vadd.s32 $0x6C, v26;
	[tilespmem:s12+$0x0] =	vst v21;
	v32 =	vld.idx.msk [tilespmem:v32+s21+$0x0], $0xffff  }
0x2d2: {  	v20 =	vadd.s32 $0x84, v26;
	v21 =	vadd.s32 $0x84, v24;
	v24 =	vadd.s32 $0x78, v26;
	v10 =	vld.idx.msk [tilespmem:v10+s21+$0x0], $0xffff  }
0x2d3: {  	[tilespmem:s11+$0xE000] =	vst v34;
	v26 =	vld.idx.msk [tilespmem:v16+s21+$0x0], $0xffff;
	v34 =	vadd.s32 $0x6C, v55;
	v16 =	vmov v19  }
0x2d4: {  	[tilespmem:s5+$0xE000] =	vst v35;
	v19 =	vld.idx.msk [tilespmem:v36+s21+$0x0], $0xffff;
	v35 =	vadd.s32 $0x60, v53  }
0x2d5: {  	v2 =	vld.idx.msk [tilespmem:v2+s21+$0x0], $0xffff;
	[tilespmem:s3+$0xE000] =	vst v27;
	s3 =	sor.u32 $0x16000, s1  }
0x2d6: {  	v27 =	vld.idx.msk [tilespmem:v30+s21+$0x0], $0xffff;
	v30 =	vadd.s32 $0x18, v0;
	s5 =	sor.u32 s4, s3;
	s11 =	sor.u32 s26, s3;
	[tilespmem:s15+$0x0] =	vst v40;
	s12 =	sor.u32 s19, s3  }
0x2d7: {  	s15 =	sor.u32 s28, s3;
	v36 =	vld.idx.msk [tilespmem:v17+s21+$0x0], $0xffff;
	[tilespmem:s12+$0x0] =	vst v32;
	v17 =	vmov v39  }
0x2d8: {  	s3 =	sor.u32 $0xF000, s23;
	[tilespmem:s0+$0x0] =	vst v10;
	v10 =	vld.idx.msk [tilespmem:v34+s21+$0x0], $0xffff  }
0x2d9: {  	v32 =	vadd.s32 $0x18, v54;
	s12 =	sor.u32 s10, s3;
	s22 =	sor.u32 s8, s3;
	s0 =	sor.u32 s29, s3;
	v34 =	vld.idx.msk [tilespmem:v35+s21+$0x0], $0xffff;
	[tilespmem:s11+$0x0] =	vst v26  }
0x2da: {  	s3 =	sor.u32 s7, s3;
	v26 =	vadd.s32 $0x78, v55;
	[tilespmem:s22+$0x0] =	vst v19;
	v19 =	vld.idx.msk [tilespmem:v58+s21+$0x0], $0xffff;
	v58 =	vmov v41  }
0x2db: {  	[tilespmem:s12+$0x0] =	vst v2;
	v2 =	vld.idx.msk [tilespmem:v30+s21+$0x0], $0xffff  }
0x2dc: {  	s11 =	sor.u32 $0x17000, s1;
	v28 =	vld.idx.msk [tilespmem:v28+s21+$0x0], $0xffff;
	[tilespmem:s3+$0x0] =	vst v27;
	v27 =	vadd.s32 $0x6C, v53  }
0x2dd: {  	v30 =	vadd.s32 $0x24, v0;
	s12 =	sor.u32 s19, s11;
	s3 =	sor.u32 s4, s11;
	[tilespmem:s0+$0x0] =	vst v29;
	v29 =	vld.idx.msk [tilespmem:v31+s21+$0x0], $0xffff;
	s0 =	sor.u32 s26, s11  }
0x2de: {  	s22 =	sor.u32 s28, s11;
	v31 =	vld.idx.msk [tilespmem:v32+s21+$0x0], $0xffff;
	[tilespmem:s12+$0x0] =	vst v10  }
0x2df: {  	s11 =	sor.u32 $0x10000, s23;
	[tilespmem:s15+$0x0] =	vst v36;
	v10 =	vld.idx.msk [tilespmem:v26+s21+$0x0], $0xffff  }
0x2e0: {  	s12 =	sor.u32 s29, s11;
	s25 =	sor.u32 s8, s11;
	v26 =	vadd.s32 $0x24, v54;
	s15 =	sor.u32 s10, s11;
	[tilespmem:s5+$0x0] =	vst v34;
	v32 =	vld.idx.msk [tilespmem:v15+s21+$0x0], $0xffff;
	v15 =	vmov v43  }
0x2e1: {  	s5 =	sor.u32 s7, s11;
	[tilespmem:s25+$0x0] =	vst v2;
	v63 =	vld.idx.msk [tilespmem:v27+s21+$0x0], $0xffff;
	v2 =	vadd.s32 $0x84, v55;
	v55 =	vmov v0  }
0x2e2: {  	[tilespmem:s15+$0x0] =	vst v28;
	v0 =	vld.idx.msk [tilespmem:v30+s21+$0x0], $0xffff  }
0x2e3: {  	s11 =	sor.u32 $0x18000, s1;
	v27 =	vld.idx.msk [tilespmem:v23+s21+$0x0], $0xffff;
	[tilespmem:s5+$0x0] =	vst v29  }
0x2e4: {  	s15 =	sor.u32 s19, s11;
	v29 =	vadd.s32 $0x30, v55;
	s5 =	sor.u32 s4, s11;
	[tilespmem:s12+$0x0] =	vst v31;
	v28 =	vld.idx.msk [tilespmem:v33+s21+$0x0], $0xffff;
	s12 =	sor.u32 s26, s11  }
0x2e5: {  	s11 =	sor.u32 s28, s11;
	v30 =	vld.idx.msk [tilespmem:v26+s21+$0x0], $0xffff;
	[tilespmem:s15+$0x0] =	vst v10  }
0x2e6: {  	s15 =	sor.u32 $0x11000, s23;
	[tilespmem:s0+$0x0] =	vst v19;
	v2 =	vld.idx.msk [tilespmem:v2+s21+$0x0], $0xffff  }
0x2e7: {  	v31 =	vadd.s32 $0x30, v54;
	s0 =	sor.u32 s29, s15;
	s25 =	sor.u32 s10, s15;
	s16 =	sor.u32 s8, s15;
	v23 =	vld.idx.msk [tilespmem:v56+s21+$0x0], $0xffff;
	[tilespmem:s22+$0x0] =	vst v32;
	v56 =	vmov v42  }
.Ltmp1:
0x2e8: {  	s15 =	sor.u32 s7, s15;
	[tilespmem:s16+$0x0] =	vst v0;
	v0 =	vld.idx.msk [tilespmem:v57+s21+$0x0], $0xffff;
	v57 =	vmov v24;
	(pc) =	sbr.rel @p0 .LBB2_5-.Ltmp1, $4  }
0x2e9: {  	v26 =	vadd.s32 $0x78, v53;
	[tilespmem:s25+$0x0] =	vst v27;
	v10 =	vld.idx.msk [tilespmem:v29+s21+$0x0], $0xffff  }
0x2ea: {  	v25 =	vld.idx.msk [tilespmem:v25+s21+$0x0], $0xffff;
	[tilespmem:s15+$0x0] =	vst v28;
	s15 =	sor.u32 $0x19000, s1;
	s1 =	smov.u32 s23  }
0x2eb: {  	v19 =	vadd.s32 $0x3C, v55;
	[tilespmem:s0+$0x0] =	vst v30;
	v1 =	vld.idx.msk [tilespmem:v1+s21+$0x0], $0xffff;
	s25 =	sor.u32 s4, s15;
	s23 =	sor.u32 s26, s15;
	s4 =	sor.u32 s19, s15  }
0x2ec: {  	s17 =	sadd.s32 $0x40, s17;
	s0 =	sor.u32 s28, s15;
	v27 =	vld.idx.msk [tilespmem:v31+s21+$0x0], $0xffff;
	[tilespmem:s4+$0x0] =	vst v2;
	s4 =	smov.u32 s29  }
0x2ed: {  	_ = 	snop  }
0x2ee: {  	s9 =	sor.u32 $0x12000, s1  }
0x2ef: {  	s13 =	sor.u32 s8, s9  }
0x2f0: {  	v2 =	vadd.s32 $0x3C, v54;
	s28 =	sor.u32 s10, s9;
	[tilespmem:s13+$0x0] =	vst v10  }
0x2f1: {  	s14 =	sor.u32 s7, s9;
	[tilespmem:s28+$0x0] =	vst v25;
	v10 =	vld.idx.msk [tilespmem:v19+s21+$0x0], $0xffff  }
0x2f2: {  	v34 =	vld.idx.msk [tilespmem:v62+s21+$0x0], $0xffff;
	[tilespmem:s14+$0x0] =	vst v1;
	v1 =	vadd.s32 $0x48, v55  }
0x2f3: {  	s9 =	sor.u32 s4, s9  }
0x2f4: {  	s29 =	sor.u32 $0x13000, s1;
	[tilespmem:s9+$0x0] =	vst v27;
	v22 =	vld.idx.msk [tilespmem:v22+s21+$0x0], $0xffff  }
0x2f5: {  	s15 =	sor.u32 s8, s29;
	v2 =	vld.idx.msk [tilespmem:v2+s21+$0x0], $0xffff  }
0x2f6: {  	v24 =	vadd.s32 $0x48, v54;
	s16 =	sor.u32 s10, s29;
	[tilespmem:s15+$0x0] =	vst v10  }
0x2f7: {  	[tilespmem:s16+$0x0] =	vst v34;
	v1 =	vld.idx.msk [tilespmem:v1+s21+$0x0], $0xffff  }
0x2f8: {  	v35 =	vadd.s32 $0x54, v55;
	s17 =	sor.u32 s7, s29;
	v10 =	vld.idx.msk [tilespmem:v61+s21+$0x0], $0xffff  }
0x2f9: {  	s9 =	sor.u32 s4, s29;
	[tilespmem:s17+$0x0] =	vst v22  }
0x2fa: {  	s19 =	sor.u32 $0x14000, s1;
	[tilespmem:s9+$0x0] =	vst v2;
	v2 =	vld.idx.msk [tilespmem:v60+s21+$0x0], $0xffff  }
0x2fb: {  	s22 =	sor.u32 s8, s19;
	v36 =	vld.idx.msk [tilespmem:v24+s21+$0x0], $0xffff  }
0x2fc: {  	v39 =	vadd.s32 $0x54, v54;
	s26 =	sor.u32 s10, s19;
	[tilespmem:s22+$0x0] =	vst v1  }
0x2fd: {  	[tilespmem:s26+$0x0] =	vst v10;
	v1 =	vld.idx.msk [tilespmem:v35+s21+$0x0], $0xffff  }
0x2fe: {  	v40 =	vadd.s32 $0x60, v55;
	s28 =	sor.u32 s7, s19;
	v10 =	vld.idx.msk [tilespmem:v18+s21+$0x0], $0xffff  }
0x2ff: {  	s9 =	sor.u32 s4, s19;
	[tilespmem:s28+$0x0] =	vst v2  }
0x300: {  	s29 =	sor.u32 $0x15000, s1;
	[tilespmem:s9+$0x0] =	vst v36;
	v2 =	vld.idx.msk [tilespmem:v59+s21+$0x0], $0xffff  }
0x301: {  	s15 =	sor.u32 s8, s29;
	v41 =	vld.idx.msk [tilespmem:v39+s21+$0x0], $0xffff  }
0x302: {  	v42 =	vadd.s32 $0x60, v54;
	s16 =	sor.u32 s10, s29;
	[tilespmem:s15+$0x0] =	vst v1  }
0x303: {  	[tilespmem:s16+$0x0] =	vst v10;
	v1 =	vld.idx.msk [tilespmem:v40+s21+$0x0], $0xffff  }
0x304: {  	v43 =	vadd.s32 $0x6C, v55;
	s17 =	sor.u32 s7, s29;
	v10 =	vld.idx.msk [tilespmem:v16+s21+$0x0], $0xffff  }
0x305: {  	s9 =	sor.u32 s4, s29;
	[tilespmem:s17+$0x0] =	vst v2  }
0x306: {  	s19 =	sor.u32 $0x16000, s1;
	v2 =	vld.idx.msk [tilespmem:v17+s21+$0x0], $0xffff;
	[tilespmem:s9+$0x0] =	vst v41  }
0x307: {  	[tilespmem:s3+$0x0] =	vst v63;
	s22 =	sor.u32 s8, s19;
	v59 =	vld.idx.msk [tilespmem:v42+s21+$0x0], $0xffff  }
0x308: {  	v60 =	vadd.s32 $0x6C, v54;
	s26 =	sor.u32 s10, s19;
	[tilespmem:s22+$0x0] =	vst v1  }
0x309: {  	[tilespmem:s26+$0x0] =	vst v10;
	v1 =	vld.idx.msk [tilespmem:v43+s21+$0x0], $0xffff  }
0x30a: {  	[tilespmem:s12+$0x0] =	vst v23;
	v61 =	vadd.s32 $0x78, v55;
	s28 =	sor.u32 s7, s19;
	v10 =	vld.idx.msk [tilespmem:v58+s21+$0x0], $0xffff  }
0x30b: {  	v14 =	vld.idx.msk [tilespmem:v14+s21+$0x0], $0xffff;
	s9 =	sor.u32 s4, s19;
	[tilespmem:s28+$0x0] =	vst v2  }
0x30c: {  	s29 =	sor.u32 $0x17000, s1;
	[tilespmem:s9+$0x0] =	vst v59;
	v2 =	vld.idx.msk [tilespmem:v15+s21+$0x0], $0xffff  }
0x30d: {  	[tilespmem:s11+$0x0] =	vst v0;
	s12 =	sor.u32 s8, s29;
	v15 =	vld.idx.msk [tilespmem:v60+s21+$0x0], $0xffff  }
0x30e: {  	v0 =	vadd.s32 $0x78, v54;
	v62 =	vld.idx.msk [tilespmem:v26+s21+$0x0], $0xffff;
	s13 =	sor.u32 s10, s29;
	[tilespmem:s12+$0x0] =	vst v1  }
0x30f: {  	v1 =	vadd.s32 $0x84, v53;
	[tilespmem:s13+$0x0] =	vst v10;
	v16 =	vld.idx.msk [tilespmem:v61+s21+$0x0], $0xffff  }
0x310: {  	[tilespmem:s23+$0x0] =	vst v14;
	s14 =	sor.u32 s7, s29;
	v10 =	vadd.s32 $0x84, v55;
	v63 =	vld.idx.msk [tilespmem:v56+s21+$0x0], $0xffff  }
0x311: {  	v13 =	vld.idx.msk [tilespmem:v13+s21+$0x0], $0xffff;
	s3 =	sor.u32 s4, s29;
	[tilespmem:s14+$0x0] =	vst v2  }
0x312: {  	s15 =	sor.u32 $0x18000, s1;
	v2 =	vld.idx.msk [tilespmem:v57+s21+$0x0], $0xffff;
	[tilespmem:s3+$0x0] =	vst v15  }
0x313: {  	[tilespmem:s5+$0x0] =	vst v62;
	s16 =	sor.u32 s8, s15;
	v0 =	vld.idx.msk [tilespmem:v0+s21+$0x0], $0xffff  }
0x314: {  	v14 =	vadd.s32 $0x84, v54;
	s17 =	sor.u32 s10, s15;
	v1 =	vld.idx.msk [tilespmem:v1+s21+$0x0], $0xffff;
	[tilespmem:s16+$0x0] =	vst v16  }
0x315: {  	[tilespmem:s17+$0x0] =	vst v63;
	v10 =	vld.idx.msk [tilespmem:v10+s21+$0x0], $0xffff  }
0x316: {  	[tilespmem:s0+$0x0] =	vst v13;
	s19 =	sor.u32 s7, s15;
	v15 =	vld.idx.msk [tilespmem:v21+s21+$0x0], $0xffff  }
0x317: {  	s3 =	sor.u32 s4, s15;
	[tilespmem:s19+$0x0] =	vst v2  }
0x318: {  	s22 =	sor.u32 $0x19000, s1;
	[tilespmem:s3+$0x0] =	vst v0  }
0x319: {  	s1 =	sor.u32 s8, s22;
	v2 =	vld.idx.msk [tilespmem:v14+s21+$0x0], $0xffff;
	[tilespmem:s25+$0x0] =	vst v1  }
0x31a: {  	s23 =	sor.u32 s10, s22;
	v0 =	vld.idx.msk [tilespmem:v20+s21+$0x0], $0xffff;
	[tilespmem:s1+$0x0] =	vst v10  }
0x31b: {  	[tilespmem:s23+$0x0] =	vst v15  }
0x31c: {  	p0 =	sgt.u32 s2, $0x16;
	s3 =	rddreg [dreg:$0xa]  }
0x31d: {  	s30 =	sadd.s32 $0x1, s30;
	s0 =	sor.u32 s4, s22;
	s3 =	sadd.s32 @!p0 s3, s31  }
0x31e: {  	s25 =	sor.u32 s7, s22;
	[tilespmem:s0+$0x0] =	vst v2;
	s0 =	rddreg [dreg:$0x0];
	s1 =	sshrl.u32 @!p0 s3, $0x3  }
0x31f: {  	[tilespmem:s25+$0x0] =	vst v0;
	s3 =	simm.s32 @!p0 $0x1000;
	s0 =	sadd.s32 @!p0 s0, s1;
	s1 =	simm.s32 @!p0 $0x0  }
0x320: {  	[tilespmem:s3], [sflag:$0x2] =	stream.linear.gather @!p0 [hbm4b:s0+s1], $0x1000, $0x38;
	[tilespmem:$0x1A160] =	vst v63  }
0x321: {  	p0 =	sne.s32 s30, $0xC  }
.Ltmp2:
0x322: {  	s26 =	sshll.u32 s2, $0x11;
	(pc) =	sbr.rel @p0 .LBB2_2-.Ltmp2, $4  }
0x323: {  	s0 =	sor.u32 s6, s26  }
0x324: {  	s29 =	simm.s32 $0x320000;
	s28 =	rddreg [dreg:$0x3];
	s0 =	sshrl.u32 s0, $0x3  }
0x325: {  	s16 =	simm.s32 $0x1000;
	s31 =	simm.s32 $0xE000;
	s0 =	sadd.s32 s28, s0  }
0x326: {  	[hbm4b:s0+s16] =	stream.strided.scatter [tilespmem:s31], [sflag:$0x4], $0xC000, s29, s16, $0x38;
	[tilespmem:$0x1A160] =	vst v63  }
0x327: {  	_ =	swait.ge [sflag:s20], $0x1000  }
0x328: {  	[sflag:s20] =	ssyncset.done $0x0  }
0x329: {  	s0 =	simm.s32 $0x0;
	s30 =	simm.s32 $0x3;
	[sflag:s20] =	ssyncadd.s32 $0xFFFFF000  }
0x32a: {  	s26 =	sand.u32 $0x40, s0;
	_ =	swait.ge [sflag:s30], $0xC000  }
0x32b: {  	s19 =	sand.u32 $0xF80, s0;
	s17 =	sor.u32 $0x30, s26;
	[sflag:s30] =	ssyncset.done $0x0  }
0x32c: {  	s28 =	sor.u32 $0x10, s26;
	s1 =	sor.u32 s19, s17;
	[sflag:s30] =	ssyncadd.s32 $0xFFFF4000  }
0x32d: {  	s2 =	sor.u32 s19, s28;
	v15 =	vld [tilespmem:s1+$0x0]  }
0x32e: {  	s9 =	sor.u32 $0x20, s26;
	v14 =	vld [tilespmem:s2+$0x0]  }
0x32f: {  	s3 =	sor.u32 s19, s9  }
0x330: {  	v13 =	vld [tilespmem:s3+$0x0]  }
0x331: {  	v53 =	vld [tilespmem:s0+$0x0];
	_ =	sdelay $0x3  }
0x332: {  	v0 =	vld.idx.msk [tilespmem:v15+s21+$0x0], $0xffff  }
0x333: {  	v2 =	vadd.s32 $0xC, v15;
	v1 =	vld.idx.msk [tilespmem:v14+s21+$0x0], $0xffff  }
0x334: {  	v10 =	vadd.s32 $0xC, v14  }
0x335: {  	v16 =	vld.idx.msk [tilespmem:v13+s21+$0x0], $0xffff  }
0x336: {  	v17 =	vadd.s32 $0xC, v13;
	v18 =	vld.idx.msk [tilespmem:v53+s21+$0x0], $0xffff  }
0x337: {  	v19 =	vadd.s32 $0xC, v53;
	[tilespmem:s1+$0x2000] =	vst v0  }
0x338: {  	[tilespmem:s2+$0x2000] =	vst v1;
	v0 =	vld.idx.msk [tilespmem:v2+s21+$0x0], $0xffff  }
0x339: {  	v1 =	vld.idx.msk [tilespmem:v10+s21+$0x0], $0xffff;
	v2 =	vadd.s32 $0x18, v15  }
0x33a: {  	s25 =	simm.s32 $0x2000;
	[tilespmem:s3+$0x2000] =	vst v16;
	v10 =	vadd.s32 $0x18, v14  }
0x33b: {  	s31 =	sor.u32 $0x3000, s19;
	[tilespmem:s25+$0x0] =	vst v18;
	v16 =	vld.idx.msk [tilespmem:v17+s21+$0x0], $0xffff  }
0x33c: {  	s3 =	sor.u32 s17, s31;
	v17 =	vadd.s32 $0x18, v13;
	v18 =	vld.idx.msk [tilespmem:v19+s21+$0x0], $0xffff  }
0x33d: {  	s4 =	sor.u32 s28, s31;
	v19 =	vadd.s32 $0x18, v53;
	[tilespmem:s3+$0x0] =	vst v0  }
0x33e: {  	[tilespmem:s4+$0x0] =	vst v1;
	v0 =	vld.idx.msk [tilespmem:v2+s21+$0x0], $0xffff  }
0x33f: {  	s5 =	sor.u32 s9, s31;
	v1 =	vld.idx.msk [tilespmem:v10+s21+$0x0], $0xffff;
	v2 =	vadd.s32 $0x24, v15  }
0x340: {  	s0 =	sor.u32 s26, s31;
	[tilespmem:s5+$0x0] =	vst v16;
	v10 =	vadd.s32 $0x24, v14  }
0x341: {  	s7 =	sor.u32 $0x4000, s19;
	[tilespmem:s0+$0x0] =	vst v18;
	v16 =	vld.idx.msk [tilespmem:v17+s21+$0x0], $0xffff  }
0x342: {  	s8 =	sor.u32 s17, s7;
	v17 =	vadd.s32 $0x24, v13;
	v18 =	vld.idx.msk [tilespmem:v19+s21+$0x0], $0xffff  }
0x343: {  	s10 =	sor.u32 s28, s7;
	v19 =	vadd.s32 $0x24, v53;
	[tilespmem:s8+$0x0] =	vst v0  }
0x344: {  	[tilespmem:s10+$0x0] =	vst v1;
	v0 =	vld.idx.msk [tilespmem:v2+s21+$0x0], $0xffff  }
0x345: {  	s11 =	sor.u32 s9, s7;
	s10 =	simm.s32 $0x40;
	v1 =	vld.idx.msk [tilespmem:v10+s21+$0x0], $0xffff;
	v2 =	vadd.s32 $0x30, v15  }
0x346: {  	s0 =	sor.u32 s26, s7;
	[tilespmem:s11+$0x0] =	vst v16;
	v10 =	vadd.s32 $0x30, v14;
	s2 =	sand.u32 $0x40, s10  }
0x347: {  	s12 =	sor.u32 $0x5000, s19;
	[tilespmem:s0+$0x0] =	vst v18;
	v16 =	vld.idx.msk [tilespmem:v17+s21+$0x0], $0xffff;
	s1 =	sand.u32 $0xF80, s10;
	s8 =	sor.u32 $0x10, s2  }
0x348: {  	s13 =	sor.u32 s17, s12;
	v17 =	vadd.s32 $0x30, v13;
	v18 =	vld.idx.msk [tilespmem:v19+s21+$0x0], $0xffff;
	s5 =	sor.u32 s1, s8  }
0x349: {  	s14 =	sor.u32 s28, s12;
	v19 =	vadd.s32 $0x30, v53;
	v20 =	vld [tilespmem:s5+$0x0];
	[tilespmem:s13+$0x0] =	vst v0  }
0x34a: {  	[tilespmem:s14+$0x0] =	vst v1;
	v0 =	vld.idx.msk [tilespmem:v2+s21+$0x0], $0xffff  }
0x34b: {  	s15 =	sor.u32 s9, s12;
	v1 =	vld.idx.msk [tilespmem:v10+s21+$0x0], $0xffff;
	v2 =	vadd.s32 $0x3C, v15  }
0x34c: {  	s0 =	sor.u32 s26, s12;
	v54 =	vld [tilespmem:s10+$0x0];
	[tilespmem:s15+$0x0] =	vst v16;
	v10 =	vadd.s32 $0x3C, v14  }
0x34d: {  	s16 =	sor.u32 $0x6000, s19;
	s7 =	sor.u32 $0x30, s2;
	[tilespmem:s0+$0x0] =	vst v18;
	v16 =	vld.idx.msk [tilespmem:v17+s21+$0x0], $0xffff  }
0x34e: {  	s22 =	sor.u32 s17, s16;
	s15 =	sor.u32 s1, s7;
	v17 =	vadd.s32 $0x3C, v13;
	v18 =	vld.idx.msk [tilespmem:v19+s21+$0x0], $0xffff  }
0x34f: {  	s23 =	sor.u32 s28, s16;
	v19 =	vadd.s32 $0x3C, v53;
	v55 =	vld [tilespmem:s15+$0x0];
	[tilespmem:s22+$0x0] =	vst v0  }
0x350: {  	[tilespmem:s23+$0x0] =	vst v1;
	v0 =	vld.idx.msk [tilespmem:v2+s21+$0x0], $0xffff  }
0x351: {  	s25 =	sor.u32 s9, s16;
	v1 =	vld.idx.msk [tilespmem:v10+s21+$0x0], $0xffff;
	v2 =	vadd.s32 $0x48, v15  }
0x352: {  	s0 =	sor.u32 s26, s16;
	[tilespmem:s25+$0x0] =	vst v16;
	v24 =	vld.idx.msk [tilespmem:v20+s21+$0x0], $0xffff;
	v10 =	vadd.s32 $0x48, v14  }
0x353: {  	s31 =	sor.u32 $0x7000, s19;
	[tilespmem:s0+$0x0] =	vst v18;
	v16 =	vld.idx.msk [tilespmem:v17+s21+$0x0], $0xffff  }
0x354: {  	s13 =	sor.u32 s17, s31;
	v17 =	vld.idx.msk [tilespmem:v19+s21+$0x0], $0xffff  }
0x355: {  	s14 =	sor.u32 s28, s31;
	v18 =	vld.idx.msk [tilespmem:v54+s21+$0x0], $0xffff;
	v19 =	vadd.s32 $0x48, v53;
	[tilespmem:s13+$0x0] =	vst v0  }
0x356: {  	s4 =	sor.u32 $0x20, s2;
	v0 =	vadd.s32 $0x48, v13;
	[tilespmem:s14+$0x0] =	vst v1;
	v2 =	vld.idx.msk [tilespmem:v2+s21+$0x0], $0xffff  }
0x357: {  	v21 =	vadd.s32 $0x54, v15;
	s11 =	sor.u32 s1, s4;
	v10 =	vld.idx.msk [tilespmem:v10+s21+$0x0], $0xffff  }
0x358: {  	v22 =	vadd.s32 $0x54, v14;
	s0 =	sor.u32 s26, s31;
	[tilespmem:s5+$0x2000] =	vst v24;
	v1 =	vld [tilespmem:s11+$0x0]  }
0x359: {  	s12 =	sor.u32 s9, s31;
	s16 =	sor.u32 $0x8000, s19;
	v26 =	vadd.s32 $0xC, v20;
	[tilespmem:s0+$0x0] =	vst v17  }
0x35a: {  	s22 =	sor.u32 s17, s16;
	[tilespmem:s12+$0x0] =	vst v16;
	v17 =	vld.idx.msk [tilespmem:v19+s21+$0x0], $0xffff  }
0x35b: {  	s13 =	sor.u32 s28, s16;
	v0 =	vld.idx.msk [tilespmem:v0+s21+$0x0], $0xffff;
	[tilespmem:s22+$0x0] =	vst v2  }
0x35c: {  	[tilespmem:s13+$0x0] =	vst v10;
	s13 =	simm.s32 $0x2040;
	v10 =	vadd.s32 $0x54, v13;
	v2 =	vld.idx.msk [tilespmem:v21+s21+$0x0], $0xffff  }
0x35d: {  	[tilespmem:s13+$0x0] =	vst v18;
	v18 =	vld.idx.msk [tilespmem:v22+s21+$0x0], $0xffff;
	v21 =	vadd.s32 $0x54, v53  }
0x35e: {  	s12 =	sor.u32 s26, s16;
	v26 =	vld.idx.msk [tilespmem:v26+s21+$0x0], $0xffff;
	v19 =	vadd.s32 $0x60, v15  }
0x35f: {  	s23 =	sor.u32 s9, s16;
	v16 =	vadd.s32 $0xC, v54;
	s14 =	sor.u32 $0x9000, s19;
	[tilespmem:s12+$0x0] =	vst v17;
	v22 =	vld.idx.msk [tilespmem:v55+s21+$0x0], $0xffff  }
0x360: {  	v23 =	vadd.s32 $0x60, v14;
	s25 =	sor.u32 s17, s14;
	[tilespmem:s23+$0x0] =	vst v0;
	v0 =	vld.idx.msk [tilespmem:v1+s21+$0x0], $0xffff  }
0x361: {  	v25 =	vadd.s32 $0xC, v55;
	s31 =	sor.u32 s28, s14;
	v10 =	vld.idx.msk [tilespmem:v10+s21+$0x0], $0xffff;
	[tilespmem:s25+$0x0] =	vst v2  }
0x362: {  	v2 =	vadd.s32 $0xC, v1;
	[tilespmem:s31+$0x0] =	vst v18;
	v18 =	vld.idx.msk [tilespmem:v21+s21+$0x0], $0xffff  }
0x363: {  	s22 =	sor.u32 $0x3000, s1;
	v17 =	vld.idx.msk [tilespmem:v19+s21+$0x0], $0xffff;
	v19 =	vadd.s32 $0x60, v13  }
0x364: {  	v24 =	vadd.s32 $0x60, v53;
	v16 =	vld.idx.msk [tilespmem:v16+s21+$0x0], $0xffff;
	[tilespmem:s15+$0x2000] =	vst v22;
	s25 =	sor.u32 s8, s22  }
0x365: {  	v22 =	vadd.s32 $0x6C, v15;
	v21 =	vld.idx.msk [tilespmem:v23+s21+$0x0], $0xffff;
	[tilespmem:s25+$0x0] =	vst v26  }
0x366: {  	s5 =	sor.u32 s9, s14;
	v23 =	vld.idx.msk [tilespmem:v25+s21+$0x0], $0xffff;
	v25 =	vadd.s32 $0x6C, v14;
	[tilespmem:s11+$0x2000] =	vst v0  }
0x367: {  	s3 =	sor.u32 $0xA000, s19;
	s15 =	sor.u32 s26, s14;
	[tilespmem:s5+$0x0] =	vst v10;
	v10 =	vadd.s32 $0x18, v20;
	v0 =	vld.idx.msk [tilespmem:v2+s21+$0x0], $0xffff  }
0x368: {  	s12 =	sor.u32 s17, s3;
	v2 =	vadd.s32 $0x18, v55;
	[tilespmem:s15+$0x0] =	vst v18;
	v19 =	vld.idx.msk [tilespmem:v19+s21+$0x0], $0xffff  }
0x369: {  	s16 =	sor.u32 s28, s3;
	[tilespmem:s12+$0x0] =	vst v17;
	v17 =	vadd.s32 $0x18, v1;
	v24 =	vld.idx.msk [tilespmem:v24+s21+$0x0], $0xffff  }
0x36a: {  	s23 =	sor.u32 s7, s22;
	[tilespmem:s16+$0x0] =	vst v21;
	v18 =	vld.idx.msk [tilespmem:v22+s21+$0x0], $0xffff;
	v22 =	vadd.s32 $0x18, v54  }
0x36b: {  	[tilespmem:s23+$0x0] =	vst v23;
	s12 =	sor.u32 s2, s22;
	v21 =	vld.idx.msk [tilespmem:v25+s21+$0x0], $0xffff;
	v25 =	vadd.s32 $0x6C, v13  }
0x36c: {  	s31 =	sor.u32 s4, s22;
	v23 =	vadd.s32 $0x78, v15;
	[tilespmem:s12+$0x0] =	vst v16;
	v10 =	vld.idx.msk [tilespmem:v10+s21+$0x0], $0xffff  }
0x36d: {  	s15 =	sor.u32 s9, s3;
	v2 =	vld.idx.msk [tilespmem:v2+s21+$0x0], $0xffff;
	[tilespmem:s31+$0x0] =	vst v0;
	v0 =	vadd.s32 $0x6C, v53  }
0x36e: {  	s5 =	sor.u32 $0xB000, s19;
	s16 =	sor.u32 s26, s3;
	v16 =	vld.idx.msk [tilespmem:v17+s21+$0x0], $0xffff;
	v17 =	vadd.s32 $0x24, v55;
	[tilespmem:s15+$0x0] =	vst v19  }
0x36f: {  	v26 =	vadd.s32 $0x24, v20;
	s14 =	sor.u32 s17, s5;
	[tilespmem:s16+$0x0] =	vst v24;
	v22 =	vld.idx.msk [tilespmem:v22+s21+$0x0], $0xffff  }
0x370: {  	s22 =	sor.u32 $0x4000, s1;
	[tilespmem:s14+$0x0] =	vst v18;
	v18 =	vadd.s32 $0x24, v1;
	v24 =	vld.idx.msk [tilespmem:v25+s21+$0x0], $0xffff;
	s14 =	sor.u32 s28, s5  }
0x371: {  	s23 =	sor.u32 s7, s22;
	v19 =	vld.idx.msk [tilespmem:v23+s21+$0x0], $0xffff;
	v23 =	vadd.s32 $0x24, v54;
	[tilespmem:s14+$0x0] =	vst v21  }
0x372: {  	s25 =	sor.u32 s8, s22;
	[tilespmem:s23+$0x0] =	vst v2;
	v63 =	vld.idx.msk [tilespmem:v0+s21+$0x0], $0xffff;
	v0 =	vadd.s32 $0x84, v15  }
0x373: {  	s31 =	sor.u32 s4, s22;
	[tilespmem:s25+$0x0] =	vst v10;
	v2 =	vadd.s32 $0x78, v14;
	v10 =	vld.idx.msk [tilespmem:v17+s21+$0x0], $0xffff  }
0x374: {  	s11 =	sor.u32 $0xC000, s19;
	s3 =	sor.u32 s2, s22;
	v15 =	vadd.s32 $0x78, v13;
	v17 =	vld.idx.msk [tilespmem:v26+s21+$0x0], $0xffff;
	[tilespmem:s31+$0x0] =	vst v16  }
0x375: {  	s12 =	sor.u32 s17, s11;
	v25 =	vadd.s32 $0x30, v55;
	[tilespmem:s3+$0x0] =	vst v22;
	v26 =	vld.idx.msk [tilespmem:v18+s21+$0x0], $0xffff  }
0x376: {  	v27 =	vadd.s32 $0x30, v20;
	s15 =	sor.u32 s9, s5;
	s16 =	sor.u32 $0x5000, s1;
	v28 =	vld.idx.msk [tilespmem:v23+s21+$0x0], $0xffff;
	[tilespmem:s12+$0x0] =	vst v19  }
0x377: {  	v30 =	vadd.s32 $0x30, v54;
	s22 =	sor.u32 s7, s16;
	[tilespmem:s15+$0x0] =	vst v24;
	v19 =	vadd.s32 $0x30, v1;
	v29 =	vld.idx.msk [tilespmem:v0+s21+$0x0], $0xffff  }
0x378: {  	v61 =	vadd.s32 $0x48, v20;
	v58 =	vadd.s32 $0x6C, v20;
	v56 =	vadd.s32 $0x78, v20;
	s23 =	sor.u32 s8, s16;
	v23 =	vld.idx.msk [tilespmem:v2+s21+$0x0], $0xffff;
	[tilespmem:s22+$0x0] =	vst v10  }
0x379: {  	v62 =	vadd.s32 $0x3C, v1;
	v60 =	vadd.s32 $0x48, v1;
	v59 =	vadd.s32 $0x54, v1;
	s15 =	sor.u32 s4, s16;
	v0 =	vld.idx.msk [tilespmem:v15+s21+$0x0], $0xffff;
	[tilespmem:s23+$0x0] =	vst v17  }
0x37a: {  	v57 =	vadd.s32 $0x78, v1;
	s29 =	sor.u32 s28, s11;
	s14 =	simm.s32 $0x4;
	v21 =	vadd.s32 $0x84, v20;
	s25 =	sor.u32 s2, s16;
	v10 =	vld.idx.msk [tilespmem:v25+s21+$0x0], $0xffff;
	[tilespmem:s15+$0x0] =	vst v26;
	v26 =	vadd.s32 $0x78, v53  }
0x37b: {  	v14 =	vadd.s32 $0x84, v14;
	v13 =	vadd.s32 $0x84, v13;
	v16 =	vadd.s32 $0x60, v20;
	s31 =	sor.u32 $0xD000, s19;
	s3 =	sor.u32 s26, s5;
	s5 =	sor.u32 s26, s11;
	v25 =	vld.idx.msk [tilespmem:v27+s21+$0x0], $0xffff  }
0x37c: {  	v22 =	vadd.s32 $0x3C, v20;
	v18 =	vadd.s32 $0x54, v20;
	s11 =	sor.u32 s9, s11;
	s16 =	sor.u32 s17, s31;
	s0 =	sor.u32 s9, s31;
	[tilespmem:s25+$0x0] =	vst v28;
	v27 =	vld.idx.msk [tilespmem:v19+s21+$0x0], $0xffff;
	v19 =	vadd.s32 $0x3C, v55  }
0x37d: {  	v20 =	vadd.s32 $0x84, v1;
	s12 =	sor.u32 s28, s31;
	v15 =	vadd.s32 $0x6C, v1;
	v17 =	vadd.s32 $0x60, v1;
	s25 =	sor.u32 s26, s31;
	s26 =	simm.s32 $0x80;
	v1 =	vld.idx.msk [tilespmem:v30+s21+$0x0], $0xffff;
	[tilespmem:s16+$0x0] =	vst v29  }
.LBB2_8:
0x37e: {  	v2 =	vld [tilespmem:s26+$0x0];
	s15 =	sor.u32 $0x6000, s1;
	[tilespmem:s3+$0x0] =	vst v63;
	s9 =	smov.u32 s7;
	s17 =	smov.u32 s8  }
0x37f: {  	v24 =	vadd.s32 $0x3C, v54;
	s3 =	sor.u32 s2, s15;
	s7 =	sor.u32 s17, s15;
	s8 =	sor.u32 s9, s15;
	v26 =	vld.idx.msk [tilespmem:v26+s21+$0x0], $0xffff;
	[tilespmem:s29+$0x0] =	vst v23  }
0x380: {  	s19 =	smov.u32 s4;
	s15 =	sor.u32 s4, s15;
	[tilespmem:s8+$0x0] =	vst v10;
	v10 =	vld.idx.msk [tilespmem:v14+s21+$0x0], $0xffff;
	v14 =	vmov v21  }
0x381: {  	v21 =	vadd.s32 $0x84, v53;
	v53 =	vmov v54;
	[tilespmem:s7+$0x0] =	vst v25;
	v19 =	vld.idx.msk [tilespmem:v19+s21+$0x0], $0xffff  }
0x382: {  	v22 =	vld.idx.msk [tilespmem:v22+s21+$0x0], $0xffff;
	[tilespmem:s15+$0x0] =	vst v27  }
0x383: {  	v23 =	vadd.s32 $0x48, v55;
	[tilespmem:s3+$0x0] =	vst v1;
	v1 =	vld.idx.msk [tilespmem:v62+s21+$0x0], $0xffff;
	v54 =	vmov v2  }
0x384: {  	v24 =	vld.idx.msk [tilespmem:v24+s21+$0x0], $0xffff;
	[tilespmem:s11+$0x0] =	vst v0  }
0x385: {  	s15 =	sor.u32 $0x7000, s1;
	[tilespmem:s5+$0x0] =	vst v26;
	v25 =	vld.idx.msk [tilespmem:v13+s21+$0x0], $0xffff;
	v13 =	vmov v20  }
0x386: {  	s10 =	sadd.s32 $0x40, s10;
	s16 =	sor.u32 s2, s15;
	s3 =	sor.u32 s9, s15;
	v20 =	vld.idx.msk [tilespmem:v21+s21+$0x0], $0xffff;
	[tilespmem:s12+$0x0] =	vst v10  }
0x387: {  	s14 =	sadd.s32 $0x4, s14;
	s28 =	sand.u32 $0x40, s10;
	s4 =	sor.u32 s17, s15;
	v2 =	vld.idx.msk [tilespmem:v2+s21+$0x0], $0xffff;
	[tilespmem:s3+$0x0] =	vst v19  }
0x388: {  	s23 =	sand.u32 $0xF80, s10;
	p0 =	slt.u32 s14, $0xFC;
	s7 =	sor.u32 $0x30, s28;
	[tilespmem:s4+$0x0] =	vst v22;
	v10 =	vld.idx.msk [tilespmem:v23+s21+$0x0], $0xffff  }
0x389: {  	s8 =	sor.u32 $0x10, s28;
	s11 =	sor.u32 s23, s7;
	v19 =	vadd.s32 $0x48, v53;
	s4 =	sor.u32 $0x20, s28;
	v21 =	vld.idx.msk [tilespmem:v61+s21+$0x0], $0xffff  }
0x38a: {  	s5 =	sor.u32 s23, s8;
	s12 =	sor.u32 s19, s15;
	v22 =	vadd.s32 $0x54, v55;
	s3 =	sor.u32 s23, s4;
	v0 =	vld [tilespmem:s11+$0x0];
	[tilespmem:s16+$0x0] =	vst v24  }
0x38b: {  	v24 =	vld [tilespmem:s5+$0x0];
	[tilespmem:s12+$0x0] =	vst v1  }
0x38c: {  	v1 =	vadd.s32 $0xC, v54;
	s12 =	sor.u32 $0x8000, s1;
	v26 =	vld [tilespmem:s3+$0x0];
	[tilespmem:s0+$0x0] =	vst v25  }
0x38d: {  	s0 =	sor.u32 s2, s12;
	s15 =	sor.u32 s17, s12;
	s16 =	sor.u32 s9, s12;
	v27 =	vld.idx.msk [tilespmem:v60+s21+$0x0], $0xffff;
	[tilespmem:s25+$0x0] =	vst v20  }
0x38e: {  	s12 =	sor.u32 s19, s12;
	v19 =	vld.idx.msk [tilespmem:v19+s21+$0x0], $0xffff;
	[tilespmem:s16+$0x0] =	vst v10  }
0x38f: {  	s13 =	sadd.s32 $0x40, s13;
	v10 =	vadd.s32 $0x54, v53;
	[tilespmem:s15+$0x0] =	vst v21;
	v20 =	vld.idx.msk [tilespmem:v22+s21+$0x0], $0xffff  }
0x390: {  	[tilespmem:s13+$0x0] =	vst v2;
	v2 =	vadd.s32 $0xC, v24;
	v28 =	vadd.s32 $0x18, v24;
	v23 =	vadd.s32 $0x24, v24;
	v21 =	vld.idx.msk [tilespmem:v18+s21+$0x0], $0xffff  }
0x391: {  	v32 =	vadd.s32 $0x60, v55;
	v29 =	vld.idx.msk [tilespmem:v1+s21+$0x0], $0xffff;
	v30 =	vadd.s32 $0xC, v26;
	v31 =	vadd.s32 $0x18, v26  }
0x392: {  	v25 =	vadd.s32 $0x30, v24;
	v33 =	vadd.s32 $0x24, v26;
	v1 =	vadd.s32 $0x30, v26;
	v34 =	vld.idx.msk [tilespmem:v0+s21+$0x0], $0xffff  }
0x393: {  	s15 =	sor.u32 $0x9000, s1;
	v22 =	vadd.s32 $0x3C, v24;
	v61 =	vadd.s32 $0x48, v24;
	v62 =	vadd.s32 $0x3C, v26;
	v35 =	vld.idx.msk [tilespmem:v24+s21+$0x0], $0xffff;
	[tilespmem:s12+$0x0] =	vst v27  }
0x394: {  	v36 =	vadd.s32 $0xC, v0;
	v18 =	vadd.s32 $0x54, v24;
	s16 =	sor.u32 s9, s15;
	v60 =	vadd.s32 $0x48, v26;
	s12 =	sor.u32 s17, s15;
	v27 =	vld.idx.msk [tilespmem:v26+s21+$0x0], $0xffff;
	[tilespmem:s0+$0x0] =	vst v19;
	s0 =	sor.u32 s2, s15  }
0x395: {  	v39 =	vadd.s32 $0x60, v26;
	v19 =	vadd.s32 $0x60, v24;
	s15 =	sor.u32 s19, s15;
	v40 =	vld.idx.msk [tilespmem:v59+s21+$0x0], $0xffff;
	v59 =	vadd.s32 $0x54, v26;
	[tilespmem:s16+$0x0] =	vst v20  }
0x396: {  	v41 =	vadd.s32 $0x6C, v24;
	v42 =	vadd.s32 $0x78, v24;
	v43 =	vadd.s32 $0x6C, v26;
	[tilespmem:s12+$0x0] =	vst v21;
	v32 =	vld.idx.msk [tilespmem:v32+s21+$0x0], $0xffff  }
0x397: {  	v20 =	vadd.s32 $0x84, v26;
	v21 =	vadd.s32 $0x84, v24;
	v24 =	vadd.s32 $0x78, v26;
	v10 =	vld.idx.msk [tilespmem:v10+s21+$0x0], $0xffff  }
0x398: {  	[tilespmem:s11+$0x2000] =	vst v34;
	v26 =	vld.idx.msk [tilespmem:v16+s21+$0x0], $0xffff;
	v34 =	vadd.s32 $0x6C, v55;
	v16 =	vmov v19  }
0x399: {  	[tilespmem:s5+$0x2000] =	vst v35;
	v19 =	vld.idx.msk [tilespmem:v36+s21+$0x0], $0xffff;
	v35 =	vadd.s32 $0x60, v53  }
0x39a: {  	v2 =	vld.idx.msk [tilespmem:v2+s21+$0x0], $0xffff;
	[tilespmem:s3+$0x2000] =	vst v27;
	s3 =	sor.u32 $0xA000, s1  }
0x39b: {  	v27 =	vld.idx.msk [tilespmem:v30+s21+$0x0], $0xffff;
	v30 =	vadd.s32 $0x18, v0;
	s5 =	sor.u32 s2, s3;
	s11 =	sor.u32 s17, s3;
	[tilespmem:s15+$0x0] =	vst v40;
	s12 =	sor.u32 s9, s3  }
0x39c: {  	s15 =	sor.u32 s19, s3;
	v36 =	vld.idx.msk [tilespmem:v17+s21+$0x0], $0xffff;
	[tilespmem:s12+$0x0] =	vst v32;
	v17 =	vmov v39  }
0x39d: {  	s3 =	sor.u32 $0x3000, s23;
	[tilespmem:s0+$0x0] =	vst v10;
	v10 =	vld.idx.msk [tilespmem:v34+s21+$0x0], $0xffff  }
0x39e: {  	v32 =	vadd.s32 $0x18, v54;
	s12 =	sor.u32 s8, s3;
	s16 =	sor.u32 s7, s3;
	s0 =	sor.u32 s28, s3;
	v34 =	vld.idx.msk [tilespmem:v35+s21+$0x0], $0xffff;
	[tilespmem:s11+$0x0] =	vst v26  }
0x39f: {  	s3 =	sor.u32 s4, s3;
	v26 =	vadd.s32 $0x78, v55;
	[tilespmem:s16+$0x0] =	vst v19;
	v19 =	vld.idx.msk [tilespmem:v58+s21+$0x0], $0xffff;
	v58 =	vmov v41  }
0x3a0: {  	[tilespmem:s12+$0x0] =	vst v2;
	v2 =	vld.idx.msk [tilespmem:v30+s21+$0x0], $0xffff  }
0x3a1: {  	s11 =	sor.u32 $0xB000, s1;
	v28 =	vld.idx.msk [tilespmem:v28+s21+$0x0], $0xffff;
	[tilespmem:s3+$0x0] =	vst v27;
	v27 =	vadd.s32 $0x6C, v53  }
0x3a2: {  	v30 =	vadd.s32 $0x24, v0;
	s12 =	sor.u32 s9, s11;
	s3 =	sor.u32 s2, s11;
	[tilespmem:s0+$0x0] =	vst v29;
	v29 =	vld.idx.msk [tilespmem:v31+s21+$0x0], $0xffff;
	s0 =	sor.u32 s17, s11  }
0x3a3: {  	s16 =	sor.u32 s19, s11;
	v31 =	vld.idx.msk [tilespmem:v32+s21+$0x0], $0xffff;
	[tilespmem:s12+$0x0] =	vst v10  }
0x3a4: {  	s11 =	sor.u32 $0x4000, s23;
	[tilespmem:s15+$0x0] =	vst v36;
	v10 =	vld.idx.msk [tilespmem:v26+s21+$0x0], $0xffff  }
0x3a5: {  	s12 =	sor.u32 s28, s11;
	s22 =	sor.u32 s7, s11;
	v26 =	vadd.s32 $0x24, v54;
	s15 =	sor.u32 s8, s11;
	[tilespmem:s5+$0x0] =	vst v34;
	v32 =	vld.idx.msk [tilespmem:v15+s21+$0x0], $0xffff;
	v15 =	vmov v43  }
0x3a6: {  	s5 =	sor.u32 s4, s11;
	[tilespmem:s22+$0x0] =	vst v2;
	v63 =	vld.idx.msk [tilespmem:v27+s21+$0x0], $0xffff;
	v2 =	vadd.s32 $0x84, v55;
	v55 =	vmov v0  }
0x3a7: {  	[tilespmem:s15+$0x0] =	vst v28;
	v0 =	vld.idx.msk [tilespmem:v30+s21+$0x0], $0xffff  }
0x3a8: {  	s11 =	sor.u32 $0xC000, s1;
	v27 =	vld.idx.msk [tilespmem:v23+s21+$0x0], $0xffff;
	[tilespmem:s5+$0x0] =	vst v29  }
0x3a9: {  	s29 =	sor.u32 s17, s11;
	v29 =	vadd.s32 $0x30, v55;
	s5 =	sor.u32 s2, s11;
	[tilespmem:s12+$0x0] =	vst v31;
	v28 =	vld.idx.msk [tilespmem:v33+s21+$0x0], $0xffff;
	s12 =	sor.u32 s9, s11  }
0x3aa: {  	s11 =	sor.u32 s19, s11;
	v30 =	vld.idx.msk [tilespmem:v26+s21+$0x0], $0xffff;
	[tilespmem:s12+$0x0] =	vst v10  }
0x3ab: {  	s12 =	sor.u32 $0x5000, s23;
	[tilespmem:s0+$0x0] =	vst v19;
	v2 =	vld.idx.msk [tilespmem:v2+s21+$0x0], $0xffff  }
0x3ac: {  	v31 =	vadd.s32 $0x30, v54;
	s0 =	sor.u32 s28, s12;
	s15 =	sor.u32 s8, s12;
	s22 =	sor.u32 s7, s12;
	v23 =	vld.idx.msk [tilespmem:v56+s21+$0x0], $0xffff;
	[tilespmem:s16+$0x0] =	vst v32;
	v56 =	vmov v42  }
.Ltmp3:
0x3ad: {  	s12 =	sor.u32 s4, s12;
	[tilespmem:s22+$0x0] =	vst v0;
	v0 =	vld.idx.msk [tilespmem:v57+s21+$0x0], $0xffff;
	v57 =	vmov v24;
	(pc) =	sbr.rel @p0 .LBB2_8-.Ltmp3, $4  }
0x3ae: {  	v26 =	vadd.s32 $0x78, v53;
	[tilespmem:s15+$0x0] =	vst v27;
	v10 =	vld.idx.msk [tilespmem:v29+s21+$0x0], $0xffff  }
0x3af: {  	s15 =	sor.u32 $0xD000, s1;
	s1 =	smov.u32 s23;
	v25 =	vld.idx.msk [tilespmem:v25+s21+$0x0], $0xffff;
	[tilespmem:s12+$0x0] =	vst v28  }
0x3b0: {  	v19 =	vadd.s32 $0x3C, v55;
	s25 =	sor.u32 s2, s15;
	s12 =	sor.u32 s17, s15;
	s2 =	sor.u32 s9, s15;
	[tilespmem:s0+$0x0] =	vst v30;
	v27 =	vld.idx.msk [tilespmem:v1+s21+$0x0], $0xffff  }
0x3b1: {  	s26 =	sadd.s32 $0x40, s26;
	s0 =	sor.u32 s19, s15;
	v1 =	vld.idx.msk [tilespmem:v31+s21+$0x0], $0xffff;
	[tilespmem:s2+$0x0] =	vst v2;
	s2 =	smov.u32 s28  }
0x3b2: {  	_ = 	snop  }
0x3b3: {  	s9 =	sor.u32 $0x6000, s1  }
0x3b4: {  	v2 =	vadd.s32 $0x3C, v54;
	s10 =	sor.u32 s7, s9  }
0x3b5: {  	s16 =	sor.u32 s8, s9;
	[tilespmem:s10+$0x0] =	vst v10  }
0x3b6: {  	s13 =	sor.u32 s4, s9;
	[tilespmem:s16+$0x0] =	vst v25;
	v10 =	vld.idx.msk [tilespmem:v19+s21+$0x0], $0xffff  }
0x3b7: {  	v36 =	vadd.s32 $0x48, v55;
	s9 =	sor.u32 s2, s9;
	v35 =	vld.idx.msk [tilespmem:v22+s21+$0x0], $0xffff;
	[tilespmem:s13+$0x0] =	vst v27  }
0x3b8: {  	[tilespmem:s9+$0x0] =	vst v1;
	v1 =	vld.idx.msk [tilespmem:v62+s21+$0x0], $0xffff  }
0x3b9: {  	s17 =	sor.u32 $0x7000, s1;
	v2 =	vld.idx.msk [tilespmem:v2+s21+$0x0], $0xffff  }
0x3ba: {  	v24 =	vadd.s32 $0x48, v54;
	s19 =	sor.u32 s7, s17  }
0x3bb: {  	s22 =	sor.u32 s8, s17;
	[tilespmem:s19+$0x0] =	vst v10  }
0x3bc: {  	s23 =	sor.u32 s4, s17;
	[tilespmem:s22+$0x0] =	vst v35;
	v10 =	vld.idx.msk [tilespmem:v36+s21+$0x0], $0xffff  }
0x3bd: {  	v39 =	vadd.s32 $0x54, v55;
	s9 =	sor.u32 s2, s17;
	v19 =	vld.idx.msk [tilespmem:v61+s21+$0x0], $0xffff;
	[tilespmem:s23+$0x0] =	vst v1  }
0x3be: {  	[tilespmem:s9+$0x0] =	vst v2;
	v1 =	vld.idx.msk [tilespmem:v60+s21+$0x0], $0xffff  }
0x3bf: {  	s26 =	sor.u32 $0x8000, s1;
	v2 =	vld.idx.msk [tilespmem:v24+s21+$0x0], $0xffff  }
0x3c0: {  	v40 =	vadd.s32 $0x54, v54;
	s28 =	sor.u32 s7, s26  }
0x3c1: {  	s31 =	sor.u32 s8, s26;
	[tilespmem:s28+$0x0] =	vst v10  }
0x3c2: {  	s14 =	sor.u32 s4, s26;
	[tilespmem:s31+$0x0] =	vst v19;
	v10 =	vld.idx.msk [tilespmem:v39+s21+$0x0], $0xffff  }
0x3c3: {  	v41 =	vadd.s32 $0x60, v55;
	s9 =	sor.u32 s2, s26;
	v18 =	vld.idx.msk [tilespmem:v18+s21+$0x0], $0xffff;
	[tilespmem:s14+$0x0] =	vst v1  }
0x3c4: {  	[tilespmem:s9+$0x0] =	vst v2;
	v1 =	vld.idx.msk [tilespmem:v59+s21+$0x0], $0xffff  }
0x3c5: {  	s15 =	sor.u32 $0x9000, s1;
	v2 =	vld.idx.msk [tilespmem:v40+s21+$0x0], $0xffff  }
0x3c6: {  	v42 =	vadd.s32 $0x60, v54;
	s16 =	sor.u32 s7, s15  }
0x3c7: {  	s17 =	sor.u32 s8, s15;
	[tilespmem:s16+$0x0] =	vst v10  }
0x3c8: {  	s19 =	sor.u32 s4, s15;
	[tilespmem:s17+$0x0] =	vst v18;
	v10 =	vld.idx.msk [tilespmem:v41+s21+$0x0], $0xffff  }
0x3c9: {  	v43 =	vadd.s32 $0x6C, v55;
	s9 =	sor.u32 s2, s15;
	v16 =	vld.idx.msk [tilespmem:v16+s21+$0x0], $0xffff;
	[tilespmem:s19+$0x0] =	vst v1  }
0x3ca: {  	v1 =	vld.idx.msk [tilespmem:v17+s21+$0x0], $0xffff;
	[tilespmem:s9+$0x0] =	vst v2  }
0x3cb: {  	s22 =	sor.u32 $0xA000, s1;
	v2 =	vld.idx.msk [tilespmem:v42+s21+$0x0], $0xffff  }
0x3cc: {  	[tilespmem:s3+$0x0] =	vst v63;
	s23 =	sor.u32 s7, s22;
	v59 =	vadd.s32 $0x6C, v54  }
0x3cd: {  	s26 =	sor.u32 s8, s22;
	[tilespmem:s23+$0x0] =	vst v10  }
0x3ce: {  	s28 =	sor.u32 s4, s22;
	[tilespmem:s26+$0x0] =	vst v16;
	v10 =	vld.idx.msk [tilespmem:v43+s21+$0x0], $0xffff  }
0x3cf: {  	v60 =	vadd.s32 $0x78, v55;
	s9 =	sor.u32 s2, s22;
	v16 =	vld.idx.msk [tilespmem:v58+s21+$0x0], $0xffff;
	[tilespmem:s28+$0x0] =	vst v1  }
0x3d0: {  	[tilespmem:s9+$0x0] =	vst v2;
	v1 =	vld.idx.msk [tilespmem:v15+s21+$0x0], $0xffff  }
0x3d1: {  	[tilespmem:s29+$0x0] =	vst v23;
	s31 =	sor.u32 $0xB000, s1;
	v2 =	vld.idx.msk [tilespmem:v59+s21+$0x0], $0xffff  }
0x3d2: {  	[tilespmem:s11+$0x0] =	vst v0;
	v0 =	vadd.s32 $0x78, v54;
	v14 =	vld.idx.msk [tilespmem:v14+s21+$0x0], $0xffff;
	s10 =	sor.u32 s7, s31  }
0x3d3: {  	s11 =	sor.u32 s8, s31;
	v15 =	vld.idx.msk [tilespmem:v26+s21+$0x0], $0xffff;
	[tilespmem:s10+$0x0] =	vst v10  }
0x3d4: {  	s13 =	sor.u32 s4, s31;
	v10 =	vadd.s32 $0x84, v53;
	[tilespmem:s11+$0x0] =	vst v16;
	v61 =	vld.idx.msk [tilespmem:v60+s21+$0x0], $0xffff  }
0x3d5: {  	v62 =	vadd.s32 $0x84, v55;
	s3 =	sor.u32 s2, s31;
	v63 =	vld.idx.msk [tilespmem:v56+s21+$0x0], $0xffff;
	[tilespmem:s13+$0x0] =	vst v1  }
0x3d6: {  	v1 =	vld.idx.msk [tilespmem:v57+s21+$0x0], $0xffff;
	[tilespmem:s3+$0x0] =	vst v2  }
0x3d7: {  	[tilespmem:s12+$0x0] =	vst v14;
	s14 =	sor.u32 $0xC000, s1;
	v0 =	vld.idx.msk [tilespmem:v0+s21+$0x0], $0xffff  }
0x3d8: {  	s15 =	sor.u32 s7, s14;
	[tilespmem:s5+$0x0] =	vst v15;
	v2 =	vld.idx.msk [tilespmem:v13+s21+$0x0], $0xffff;
	v13 =	vadd.s32 $0x84, v54  }
0x3d9: {  	s16 =	sor.u32 s8, s14;
	v10 =	vld.idx.msk [tilespmem:v10+s21+$0x0], $0xffff;
	[tilespmem:s15+$0x0] =	vst v61  }
0x3da: {  	s17 =	sor.u32 s4, s14;
	[tilespmem:s16+$0x0] =	vst v63;
	v14 =	vld.idx.msk [tilespmem:v62+s21+$0x0], $0xffff  }
0x3db: {  	s3 =	sor.u32 s2, s14;
	v15 =	vld.idx.msk [tilespmem:v21+s21+$0x0], $0xffff;
	[tilespmem:s17+$0x0] =	vst v1  }
0x3dc: {  	[tilespmem:s3+$0x0] =	vst v0;
	v0 =	vld.idx.msk [tilespmem:v20+s21+$0x0], $0xffff  }
0x3dd: {  	s19 =	sor.u32 $0xD000, s1;
	[tilespmem:s0+$0x0] =	vst v2;
	v1 =	vld.idx.msk [tilespmem:v13+s21+$0x0], $0xffff  }
0x3de: {  	s1 =	sor.u32 s7, s19;
	[tilespmem:s25+$0x0] =	vst v10  }
0x3df: {  	s22 =	sor.u32 s8, s19;
	[tilespmem:s1+$0x0] =	vst v14  }
0x3e0: {  	s23 =	sor.u32 s4, s19;
	[tilespmem:s22+$0x0] =	vst v15  }
0x3e1: {  	s0 =	sor.u32 s2, s19;
	[tilespmem:s23+$0x0] =	vst v0  }
0x3e2: {  	s26 =	simm.s32 $0x2000;
	s28 =	simm.s32 $0x4;
	[tilespmem:s0+$0x0] =	vst v1  }
0x3e3: {  	s16 =	simm.s32 $0x1000;
	s25 =	simm.s32 $0x320000;
	s0 =	rddreg [dreg:$0xb]  }
0x3e4: {  	[hbm4b:s0+s16] =	stream.strided.scatter [tilespmem:s26], [sflag:$0x3], $0xC000, s25, s16, $0x38;
	[tilespmem:$0x1A160] =	vst v63  }
0x3e5: {  	_ =	swait.ge [sflag:s28], $0xC000  }
0x3e6: {  	[sflag:s28] =	ssyncset.done $0x0  }
0x3e7: {  	[sflag:s28] =	ssyncadd.s32 $0xFFFF4000  }
0x3e8: {  	_ =	swait.ge [sflag:s30], $0xC000  }
0x3e9: {  	s29 =	rddreg [dreg:$0xd]  }
0x3ea: {  	s31 =	rddreg [dreg:$0xc];
	s1 =	sadd.s32 $0x1, s29  }
0x3eb: {  	p0 =	sne.s32 s1, s31  }
.Ltmp4:
0x3ec: {  	_ = 	snop;
	(pc) =	sbr.rel @p0 .LBB2_1-.Ltmp4, $3  }
0x3ed: {  	_ =	sdelay $0x1  }
0x3ee: {  	[sflag:s30] =	ssyncset.done $0x0  }
0x3ef: {  	[sflag:s30] =	ssyncadd.s32 $0xFFFF4000  }
0x3f0: {  	_ =	sfence.sel $0x180000  }
0x3f1: {  	[bflag:$0x0] =	sbarrier.arrive $0xFFFF  }
0x3f2: {  	_ =	strace $0x90000047  }
0x3f3: {  	s0 =	stileid.u32;
	[bflag:$0x2] =	sbarrier.arrive $0xFFFF  }
0x3f4: {  	p0 =	sne.s32 s0, $0x0;
	s0 =	rddreg [dreg:$0x4]  }
0x3f5: {  	s0 =	sadd.s32 @!p0 $0x100000, s0  }
0x3f6: {  	[sflag:s0] =	ssyncadd.tile.s32 @!p0 $0x1;
	_ =	shalt  }
.Lfunc_end2:
_tile_overlayer_lowered:
.L_overlay_start_2:
0x3f7: {  	(tag) =	ssettag $0x2  }
0x3f8: {  	s0 =	rddreg [dreg:$0x0];
	s2 =	stileid.u32  }
0x3f9: {  	s1 =	rddreg [dreg:$0x1];
	p0 =	sne.s32 s2, $0x0  }
0x3fa: {  	s3 =	rddreg [dreg:$0x2];
	[bflag:$0x3] =	sbarrier.arrive $0xFFFF;
	s2 =	simm.s32 @!p0 $0x1C05  }
0x3fb: {  	[timem:s3], [sflag:s2] =	dma.local @!p0 [hbm:s0], s1  }
0x3fc: {  	s0 =	simm.s32 @!p0 $0x5  }
0x3fd: {  	_ =	swait.ge @!p0 [sflag:s0], s1  }
0x3fe: {  	s1 =	ssub.s32 @!p0 $0x0, s1;
	[sflag:s0] =	ssyncset.done @!p0 $0x0  }
0x3ff: {  	[sflag:s0] =	ssyncadd.s32 @!p0 s1  }
0x400: {  	[bflag:$0x3] =	sbarrier.arrive $0xFFFF  }
0x401: {  	_ =	shalt  }

</sc_bundles>
